<compile_context>
chip_gen: v7x
topology: tpu7x:2x2x1
jax: 0.10.2.dev20260603
libtpu: 0.0.44.dev20260713+nightly
codegen_flags: <defaults>
</compile_context>

<pallas_src>
import functools

import jax
import jax.numpy as jnp
from jax import lax
from jax.experimental import pallas as pl
from jax.experimental.pallas import tpu as pltpu
from jax.experimental.pallas import tpu_sc as plsc

T = 2048
H = 16
L = 16
PAD = 16
KTOT = 2 * T
NCHUNK = KTOT // L
ROWSTRIDE = KTOT + PAD
W = 3968
NR = 128
BR = 256
NB = T // BR



def _sc_body(tr_hbm, off_hbm, s128_hbm, tr_v, s8_v, off_v, sem):
    c = lax.axis_index("c")
    s = lax.axis_index("s")
    head = s

    pltpu.sync_copy(tr_hbm.at[pl.ds(head * KTOT, KTOT)],
                    tr_v.at[pl.ds(PAD, KTOT)])
    pltpu.sync_copy(off_hbm, off_v)
    tr_v[pl.ds(0, L)] = lax.rev(tr_v[pl.ds(PAD, L)], (0,))

    x = off_v[...]
    e = jnp.exp(x + x)
    bo = (1.0 - 2.0 / (e + 1.0)) * 0.5
    pos = bo >= 0.0

    def chunk(i, carry):
        k0 = i * L
        kk = lax.iota(jnp.int32, L) + k0
        d = 4094.0 - kk.astype(jnp.float32)
        adj = jnp.clip(d + bo, 0.0, 4094.0)
        fl = adj.astype(jnp.int32).astype(jnp.float32)
        w = adj - fl
        t0 = lax.rev(tr_v[pl.ds(PAD + 4079 - k0, L)], (0,))
        tl = lax.rev(tr_v[pl.ds(PAD + 4078 - k0, L)], (0,))
        tm = lax.rev(tr_v[pl.ds(PAD + 4080 - k0, L)], (0,))
        a = jnp.where(pos, t0, tl)
        b = jnp.where(pos, tm, t0)
        v = a * (1.0 - w) + b * w
        for q in range(8):
            s8_v[pl.ds(q * ROWSTRIDE + PAD + k0 + q - 7, L)] = v
        return carry

    lax.fori_loop(0, NCHUNK, chunk, 0)

    r0 = c * (NR // 2)

    def fire(j, carry):
        r = r0 + j
        a = r // 8
        q = r % 8
        pltpu.async_copy(
            s8_v.at[pl.ds(q * ROWSTRIDE + PAD + 120 - 8 * a, W)],
            s128_hbm.at[pl.ds((head * NR + r) * W, W)],
            sem,
        )
        return carry

    lax.fori_loop(0, NR // 2, fire, 0)

    def drain(j, carry):
        r = r0 + j
        a = r // 8
        q = r % 8
        pltpu.make_async_copy(
            s8_v.at[pl.ds(q * ROWSTRIDE + PAD + 120 - 8 * a, W)],
            s128_hbm.at[pl.ds((head * NR + r) * W, W)],
            sem,
        ).wait()
        return carry

    lax.fori_loop(0, NR // 2, drain, 0)


_sc_interp = functools.partial(
    pl.kernel,
    out_type=jax.ShapeDtypeStruct((H * NR * W,), jnp.float32),
    mesh=plsc.VectorSubcoreMesh(core_axis_name="c", subcore_axis_name="s"),
    scratch_types=[
        pltpu.VMEM((KTOT + 2 * PAD,), jnp.float32),
        pltpu.VMEM((8 * ROWSTRIDE,), jnp.float32),
        pltpu.VMEM((L,), jnp.float32),
        pltpu.SemaphoreType.DMA,
    ],
)(_sc_body)



HB = 8


def _tc_body(s_ref, out_ref, sem):
    b = pl.program_id(0)
    copies = []
    for hl in range(HB):
        for g in range(T // NR):
            cp = pltpu.make_async_copy(
                s_ref.at[hl, :, pl.ds(1920 - NR * g, T)],
                out_ref.at[0, HB * b + hl, pl.ds(NR * g, NR), :],
                sem,
            )
            cp.start()
            copies.append(cp)
    for cp in copies:
        cp.wait()


def _tc_expand(s128):
    return pl.pallas_call(
        _tc_body,
        grid=(H // HB,),
        in_specs=[pl.BlockSpec((HB, NR, W), lambda b: (b, 0, 0))],
        out_specs=pl.BlockSpec(memory_space=pltpu.MemorySpace.HBM),
        out_shape=jax.ShapeDtypeStruct((1, H, T, T), jnp.float32),
        scratch_shapes=[pltpu.SemaphoreType.DMA],
    )(s128)


def kernel(relative_position_bias_table, learnable_offset):
    tbl = relative_position_bias_table
    trp = jnp.asarray(
        jnp.concatenate([tbl, tbl[:1]], axis=0).T, jnp.float32)
    off16 = jnp.broadcast_to(learnable_offset.astype(jnp.float32), (L,))
    s128 = _sc_interp(trp.reshape(-1), off16)
    return _tc_expand(s128.reshape(H, NR, W))

# --- scband reference (transcript-rebuilt; emitter-appended) ---
"""Pipeline reference for scband-temporal-encoding-module-inattention-57140244906174 (READ-ONLY COPY).

The authoritative reference and input builder live on the scoring server;
editing this copy changes nothing except your own understanding.
"""

import jax, jax.numpy as jnp
import numpy as np

SEQ_LEN = 2048
NUM_HEADS = 16
MAX_OFFSET = 0.5

def setup_inputs(seed: int = 0) -> dict:
    key = jax.random.key(seed)
    k1, k2 = jax.random.split(key)
    table = jax.random.normal(k1, (2 * SEQ_LEN - 1, NUM_HEADS), dtype=jnp.float32) * 0.02
    offset = jax.random.normal(k2, (1,), dtype=jnp.float32) * 0.1
    return {"relative_position_bias_table": table, "learnable_offset": offset}

def reference(relative_position_bias_table, learnable_offset):
    T = SEQ_LEN
    coords = jnp.arange(T)
    relative_position_index = coords[:, None] - coords[None, :] + (T - 1)
    bounded_offset = jnp.tanh(learnable_offset) * MAX_OFFSET
    adjusted_index = relative_position_index.astype(jnp.float32) + bounded_offset
    adjusted_index = jnp.clip(adjusted_index, 0.0, float(2 * T - 2))
    lower_idx = jnp.floor(adjusted_index).astype(jnp.int32)
    upper_idx = jnp.ceil(adjusted_index).astype(jnp.int32)
    weight = adjusted_index - lower_idx.astype(jnp.float32)
    lower_val = jnp.take(relative_position_bias_table, lower_idx, axis=0)
    upper_val = jnp.take(relative_position_bias_table, upper_idx, axis=0)
    bias = lower_val * (1.0 - weight[..., None]) + upper_val * weight[..., None]
    return jnp.transpose(bias, (2, 0, 1))[None, ...]

if __name__ == "__main__":
    import jax
    _d = setup_inputs()
    print(jax.jit(kernel)(*tuple(_d.values())))

</pallas_src>

<mosaic_0001>
#map = affine_map<(d0, d1) -> (0)>
module attributes {stable_mosaic.version = 14 : i64} {
  func.func @_sc_body(%arg0: i32, %arg1: i32, %arg2: memref<65536xf32, #tpu.memory_space<hbm>>, %arg3: memref<16xf32, #tpu.memory_space<hbm>>, %arg4: memref<8126464xf32, #tpu.memory_space<hbm>>, %arg5: memref<4128xf32, #tpu.memory_space<vmem>>, %arg6: memref<32896xf32, #tpu.memory_space<vmem>>, %arg7: memref<16xf32, #tpu.memory_space<vmem>>, %arg8: memref<!tpu.dma_semaphore, #tpu.memory_space<semaphore_mem>>) attributes {dimension_semantics = [#tpu.dimension_semantics<core_parallel>, #tpu.dimension_semantics<subcore_parallel>], iteration_bounds = array<i64: 2, 16>, scalar_prefetch = 0 : i64, scratch_operands = 4 : i64, tpu.core_type = #tpu.core_type<sc_vector_subcore>, window_params = [{transform_indices = #map}, {transform_indices = #map}, {transform_indices = #map}]} {
    %mul3A = arith.constant 4096 : i32
    %mul3A_0 = arith.muli %arg1, %mul3A : i32
    "tpu.region"() ({
      %run_scoped3A = tpu.sem_alloc : memref<!tpu.dma_semaphore, #tpu.memory_space<semaphore_mem>>
      %dma_start3A = arith.constant 16 : i32
      %dma_start3A_44 = tpu.memref_slice %arg5[%dma_start3A] : memref<4128xf32, #tpu.memory_space<vmem>> -> memref<4096xf32, #tpu.memory_space<vmem>>
      %dma_start3A_45 = tpu.memref_slice %arg2[%mul3A_0] : memref<65536xf32, #tpu.memory_space<hbm>> -> memref<4096xf32, #tpu.memory_space<hbm>>
      %dma_start3A_46 = arith.constant 16 : i32
      %dma_start3A_47 = tpu.memref_slice %arg5[%dma_start3A_46] : memref<4128xf32, #tpu.memory_space<vmem>> -> memref<4096xf32, #tpu.memory_space<vmem>>
      %dma_start3A_48 = tpu.memref_slice %arg2[%mul3A_0] : memref<65536xf32, #tpu.memory_space<hbm>> -> memref<4096xf32, #tpu.memory_space<hbm>>
      tpu.enqueue_dma source(%dma_start3A_48 : memref<4096xf32, #tpu.memory_space<hbm>>) target(%dma_start3A_47 : memref<4096xf32, #tpu.memory_space<vmem>>) target_semaphore(%run_scoped3A : memref<!tpu.dma_semaphore, #tpu.memory_space<semaphore_mem>>)
      %dma_wait3A = arith.constant 16 : i32
      %dma_wait3A_49 = tpu.memref_slice %arg5[%dma_wait3A] : memref<4128xf32, #tpu.memory_space<vmem>> -> memref<4096xf32, #tpu.memory_space<vmem>>
      %dma_wait3A_50 = tpu.memref_slice %arg2[%mul3A_0] : memref<65536xf32, #tpu.memory_space<hbm>> -> memref<4096xf32, #tpu.memory_space<hbm>>
      %dma_wait3A_51 = arith.constant 16 : i32
      %dma_wait3A_52 = tpu.memref_slice %arg5[%dma_wait3A_51] : memref<4128xf32, #tpu.memory_space<vmem>> -> memref<4096xf32, #tpu.memory_space<vmem>>
      %dma_wait3A_53 = tpu.memref_slice %arg2[%mul3A_0] : memref<65536xf32, #tpu.memory_space<hbm>> -> memref<4096xf32, #tpu.memory_space<hbm>>
      tpu.wait_dma2 semaphore(%run_scoped3A : memref<!tpu.dma_semaphore, #tpu.memory_space<semaphore_mem>>) src(%dma_wait3A_53 : memref<4096xf32, #tpu.memory_space<hbm>>) dst(%dma_wait3A_52 : memref<4096xf32, #tpu.memory_space<vmem>>)
      tpu.yield
    }) : () -> ()
    "tpu.region"() ({
      %run_scoped3A = tpu.sem_alloc : memref<!tpu.dma_semaphore, #tpu.memory_space<semaphore_mem>>
      tpu.enqueue_dma source(%arg3 : memref<16xf32, #tpu.memory_space<hbm>>) target(%arg7 : memref<16xf32, #tpu.memory_space<vmem>>) target_semaphore(%run_scoped3A : memref<!tpu.dma_semaphore, #tpu.memory_space<semaphore_mem>>)
      tpu.wait_dma2 semaphore(%run_scoped3A : memref<!tpu.dma_semaphore, #tpu.memory_space<semaphore_mem>>) src(%arg3 : memref<16xf32, #tpu.memory_space<hbm>>) dst(%arg7 : memref<16xf32, #tpu.memory_space<vmem>>)
      tpu.yield
    }) : () -> ()
    %get3A = arith.constant 16 : index
    %get3A_1 = tpu.vector_load %arg5[%get3A] {strides = array<i32>} : memref<4128xf32, #tpu.memory_space<vmem>>, vector<16xf32>,
    %get3A_2 = vector.shape_cast %get3A_1 : vector<16xf32> to vector<16xf32>
    %rev3A = arith.constant 15 : i32
    %rev3A_3 = vector.broadcast %rev3A : i32 to vector<16xi32>
    %rev3A_4 = tpu.iota {dimensions = array<i32: 0>} : vector<16xi32>
    %rev3A_5 = arith.subi %rev3A_3, %rev3A_4 : vector<16xi32>
    %rev3A_6 = tpu.dynamic_gather %get3A_2[%rev3A_5] in [0] : vector<16xf32>, vector<16xi32> -> vector<16xf32>
    %swap3A = arith.constant 0 : index
    %swap3A_7 = tpu.vector_load %arg5[%swap3A] {strides = array<i32>} : memref<4128xf32, #tpu.memory_space<vmem>>, vector<16xf32>,
    %swap3A_8 = vector.shape_cast %swap3A_7 : vector<16xf32> to vector<16xf32>
    %swap3A_9 = vector.shape_cast %rev3A_6 : vector<16xf32> to vector<16xf32>
    tpu.vector_store %arg5[%swap3A], %swap3A_9 {strides = array<i32>} : memref<4128xf32, #tpu.memory_space<vmem>>, vector<16xf32>,
    %get3A_10 = arith.constant 0 : index
    %get3A_11 = tpu.vector_load %arg7[%get3A_10] {strides = array<i32>} : memref<16xf32, #tpu.memory_space<vmem>>, vector<16xf32>,
    %get3A_12 = vector.shape_cast %get3A_11 : vector<16xf32> to vector<16xf32>
    %add3A = arith.addf %get3A_12, %get3A_12 : vector<16xf32>
    %exp3A = math.exp %add3A : vector<16xf32>
    %add3A_13 = arith.constant 1.000000e+00 : f32
    %add3A_14 = vector.broadcast %add3A_13 : f32 to vector<16xf32>
    %add3A_15 = arith.addf %exp3A, %add3A_14 : vector<16xf32>
    %div3A = arith.constant 2.000000e+00 : f32
    %div3A_16 = vector.broadcast %div3A : f32 to vector<16xf32>
    %div3A_17 = arith.divf %div3A_16, %add3A_15 : vector<16xf32>
    %sub3A = arith.constant 1.000000e+00 : f32
    %sub3A_18 = vector.broadcast %sub3A : f32 to vector<16xf32>
    %sub3A_19 = arith.subf %sub3A_18, %div3A_17 : vector<16xf32>
    %mul3A_20 = arith.constant 5.000000e-01 : f32
    %mul3A_21 = vector.broadcast %mul3A_20 : f32 to vector<16xf32>
    %mul3A_22 = arith.mulf %sub3A_19, %mul3A_21 : vector<16xf32>
    %ge3A = arith.constant 0.000000e+00 : f32
    %ge3A_23 = vector.broadcast %ge3A : f32 to vector<16xf32>
    %ge3A_24 = arith.cmpf oge, %mul3A_22, %ge3A_23 : vector<16xf32>
    %scan3A = arith.constant 0 : i32
    %scan3A_25 = arith.constant 0 : i32
    %scan3A_26 = arith.constant 256 : i32
    %scan3A_27 = arith.addi %scan3A_25, %scan3A_26 : i32
    %scan3A_28 = arith.constant 1 : i32
    scf.for %scan3A_44 = %scan3A_25 to %scan3A_27 step %scan3A_28  : i32 {
      %mul3A_45 = arith.constant 16 : i32
      %mul3A_46 = arith.muli %scan3A_44, %mul3A_45 : i32
      %iota3A = tpu.iota {dimensions = array<i32: 0>} : vector<16xi32>
      %add3A_47 = vector.broadcast %mul3A_46 : i32 to vector<16xi32>
      %add3A_48 = arith.addi %iota3A, %add3A_47 : vector<16xi32>
      %convert_element_type3A = arith.sitofp %add3A_48 : vector<16xi32> to vector<16xf32>
      %sub3A_49 = arith.constant 4.094000e+03 : f32
      %sub3A_50 = vector.broadcast %sub3A_49 : f32 to vector<16xf32>
      %sub3A_51 = arith.subf %sub3A_50, %convert_element_type3A : vector<16xf32>
      %add3A_52 = arith.addf %sub3A_51, %mul3A_22 : vector<16xf32>
      %jit3A = arith.constant 0.000000e+00 : f32
      %jit3A_53 = arith.constant 4.094000e+03 : f32
      %max3A = vector.broadcast %jit3A : f32 to vector<16xf32>
      %max3A_54 = arith.maximumf %max3A, %add3A_52 : vector<16xf32>
      %min3A = vector.broadcast %jit3A_53 : f32 to vector<16xf32>
      %min3A_55 = arith.minimumf %min3A, %max3A_54 : vector<16xf32>
      %convert_element_type3A_56 = arith.fptosi %min3A_55 : vector<16xf32> to vector<16xi32>
      %convert_element_type3A_57 = arith.sitofp %convert_element_type3A_56 : vector<16xi32> to vector<16xf32>
      %sub3A_58 = arith.subf %min3A_55, %convert_element_type3A_57 : vector<16xf32>
      %sub3A_59 = arith.constant 4095 : i32
      %sub3A_60 = arith.subi %sub3A_59, %mul3A_46 : i32
      %get3A_61 = arith.index_cast %sub3A_60 : i32 to index
      %get3A_62 = tpu.vector_load %arg5[%get3A_61] {strides = array<i32>} : memref<4128xf32, #tpu.memory_space<vmem>>, vector<16xf32>,
      %get3A_63 = vector.shape_cast %get3A_62 : vector<16xf32> to vector<16xf32>
      %rev3A_64 = arith.constant 15 : i32
      %rev3A_65 = vector.broadcast %rev3A_64 : i32 to vector<16xi32>
      %rev3A_66 = tpu.iota {dimensions = array<i32: 0>} : vector<16xi32>
      %rev3A_67 = arith.subi %rev3A_65, %rev3A_66 : vector<16xi32>
      %rev3A_68 = tpu.dynamic_gather %get3A_63[%rev3A_67] in [0] : vector<16xf32>, vector<16xi32> -> vector<16xf32>
      %sub3A_69 = arith.constant 4094 : i32
      %sub3A_70 = arith.subi %sub3A_69, %mul3A_46 : i32
      %get3A_71 = arith.index_cast %sub3A_70 : i32 to index
      %get3A_72 = tpu.vector_load %arg5[%get3A_71] {strides = array<i32>} : memref<4128xf32, #tpu.memory_space<vmem>>, vector<16xf32>,
      %get3A_73 = vector.shape_cast %get3A_72 : vector<16xf32> to vector<16xf32>
      %rev3A_74 = arith.constant 15 : i32
      %rev3A_75 = vector.broadcast %rev3A_74 : i32 to vector<16xi32>
      %rev3A_76 = tpu.iota {dimensions = array<i32: 0>} : vector<16xi32>
      %rev3A_77 = arith.subi %rev3A_75, %rev3A_76 : vector<16xi32>
      %rev3A_78 = tpu.dynamic_gather %get3A_73[%rev3A_77] in [0] : vector<16xf32>, vector<16xi32> -> vector<16xf32>
      %sub3A_79 = arith.constant 4096 : i32
      %sub3A_80 = arith.subi %sub3A_79, %mul3A_46 : i32
      %get3A_81 = arith.index_cast %sub3A_80 : i32 to index
      %get3A_82 = tpu.vector_load %arg5[%get3A_81] {strides = array<i32>} : memref<4128xf32, #tpu.memory_space<vmem>>, vector<16xf32>,
      %get3A_83 = vector.shape_cast %get3A_82 : vector<16xf32> to vector<16xf32>
      %rev3A_84 = arith.constant 15 : i32
      %rev3A_85 = vector.broadcast %rev3A_84 : i32 to vector<16xi32>
      %rev3A_86 = tpu.iota {dimensions = array<i32: 0>} : vector<16xi32>
      %rev3A_87 = arith.subi %rev3A_85, %rev3A_86 : vector<16xi32>
      %rev3A_88 = tpu.dynamic_gather %get3A_83[%rev3A_87] in [0] : vector<16xf32>, vector<16xi32> -> vector<16xf32>
      %select_n3A = arith.select %ge3A_24, %rev3A_68, %rev3A_78 : vector<16xi1>, vector<16xf32>
      %select_n3A_89 = arith.select %ge3A_24, %rev3A_88, %rev3A_68 : vector<16xi1>, vector<16xf32>
      %sub3A_90 = arith.constant 1.000000e+00 : f32
      %sub3A_91 = vector.broadcast %sub3A_90 : f32 to vector<16xf32>
      %sub3A_92 = arith.subf %sub3A_91, %sub3A_58 : vector<16xf32>
      %mul3A_93 = arith.mulf %select_n3A, %sub3A_92 : vector<16xf32>
      %mul3A_94 = arith.mulf %select_n3A_89, %sub3A_58 : vector<16xf32>
      %add3A_95 = arith.addf %mul3A_93, %mul3A_94 : vector<16xf32>
      %add3A_96 = arith.constant 16 : i32
      %add3A_97 = arith.addi %add3A_96, %mul3A_46 : i32
      %add3A_98 = arith.constant 0 : i32
      %add3A_99 = arith.addi %add3A_97, %add3A_98 : i32
      %sub3A_100 = arith.constant 7 : i32
      %sub3A_101 = arith.subi %add3A_99, %sub3A_100 : i32
      %swap3A_102 = arith.index_cast %sub3A_101 : i32 to index
      %swap3A_103 = tpu.vector_load %arg6[%swap3A_102] {strides = array<i32>} : memref<32896xf32, #tpu.memory_space<vmem>>, vector<16xf32>,
      %swap3A_104 = vector.shape_cast %swap3A_103 : vector<16xf32> to vector<16xf32>
      %swap3A_105 = vector.shape_cast %add3A_95 : vector<16xf32> to vector<16xf32>
      tpu.vector_store %arg6[%swap3A_102], %swap3A_105 {strides = array<i32>} : memref<32896xf32, #tpu.memory_space<vmem>>, vector<16xf32>,
      %add3A_106 = arith.constant 4128 : i32
      %add3A_107 = arith.addi %add3A_106, %mul3A_46 : i32
      %add3A_108 = arith.constant 1 : i32
      %add3A_109 = arith.addi %add3A_107, %add3A_108 : i32
      %sub3A_110 = arith.constant 7 : i32
      %sub3A_111 = arith.subi %add3A_109, %sub3A_110 : i32
      %swap3A_112 = arith.index_cast %sub3A_111 : i32 to index
      %swap3A_113 = tpu.vector_load %arg6[%swap3A_112] {strides = array<i32>} : memref<32896xf32, #tpu.memory_space<vmem>>, vector<16xf32>,
      %swap3A_114 = vector.shape_cast %swap3A_113 : vector<16xf32> to vector<16xf32>
      %swap3A_115 = vector.shape_cast %add3A_95 : vector<16xf32> to vector<16xf32>
      tpu.vector_store %arg6[%swap3A_112], %swap3A_115 {strides = array<i32>} : memref<32896xf32, #tpu.memory_space<vmem>>, vector<16xf32>,
      %add3A_116 = arith.constant 8240 : i32
      %add3A_117 = arith.addi %add3A_116, %mul3A_46 : i32
      %add3A_118 = arith.constant 2 : i32
      %add3A_119 = arith.addi %add3A_117, %add3A_118 : i32
      %sub3A_120 = arith.constant 7 : i32
      %sub3A_121 = arith.subi %add3A_119, %sub3A_120 : i32
      %swap3A_122 = arith.index_cast %sub3A_121 : i32 to index
      %swap3A_123 = tpu.vector_load %arg6[%swap3A_122] {strides = array<i32>} : memref<32896xf32, #tpu.memory_space<vmem>>, vector<16xf32>,
      %swap3A_124 = vector.shape_cast %swap3A_123 : vector<16xf32> to vector<16xf32>
      %swap3A_125 = vector.shape_cast %add3A_95 : vector<16xf32> to vector<16xf32>
      tpu.vector_store %arg6[%swap3A_122], %swap3A_125 {strides = array<i32>} : memref<32896xf32, #tpu.memory_space<vmem>>, vector<16xf32>,
      %add3A_126 = arith.constant 12352 : i32
      %add3A_127 = arith.addi %add3A_126, %mul3A_46 : i32
      %add3A_128 = arith.constant 3 : i32
      %add3A_129 = arith.addi %add3A_127, %add3A_128 : i32
      %sub3A_130 = arith.constant 7 : i32
      %sub3A_131 = arith.subi %add3A_129, %sub3A_130 : i32
      %swap3A_132 = arith.index_cast %sub3A_131 : i32 to index
      %swap3A_133 = tpu.vector_load %arg6[%swap3A_132] {strides = array<i32>} : memref<32896xf32, #tpu.memory_space<vmem>>, vector<16xf32>,
      %swap3A_134 = vector.shape_cast %swap3A_133 : vector<16xf32> to vector<16xf32>
      %swap3A_135 = vector.shape_cast %add3A_95 : vector<16xf32> to vector<16xf32>
      tpu.vector_store %arg6[%swap3A_132], %swap3A_135 {strides = array<i32>} : memref<32896xf32, #tpu.memory_space<vmem>>, vector<16xf32>,
      %add3A_136 = arith.constant 16464 : i32
      %add3A_137 = arith.addi %add3A_136, %mul3A_46 : i32
      %add3A_138 = arith.constant 4 : i32
      %add3A_139 = arith.addi %add3A_137, %add3A_138 : i32
      %sub3A_140 = arith.constant 7 : i32
      %sub3A_141 = arith.subi %add3A_139, %sub3A_140 : i32
      %swap3A_142 = arith.index_cast %sub3A_141 : i32 to index
      %swap3A_143 = tpu.vector_load %arg6[%swap3A_142] {strides = array<i32>} : memref<32896xf32, #tpu.memory_space<vmem>>, vector<16xf32>,
      %swap3A_144 = vector.shape_cast %swap3A_143 : vector<16xf32> to vector<16xf32>
      %swap3A_145 = vector.shape_cast %add3A_95 : vector<16xf32> to vector<16xf32>
      tpu.vector_store %arg6[%swap3A_142], %swap3A_145 {strides = array<i32>} : memref<32896xf32, #tpu.memory_space<vmem>>, vector<16xf32>,
      %add3A_146 = arith.constant 20576 : i32
      %add3A_147 = arith.addi %add3A_146, %mul3A_46 : i32
      %add3A_148 = arith.constant 5 : i32
      %add3A_149 = arith.addi %add3A_147, %add3A_148 : i32
      %sub3A_150 = arith.constant 7 : i32
      %sub3A_151 = arith.subi %add3A_149, %sub3A_150 : i32
      %swap3A_152 = arith.index_cast %sub3A_151 : i32 to index
      %swap3A_153 = tpu.vector_load %arg6[%swap3A_152] {strides = array<i32>} : memref<32896xf32, #tpu.memory_space<vmem>>, vector<16xf32>,
      %swap3A_154 = vector.shape_cast %swap3A_153 : vector<16xf32> to vector<16xf32>
      %swap3A_155 = vector.shape_cast %add3A_95 : vector<16xf32> to vector<16xf32>
      tpu.vector_store %arg6[%swap3A_152], %swap3A_155 {strides = array<i32>} : memref<32896xf32, #tpu.memory_space<vmem>>, vector<16xf32>,
      %add3A_156 = arith.constant 24688 : i32
      %add3A_157 = arith.addi %add3A_156, %mul3A_46 : i32
      %add3A_158 = arith.constant 6 : i32
      %add3A_159 = arith.addi %add3A_157, %add3A_158 : i32
      %sub3A_160 = arith.constant 7 : i32
      %sub3A_161 = arith.subi %add3A_159, %sub3A_160 : i32
      %swap3A_162 = arith.index_cast %sub3A_161 : i32 to index
      %swap3A_163 = tpu.vector_load %arg6[%swap3A_162] {strides = array<i32>} : memref<32896xf32, #tpu.memory_space<vmem>>, vector<16xf32>,
      %swap3A_164 = vector.shape_cast %swap3A_163 : vector<16xf32> to vector<16xf32>
      %swap3A_165 = vector.shape_cast %add3A_95 : vector<16xf32> to vector<16xf32>
      tpu.vector_store %arg6[%swap3A_162], %swap3A_165 {strides = array<i32>} : memref<32896xf32, #tpu.memory_space<vmem>>, vector<16xf32>,
      %add3A_166 = arith.constant 28800 : i32
      %add3A_167 = arith.addi %add3A_166, %mul3A_46 : i32
      %add3A_168 = arith.constant 7 : i32
      %add3A_169 = arith.addi %add3A_167, %add3A_168 : i32
      %sub3A_170 = arith.constant 7 : i32
      %sub3A_171 = arith.subi %add3A_169, %sub3A_170 : i32
      %swap3A_172 = arith.index_cast %sub3A_171 : i32 to index
      %swap3A_173 = tpu.vector_load %arg6[%swap3A_172] {strides = array<i32>} : memref<32896xf32, #tpu.memory_space<vmem>>, vector<16xf32>,
      %swap3A_174 = vector.shape_cast %swap3A_173 : vector<16xf32> to vector<16xf32>
      %swap3A_175 = vector.shape_cast %add3A_95 : vector<16xf32> to vector<16xf32>
      tpu.vector_store %arg6[%swap3A_172], %swap3A_175 {strides = array<i32>} : memref<32896xf32, #tpu.memory_space<vmem>>, vector<16xf32>,
    }
    %scan3A_29 = arith.constant 256 : i32
    %mul3A_30 = arith.constant 64 : i32
    %mul3A_31 = arith.muli %arg0, %mul3A_30 : i32
    %scan3A_32 = arith.constant 0 : i32
    %scan3A_33 = arith.constant 0 : i32
    %scan3A_34 = arith.constant 64 : i32
    %scan3A_35 = arith.addi %scan3A_33, %scan3A_34 : i32
    %scan3A_36 = arith.constant 1 : i32
    scf.for %scan3A_44 = %scan3A_33 to %scan3A_35 step %scan3A_36  : i32 {
      %add3A_45 = arith.addi %mul3A_31, %scan3A_44 : i32
      %jit3A = arith.constant 8 : i32
      %div3A_46 = arith.divsi %add3A_45, %jit3A : i32
      %sign3A = arith.constant 0 : i32
      %sign3A_47 = arith.cmpi sgt, %add3A_45, %sign3A : i32
      %sign3A_48 = arith.extui %sign3A_47 : i1 to i32
      %sign3A_49 = arith.constant 0 : i32
      %sign3A_50 = arith.cmpi slt, %add3A_45, %sign3A_49 : i32
      %sign3A_51 = arith.extui %sign3A_50 : i1 to i32
      %sign3A_52 = arith.subi %sign3A_48, %sign3A_51 : i32
      %sign3A_53 = arith.constant 0 : i32
      %sign3A_54 = arith.cmpi sgt, %jit3A, %sign3A_53 : i32
      %sign3A_55 = arith.extui %sign3A_54 : i1 to i32
      %sign3A_56 = arith.constant 0 : i32
      %sign3A_57 = arith.cmpi slt, %jit3A, %sign3A_56 : i32
      %sign3A_58 = arith.extui %sign3A_57 : i1 to i32
      %sign3A_59 = arith.subi %sign3A_55, %sign3A_58 : i32
      %ne3A = arith.cmpi ne, %sign3A_52, %sign3A_59 : i32
      %rem3A = arith.remsi %add3A_45, %jit3A : i32
      %ne3A_60 = arith.constant 0 : i32
      %ne3A_61 = arith.cmpi ne, %rem3A, %ne3A_60 : i32
      %and3A = arith.andi %ne3A, %ne3A_61 : i1
      %sub3A_62 = arith.constant 1 : i32
      %sub3A_63 = arith.subi %div3A_46, %sub3A_62 : i32
      %select_n3A = arith.select %and3A, %sub3A_63, %div3A_46 : i32
      %jit3A_64 = arith.constant 8 : i32
      %eq3A = arith.constant 0 : i32
      %eq3A_65 = arith.cmpi eq, %jit3A_64, %eq3A : i32
      %jit3A_66 = arith.constant 1 : i32
      %select_n3A_67 = arith.select %eq3A_65, %jit3A_66, %jit3A_64 : i32
      %rem3A_68 = arith.remsi %add3A_45, %select_n3A_67 : i32
      %ne3A_69 = arith.constant 0 : i32
      %ne3A_70 = arith.cmpi ne, %rem3A_68, %ne3A_69 : i32
      %lt3A = arith.constant 0 : i32
      %lt3A_71 = arith.cmpi slt, %rem3A_68, %lt3A : i32
      %lt3A_72 = arith.constant 0 : i32
      %lt3A_73 = arith.cmpi slt, %select_n3A_67, %lt3A_72 : i32
      %ne3A_74 = arith.xori %lt3A_71, %lt3A_73 : i1
      %and3A_75 = arith.andi %ne3A_74, %ne3A_70 : i1
      %add3A_76 = arith.addi %rem3A_68, %select_n3A_67 : i32
      %select_n3A_77 = arith.select %and3A_75, %add3A_76, %rem3A_68 : i32
      %mul3A_78 = arith.constant 4112 : i32
      %mul3A_79 = arith.muli %select_n3A_77, %mul3A_78 : i32
      %add3A_80 = arith.constant 16 : i32
      %add3A_81 = arith.addi %mul3A_79, %add3A_80 : i32
      %add3A_82 = arith.constant 120 : i32
      %add3A_83 = arith.addi %add3A_81, %add3A_82 : i32
      %mul3A_84 = arith.constant 8 : i32
      %mul3A_85 = arith.muli %mul3A_84, %select_n3A : i32
      %sub3A_86 = arith.subi %add3A_83, %mul3A_85 : i32
      %mul3A_87 = arith.constant 128 : i32
      %mul3A_88 = arith.muli %arg1, %mul3A_87 : i32
      %add3A_89 = arith.addi %mul3A_88, %add3A_45 : i32
      %mul3A_90 = arith.constant 3968 : i32
      %mul3A_91 = arith.muli %add3A_89, %mul3A_90 : i32
      %dma_start3A = tpu.memref_slice %arg6[%sub3A_86] : memref<32896xf32, #tpu.memory_space<vmem>> -> memref<3968xf32, #tpu.memory_space<vmem>>
      %dma_start3A_92 = tpu.memref_slice %arg4[%mul3A_91] : memref<8126464xf32, #tpu.memory_space<hbm>> -> memref<3968xf32, #tpu.memory_space<hbm>>
      %dma_start3A_93 = tpu.memref_slice %arg4[%mul3A_91] : memref<8126464xf32, #tpu.memory_space<hbm>> -> memref<3968xf32, #tpu.memory_space<hbm>>
      %dma_start3A_94 = tpu.memref_slice %arg6[%sub3A_86] : memref<32896xf32, #tpu.memory_space<vmem>> -> memref<3968xf32, #tpu.memory_space<vmem>>
      tpu.enqueue_dma source(%dma_start3A_94 : memref<3968xf32, #tpu.memory_space<vmem>>) target(%dma_start3A_93 : memref<3968xf32, #tpu.memory_space<hbm>>) target_semaphore(%arg8 : memref<!tpu.dma_semaphore, #tpu.memory_space<semaphore_mem>>)
    }
    %scan3A_37 = arith.constant 64 : i32
    %scan3A_38 = arith.constant 0 : i32
    %scan3A_39 = arith.constant 0 : i32
    %scan3A_40 = arith.constant 64 : i32
    %scan3A_41 = arith.addi %scan3A_39, %scan3A_40 : i32
    %scan3A_42 = arith.constant 1 : i32
    scf.for %scan3A_44 = %scan3A_39 to %scan3A_41 step %scan3A_42  : i32 {
      %add3A_45 = arith.addi %mul3A_31, %scan3A_44 : i32
      %jit3A = arith.constant 8 : i32
      %div3A_46 = arith.divsi %add3A_45, %jit3A : i32
      %sign3A = arith.constant 0 : i32
      %sign3A_47 = arith.cmpi sgt, %add3A_45, %sign3A : i32
      %sign3A_48 = arith.extui %sign3A_47 : i1 to i32
      %sign3A_49 = arith.constant 0 : i32
      %sign3A_50 = arith.cmpi slt, %add3A_45, %sign3A_49 : i32
      %sign3A_51 = arith.extui %sign3A_50 : i1 to i32
      %sign3A_52 = arith.subi %sign3A_48, %sign3A_51 : i32
      %sign3A_53 = arith.constant 0 : i32
      %sign3A_54 = arith.cmpi sgt, %jit3A, %sign3A_53 : i32
      %sign3A_55 = arith.extui %sign3A_54 : i1 to i32
      %sign3A_56 = arith.constant 0 : i32
      %sign3A_57 = arith.cmpi slt, %jit3A, %sign3A_56 : i32
      %sign3A_58 = arith.extui %sign3A_57 : i1 to i32
      %sign3A_59 = arith.subi %sign3A_55, %sign3A_58 : i32
      %ne3A = arith.cmpi ne, %sign3A_52, %sign3A_59 : i32
      %rem3A = arith.remsi %add3A_45, %jit3A : i32
      %ne3A_60 = arith.constant 0 : i32
      %ne3A_61 = arith.cmpi ne, %rem3A, %ne3A_60 : i32
      %and3A = arith.andi %ne3A, %ne3A_61 : i1
      %sub3A_62 = arith.constant 1 : i32
      %sub3A_63 = arith.subi %div3A_46, %sub3A_62 : i32
      %select_n3A = arith.select %and3A, %sub3A_63, %div3A_46 : i32
      %jit3A_64 = arith.constant 8 : i32
      %eq3A = arith.constant 0 : i32
      %eq3A_65 = arith.cmpi eq, %jit3A_64, %eq3A : i32
      %jit3A_66 = arith.constant 1 : i32
      %select_n3A_67 = arith.select %eq3A_65, %jit3A_66, %jit3A_64 : i32
      %rem3A_68 = arith.remsi %add3A_45, %select_n3A_67 : i32
      %ne3A_69 = arith.constant 0 : i32
      %ne3A_70 = arith.cmpi ne, %rem3A_68, %ne3A_69 : i32
      %lt3A = arith.constant 0 : i32
      %lt3A_71 = arith.cmpi slt, %rem3A_68, %lt3A : i32
      %lt3A_72 = arith.constant 0 : i32
      %lt3A_73 = arith.cmpi slt, %select_n3A_67, %lt3A_72 : i32
      %ne3A_74 = arith.xori %lt3A_71, %lt3A_73 : i1
      %and3A_75 = arith.andi %ne3A_74, %ne3A_70 : i1
      %add3A_76 = arith.addi %rem3A_68, %select_n3A_67 : i32
      %select_n3A_77 = arith.select %and3A_75, %add3A_76, %rem3A_68 : i32
      %mul3A_78 = arith.constant 4112 : i32
      %mul3A_79 = arith.muli %select_n3A_77, %mul3A_78 : i32
      %add3A_80 = arith.constant 16 : i32
      %add3A_81 = arith.addi %mul3A_79, %add3A_80 : i32
      %add3A_82 = arith.constant 120 : i32
      %add3A_83 = arith.addi %add3A_81, %add3A_82 : i32
      %mul3A_84 = arith.constant 8 : i32
      %mul3A_85 = arith.muli %mul3A_84, %select_n3A : i32
      %sub3A_86 = arith.subi %add3A_83, %mul3A_85 : i32
      %mul3A_87 = arith.constant 128 : i32
      %mul3A_88 = arith.muli %arg1, %mul3A_87 : i32
      %add3A_89 = arith.addi %mul3A_88, %add3A_45 : i32
      %mul3A_90 = arith.constant 3968 : i32
      %mul3A_91 = arith.muli %add3A_89, %mul3A_90 : i32
      %dma_wait3A = tpu.memref_slice %arg6[%sub3A_86] : memref<32896xf32, #tpu.memory_space<vmem>> -> memref<3968xf32, #tpu.memory_space<vmem>>
      %dma_wait3A_92 = tpu.memref_slice %arg4[%mul3A_91] : memref<8126464xf32, #tpu.memory_space<hbm>> -> memref<3968xf32, #tpu.memory_space<hbm>>
      %dma_wait3A_93 = tpu.memref_slice %arg4[%mul3A_91] : memref<8126464xf32, #tpu.memory_space<hbm>> -> memref<3968xf32, #tpu.memory_space<hbm>>
      %dma_wait3A_94 = tpu.memref_slice %arg6[%sub3A_86] : memref<32896xf32, #tpu.memory_space<vmem>> -> memref<3968xf32, #tpu.memory_space<vmem>>
      tpu.wait_dma2 semaphore(%arg8 : memref<!tpu.dma_semaphore, #tpu.memory_space<semaphore_mem>>) src(%dma_wait3A_94 : memref<3968xf32, #tpu.memory_space<vmem>>) dst(%dma_wait3A_93 : memref<3968xf32, #tpu.memory_space<hbm>>)
    }
    %scan3A_43 = arith.constant 64 : i32
    return
  }
}

module attributes {stable_mosaic.version = 14 : i64} {
  func.func @_tc_body(%arg0: i32, %arg1: memref<8x128x3968xf32, #tpu.memory_space<vmem>>, %arg2: memref<1x16x2048x2048xf32, #tpu.memory_space<hbm>>, %arg3: memref<!tpu.dma_semaphore, #tpu.memory_space<semaphore_mem>>) attributes {dimension_semantics = [#tpu.dimension_semantics<arbitrary>], iteration_bounds = array<i64: 2>, scalar_prefetch = 0 : i64, scratch_operands = 1 : i64, tpu.core_type = #tpu.core_type<tc>, window_params = [{transform_indices = @transform_0, window_bounds = array<i64: 8, 128, 3968>}, {}]} {
    %mul3A = arith.constant 8 : i32
    %mul3A_0 = arith.muli %mul3A, %arg0 : i32
    %add3A = arith.constant 0 : i32
    %add3A_1 = arith.addi %mul3A_0, %add3A : i32
    %dma_start3A = arith.constant 0 : i32
    %dma_start3A_2 = arith.constant 0 : i32
    %dma_start3A_3 = arith.constant 0 : i32
    %dma_start3A_4 = arith.constant 0 : i32
    %dma_start3A_5 = tpu.memref_slice %arg2[%dma_start3A_2, %add3A_1, %dma_start3A_3, %dma_start3A_4] : memref<1x16x2048x2048xf32, #tpu.memory_space<hbm>> -> memref<1x1x128x2048xf32, #tpu.memory_space<hbm>>
    %dma_start3A_6 = tpu.memref_squeeze %dma_start3A_5 : memref<1x1x128x2048xf32, #tpu.memory_space<hbm>> -> memref<128x2048xf32, #tpu.memory_space<hbm>>
    %dma_start3A_7 = arith.constant 0 : i32
    %dma_start3A_8 = arith.constant 1920 : i32
    %dma_start3A_9 = tpu.memref_slice %arg1[%dma_start3A, %dma_start3A_7, %dma_start3A_8] : memref<8x128x3968xf32, #tpu.memory_space<vmem>> -> memref<1x128x2048xf32, #tpu.memory_space<vmem>>
    %dma_start3A_10 = tpu.memref_squeeze %dma_start3A_9 : memref<1x128x2048xf32, #tpu.memory_space<vmem>> -> memref<128x2048xf32, #tpu.memory_space<vmem>>
    tpu.enqueue_dma source(%dma_start3A_10 : memref<128x2048xf32, #tpu.memory_space<vmem>>) target(%dma_start3A_6 : memref<128x2048xf32, #tpu.memory_space<hbm>>) target_semaphore(%arg3 : memref<!tpu.dma_semaphore, #tpu.memory_space<semaphore_mem>>)
    %mul3A_11 = arith.constant 8 : i32
    %mul3A_12 = arith.muli %mul3A_11, %arg0 : i32
    %add3A_13 = arith.constant 0 : i32
    %add3A_14 = arith.addi %mul3A_12, %add3A_13 : i32
    %dma_start3A_15 = arith.constant 0 : i32
    %dma_start3A_16 = arith.constant 0 : i32
    %dma_start3A_17 = arith.constant 128 : i32
    %dma_start3A_18 = arith.constant 0 : i32
    %dma_start3A_19 = tpu.memref_slice %arg2[%dma_start3A_16, %add3A_14, %dma_start3A_17, %dma_start3A_18] : memref<1x16x2048x2048xf32, #tpu.memory_space<hbm>> -> memref<1x1x128x2048xf32, #tpu.memory_space<hbm>>
    %dma_start3A_20 = tpu.memref_squeeze %dma_start3A_19 : memref<1x1x128x2048xf32, #tpu.memory_space<hbm>> -> memref<128x2048xf32, #tpu.memory_space<hbm>>
    %dma_start3A_21 = arith.constant 0 : i32
    %dma_start3A_22 = arith.constant 1792 : i32
    %dma_start3A_23 = tpu.memref_slice %arg1[%dma_start3A_15, %dma_start3A_21, %dma_start3A_22] : memref<8x128x3968xf32, #tpu.memory_space<vmem>> -> memref<1x128x2048xf32, #tpu.memory_space<vmem>>
    %dma_start3A_24 = tpu.memref_squeeze %dma_start3A_23 : memref<1x128x2048xf32, #tpu.memory_space<vmem>> -> memref<128x2048xf32, #tpu.memory_space<vmem>>
    tpu.enqueue_dma source(%dma_start3A_24 : memref<128x2048xf32, #tpu.memory_space<vmem>>) target(%dma_start3A_20 : memref<128x2048xf32, #tpu.memory_space<hbm>>) target_semaphore(%arg3 : memref<!tpu.dma_semaphore, #tpu.memory_space<semaphore_mem>>)
    %mul3A_25 = arith.constant 8 : i32
    %mul3A_26 = arith.muli %mul3A_25, %arg0 : i32
    %add3A_27 = arith.constant 0 : i32
    %add3A_28 = arith.addi %mul3A_26, %add3A_27 : i32
    %dma_start3A_29 = arith.constant 0 : i32
    %dma_start3A_30 = arith.constant 0 : i32
    %dma_start3A_31 = arith.constant 256 : i32
    %dma_start3A_32 = arith.constant 0 : i32
    %dma_start3A_33 = tpu.memref_slice %arg2[%dma_start3A_30, %add3A_28, %dma_start3A_31, %dma_start3A_32] : memref<1x16x2048x2048xf32, #tpu.memory_space<hbm>> -> memref<1x1x128x2048xf32, #tpu.memory_space<hbm>>
    %dma_start3A_34 = tpu.memref_squeeze %dma_start3A_33 : memref<1x1x128x2048xf32, #tpu.memory_space<hbm>> -> memref<128x2048xf32, #tpu.memory_space<hbm>>
    %dma_start3A_35 = arith.constant 0 : i32
    %dma_start3A_36 = arith.constant 1664 : i32
    %dma_start3A_37 = tpu.memref_slice %arg1[%dma_start3A_29, %dma_start3A_35, %dma_start3A_36] : memref<8x128x3968xf32, #tpu.memory_space<vmem>> -> memref<1x128x2048xf32, #tpu.memory_space<vmem>>
    %dma_start3A_38 = tpu.memref_squeeze %dma_start3A_37 : memref<1x128x2048xf32, #tpu.memory_space<vmem>> -> memref<128x2048xf32, #tpu.memory_space<vmem>>
    tpu.enqueue_dma source(%dma_start3A_38 : memref<128x2048xf32, #tpu.memory_space<vmem>>) target(%dma_start3A_34 : memref<128x2048xf32, #tpu.memory_space<hbm>>) target_semaphore(%arg3 : memref<!tpu.dma_semaphore, #tpu.memory_space<semaphore_mem>>)
    %mul3A_39 = arith.constant 8 : i32
    %mul3A_40 = arith.muli %mul3A_39, %arg0 : i32
    %add3A_41 = arith.constant 0 : i32
    %add3A_42 = arith.addi %mul3A_40, %add3A_41 : i32
    %dma_start3A_43 = arith.constant 0 : i32
    %dma_start3A_44 = arith.constant 0 : i32
    %dma_start3A_45 = arith.constant 384 : i32
    %dma_start3A_46 = arith.constant 0 : i32
    %dma_start3A_47 = tpu.memref_slice %arg2[%dma_start3A_44, %add3A_42, %dma_start3A_45, %dma_start3A_46] : memref<1x16x2048x2048xf32, #tpu.memory_space<hbm>> -> memref<1x1x128x2048xf32, #tpu.memory_space<hbm>>
    %dma_start3A_48 = tpu.memref_squeeze %dma_start3A_47 : memref<1x1x128x2048xf32, #tpu.memory_space<hbm>> -> memref<128x2048xf32, #tpu.memory_space<hbm>>
    %dma_start3A_49 = arith.constant 0 : i32
    %dma_start3A_50 = arith.constant 1536 : i32
    %dma_start3A_51 = tpu.memref_slice %arg1[%dma_start3A_43, %dma_start3A_49, %dma_start3A_50] : memref<8x128x3968xf32, #tpu.memory_space<vmem>> -> memref<1x128x2048xf32, #tpu.memory_space<vmem>>
    %dma_start3A_52 = tpu.memref_squeeze %dma_start3A_51 : memref<1x128x2048xf32, #tpu.memory_space<vmem>> -> memref<128x2048xf32, #tpu.memory_space<vmem>>
    tpu.enqueue_dma source(%dma_start3A_52 : memref<128x2048xf32, #tpu.memory_space<vmem>>) target(%dma_start3A_48 : memref<128x2048xf32, #tpu.memory_space<hbm>>) target_semaphore(%arg3 : memref<!tpu.dma_semaphore, #tpu.memory_space<semaphore_mem>>)
    %mul3A_53 = arith.constant 8 : i32
    %mul3A_54 = arith.muli %mul3A_53, %arg0 : i32
    %add3A_55 = arith.constant 0 : i32
    %add3A_56 = arith.addi %mul3A_54, %add3A_55 : i32
    %dma_start3A_57 = arith.constant 0 : i32
    %dma_start3A_58 = arith.constant 0 : i32
    %dma_start3A_59 = arith.constant 512 : i32
    %dma_start3A_60 = arith.constant 0 : i32
    %dma_start3A_61 = tpu.memref_slice %arg2[%dma_start3A_58, %add3A_56, %dma_start3A_59, %dma_start3A_60] : memref<1x16x2048x2048xf32, #tpu.memory_space<hbm>> -> memref<1x1x128x2048xf32, #tpu.memory_space<hbm>>
    %dma_start3A_62 = tpu.memref_squeeze %dma_start3A_61 : memref<1x1x128x2048xf32, #tpu.memory_space<hbm>> -> memref<128x2048xf32, #tpu.memory_space<hbm>>
    %dma_start3A_63 = arith.constant 0 : i32
    %dma_start3A_64 = arith.constant 1408 : i32
    %dma_start3A_65 = tpu.memref_slice %arg1[%dma_start3A_57, %dma_start3A_63, %dma_start3A_64] : memref<8x128x3968xf32, #tpu.memory_space<vmem>> -> memref<1x128x2048xf32, #tpu.memory_space<vmem>>
    %dma_start3A_66 = tpu.memref_squeeze %dma_start3A_65 : memref<1x128x2048xf32, #tpu.memory_space<vmem>> -> memref<128x2048xf32, #tpu.memory_space<vmem>>
    tpu.enqueue_dma source(%dma_start3A_66 : memref<128x2048xf32, #tpu.memory_space<vmem>>) target(%dma_start3A_62 : memref<128x2048xf32, #tpu.memory_space<hbm>>) target_semaphore(%arg3 : memref<!tpu.dma_semaphore, #tpu.memory_space<semaphore_mem>>)
    %mul3A_67 = arith.constant 8 : i32
    %mul3A_68 = arith.muli %mul3A_67, %arg0 : i32
    %add3A_69 = arith.constant 0 : i32
    %add3A_70 = arith.addi %mul3A_68, %add3A_69 : i32
    %dma_start3A_71 = arith.constant 0 : i32
    %dma_start3A_72 = arith.constant 0 : i32
    %dma_start3A_73 = arith.constant 640 : i32
    %dma_start3A_74 = arith.constant 0 : i32
    %dma_start3A_75 = tpu.memref_slice %arg2[%dma_start3A_72, %add3A_70, %dma_start3A_73, %dma_start3A_74] : memref<1x16x2048x2048xf32, #tpu.memory_space<hbm>> -> memref<1x1x128x2048xf32, #tpu.memory_space<hbm>>
    %dma_start3A_76 = tpu.memref_squeeze %dma_start3A_75 : memref<1x1x128x2048xf32, #tpu.memory_space<hbm>> -> memref<128x2048xf32, #tpu.memory_space<hbm>>
    %dma_start3A_77 = arith.constant 0 : i32
    %dma_start3A_78 = arith.constant 1280 : i32
    %dma_start3A_79 = tpu.memref_slice %arg1[%dma_start3A_71, %dma_start3A_77, %dma_start3A_78] : memref<8x128x3968xf32, #tpu.memory_space<vmem>> -> memref<1x128x2048xf32, #tpu.memory_space<vmem>>
    %dma_start3A_80 = tpu.memref_squeeze %dma_start3A_79 : memref<1x128x2048xf32, #tpu.memory_space<vmem>> -> memref<128x2048xf32, #tpu.memory_space<vmem>>
    tpu.enqueue_dma source(%dma_start3A_80 : memref<128x2048xf32, #tpu.memory_space<vmem>>) target(%dma_start3A_76 : memref<128x2048xf32, #tpu.memory_space<hbm>>) target_semaphore(%arg3 : memref<!tpu.dma_semaphore, #tpu.memory_space<semaphore_mem>>)
    %mul3A_81 = arith.constant 8 : i32
    %mul3A_82 = arith.muli %mul3A_81, %arg0 : i32
    %add3A_83 = arith.constant 0 : i32
    %add3A_84 = arith.addi %mul3A_82, %add3A_83 : i32
    %dma_start3A_85 = arith.constant 0 : i32
    %dma_start3A_86 = arith.constant 0 : i32
    %dma_start3A_87 = arith.constant 768 : i32
    %dma_start3A_88 = arith.constant 0 : i32
    %dma_start3A_89 = tpu.memref_slice %arg2[%dma_start3A_86, %add3A_84, %dma_start3A_87, %dma_start3A_88] : memref<1x16x2048x2048xf32, #tpu.memory_space<hbm>> -> memref<1x1x128x2048xf32, #tpu.memory_space<hbm>>
    %dma_start3A_90 = tpu.memref_squeeze %dma_start3A_89 : memref<1x1x128x2048xf32, #tpu.memory_space<hbm>> -> memref<128x2048xf32, #tpu.memory_space<hbm>>
    %dma_start3A_91 = arith.constant 0 : i32
    %dma_start3A_92 = arith.constant 1152 : i32
    %dma_start3A_93 = tpu.memref_slice %arg1[%dma_start3A_85, %dma_start3A_91, %dma_start3A_92] : memref<8x128x3968xf32, #tpu.memory_space<vmem>> -> memref<1x128x2048xf32, #tpu.memory_space<vmem>>
    %dma_start3A_94 = tpu.memref_squeeze %dma_start3A_93 : memref<1x128x2048xf32, #tpu.memory_space<vmem>> -> memref<128x2048xf32, #tpu.memory_space<vmem>>
    tpu.enqueue_dma source(%dma_start3A_94 : memref<128x2048xf32, #tpu.memory_space<vmem>>) target(%dma_start3A_90 : memref<128x2048xf32, #tpu.memory_space<hbm>>) target_semaphore(%arg3 : memref<!tpu.dma_semaphore, #tpu.memory_space<semaphore_mem>>)
    %mul3A_95 = arith.constant 8 : i32
    %mul3A_96 = arith.muli %mul3A_95, %arg0 : i32
    %add3A_97 = arith.constant 0 : i32
    %add3A_98 = arith.addi %mul3A_96, %add3A_97 : i32
    %dma_start3A_99 = arith.constant 0 : i32
    %dma_start3A_100 = arith.constant 0 : i32
    %dma_start3A_101 = arith.constant 896 : i32
    %dma_start3A_102 = arith.constant 0 : i32
    %dma_start3A_103 = tpu.memref_slice %arg2[%dma_start3A_100, %add3A_98, %dma_start3A_101, %dma_start3A_102] : memref<1x16x2048x2048xf32, #tpu.memory_space<hbm>> -> memref<1x1x128x2048xf32, #tpu.memory_space<hbm>>
    %dma_start3A_104 = tpu.memref_squeeze %dma_start3A_103 : memref<1x1x128x2048xf32, #tpu.memory_space<hbm>> -> memref<128x2048xf32, #tpu.memory_space<hbm>>
    %dma_start3A_105 = arith.constant 0 : i32
    %dma_start3A_106 = arith.constant 1024 : i32
    %dma_start3A_107 = tpu.memref_slice %arg1[%dma_start3A_99, %dma_start3A_105, %dma_start3A_106] : memref<8x128x3968xf32, #tpu.memory_space<vmem>> -> memref<1x128x2048xf32, #tpu.memory_space<vmem>>
    %dma_start3A_108 = tpu.memref_squeeze %dma_start3A_107 : memref<1x128x2048xf32, #tpu.memory_space<vmem>> -> memref<128x2048xf32, #tpu.memory_space<vmem>>
    tpu.enqueue_dma source(%dma_start3A_108 : memref<128x2048xf32, #tpu.memory_space<vmem>>) target(%dma_start3A_104 : memref<128x2048xf32, #tpu.memory_space<hbm>>) target_semaphore(%arg3 : memref<!tpu.dma_semaphore, #tpu.memory_space<semaphore_mem>>)
    %mul3A_109 = arith.constant 8 : i32
    %mul3A_110 = arith.muli %mul3A_109, %arg0 : i32
    %add3A_111 = arith.constant 0 : i32
    %add3A_112 = arith.addi %mul3A_110, %add3A_111 : i32
    %dma_start3A_113 = arith.constant 0 : i32
    %dma_start3A_114 = arith.constant 0 : i32
    %dma_start3A_115 = arith.constant 1024 : i32
    %dma_start3A_116 = arith.constant 0 : i32
    %dma_start3A_117 = tpu.memref_slice %arg2[%dma_start3A_114, %add3A_112, %dma_start3A_115, %dma_start3A_116] : memref<1x16x2048x2048xf32, #tpu.memory_space<hbm>> -> memref<1x1x128x2048xf32, #tpu.memory_space<hbm>>
    %dma_start3A_118 = tpu.memref_squeeze %dma_start3A_117 : memref<1x1x128x2048xf32, #tpu.memory_space<hbm>> -> memref<128x2048xf32, #tpu.memory_space<hbm>>
    %dma_start3A_119 = arith.constant 0 : i32
    %dma_start3A_120 = arith.constant 896 : i32
    %dma_start3A_121 = tpu.memref_slice %arg1[%dma_start3A_113, %dma_start3A_119, %dma_start3A_120] : memref<8x128x3968xf32, #tpu.memory_space<vmem>> -> memref<1x128x2048xf32, #tpu.memory_space<vmem>>
    %dma_start3A_122 = tpu.memref_squeeze %dma_start3A_121 : memref<1x128x2048xf32, #tpu.memory_space<vmem>> -> memref<128x2048xf32, #tpu.memory_space<vmem>>
    tpu.enqueue_dma source(%dma_start3A_122 : memref<128x2048xf32, #tpu.memory_space<vmem>>) target(%dma_start3A_118 : memref<128x2048xf32, #tpu.memory_space<hbm>>) target_semaphore(%arg3 : memref<!tpu.dma_semaphore, #tpu.memory_space<semaphore_mem>>)
    %mul3A_123 = arith.constant 8 : i32
    %mul3A_124 = arith.muli %mul3A_123, %arg0 : i32
    %add3A_125 = arith.constant 0 : i32
    %add3A_126 = arith.addi %mul3A_124, %add3A_125 : i32
    %dma_start3A_127 = arith.constant 0 : i32
    %dma_start3A_128 = arith.constant 0 : i32
    %dma_start3A_129 = arith.constant 1152 : i32
    %dma_start3A_130 = arith.constant 0 : i32
    %dma_start3A_131 = tpu.memref_slice %arg2[%dma_start3A_128, %add3A_126, %dma_start3A_129, %dma_start3A_130] : memref<1x16x2048x2048xf32, #tpu.memory_space<hbm>> -> memref<1x1x128x2048xf32, #tpu.memory_space<hbm>>
    %dma_start3A_132 = tpu.memref_squeeze %dma_start3A_131 : memref<1x1x128x2048xf32, #tpu.memory_space<hbm>> -> memref<128x2048xf32, #tpu.memory_space<hbm>>
    %dma_start3A_133 = arith.constant 0 : i32
    %dma_start3A_134 = arith.constant 768 : i32
    %dma_start3A_135 = tpu.memref_slice %arg1[%dma_start3A_127, %dma_start3A_133, %dma_start3A_134] : memref<8x128x3968xf32, #tpu.memory_space<vmem>> -> memref<1x128x2048xf32, #tpu.memory_space<vmem>>
    %dma_start3A_136 = tpu.memref_squeeze %dma_start3A_135 : memref<1x128x2048xf32, #tpu.memory_space<vmem>> -> memref<128x2048xf32, #tpu.memory_space<vmem>>
    tpu.enqueue_dma source(%dma_start3A_136 : memref<128x2048xf32, #tpu.memory_space<vmem>>) target(%dma_start3A_132 : memref<128x2048xf32, #tpu.memory_space<hbm>>) target_semaphore(%arg3 : memref<!tpu.dma_semaphore, #tpu.memory_space<semaphore_mem>>)
    %mul3A_137 = arith.constant 8 : i32
    %mul3A_138 = arith.muli %mul3A_137, %arg0 : i32
    %add3A_139 = arith.constant 0 : i32
    %add3A_140 = arith.addi %mul3A_138, %add3A_139 : i32
    %dma_start3A_141 = arith.constant 0 : i32
    %dma_start3A_142 = arith.constant 0 : i32
    %dma_start3A_143 = arith.constant 1280 : i32
    %dma_start3A_144 = arith.constant 0 : i32
    %dma_start3A_145 = tpu.memref_slice %arg2[%dma_start3A_142, %add3A_140, %dma_start3A_143, %dma_start3A_144] : memref<1x16x2048x2048xf32, #tpu.memory_space<hbm>> -> memref<1x1x128x2048xf32, #tpu.memory_space<hbm>>
    %dma_start3A_146 = tpu.memref_squeeze %dma_start3A_145 : memref<1x1x128x2048xf32, #tpu.memory_space<hbm>> -> memref<128x2048xf32, #tpu.memory_space<hbm>>
    %dma_start3A_147 = arith.constant 0 : i32
    %dma_start3A_148 = arith.constant 640 : i32
    %dma_start3A_149 = tpu.memref_slice %arg1[%dma_start3A_141, %dma_start3A_147, %dma_start3A_148] : memref<8x128x3968xf32, #tpu.memory_space<vmem>> -> memref<1x128x2048xf32, #tpu.memory_space<vmem>>
    %dma_start3A_150 = tpu.memref_squeeze %dma_start3A_149 : memref<1x128x2048xf32, #tpu.memory_space<vmem>> -> memref<128x2048xf32, #tpu.memory_space<vmem>>
    tpu.enqueue_dma source(%dma_start3A_150 : memref<128x2048xf32, #tpu.memory_space<vmem>>) target(%dma_start3A_146 : memref<128x2048xf32, #tpu.memory_space<hbm>>) target_semaphore(%arg3 : memref<!tpu.dma_semaphore, #tpu.memory_space<semaphore_mem>>)
    %mul3A_151 = arith.constant 8 : i32
    %mul3A_152 = arith.muli %mul3A_151, %arg0 : i32
    %add3A_153 = arith.constant 0 : i32
    %add3A_154 = arith.addi %mul3A_152, %add3A_153 : i32
    %dma_start3A_155 = arith.constant 0 : i32
    %dma_start3A_156 = arith.constant 0 : i32
    %dma_start3A_157 = arith.constant 1408 : i32
    %dma_start3A_158 = arith.constant 0 : i32
    %dma_start3A_159 = tpu.memref_slice %arg2[%dma_start3A_156, %add3A_154, %dma_start3A_157, %dma_start3A_158] : memref<1x16x2048x2048xf32, #tpu.memory_space<hbm>> -> memref<1x1x128x2048xf32, #tpu.memory_space<hbm>>
    %dma_start3A_160 = tpu.memref_squeeze %dma_start3A_159 : memref<1x1x128x2048xf32, #tpu.memory_space<hbm>> -> memref<128x2048xf32, #tpu.memory_space<hbm>>
    %dma_start3A_161 = arith.constant 0 : i32
    %dma_start3A_162 = arith.constant 512 : i32
    %dma_start3A_163 = tpu.memref_slice %arg1[%dma_start3A_155, %dma_start3A_161, %dma_start3A_162] : memref<8x128x3968xf32, #tpu.memory_space<vmem>> -> memref<1x128x2048xf32, #tpu.memory_space<vmem>>
    %dma_start3A_164 = tpu.memref_squeeze %dma_start3A_163 : memref<1x128x2048xf32, #tpu.memory_space<vmem>> -> memref<128x2048xf32, #tpu.memory_space<vmem>>
    tpu.enqueue_dma source(%dma_start3A_164 : memref<128x2048xf32, #tpu.memory_space<vmem>>) target(%dma_start3A_160 : memref<128x2048xf32, #tpu.memory_space<hbm>>) target_semaphore(%arg3 : memref<!tpu.dma_semaphore, #tpu.memory_space<semaphore_mem>>)
    %mul3A_165 = arith.constant 8 : i32
    %mul3A_166 = arith.muli %mul3A_165, %arg0 : i32
    %add3A_167 = arith.constant 0 : i32
    %add3A_168 = arith.addi %mul3A_166, %add3A_167 : i32
    %dma_start3A_169 = arith.constant 0 : i32
    %dma_start3A_170 = arith.constant 0 : i32
    %dma_start3A_171 = arith.constant 1536 : i32
    %dma_start3A_172 = arith.constant 0 : i32
    %dma_start3A_173 = tpu.memref_slice %arg2[%dma_start3A_170, %add3A_168, %dma_start3A_171, %dma_start3A_172] : memref<1x16x2048x2048xf32, #tpu.memory_space<hbm>> -> memref<1x1x128x2048xf32, #tpu.memory_space<hbm>>
    %dma_start3A_174 = tpu.memref_squeeze %dma_start3A_173 : memref<1x1x128x2048xf32, #tpu.memory_space<hbm>> -> memref<128x2048xf32, #tpu.memory_space<hbm>>
    %dma_start3A_175 = arith.constant 0 : i32
    %dma_start3A_176 = arith.constant 384 : i32
    %dma_start3A_177 = tpu.memref_slice %arg1[%dma_start3A_169, %dma_start3A_175, %dma_start3A_176] : memref<8x128x3968xf32, #tpu.memory_space<vmem>> -> memref<1x128x2048xf32, #tpu.memory_space<vmem>>
    %dma_start3A_178 = tpu.memref_squeeze %dma_start3A_177 : memref<1x128x2048xf32, #tpu.memory_space<vmem>> -> memref<128x2048xf32, #tpu.memory_space<vmem>>
    tpu.enqueue_dma source(%dma_start3A_178 : memref<128x2048xf32, #tpu.memory_space<vmem>>) target(%dma_start3A_174 : memref<128x2048xf32, #tpu.memory_space<hbm>>) target_semaphore(%arg3 : memref<!tpu.dma_semaphore, #tpu.memory_space<semaphore_mem>>)
    %mul3A_179 = arith.constant 8 : i32
    %mul3A_180 = arith.muli %mul3A_179, %arg0 : i32
    %add3A_181 = arith.constant 0 : i32
    %add3A_182 = arith.addi %mul3A_180, %add3A_181 : i32
    %dma_start3A_183 = arith.constant 0 : i32
    %dma_start3A_184 = arith.constant 0 : i32
    %dma_start3A_185 = arith.constant 1664 : i32
    %dma_start3A_186 = arith.constant 0 : i32
    %dma_start3A_187 = tpu.memref_slice %arg2[%dma_start3A_184, %add3A_182, %dma_start3A_185, %dma_start3A_186] : memref<1x16x2048x2048xf32, #tpu.memory_space<hbm>> -> memref<1x1x128x2048xf32, #tpu.memory_space<hbm>>
    %dma_start3A_188 = tpu.memref_squeeze %dma_start3A_187 : memref<1x1x128x2048xf32, #tpu.memory_space<hbm>> -> memref<128x2048xf32, #tpu.memory_space<hbm>>
    %dma_start3A_189 = arith.constant 0 : i32
    %dma_start3A_190 = arith.constant 256 : i32
    %dma_start3A_191 = tpu.memref_slice %arg1[%dma_start3A_183, %dma_start3A_189, %dma_start3A_190] : memref<8x128x3968xf32, #tpu.memory_space<vmem>> -> memref<1x128x2048xf32, #tpu.memory_space<vmem>>
    %dma_start3A_192 = tpu.memref_squeeze %dma_start3A_191 : memref<1x128x2048xf32, #tpu.memory_space<vmem>> -> memref<128x2048xf32, #tpu.memory_space<vmem>>
    tpu.enqueue_dma source(%dma_start3A_192 : memref<128x2048xf32, #tpu.memory_space<vmem>>) target(%dma_start3A_188 : memref<128x2048xf32, #tpu.memory_space<hbm>>) target_semaphore(%arg3 : memref<!tpu.dma_semaphore, #tpu.memory_space<semaphore_mem>>)
    %mul3A_193 = arith.constant 8 : i32
    %mul3A_194 = arith.muli %mul3A_193, %arg0 : i32
    %add3A_195 = arith.constant 0 : i32
    %add3A_196 = arith.addi %mul3A_194, %add3A_195 : i32
    %dma_start3A_197 = arith.constant 0 : i32
    %dma_start3A_198 = arith.constant 0 : i32
    %dma_start3A_199 = arith.constant 1792 : i32
    %dma_start3A_200 = arith.constant 0 : i32
    %dma_start3A_201 = tpu.memref_slice %arg2[%dma_start3A_198, %add3A_196, %dma_start3A_199, %dma_start3A_200] : memref<1x16x2048x2048xf32, #tpu.memory_space<hbm>> -> memref<1x1x128x2048xf32, #tpu.memory_space<hbm>>
    %dma_start3A_202 = tpu.memref_squeeze %dma_start3A_201 : memref<1x1x128x2048xf32, #tpu.memory_space<hbm>> -> memref<128x2048xf32, #tpu.memory_space<hbm>>
    %dma_start3A_203 = arith.constant 0 : i32
    %dma_start3A_204 = arith.constant 128 : i32
    %dma_start3A_205 = tpu.memref_slice %arg1[%dma_start3A_197, %dma_start3A_203, %dma_start3A_204] : memref<8x128x3968xf32, #tpu.memory_space<vmem>> -> memref<1x128x2048xf32, #tpu.memory_space<vmem>>
    %dma_start3A_206 = tpu.memref_squeeze %dma_start3A_205 : memref<1x128x2048xf32, #tpu.memory_space<vmem>> -> memref<128x2048xf32, #tpu.memory_space<vmem>>
    tpu.enqueue_dma source(%dma_start3A_206 : memref<128x2048xf32, #tpu.memory_space<vmem>>) target(%dma_start3A_202 : memref<128x2048xf32, #tpu.memory_space<hbm>>) target_semaphore(%arg3 : memref<!tpu.dma_semaphore, #tpu.memory_space<semaphore_mem>>)
    %mul3A_207 = arith.constant 8 : i32
    %mul3A_208 = arith.muli %mul3A_207, %arg0 : i32
    %add3A_209 = arith.constant 0 : i32
    %add3A_210 = arith.addi %mul3A_208, %add3A_209 : i32
    %dma_start3A_211 = arith.constant 0 : i32
    %dma_start3A_212 = arith.constant 0 : i32
    %dma_start3A_213 = arith.constant 1920 : i32
    %dma_start3A_214 = arith.constant 0 : i32
    %dma_start3A_215 = tpu.memref_slice %arg2[%dma_start3A_212, %add3A_210, %dma_start3A_213, %dma_start3A_214] : memref<1x16x2048x2048xf32, #tpu.memory_space<hbm>> -> memref<1x1x128x2048xf32, #tpu.memory_space<hbm>>
    %dma_start3A_216 = tpu.memref_squeeze %dma_start3A_215 : memref<1x1x128x2048xf32, #tpu.memory_space<hbm>> -> memref<128x2048xf32, #tpu.memory_space<hbm>>
    %dma_start3A_217 = arith.constant 0 : i32
    %dma_start3A_218 = arith.constant 0 : i32
    %dma_start3A_219 = tpu.memref_slice %arg1[%dma_start3A_211, %dma_start3A_217, %dma_start3A_218] : memref<8x128x3968xf32, #tpu.memory_space<vmem>> -> memref<1x128x2048xf32, #tpu.memory_space<vmem>>
    %dma_start3A_220 = tpu.memref_squeeze %dma_start3A_219 : memref<1x128x2048xf32, #tpu.memory_space<vmem>> -> memref<128x2048xf32, #tpu.memory_space<vmem>>
    tpu.enqueue_dma source(%dma_start3A_220 : memref<128x2048xf32, #tpu.memory_space<vmem>>) target(%dma_start3A_216 : memref<128x2048xf32, #tpu.memory_space<hbm>>) target_semaphore(%arg3 : memref<!tpu.dma_semaphore, #tpu.memory_space<semaphore_mem>>)
    %mul3A_221 = arith.constant 8 : i32
    %mul3A_222 = arith.muli %mul3A_221, %arg0 : i32
    %add3A_223 = arith.constant 1 : i32
    %add3A_224 = arith.addi %mul3A_222, %add3A_223 : i32
    %dma_start3A_225 = arith.constant 1 : i32
    %dma_start3A_226 = arith.constant 0 : i32
    %dma_start3A_227 = arith.constant 0 : i32
    %dma_start3A_228 = arith.constant 0 : i32
    %dma_start3A_229 = tpu.memref_slice %arg2[%dma_start3A_226, %add3A_224, %dma_start3A_227, %dma_start3A_228] : memref<1x16x2048x2048xf32, #tpu.memory_space<hbm>> -> memref<1x1x128x2048xf32, #tpu.memory_space<hbm>>
    %dma_start3A_230 = tpu.memref_squeeze %dma_start3A_229 : memref<1x1x128x2048xf32, #tpu.memory_space<hbm>> -> memref<128x2048xf32, #tpu.memory_space<hbm>>
    %dma_start3A_231 = arith.constant 0 : i32
    %dma_start3A_232 = arith.constant 1920 : i32
    %dma_start3A_233 = tpu.memref_slice %arg1[%dma_start3A_225, %dma_start3A_231, %dma_start3A_232] : memref<8x128x3968xf32, #tpu.memory_space<vmem>> -> memref<1x128x2048xf32, #tpu.memory_space<vmem>>
    %dma_start3A_234 = tpu.memref_squeeze %dma_start3A_233 : memref<1x128x2048xf32, #tpu.memory_space<vmem>> -> memref<128x2048xf32, #tpu.memory_space<vmem>>
    tpu.enqueue_dma source(%dma_start3A_234 : memref<128x2048xf32, #tpu.memory_space<vmem>>) target(%dma_start3A_230 : memref<128x2048xf32, #tpu.memory_space<hbm>>) target_semaphore(%arg3 : memref<!tpu.dma_semaphore, #tpu.memory_space<semaphore_mem>>)
    %mul3A_235 = arith.constant 8 : i32
    %mul3A_236 = arith.muli %mul3A_235, %arg0 : i32
    %add3A_237 = arith.constant 1 : i32
    %add3A_238 = arith.addi %mul3A_236, %add3A_237 : i32
    %dma_start3A_239 = arith.constant 1 : i32
    %dma_start3A_240 = arith.constant 0 : i32
    %dma_start3A_241 = arith.constant 128 : i32
    %dma_start3A_242 = arith.constant 0 : i32
    %dma_start3A_243 = tpu.memref_slice %arg2[%dma_start3A_240, %add3A_238, %dma_start3A_241, %dma_start3A_242] : memref<1x16x2048x2048xf32, #tpu.memory_space<hbm>> -> memref<1x1x128x2048xf32, #tpu.memory_space<hbm>>
    %dma_start3A_244 = tpu.memref_squeeze %dma_start3A_243 : memref<1x1x128x2048xf32, #tpu.memory_space<hbm>> -> memref<128x2048xf32, #tpu.memory_space<hbm>>
    %dma_start3A_245 = arith.constant 0 : i32
    %dma_start3A_246 = arith.constant 1792 : i32
    %dma_start3A_247 = tpu.memref_slice %arg1[%dma_start3A_239, %dma_start3A_245, %dma_start3A_246] : memref<8x128x3968xf32, #tpu.memory_space<vmem>> -> memref<1x128x2048xf32, #tpu.memory_space<vmem>>
    %dma_start3A_248 = tpu.memref_squeeze %dma_start3A_247 : memref<1x128x2048xf32, #tpu.memory_space<vmem>> -> memref<128x2048xf32, #tpu.memory_space<vmem>>
    tpu.enqueue_dma source(%dma_start3A_248 : memref<128x2048xf32, #tpu.memory_space<vmem>>) target(%dma_start3A_244 : memref<128x2048xf32, #tpu.memory_space<hbm>>) target_semaphore(%arg3 : memref<!tpu.dma_semaphore, #tpu.memory_space<semaphore_mem>>)
    %mul3A_249 = arith.constant 8 : i32
    %mul3A_250 = arith.muli %mul3A_249, %arg0 : i32
    %add3A_251 = arith.constant 1 : i32
    %add3A_252 = arith.addi %mul3A_250, %add3A_251 : i32
    %dma_start3A_253 = arith.constant 1 : i32
    %dma_start3A_254 = arith.constant 0 : i32
    %dma_start3A_255 = arith.constant 256 : i32
    %dma_start3A_256 = arith.constant 0 : i32
    %dma_start3A_257 = tpu.memref_slice %arg2[%dma_start3A_254, %add3A_252, %dma_start3A_255, %dma_start3A_256] : memref<1x16x2048x2048xf32, #tpu.memory_space<hbm>> -> memref<1x1x128x2048xf32, #tpu.memory_space<hbm>>
    %dma_start3A_258 = tpu.memref_squeeze %dma_start3A_257 : memref<1x1x128x2048xf32, #tpu.memory_space<hbm>> -> memref<128x2048xf32, #tpu.memory_space<hbm>>
    %dma_start3A_259 = arith.constant 0 : i32
    %dma_start3A_260 = arith.constant 1664 : i32
    %dma_start3A_261 = tpu.memref_slice %arg1[%dma_start3A_253, %dma_start3A_259, %dma_start3A_260] : memref<8x128x3968xf32, #tpu.memory_space<vmem>> -> memref<1x128x2048xf32, #tpu.memory_space<vmem>>
    %dma_start3A_262 = tpu.memref_squeeze %dma_start3A_261 : memref<1x128x2048xf32, #tpu.memory_space<vmem>> -> memref<128x2048xf32, #tpu.memory_space<vmem>>
    tpu.enqueue_dma source(%dma_start3A_262 : memref<128x2048xf32, #tpu.memory_space<vmem>>) target(%dma_start3A_258 : memref<128x2048xf32, #tpu.memory_space<hbm>>) target_semaphore(%arg3 : memref<!tpu.dma_semaphore, #tpu.memory_space<semaphore_mem>>)
    %mul3A_263 = arith.constant 8 : i32
    %mul3A_264 = arith.muli %mul3A_263, %arg0 : i32
    %add3A_265 = arith.constant 1 : i32
    %add3A_266 = arith.addi %mul3A_264, %add3A_265 : i32
    %dma_start3A_267 = arith.constant 1 : i32
    %dma_start3A_268 = arith.constant 0 : i32
    %dma_start3A_269 = arith.constant 384 : i32
    %dma_start3A_270 = arith.constant 0 : i32
    %dma_start3A_271 = tpu.memref_slice %arg2[%dma_start3A_268, %add3A_266, %dma_start3A_269, %dma_start3A_270] : memref<1x16x2048x2048xf32, #tpu.memory_space<hbm>> -> memref<1x1x128x2048xf32, #tpu.memory_space<hbm>>
    %dma_start3A_272 = tpu.memref_squeeze %dma_start3A_271 : memref<1x1x128x2048xf32, #tpu.memory_space<hbm>> -> memref<128x2048xf32, #tpu.memory_space<hbm>>
    %dma_start3A_273 = arith.constant 0 : i32
    %dma_start3A_274 = arith.constant 1536 : i32
    %dma_start3A_275 = tpu.memref_slice %arg1[%dma_start3A_267, %dma_start3A_273, %dma_start3A_274] : memref<8x128x3968xf32, #tpu.memory_space<vmem>> -> memref<1x128x2048xf32, #tpu.memory_space<vmem>>
    %dma_start3A_276 = tpu.memref_squeeze %dma_start3A_275 : memref<1x128x2048xf32, #tpu.memory_space<vmem>> -> memref<128x2048xf32, #tpu.memory_space<vmem>>
    tpu.enqueue_dma source(%dma_start3A_276 : memref<128x2048xf32, #tpu.memory_space<vmem>>) target(%dma_start3A_272 : memref<128x2048xf32, #tpu.memory_space<hbm>>) target_semaphore(%arg3 : memref<!tpu.dma_semaphore, #tpu.memory_space<semaphore_mem>>)
    %mul3A_277 = arith.constant 8 : i32
    %mul3A_278 = arith.muli %mul3A_277, %arg0 : i32
    %add3A_279 = arith.constant 1 : i32
    %add3A_280 = arith.addi %mul3A_278, %add3A_279 : i32
    %dma_start3A_281 = arith.constant 1 : i32
    %dma_start3A_282 = arith.constant 0 : i32
    %dma_start3A_283 = arith.constant 512 : i32
    %dma_start3A_284 = arith.constant 0 : i32
    %dma_start3A_285 = tpu.memref_slice %arg2[%dma_start3A_282, %add3A_280, %dma_start3A_283, %dma_start3A_284] : memref<1x16x2048x2048xf32, #tpu.memory_space<hbm>> -> memref<1x1x128x2048xf32, #tpu.memory_space<hbm>>
    %dma_start3A_286 = tpu.memref_squeeze %dma_start3A_285 : memref<1x1x128x2048xf32, #tpu.memory_space<hbm>> -> memref<128x2048xf32, #tpu.memory_space<hbm>>
    %dma_start3A_287 = arith.constant 0 : i32
    %dma_start3A_288 = arith.constant 1408 : i32
    %dma_start3A_289 = tpu.memref_slice %arg1[%dma_start3A_281, %dma_start3A_287, %dma_start3A_288] : memref<8x128x3968xf32, #tpu.memory_space<vmem>> -> memref<1x128x2048xf32, #tpu.memory_space<vmem>>
    %dma_start3A_290 = tpu.memref_squeeze %dma_start3A_289 : memref<1x128x2048xf32, #tpu.memory_space<vmem>> -> memref<128x2048xf32, #tpu.memory_space<vmem>>
    tpu.enqueue_dma source(%dma_start3A_290 : memref<128x2048xf32, #tpu.memory_space<vmem>>) target(%dma_start3A_286 : memref<128x2048xf32, #tpu.memory_space<hbm>>) target_semaphore(%arg3 : memref<!tpu.dma_semaphore, #tpu.memory_space<semaphore_mem>>)
    %mul3A_291 = arith.constant 8 : i32
    %mul3A_292 = arith.muli %mul3A_291, %arg0 : i32
    %add3A_293 = arith.constant 1 : i32
    %add3A_294 = arith.addi %mul3A_292, %add3A_293 : i32
    %dma_start3A_295 = arith.constant 1 : i32
    %dma_start3A_296 = arith.constant 0 : i32
    %dma_start3A_297 = arith.constant 640 : i32
    %dma_start3A_298 = arith.constant 0 : i32
    %dma_start3A_299 = tpu.memref_slice %arg2[%dma_start3A_296, %add3A_294, %dma_start3A_297, %dma_start3A_298] : memref<1x16x2048x2048xf32, #tpu.memory_space<hbm>> -> memref<1x1x128x2048xf32, #tpu.memory_space<hbm>>
    %dma_start3A_300 = tpu.memref_squeeze %dma_start3A_299 : memref<1x1x128x2048xf32, #tpu.memory_space<hbm>> -> memref<128x2048xf32, #tpu.memory_space<hbm>>
    %dma_start3A_301 = arith.constant 0 : i32
    %dma_start3A_302 = arith.constant 1280 : i32
    %dma_start3A_303 = tpu.memref_slice %arg1[%dma_start3A_295, %dma_start3A_301, %dma_start3A_302] : memref<8x128x3968xf32, #tpu.memory_space<vmem>> -> memref<1x128x2048xf32, #tpu.memory_space<vmem>>
    %dma_start3A_304 = tpu.memref_squeeze %dma_start3A_303 : memref<1x128x2048xf32, #tpu.memory_space<vmem>> -> memref<128x2048xf32, #tpu.memory_space<vmem>>
    tpu.enqueue_dma source(%dma_start3A_304 : memref<128x2048xf32, #tpu.memory_space<vmem>>) target(%dma_start3A_300 : memref<128x2048xf32, #tpu.memory_space<hbm>>) target_semaphore(%arg3 : memref<!tpu.dma_semaphore, #tpu.memory_space<semaphore_mem>>)
    %mul3A_305 = arith.constant 8 : i32
    %mul3A_306 = arith.muli %mul3A_305, %arg0 : i32
    %add3A_307 = arith.constant 1 : i32
    %add3A_308 = arith.addi %mul3A_306, %add3A_307 : i32
    %dma_start3A_309 = arith.constant 1 : i32
    %dma_start3A_310 = arith.constant 0 : i32
    %dma_start3A_311 = arith.constant 768 : i32
    %dma_start3A_312 = arith.constant 0 : i32
    %dma_start3A_313 = tpu.memref_slice %arg2[%dma_start3A_310, %add3A_308, %dma_start3A_311, %dma_start3A_312] : memref<1x16x2048x2048xf32, #tpu.memory_space<hbm>> -> memref<1x1x128x2048xf32, #tpu.memory_space<hbm>>
    %dma_start3A_314 = tpu.memref_squeeze %dma_start3A_313 : memref<1x1x128x2048xf32, #tpu.memory_space<hbm>> -> memref<128x2048xf32, #tpu.memory_space<hbm>>
    %dma_start3A_315 = arith.constant 0 : i32
    %dma_start3A_316 = arith.constant 1152 : i32
    %dma_start3A_317 = tpu.memref_slice %arg1[%dma_start3A_309, %dma_start3A_315, %dma_start3A_316] : memref<8x128x3968xf32, #tpu.memory_space<vmem>> -> memref<1x128x2048xf32, #tpu.memory_space<vmem>>
    %dma_start3A_318 = tpu.memref_squeeze %dma_start3A_317 : memref<1x128x2048xf32, #tpu.memory_space<vmem>> -> memref<128x2048xf32, #tpu.memory_space<vmem>>
    tpu.enqueue_dma source(%dma_start3A_318 : memref<128x2048xf32, #tpu.memory_space<vmem>>) target(%dma_start3A_314 : memref<128x2048xf32, #tpu.memory_space<hbm>>) target_semaphore(%arg3 : memref<!tpu.dma_semaphore, #tpu.memory_space<semaphore_mem>>)
    %mul3A_319 = arith.constant 8 : i32
    %mul3A_320 = arith.muli %mul3A_319, %arg0 : i32
    %add3A_321 = arith.constant 1 : i32
    %add3A_322 = arith.addi %mul3A_320, %add3A_321 : i32
    %dma_start3A_323 = arith.constant 1 : i32
    %dma_start3A_324 = arith.constant 0 : i32
    %dma_start3A_325 = arith.constant 896 : i32
    %dma_start3A_326 = arith.constant 0 : i32
    %dma_start3A_327 = tpu.memref_slice %arg2[%dma_start3A_324, %add3A_322, %dma_start3A_325, %dma_start3A_326] : memref<1x16x2048x2048xf32, #tpu.memory_space<hbm>> -> memref<1x1x128x2048xf32, #tpu.memory_space<hbm>>
    %dma_start3A_328 = tpu.memref_squeeze %dma_start3A_327 : memref<1x1x128x2048xf32, #tpu.memory_space<hbm>> -> memref<128x2048xf32, #tpu.memory_space<hbm>>
    %dma_start3A_329 = arith.constant 0 : i32
    %dma_start3A_330 = arith.constant 1024 : i32
    %dma_start3A_331 = tpu.memref_slice %arg1[%dma_start3A_323, %dma_start3A_329, %dma_start3A_330] : memref<8x128x3968xf32, #tpu.memory_space<vmem>> -> memref<1x128x2048xf32, #tpu.memory_space<vmem>>
    %dma_start3A_332 = tpu.memref_squeeze %dma_start3A_331 : memref<1x128x2048xf32, #tpu.memory_space<vmem>> -> memref<128x2048xf32, #tpu.memory_space<vmem>>
    tpu.enqueue_dma source(%dma_start3A_332 : memref<128x2048xf32, #tpu.memory_space<vmem>>) target(%dma_start3A_328 : memref<128x2048xf32, #tpu.memory_space<hbm>>) target_semaphore(%arg3 : memref<!tpu.dma_semaphore, #tpu.memory_space<semaphore_mem>>)
    %mul3A_333 = arith.constant 8 : i32
    %mul3A_334 = arith.muli %mul3A_333, %arg0 : i32
    %add3A_335 = arith.constant 1 : i32
    %add3A_336 = arith.addi %mul3A_334, %add3A_335 : i32
    %dma_start3A_337 = arith.constant 1 : i32
    %dma_start3A_338 = arith.constant 0 : i32
    %dma_start3A_339 = arith.constant 1024 : i32
    %dma_start3A_340 = arith.constant 0 : i32
    %dma_start3A_341 = tpu.memref_slice %arg2[%dma_start3A_338, %add3A_336, %dma_start3A_339, %dma_start3A_340] : memref<1x16x2048x2048xf32, #tpu.memory_space<hbm>> -> memref<1x1x128x2048xf32, #tpu.memory_space<hbm>>
    %dma_start3A_342 = tpu.memref_squeeze %dma_start3A_341 : memref<1x1x128x2048xf32, #tpu.memory_space<hbm>> -> memref<128x2048xf32, #tpu.memory_space<hbm>>
    %dma_start3A_343 = arith.constant 0 : i32
    %dma_start3A_344 = arith.constant 896 : i32
    %dma_start3A_345 = tpu.memref_slice %arg1[%dma_start3A_337, %dma_start3A_343, %dma_start3A_344] : memref<8x128x3968xf32, #tpu.memory_space<vmem>> -> memref<1x128x2048xf32, #tpu.memory_space<vmem>>
    %dma_start3A_346 = tpu.memref_squeeze %dma_start3A_345 : memref<1x128x2048xf32, #tpu.memory_space<vmem>> -> memref<128x2048xf32, #tpu.memory_space<vmem>>
    tpu.enqueue_dma source(%dma_start3A_346 : memref<128x2048xf32, #tpu.memory_space<vmem>>) target(%dma_start3A_342 : memref<128x2048xf32, #tpu.memory_space<hbm>>) target_semaphore(%arg3 : memref<!tpu.dma_semaphore, #tpu.memory_space<semaphore_mem>>)
    %mul3A_347 = arith.constant 8 : i32
    %mul3A_348 = arith.muli %mul3A_347, %arg0 : i32
    %add3A_349 = arith.constant 1 : i32
    %add3A_350 = arith.addi %mul3A_348, %add3A_349 : i32
    %dma_start3A_351 = arith.constant 1 : i32
    %dma_start3A_352 = arith.constant 0 : i32
    %dma_start3A_353 = arith.constant 1152 : i32
    %dma_start3A_354 = arith.constant 0 : i32
    %dma_start3A_355 = tpu.memref_slice %arg2[%dma_start3A_352, %add3A_350, %dma_start3A_353, %dma_start3A_354] : memref<1x16x2048x2048xf32, #tpu.memory_space<hbm>> -> memref<1x1x128x2048xf32, #tpu.memory_space<hbm>>
    %dma_start3A_356 = tpu.memref_squeeze %dma_start3A_355 : memref<1x1x128x2048xf32, #tpu.memory_space<hbm>> -> memref<128x2048xf32, #tpu.memory_space<hbm>>
    %dma_start3A_357 = arith.constant 0 : i32
    %dma_start3A_358 = arith.constant 768 : i32
    %dma_start3A_359 = tpu.memref_slice %arg1[%dma_start3A_351, %dma_start3A_357, %dma_start3A_358] : memref<8x128x3968xf32, #tpu.memory_space<vmem>> -> memref<1x128x2048xf32, #tpu.memory_space<vmem>>
    %dma_start3A_360 = tpu.memref_squeeze %dma_start3A_359 : memref<1x128x2048xf32, #tpu.memory_space<vmem>> -> memref<128x2048xf32, #tpu.memory_space<vmem>>
    tpu.enqueue_dma source(%dma_start3A_360 : memref<128x2048xf32, #tpu.memory_space<vmem>>) target(%dma_start3A_356 : memref<128x2048xf32, #tpu.memory_space<hbm>>) target_semaphore(%arg3 : memref<!tpu.dma_semaphore, #tpu.memory_space<semaphore_mem>>)
    %mul3A_361 = arith.constant 8 : i32
    %mul3A_362 = arith.muli %mul3A_361, %arg0 : i32
    %add3A_363 = arith.constant 1 : i32
    %add3A_364 = arith.addi %mul3A_362, %add3A_363 : i32
    %dma_start3A_365 = arith.constant 1 : i32
    %dma_start3A_366 = arith.constant 0 : i32
    %dma_start3A_367 = arith.constant 1280 : i32
    %dma_start3A_368 = arith.constant 0 : i32
    %dma_start3A_369 = tpu.memref_slice %arg2[%dma_start3A_366, %add3A_364, %dma_start3A_367, %dma_start3A_368] : memref<1x16x2048x2048xf32, #tpu.memory_space<hbm>> -> memref<1x1x128x2048xf32, #tpu.memory_space<hbm>>
    %dma_start3A_370 = tpu.memref_squeeze %dma_start3A_369 : memref<1x1x128x2048xf32, #tpu.memory_space<hbm>> -> memref<128x2048xf32, #tpu.memory_space<hbm>>
    %dma_start3A_371 = arith.constant 0 : i32
    %dma_start3A_372 = arith.constant 640 : i32
    %dma_start3A_373 = tpu.memref_slice %arg1[%dma_start3A_365, %dma_start3A_371, %dma_start3A_372] : memref<8x128x3968xf32, #tpu.memory_space<vmem>> -> memref<1x128x2048xf32, #tpu.memory_space<vmem>>
    %dma_start3A_374 = tpu.memref_squeeze %dma_start3A_373 : memref<1x128x2048xf32, #tpu.memory_space<vmem>> -> memref<128x2048xf32, #tpu.memory_space<vmem>>
    tpu.enqueue_dma source(%dma_start3A_374 : memref<128x2048xf32, #tpu.memory_space<vmem>>) target(%dma_start3A_370 : memref<128x2048xf32, #tpu.memory_space<hbm>>) target_semaphore(%arg3 : memref<!tpu.dma_semaphore, #tpu.memory_space<semaphore_mem>>)
    %mul3A_375 = arith.constant 8 : i32
    %mul3A_376 = arith.muli %mul3A_375, %arg0 : i32
    %add3A_377 = arith.constant 1 : i32
    %add3A_378 = arith.addi %mul3A_376, %add3A_377 : i32
    %dma_start3A_379 = arith.constant 1 : i32
    %dma_start3A_380 = arith.constant 0 : i32
    %dma_start3A_381 = arith.constant 1408 : i32
    %dma_start3A_382 = arith.constant 0 : i32
    %dma_start3A_383 = tpu.memref_slice %arg2[%dma_start3A_380, %add3A_378, %dma_start3A_381, %dma_start3A_382] : memref<1x16x2048x2048xf32, #tpu.memory_space<hbm>> -> memref<1x1x128x2048xf32, #tpu.memory_space<hbm>>
    %dma_start3A_384 = tpu.memref_squeeze %dma_start3A_383 : memref<1x1x128x2048xf32, #tpu.memory_space<hbm>> -> memref<128x2048xf32, #tpu.memory_space<hbm>>
    %dma_start3A_385 = arith.constant 0 : i32
    %dma_start3A_386 = arith.constant 512 : i32
    %dma_start3A_387 = tpu.memref_slice %arg1[%dma_start3A_379, %dma_start3A_385, %dma_start3A_386] : memref<8x128x3968xf32, #tpu.memory_space<vmem>> -> memref<1x128x2048xf32, #tpu.memory_space<vmem>>
    %dma_start3A_388 = tpu.memref_squeeze %dma_start3A_387 : memref<1x128x2048xf32, #tpu.memory_space<vmem>> -> memref<128x2048xf32, #tpu.memory_space<vmem>>
    tpu.enqueue_dma source(%dma_start3A_388 : memref<128x2048xf32, #tpu.memory_space<vmem>>) target(%dma_start3A_384 : memref<128x2048xf32, #tpu.memory_space<hbm>>) target_semaphore(%arg3 : memref<!tpu.dma_semaphore, #tpu.memory_space<semaphore_mem>>)
    %mul3A_389 = arith.constant 8 : i32
    %mul3A_390 = arith.muli %mul3A_389, %arg0 : i32
    %add3A_391 = arith.constant 1 : i32
    %add3A_392 = arith.addi %mul3A_390, %add3A_391 : i32
    %dma_start3A_393 = arith.constant 1 : i32
    %dma_start3A_394 = arith.constant 0 : i32
    %dma_start3A_395 = arith.constant 1536 : i32
    %dma_start3A_396 = arith.constant 0 : i32
    %dma_start3A_397 = tpu.memref_slice %arg2[%dma_start3A_394, %add3A_392, %dma_start3A_395, %dma_start3A_396] : memref<1x16x2048x2048xf32, #tpu.memory_space<hbm>> -> memref<1x1x128x2048xf32, #tpu.memory_space<hbm>>
    %dma_start3A_398 = tpu.memref_squeeze %dma_start3A_397 : memref<1x1x128x2048xf32, #tpu.memory_space<hbm>> -> memref<128x2048xf32, #tpu.memory_space<hbm>>
    %dma_start3A_399 = arith.constant 0 : i32
    %dma_start3A_400 = arith.constant 384 : i32
    %dma_start3A_401 = tpu.memref_slice %arg1[%dma_start3A_393, %dma_start3A_399, %dma_start3A_400] : memref<8x128x3968xf32, #tpu.memory_space<vmem>> -> memref<1x128x2048xf32, #tpu.memory_space<vmem>>
    %dma_start3A_402 = tpu.memref_squeeze %dma_start3A_401 : memref<1x128x2048xf32, #tpu.memory_space<vmem>> -> memref<128x2048xf32, #tpu.memory_space<vmem>>
    tpu.enqueue_dma source(%dma_start3A_402 : memref<128x2048xf32, #tpu.memory_space<vmem>>) target(%dma_start3A_398 : memref<128x2048xf32, #tpu.memory_space<hbm>>) target_semaphore(%arg3 : memref<!tpu.dma_semaphore, #tpu.memory_space<semaphore_mem>>)
    %mul3A_403 = arith.constant 8 : i32
    %mul3A_404 = arith.muli %mul3A_403, %arg0 : i32
    %add3A_405 = arith.constant 1 : i32
    %add3A_406 = arith.addi %mul3A_404, %add3A_405 : i32
    %dma_start3A_407 = arith.constant 1 : i32
    %dma_start3A_408 = arith.constant 0 : i32
    %dma_start3A_409 = arith.constant 1664 : i32
    %dma_start3A_410 = arith.constant 0 : i32
    %dma_start3A_411 = tpu.memref_slice %arg2[%dma_start3A_408, %add3A_406, %dma_start3A_409, %dma_start3A_410] : memref<1x16x2048x2048xf32, #tpu.memory_space<hbm>> -> memref<1x1x128x2048xf32, #tpu.memory_space<hbm>>
    %dma_start3A_412 = tpu.memref_squeeze %dma_start3A_411 : memref<1x1x128x2048xf32, #tpu.memory_space<hbm>> -> memref<128x2048xf32, #tpu.memory_space<hbm>>
    %dma_start3A_413 = arith.constant 0 : i32
    %dma_start3A_414 = arith.constant 256 : i32
    %dma_start3A_415 = tpu.memref_slice %arg1[%dma_start3A_407, %dma_start3A_413, %dma_start3A_414] : memref<8x128x3968xf32, #tpu.memory_space<vmem>> -> memref<1x128x2048xf32, #tpu.memory_space<vmem>>
    %dma_start3A_416 = tpu.memref_squeeze %dma_start3A_415 : memref<1x128x2048xf32, #tpu.memory_space<vmem>> -> memref<128x2048xf32, #tpu.memory_space<vmem>>
    tpu.enqueue_dma source(%dma_start3A_416 : memref<128x2048xf32, #tpu.memory_space<vmem>>) target(%dma_start3A_412 : memref<128x2048xf32, #tpu.memory_space<hbm>>) target_semaphore(%arg3 : memref<!tpu.dma_semaphore, #tpu.memory_space<semaphore_mem>>)
    %mul3A_417 = arith.constant 8 : i32
    %mul3A_418 = arith.muli %mul3A_417, %arg0 : i32
    %add3A_419 = arith.constant 1 : i32
    %add3A_420 = arith.addi %mul3A_418, %add3A_419 : i32
    %dma_start3A_421 = arith.constant 1 : i32
    %dma_start3A_422 = arith.constant 0 : i32
    %dma_start3A_423 = arith.constant 1792 : i32
    %dma_start3A_424 = arith.constant 0 : i32
    %dma_start3A_425 = tpu.memref_slice %arg2[%dma_start3A_422, %add3A_420, %dma_start3A_423, %dma_start3A_424] : memref<1x16x2048x2048xf32, #tpu.memory_space<hbm>> -> memref<1x1x128x2048xf32, #tpu.memory_space<hbm>>
    %dma_start3A_426 = tpu.memref_squeeze %dma_start3A_425 : memref<1x1x128x2048xf32, #tpu.memory_space<hbm>> -> memref<128x2048xf32, #tpu.memory_space<hbm>>
    %dma_start3A_427 = arith.constant 0 : i32
    %dma_start3A_428 = arith.constant 128 : i32
    %dma_start3A_429 = tpu.memref_slice %arg1[%dma_start3A_421, %dma_start3A_427, %dma_start3A_428] : memref<8x128x3968xf32, #tpu.memory_space<vmem>> -> memref<1x128x2048xf32, #tpu.memory_space<vmem>>
    %dma_start3A_430 = tpu.memref_squeeze %dma_start3A_429 : memref<1x128x2048xf32, #tpu.memory_space<vmem>> -> memref<128x2048xf32, #tpu.memory_space<vmem>>
    tpu.enqueue_dma source(%dma_start3A_430 : memref<128x2048xf32, #tpu.memory_space<vmem>>) target(%dma_start3A_426 : memref<128x2048xf32, #tpu.memory_space<hbm>>) target_semaphore(%arg3 : memref<!tpu.dma_semaphore, #tpu.memory_space<semaphore_mem>>)
    %mul3A_431 = arith.constant 8 : i32
    %mul3A_432 = arith.muli %mul3A_431, %arg0 : i32
    %add3A_433 = arith.constant 1 : i32
    %add3A_434 = arith.addi %mul3A_432, %add3A_433 : i32
    %dma_start3A_435 = arith.constant 1 : i32
    %dma_start3A_436 = arith.constant 0 : i32
    %dma_start3A_437 = arith.constant 1920 : i32
    %dma_start3A_438 = arith.constant 0 : i32
    %dma_start3A_439 = tpu.memref_slice %arg2[%dma_start3A_436, %add3A_434, %dma_start3A_437, %dma_start3A_438] : memref<1x16x2048x2048xf32, #tpu.memory_space<hbm>> -> memref<1x1x128x2048xf32, #tpu.memory_space<hbm>>
    %dma_start3A_440 = tpu.memref_squeeze %dma_start3A_439 : memref<1x1x128x2048xf32, #tpu.memory_space<hbm>> -> memref<128x2048xf32, #tpu.memory_space<hbm>>
    %dma_start3A_441 = arith.constant 0 : i32
    %dma_start3A_442 = arith.constant 0 : i32
    %dma_start3A_443 = tpu.memref_slice %arg1[%dma_start3A_435, %dma_start3A_441, %dma_start3A_442] : memref<8x128x3968xf32, #tpu.memory_space<vmem>> -> memref<1x128x2048xf32, #tpu.memory_space<vmem>>
    %dma_start3A_444 = tpu.memref_squeeze %dma_start3A_443 : memref<1x128x2048xf32, #tpu.memory_space<vmem>> -> memref<128x2048xf32, #tpu.memory_space<vmem>>
    tpu.enqueue_dma source(%dma_start3A_444 : memref<128x2048xf32, #tpu.memory_space<vmem>>) target(%dma_start3A_440 : memref<128x2048xf32, #tpu.memory_space<hbm>>) target_semaphore(%arg3 : memref<!tpu.dma_semaphore, #tpu.memory_space<semaphore_mem>>)
    %mul3A_445 = arith.constant 8 : i32
    %mul3A_446 = arith.muli %mul3A_445, %arg0 : i32
    %add3A_447 = arith.constant 2 : i32
    %add3A_448 = arith.addi %mul3A_446, %add3A_447 : i32
    %dma_start3A_449 = arith.constant 2 : i32
    %dma_start3A_450 = arith.constant 0 : i32
    %dma_start3A_451 = arith.constant 0 : i32
    %dma_start3A_452 = arith.constant 0 : i32
    %dma_start3A_453 = tpu.memref_slice %arg2[%dma_start3A_450, %add3A_448, %dma_start3A_451, %dma_start3A_452] : memref<1x16x2048x2048xf32, #tpu.memory_space<hbm>> -> memref<1x1x128x2048xf32, #tpu.memory_space<hbm>>
    %dma_start3A_454 = tpu.memref_squeeze %dma_start3A_453 : memref<1x1x128x2048xf32, #tpu.memory_space<hbm>> -> memref<128x2048xf32, #tpu.memory_space<hbm>>
    %dma_start3A_455 = arith.constant 0 : i32
    %dma_start3A_456 = arith.constant 1920 : i32
    %dma_start3A_457 = tpu.memref_slice %arg1[%dma_start3A_449, %dma_start3A_455, %dma_start3A_456] : memref<8x128x3968xf32, #tpu.memory_space<vmem>> -> memref<1x128x2048xf32, #tpu.memory_space<vmem>>
    %dma_start3A_458 = tpu.memref_squeeze %dma_start3A_457 : memref<1x128x2048xf32, #tpu.memory_space<vmem>> -> memref<128x2048xf32, #tpu.memory_space<vmem>>
    tpu.enqueue_dma source(%dma_start3A_458 : memref<128x2048xf32, #tpu.memory_space<vmem>>) target(%dma_start3A_454 : memref<128x2048xf32, #tpu.memory_space<hbm>>) target_semaphore(%arg3 : memref<!tpu.dma_semaphore, #tpu.memory_space<semaphore_mem>>)
    %mul3A_459 = arith.constant 8 : i32
    %mul3A_460 = arith.muli %mul3A_459, %arg0 : i32
    %add3A_461 = arith.constant 2 : i32
    %add3A_462 = arith.addi %mul3A_460, %add3A_461 : i32
    %dma_start3A_463 = arith.constant 2 : i32
    %dma_start3A_464 = arith.constant 0 : i32
    %dma_start3A_465 = arith.constant 128 : i32
    %dma_start3A_466 = arith.constant 0 : i32
    %dma_start3A_467 = tpu.memref_slice %arg2[%dma_start3A_464, %add3A_462, %dma_start3A_465, %dma_start3A_466] : memref<1x16x2048x2048xf32, #tpu.memory_space<hbm>> -> memref<1x1x128x2048xf32, #tpu.memory_space<hbm>>
    %dma_start3A_468 = tpu.memref_squeeze %dma_start3A_467 : memref<1x1x128x2048xf32, #tpu.memory_space<hbm>> -> memref<128x2048xf32, #tpu.memory_space<hbm>>
    %dma_start3A_469 = arith.constant 0 : i32
    %dma_start3A_470 = arith.constant 1792 : i32
    %dma_start3A_471 = tpu.memref_slice %arg1[%dma_start3A_463, %dma_start3A_469, %dma_start3A_470] : memref<8x128x3968xf32, #tpu.memory_space<vmem>> -> memref<1x128x2048xf32, #tpu.memory_space<vmem>>
    %dma_start3A_472 = tpu.memref_squeeze %dma_start3A_471 : memref<1x128x2048xf32, #tpu.memory_space<vmem>> -> memref<128x2048xf32, #tpu.memory_space<vmem>>
    tpu.enqueue_dma source(%dma_start3A_472 : memref<128x2048xf32, #tpu.memory_space<vmem>>) target(%dma_start3A_468 : memref<128x2048xf32, #tpu.memory_space<hbm>>) target_semaphore(%arg3 : memref<!tpu.dma_semaphore, #tpu.memory_space<semaphore_mem>>)
    %mul3A_473 = arith.constant 8 : i32
    %mul3A_474 = arith.muli %mul3A_473, %arg0 : i32
    %add3A_475 = arith.constant 2 : i32
    %add3A_476 = arith.addi %mul3A_474, %add3A_475 : i32
    %dma_start3A_477 = arith.constant 2 : i32
    %dma_start3A_478 = arith.constant 0 : i32
    %dma_start3A_479 = arith.constant 256 : i32
    %dma_start3A_480 = arith.constant 0 : i32
    %dma_start3A_481 = tpu.memref_slice %arg2[%dma_start3A_478, %add3A_476, %dma_start3A_479, %dma_start3A_480] : memref<1x16x2048x2048xf32, #tpu.memory_space<hbm>> -> memref<1x1x128x2048xf32, #tpu.memory_space<hbm>>
    %dma_start3A_482 = tpu.memref_squeeze %dma_start3A_481 : memref<1x1x128x2048xf32, #tpu.memory_space<hbm>> -> memref<128x2048xf32, #tpu.memory_space<hbm>>
    %dma_start3A_483 = arith.constant 0 : i32
    %dma_start3A_484 = arith.constant 1664 : i32
    %dma_start3A_485 = tpu.memref_slice %arg1[%dma_start3A_477, %dma_start3A_483, %dma_start3A_484] : memref<8x128x3968xf32, #tpu.memory_space<vmem>> -> memref<1x128x2048xf32, #tpu.memory_space<vmem>>
    %dma_start3A_486 = tpu.memref_squeeze %dma_start3A_485 : memref<1x128x2048xf32, #tpu.memory_space<vmem>> -> memref<128x2048xf32, #tpu.memory_space<vmem>>
    tpu.enqueue_dma source(%dma_start3A_486 : memref<128x2048xf32, #tpu.memory_space<vmem>>) target(%dma_start3A_482 : memref<128x2048xf32, #tpu.memory_space<hbm>>) target_semaphore(%arg3 : memref<!tpu.dma_semaphore, #tpu.memory_space<semaphore_mem>>)
    %mul3A_487 = arith.constant 8 : i32
    %mul3A_488 = arith.muli %mul3A_487, %arg0 : i32
    %add3A_489 = arith.constant 2 : i32
    %add3A_490 = arith.addi %mul3A_488, %add3A_489 : i32
    %dma_start3A_491 = arith.constant 2 : i32
    %dma_start3A_492 = arith.constant 0 : i32
    %dma_start3A_493 = arith.constant 384 : i32
    %dma_start3A_494 = arith.constant 0 : i32
    %dma_start3A_495 = tpu.memref_slice %arg2[%dma_start3A_492, %add3A_490, %dma_start3A_493, %dma_start3A_494] : memref<1x16x2048x2048xf32, #tpu.memory_space<hbm>> -> memref<1x1x128x2048xf32, #tpu.memory_space<hbm>>
    %dma_start3A_496 = tpu.memref_squeeze %dma_start3A_495 : memref<1x1x128x2048xf32, #tpu.memory_space<hbm>> -> memref<128x2048xf32, #tpu.memory_space<hbm>>
    %dma_start3A_497 = arith.constant 0 : i32
    %dma_start3A_498 = arith.constant 1536 : i32
    %dma_start3A_499 = tpu.memref_slice %arg1[%dma_start3A_491, %dma_start3A_497, %dma_start3A_498] : memref<8x128x3968xf32, #tpu.memory_space<vmem>> -> memref<1x128x2048xf32, #tpu.memory_space<vmem>>
    %dma_start3A_500 = tpu.memref_squeeze %dma_start3A_499 : memref<1x128x2048xf32, #tpu.memory_space<vmem>> -> memref<128x2048xf32, #tpu.memory_space<vmem>>
    tpu.enqueue_dma source(%dma_start3A_500 : memref<128x2048xf32, #tpu.memory_space<vmem>>) target(%dma_start3A_496 : memref<128x2048xf32, #tpu.memory_space<hbm>>) target_semaphore(%arg3 : memref<!tpu.dma_semaphore, #tpu.memory_space<semaphore_mem>>)
    %mul3A_501 = arith.constant 8 : i32
    %mul3A_502 = arith.muli %mul3A_501, %arg0 : i32
    %add3A_503 = arith.constant 2 : i32
    %add3A_504 = arith.addi %mul3A_502, %add3A_503 : i32
    %dma_start3A_505 = arith.constant 2 : i32
    %dma_start3A_506 = arith.constant 0 : i32
    %dma_start3A_507 = arith.constant 512 : i32
    %dma_start3A_508 = arith.constant 0 : i32
    %dma_start3A_509 = tpu.memref_slice %arg2[%dma_start3A_506, %add3A_504, %dma_start3A_507, %dma_start3A_508] : memref<1x16x2048x2048xf32, #tpu.memory_space<hbm>> -> memref<1x1x128x2048xf32, #tpu.memory_space<hbm>>
    %dma_start3A_510 = tpu.memref_squeeze %dma_start3A_509 : memref<1x1x128x2048xf32, #tpu.memory_space<hbm>> -> memref<128x2048xf32, #tpu.memory_space<hbm>>
    %dma_start3A_511 = arith.constant 0 : i32
    %dma_start3A_512 = arith.constant 1408 : i32
    %dma_start3A_513 = tpu.memref_slice %arg1[%dma_start3A_505, %dma_start3A_511, %dma_start3A_512] : memref<8x128x3968xf32, #tpu.memory_space<vmem>> -> memref<1x128x2048xf32, #tpu.memory_space<vmem>>
    %dma_start3A_514 = tpu.memref_squeeze %dma_start3A_513 : memref<1x128x2048xf32, #tpu.memory_space<vmem>> -> memref<128x2048xf32, #tpu.memory_space<vmem>>
    tpu.enqueue_dma source(%dma_start3A_514 : memref<128x2048xf32, #tpu.memory_space<vmem>>) target(%dma_start3A_510 : memref<128x2048xf32, #tpu.memory_space<hbm>>) target_semaphore(%arg3 : memref<!tpu.dma_semaphore, #tpu.memory_space<semaphore_mem>>)
    %mul3A_515 = arith.constant 8 : i32
    %mul3A_516 = arith.muli %mul3A_515, %arg0 : i32
    %add3A_517 = arith.constant 2 : i32
    %add3A_518 = arith.addi %mul3A_516, %add3A_517 : i32
    %dma_start3A_519 = arith.constant 2 : i32
    %dma_start3A_520 = arith.constant 0 : i32
    %dma_start3A_521 = arith.constant 640 : i32
    %dma_start3A_522 = arith.constant 0 : i32
    %dma_start3A_523 = tpu.memref_slice %arg2[%dma_start3A_520, %add3A_518, %dma_start3A_521, %dma_start3A_522] : memref<1x16x2048x2048xf32, #tpu.memory_space<hbm>> -> memref<1x1x128x2048xf32, #tpu.memory_space<hbm>>
    %dma_start3A_524 = tpu.memref_squeeze %dma_start3A_523 : memref<1x1x128x2048xf32, #tpu.memory_space<hbm>> -> memref<128x2048xf32, #tpu.memory_space<hbm>>
    %dma_start3A_525 = arith.constant 0 : i32
    %dma_start3A_526 = arith.constant 1280 : i32
    %dma_start3A_527 = tpu.memref_slice %arg1[%dma_start3A_519, %dma_start3A_525, %dma_start3A_526] : memref<8x128x3968xf32, #tpu.memory_space<vmem>> -> memref<1x128x2048xf32, #tpu.memory_space<vmem>>
    %dma_start3A_528 = tpu.memref_squeeze %dma_start3A_527 : memref<1x128x2048xf32, #tpu.memory_space<vmem>> -> memref<128x2048xf32, #tpu.memory_space<vmem>>
    tpu.enqueue_dma source(%dma_start3A_528 : memref<128x2048xf32, #tpu.memory_space<vmem>>) target(%dma_start3A_524 : memref<128x2048xf32, #tpu.memory_space<hbm>>) target_semaphore(%arg3 : memref<!tpu.dma_semaphore, #tpu.memory_space<semaphore_mem>>)
    %mul3A_529 = arith.constant 8 : i32
    %mul3A_530 = arith.muli %mul3A_529, %arg0 : i32
    %add3A_531 = arith.constant 2 : i32
    %add3A_532 = arith.addi %mul3A_530, %add3A_531 : i32
    %dma_start3A_533 = arith.constant 2 : i32
    %dma_start3A_534 = arith.constant 0 : i32
    %dma_start3A_535 = arith.constant 768 : i32
    %dma_start3A_536 = arith.constant 0 : i32
    %dma_start3A_537 = tpu.memref_slice %arg2[%dma_start3A_534, %add3A_532, %dma_start3A_535, %dma_start3A_536] : memref<1x16x2048x2048xf32, #tpu.memory_space<hbm>> -> memref<1x1x128x2048xf32, #tpu.memory_space<hbm>>
    %dma_start3A_538 = tpu.memref_squeeze %dma_start3A_537 : memref<1x1x128x2048xf32, #tpu.memory_space<hbm>> -> memref<128x2048xf32, #tpu.memory_space<hbm>>
    %dma_start3A_539 = arith.constant 0 : i32
    %dma_start3A_540 = arith.constant 1152 : i32
    %dma_start3A_541 = tpu.memref_slice %arg1[%dma_start3A_533, %dma_start3A_539, %dma_start3A_540] : memref<8x128x3968xf32, #tpu.memory_space<vmem>> -> memref<1x128x2048xf32, #tpu.memory_space<vmem>>
    %dma_start3A_542 = tpu.memref_squeeze %dma_start3A_541 : memref<1x128x2048xf32, #tpu.memory_space<vmem>> -> memref<128x2048xf32, #tpu.memory_space<vmem>>
    tpu.enqueue_dma source(%dma_start3A_542 : memref<128x2048xf32, #tpu.memory_space<vmem>>) target(%dma_start3A_538 : memref<128x2048xf32, #tpu.memory_space<hbm>>) target_semaphore(%arg3 : memref<!tpu.dma_semaphore, #tpu.memory_space<semaphore_mem>>)
    %mul3A_543 = arith.constant 8 : i32
    %mul3A_544 = arith.muli %mul3A_543, %arg0 : i32
    %add3A_545 = arith.constant 2 : i32
    %add3A_546 = arith.addi %mul3A_544, %add3A_545 : i32
    %dma_start3A_547 = arith.constant 2 : i32
    %dma_start3A_548 = arith.constant 0 : i32
    %dma_start3A_549 = arith.constant 896 : i32
    %dma_start3A_550 = arith.constant 0 : i32
    %dma_start3A_551 = tpu.memref_slice %arg2[%dma_start3A_548, %add3A_546, %dma_start3A_549, %dma_start3A_550] : memref<1x16x2048x2048xf32, #tpu.memory_space<hbm>> -> memref<1x1x128x2048xf32, #tpu.memory_space<hbm>>
    %dma_start3A_552 = tpu.memref_squeeze %dma_start3A_551 : memref<1x1x128x2048xf32, #tpu.memory_space<hbm>> -> memref<128x2048xf32, #tpu.memory_space<hbm>>
    %dma_start3A_553 = arith.constant 0 : i32
    %dma_start3A_554 = arith.constant 1024 : i32
    %dma_start3A_555 = tpu.memref_slice %arg1[%dma_start3A_547, %dma_start3A_553, %dma_start3A_554] : memref<8x128x3968xf32, #tpu.memory_space<vmem>> -> memref<1x128x2048xf32, #tpu.memory_space<vmem>>
    %dma_start3A_556 = tpu.memref_squeeze %dma_start3A_555 : memref<1x128x2048xf32, #tpu.memory_space<vmem>> -> memref<128x2048xf32, #tpu.memory_space<vmem>>
    tpu.enqueue_dma source(%dma_start3A_556 : memref<128x2048xf32, #tpu.memory_space<vmem>>) target(%dma_start3A_552 : memref<128x2048xf32, #tpu.memory_space<hbm>>) target_semaphore(%arg3 : memref<!tpu.dma_semaphore, #tpu.memory_space<semaphore_mem>>)
    %mul3A_557 = arith.constant 8 : i32
    %mul3A_558 = arith.muli %mul3A_557, %arg0 : i32
    %add3A_559 = arith.constant 2 : i32
    %add3A_560 = arith.addi %mul3A_558, %add3A_559 : i32
    %dma_start3A_561 = arith.constant 2 : i32
    %dma_start3A_562 = arith.constant 0 : i32
    %dma_start3A_563 = arith.constant 1024 : i32
    %dma_start3A_564 = arith.constant 0 : i32
    %dma_start3A_565 = tpu.memref_slice %arg2[%dma_start3A_562, %add3A_560, %dma_start3A_563, %dma_start3A_564] : memref<1x16x2048x2048xf32, #tpu.memory_space<hbm>> -> memref<1x1x128x2048xf32, #tpu.memory_space<hbm>>
    %dma_start3A_566 = tpu.memref_squeeze %dma_start3A_565 : memref<1x1x128x2048xf32, #tpu.memory_space<hbm>> -> memref<128x2048xf32, #tpu.memory_space<hbm>>
    %dma_start3A_567 = arith.constant 0 : i32
    %dma_start3A_568 = arith.constant 896 : i32
    %dma_start3A_569 = tpu.memref_slice %arg1[%dma_start3A_561, %dma_start3A_567, %dma_start3A_568] : memref<8x128x3968xf32, #tpu.memory_space<vmem>> -> memref<1x128x2048xf32, #tpu.memory_space<vmem>>
    %dma_start3A_570 = tpu.memref_squeeze %dma_start3A_569 : memref<1x128x2048xf32, #tpu.memory_space<vmem>> -> memref<128x2048xf32, #tpu.memory_space<vmem>>
    tpu.enqueue_dma source(%dma_start3A_570 : memref<128x2048xf32, #tpu.memory_space<vmem>>) target(%dma_start3A_566 : memref<128x2048xf32, #tpu.memory_space<hbm>>) target_semaphore(%arg3 : memref<!tpu.dma_semaphore, #tpu.memory_space<semaphore_mem>>)
    %mul3A_571 = arith.constant 8 : i32
    %mul3A_572 = arith.muli %mul3A_571, %arg0 : i32
    %add3A_573 = arith.constant 2 : i32
    %add3A_574 = arith.addi %mul3A_572, %add3A_573 : i32
    %dma_start3A_575 = arith.constant 2 : i32
    %dma_start3A_576 = arith.constant 0 : i32
    %dma_start3A_577 = arith.constant 1152 : i32
    %dma_start3A_578 = arith.constant 0 : i32
    %dma_start3A_579 = tpu.memref_slice %arg2[%dma_start3A_576, %add3A_574, %dma_start3A_577, %dma_start3A_578] : memref<1x16x2048x2048xf32, #tpu.memory_space<hbm>> -> memref<1x1x128x2048xf32, #tpu.memory_space<hbm>>
    %dma_start3A_580 = tpu.memref_squeeze %dma_start3A_579 : memref<1x1x128x2048xf32, #tpu.memory_space<hbm>> -> memref<128x2048xf32, #tpu.memory_space<hbm>>
    %dma_start3A_581 = arith.constant 0 : i32
    %dma_start3A_582 = arith.constant 768 : i32
    %dma_start3A_583 = tpu.memref_slice %arg1[%dma_start3A_575, %dma_start3A_581, %dma_start3A_582] : memref<8x128x3968xf32, #tpu.memory_space<vmem>> -> memref<1x128x2048xf32, #tpu.memory_space<vmem>>
    %dma_start3A_584 = tpu.memref_squeeze %dma_start3A_583 : memref<1x128x2048xf32, #tpu.memory_space<vmem>> -> memref<128x2048xf32, #tpu.memory_space<vmem>>
    tpu.enqueue_dma source(%dma_start3A_584 : memref<128x2048xf32, #tpu.memory_space<vmem>>) target(%dma_start3A_580 : memref<128x2048xf32, #tpu.memory_space<hbm>>) target_semaphore(%arg3 : memref<!tpu.dma_semaphore, #tpu.memory_space<semaphore_mem>>)
    %mul3A_585 = arith.constant 8 : i32
    %mul3A_586 = arith.muli %mul3A_585, %arg0 : i32
    %add3A_587 = arith.constant 2 : i32
    %add3A_588 = arith.addi %mul3A_586, %add3A_587 : i32
    %dma_start3A_589 = arith.constant 2 : i32
    %dma_start3A_590 = arith.constant 0 : i32
    %dma_start3A_591 = arith.constant 1280 : i32
    %dma_start3A_592 = arith.constant 0 : i32
    %dma_start3A_593 = tpu.memref_slice %arg2[%dma_start3A_590, %add3A_588, %dma_start3A_591, %dma_start3A_592] : memref<1x16x2048x2048xf32, #tpu.memory_space<hbm>> -> memref<1x1x128x2048xf32, #tpu.memory_space<hbm>>
    %dma_start3A_594 = tpu.memref_squeeze %dma_start3A_593 : memref<1x1x128x2048xf32, #tpu.memory_space<hbm>> -> memref<128x2048xf32, #tpu.memory_space<hbm>>
    %dma_start3A_595 = arith.constant 0 : i32
    %dma_start3A_596 = arith.constant 640 : i32
    %dma_start3A_597 = tpu.memref_slice %arg1[%dma_start3A_589, %dma_start3A_595, %dma_start3A_596] : memref<8x128x3968xf32, #tpu.memory_space<vmem>> -> memref<1x128x2048xf32, #tpu.memory_space<vmem>>
    %dma_start3A_598 = tpu.memref_squeeze %dma_start3A_597 : memref<1x128x2048xf32, #tpu.memory_space<vmem>> -> memref<128x2048xf32, #tpu.memory_space<vmem>>
    tpu.enqueue_dma source(%dma_start3A_598 : memref<128x2048xf32, #tpu.memory_space<vmem>>) target(%dma_start3A_594 : memref<128x2048xf32, #tpu.memory_space<hbm>>) target_semaphore(%arg3 : memref<!tpu.dma_semaphore, #tpu.memory_space<semaphore_mem>>)
    %mul3A_599 = arith.constant 8 : i32
    %mul3A_600 = arith.muli %mul3A_599, %arg0 : i32
    %add3A_601 = arith.constant 2 : i32
    %add3A_602 = arith.addi %mul3A_600, %add3A_601 : i32
    %dma_start3A_603 = arith.constant 2 : i32
    %dma_start3A_604 = arith.constant 0 : i32
    %dma_start3A_605 = arith.constant 1408 : i32
    %dma_start3A_606 = arith.constant 0 : i32
    %dma_start3A_607 = tpu.memref_slice %arg2[%dma_start3A_604, %add3A_602, %dma_start3A_605, %dma_start3A_606] : memref<1x16x2048x2048xf32, #tpu.memory_space<hbm>> -> memref<1x1x128x2048xf32, #tpu.memory_space<hbm>>
    %dma_start3A_608 = tpu.memref_squeeze %dma_start3A_607 : memref<1x1x128x2048xf32, #tpu.memory_space<hbm>> -> memref<128x2048xf32, #tpu.memory_space<hbm>>
    %dma_start3A_609 = arith.constant 0 : i32
    %dma_start3A_610 = arith.constant 512 : i32
    %dma_start3A_611 = tpu.memref_slice %arg1[%dma_start3A_603, %dma_start3A_609, %dma_start3A_610] : memref<8x128x3968xf32, #tpu.memory_space<vmem>> -> memref<1x128x2048xf32, #tpu.memory_space<vmem>>
    %dma_start3A_612 = tpu.memref_squeeze %dma_start3A_611 : memref<1x128x2048xf32, #tpu.memory_space<vmem>> -> memref<128x2048xf32, #tpu.memory_space<vmem>>
    tpu.enqueue_dma source(%dma_start3A_612 : memref<128x2048xf32, #tpu.memory_space<vmem>>) target(%dma_start3A_608 : memref<128x2048xf32, #tpu.memory_space<hbm>>) target_semaphore(%arg3 : memref<!tpu.dma_semaphore, #tpu.memory_space<semaphore_mem>>)
    %mul3A_613 = arith.constant 8 : i32
    %mul3A_614 = arith.muli %mul3A_613, %arg0 : i32
    %add3A_615 = arith.constant 2 : i32
    %add3A_616 = arith.addi %mul3A_614, %add3A_615 : i32
    %dma_start3A_617 = arith.constant 2 : i32
    %dma_start3A_618 = arith.constant 0 : i32
    %dma_start3A_619 = arith.constant 1536 : i32
    %dma_start3A_620 = arith.constant 0 : i32
    %dma_start3A_621 = tpu.memref_slice %arg2[%dma_start3A_618, %add3A_616, %dma_start3A_619, %dma_start3A_620] : memref<1x16x2048x2048xf32, #tpu.memory_space<hbm>> -> memref<1x1x128x2048xf32, #tpu.memory_space<hbm>>
    %dma_start3A_622 = tpu.memref_squeeze %dma_start3A_621 : memref<1x1x128x2048xf32, #tpu.memory_space<hbm>> -> memref<128x2048xf32, #tpu.memory_space<hbm>>
    %dma_start3A_623 = arith.constant 0 : i32
    %dma_start3A_624 = arith.constant 384 : i32
    %dma_start3A_625 = tpu.memref_slice %arg1[%dma_start3A_617, %dma_start3A_623, %dma_start3A_624] : memref<8x128x3968xf32, #tpu.memory_space<vmem>> -> memref<1x128x2048xf32, #tpu.memory_space<vmem>>
    %dma_start3A_626 = tpu.memref_squeeze %dma_start3A_625 : memref<1x128x2048xf32, #tpu.memory_space<vmem>> -> memref<128x2048xf32, #tpu.memory_space<vmem>>
    tpu.enqueue_dma source(%dma_start3A_626 : memref<128x2048xf32, #tpu.memory_space<vmem>>) target(%dma_start3A_622 : memref<128x2048xf32, #tpu.memory_space<hbm>>) target_semaphore(%arg3 : memref<!tpu.dma_semaphore, #tpu.memory_space<semaphore_mem>>)
    %mul3A_627 = arith.constant 8 : i32
    %mul3A_628 = arith.muli %mul3A_627, %arg0 : i32
    %add3A_629 = arith.constant 2 : i32
    %add3A_630 = arith.addi %mul3A_628, %add3A_629 : i32
    %dma_start3A_631 = arith.constant 2 : i32
    %dma_start3A_632 = arith.constant 0 : i32
    %dma_start3A_633 = arith.constant 1664 : i32
    %dma_start3A_634 = arith.constant 0 : i32
    %dma_start3A_635 = tpu.memref_slice %arg2[%dma_start3A_632, %add3A_630, %dma_start3A_633, %dma_start3A_634] : memref<1x16x2048x2048xf32, #tpu.memory_space<hbm>> -> memref<1x1x128x2048xf32, #tpu.memory_space<hbm>>
    %dma_start3A_636 = tpu.memref_squeeze %dma_start3A_635 : memref<1x1x128x2048xf32, #tpu.memory_space<hbm>> -> memref<128x2048xf32, #tpu.memory_space<hbm>>
    %dma_start3A_637 = arith.constant 0 : i32
    %dma_start3A_638 = arith.constant 256 : i32
    %dma_start3A_639 = tpu.memref_slice %arg1[%dma_start3A_631, %dma_start3A_637, %dma_start3A_638] : memref<8x128x3968xf32, #tpu.memory_space<vmem>> -> memref<1x128x2048xf32, #tpu.memory_space<vmem>>
    %dma_start3A_640 = tpu.memref_squeeze %dma_start3A_639 : memref<1x128x2048xf32, #tpu.memory_space<vmem>> -> memref<128x2048xf32, #tpu.memory_space<vmem>>
    tpu.enqueue_dma source(%dma_start3A_640 : memref<128x2048xf32, #tpu.memory_space<vmem>>) target(%dma_start3A_636 : memref<128x2048xf32, #tpu.memory_space<hbm>>) target_semaphore(%arg3 : memref<!tpu.dma_semaphore, #tpu.memory_space<semaphore_mem>>)
    %mul3A_641 = arith.constant 8 : i32
    %mul3A_642 = arith.muli %mul3A_641, %arg0 : i32
    %add3A_643 = arith.constant 2 : i32
    %add3A_644 = arith.addi %mul3A_642, %add3A_643 : i32
    %dma_start3A_645 = arith.constant 2 : i32
    %dma_start3A_646 = arith.constant 0 : i32
    %dma_start3A_647 = arith.constant 1792 : i32
    %dma_start3A_648 = arith.constant 0 : i32
    %dma_start3A_649 = tpu.memref_slice %arg2[%dma_start3A_646, %add3A_644, %dma_start3A_647, %dma_start3A_648] : memref<1x16x2048x2048xf32, #tpu.memory_space<hbm>> -> memref<1x1x128x2048xf32, #tpu.memory_space<hbm>>
    %dma_start3A_650 = tpu.memref_squeeze %dma_start3A_649 : memref<1x1x128x2048xf32, #tpu.memory_space<hbm>> -> memref<128x2048xf32, #tpu.memory_space<hbm>>
    %dma_start3A_651 = arith.constant 0 : i32
    %dma_start3A_652 = arith.constant 128 : i32
    %dma_start3A_653 = tpu.memref_slice %arg1[%dma_start3A_645, %dma_start3A_651, %dma_start3A_652] : memref<8x128x3968xf32, #tpu.memory_space<vmem>> -> memref<1x128x2048xf32, #tpu.memory_space<vmem>>
    %dma_start3A_654 = tpu.memref_squeeze %dma_start3A_653 : memref<1x128x2048xf32, #tpu.memory_space<vmem>> -> memref<128x2048xf32, #tpu.memory_space<vmem>>
    tpu.enqueue_dma source(%dma_start3A_654 : memref<128x2048xf32, #tpu.memory_space<vmem>>) target(%dma_start3A_650 : memref<128x2048xf32, #tpu.memory_space<hbm>>) target_semaphore(%arg3 : memref<!tpu.dma_semaphore, #tpu.memory_space<semaphore_mem>>)
    %mul3A_655 = arith.constant 8 : i32
    %mul3A_656 = arith.muli %mul3A_655, %arg0 : i32
    %add3A_657 = arith.constant 2 : i32
    %add3A_658 = arith.addi %mul3A_656, %add3A_657 : i32
    %dma_start3A_659 = arith.constant 2 : i32
    %dma_start3A_660 = arith.constant 0 : i32
    %dma_start3A_661 = arith.constant 1920 : i32
    %dma_start3A_662 = arith.constant 0 : i32
    %dma_start3A_663 = tpu.memref_slice %arg2[%dma_start3A_660, %add3A_658, %dma_start3A_661, %dma_start3A_662] : memref<1x16x2048x2048xf32, #tpu.memory_space<hbm>> -> memref<1x1x128x2048xf32, #tpu.memory_space<hbm>>
    %dma_start3A_664 = tpu.memref_squeeze %dma_start3A_663 : memref<1x1x128x2048xf32, #tpu.memory_space<hbm>> -> memref<128x2048xf32, #tpu.memory_space<hbm>>
    %dma_start3A_665 = arith.constant 0 : i32
    %dma_start3A_666 = arith.constant 0 : i32
    %dma_start3A_667 = tpu.memref_slice %arg1[%dma_start3A_659, %dma_start3A_665, %dma_start3A_666] : memref<8x128x3968xf32, #tpu.memory_space<vmem>> -> memref<1x128x2048xf32, #tpu.memory_space<vmem>>
    %dma_start3A_668 = tpu.memref_squeeze %dma_start3A_667 : memref<1x128x2048xf32, #tpu.memory_space<vmem>> -> memref<128x2048xf32, #tpu.memory_space<vmem>>
    tpu.enqueue_dma source(%dma_start3A_668 : memref<128x2048xf32, #tpu.memory_space<vmem>>) target(%dma_start3A_664 : memref<128x2048xf32, #tpu.memory_space<hbm>>) target_semaphore(%arg3 : memref<!tpu.dma_semaphore, #tpu.memory_space<semaphore_mem>>)
    %mul3A_669 = arith.constant 8 : i32
    %mul3A_670 = arith.muli %mul3A_669, %arg0 : i32
    %add3A_671 = arith.constant 3 : i32
    %add3A_672 = arith.addi %mul3A_670, %add3A_671 : i32
    %dma_start3A_673 = arith.constant 3 : i32
    %dma_start3A_674 = arith.constant 0 : i32
    %dma_start3A_675 = arith.constant 0 : i32
    %dma_start3A_676 = arith.constant 0 : i32
    %dma_start3A_677 = tpu.memref_slice %arg2[%dma_start3A_674, %add3A_672, %dma_start3A_675, %dma_start3A_676] : memref<1x16x2048x2048xf32, #tpu.memory_space<hbm>> -> memref<1x1x128x2048xf32, #tpu.memory_space<hbm>>
    %dma_start3A_678 = tpu.memref_squeeze %dma_start3A_677 : memref<1x1x128x2048xf32, #tpu.memory_space<hbm>> -> memref<128x2048xf32, #tpu.memory_space<hbm>>
    %dma_start3A_679 = arith.constant 0 : i32
    %dma_start3A_680 = arith.constant 1920 : i32
    %dma_start3A_681 = tpu.memref_slice %arg1[%dma_start3A_673, %dma_start3A_679, %dma_start3A_680] : memref<8x128x3968xf32, #tpu.memory_space<vmem>> -> memref<1x128x2048xf32, #tpu.memory_space<vmem>>
    %dma_start3A_682 = tpu.memref_squeeze %dma_start3A_681 : memref<1x128x2048xf32, #tpu.memory_space<vmem>> -> memref<128x2048xf32, #tpu.memory_space<vmem>>
    tpu.enqueue_dma source(%dma_start3A_682 : memref<128x2048xf32, #tpu.memory_space<vmem>>) target(%dma_start3A_678 : memref<128x2048xf32, #tpu.memory_space<hbm>>) target_semaphore(%arg3 : memref<!tpu.dma_semaphore, #tpu.memory_space<semaphore_mem>>)
    %mul3A_683 = arith.constant 8 : i32
    %mul3A_684 = arith.muli %mul3A_683, %arg0 : i32
    %add3A_685 = arith.constant 3 : i32
    %add3A_686 = arith.addi %mul3A_684, %add3A_685 : i32
    %dma_start3A_687 = arith.constant 3 : i32
    %dma_start3A_688 = arith.constant 0 : i32
    %dma_start3A_689 = arith.constant 128 : i32
    %dma_start3A_690 = arith.constant 0 : i32
    %dma_start3A_691 = tpu.memref_slice %arg2[%dma_start3A_688, %add3A_686, %dma_start3A_689, %dma_start3A_690] : memref<1x16x2048x2048xf32, #tpu.memory_space<hbm>> -> memref<1x1x128x2048xf32, #tpu.memory_space<hbm>>
    %dma_start3A_692 = tpu.memref_squeeze %dma_start3A_691 : memref<1x1x128x2048xf32, #tpu.memory_space<hbm>> -> memref<128x2048xf32, #tpu.memory_space<hbm>>
    %dma_start3A_693 = arith.constant 0 : i32
    %dma_start3A_694 = arith.constant 1792 : i32
    %dma_start3A_695 = tpu.memref_slice %arg1[%dma_start3A_687, %dma_start3A_693, %dma_start3A_694] : memref<8x128x3968xf32, #tpu.memory_space<vmem>> -> memref<1x128x2048xf32, #tpu.memory_space<vmem>>
    %dma_start3A_696 = tpu.memref_squeeze %dma_start3A_695 : memref<1x128x2048xf32, #tpu.memory_space<vmem>> -> memref<128x2048xf32, #tpu.memory_space<vmem>>
    tpu.enqueue_dma source(%dma_start3A_696 : memref<128x2048xf32, #tpu.memory_space<vmem>>) target(%dma_start3A_692 : memref<128x2048xf32, #tpu.memory_space<hbm>>) target_semaphore(%arg3 : memref<!tpu.dma_semaphore, #tpu.memory_space<semaphore_mem>>)
    %mul3A_697 = arith.constant 8 : i32
    %mul3A_698 = arith.muli %mul3A_697, %arg0 : i32
    %add3A_699 = arith.constant 3 : i32
    %add3A_700 = arith.addi %mul3A_698, %add3A_699 : i32
    %dma_start3A_701 = arith.constant 3 : i32
    %dma_start3A_702 = arith.constant 0 : i32
    %dma_start3A_703 = arith.constant 256 : i32
    %dma_start3A_704 = arith.constant 0 : i32
    %dma_start3A_705 = tpu.memref_slice %arg2[%dma_start3A_702, %add3A_700, %dma_start3A_703, %dma_start3A_704] : memref<1x16x2048x2048xf32, #tpu.memory_space<hbm>> -> memref<1x1x128x2048xf32, #tpu.memory_space<hbm>>
    %dma_start3A_706 = tpu.memref_squeeze %dma_start3A_705 : memref<1x1x128x2048xf32, #tpu.memory_space<hbm>> -> memref<128x2048xf32, #tpu.memory_space<hbm>>
    %dma_start3A_707 = arith.constant 0 : i32
    %dma_start3A_708 = arith.constant 1664 : i32
    %dma_start3A_709 = tpu.memref_slice %arg1[%dma_start3A_701, %dma_start3A_707, %dma_start3A_708] : memref<8x128x3968xf32, #tpu.memory_space<vmem>> -> memref<1x128x2048xf32, #tpu.memory_space<vmem>>
    %dma_start3A_710 = tpu.memref_squeeze %dma_start3A_709 : memref<1x128x2048xf32, #tpu.memory_space<vmem>> -> memref<128x2048xf32, #tpu.memory_space<vmem>>
    tpu.enqueue_dma source(%dma_start3A_710 : memref<128x2048xf32, #tpu.memory_space<vmem>>) target(%dma_start3A_706 : memref<128x2048xf32, #tpu.memory_space<hbm>>) target_semaphore(%arg3 : memref<!tpu.dma_semaphore, #tpu.memory_space<semaphore_mem>>)
    %mul3A_711 = arith.constant 8 : i32
    %mul3A_712 = arith.muli %mul3A_711, %arg0 : i32
    %add3A_713 = arith.constant 3 : i32
    %add3A_714 = arith.addi %mul3A_712, %add3A_713 : i32
    %dma_start3A_715 = arith.constant 3 : i32
    %dma_start3A_716 = arith.constant 0 : i32
    %dma_start3A_717 = arith.constant 384 : i32
    %dma_start3A_718 = arith.constant 0 : i32
    %dma_start3A_719 = tpu.memref_slice %arg2[%dma_start3A_716, %add3A_714, %dma_start3A_717, %dma_start3A_718] : memref<1x16x2048x2048xf32, #tpu.memory_space<hbm>> -> memref<1x1x128x2048xf32, #tpu.memory_space<hbm>>
    %dma_start3A_720 = tpu.memref_squeeze %dma_start3A_719 : memref<1x1x128x2048xf32, #tpu.memory_space<hbm>> -> memref<128x2048xf32, #tpu.memory_space<hbm>>
    %dma_start3A_721 = arith.constant 0 : i32
    %dma_start3A_722 = arith.constant 1536 : i32
    %dma_start3A_723 = tpu.memref_slice %arg1[%dma_start3A_715, %dma_start3A_721, %dma_start3A_722] : memref<8x128x3968xf32, #tpu.memory_space<vmem>> -> memref<1x128x2048xf32, #tpu.memory_space<vmem>>
    %dma_start3A_724 = tpu.memref_squeeze %dma_start3A_723 : memref<1x128x2048xf32, #tpu.memory_space<vmem>> -> memref<128x2048xf32, #tpu.memory_space<vmem>>
    tpu.enqueue_dma source(%dma_start3A_724 : memref<128x2048xf32, #tpu.memory_space<vmem>>) target(%dma_start3A_720 : memref<128x2048xf32, #tpu.memory_space<hbm>>) target_semaphore(%arg3 : memref<!tpu.dma_semaphore, #tpu.memory_space<semaphore_mem>>)
    %mul3A_725 = arith.constant 8 : i32
    %mul3A_726 = arith.muli %mul3A_725, %arg0 : i32
    %add3A_727 = arith.constant 3 : i32
    %add3A_728 = arith.addi %mul3A_726, %add3A_727 : i32
    %dma_start3A_729 = arith.constant 3 : i32
    %dma_start3A_730 = arith.constant 0 : i32
    %dma_start3A_731 = arith.constant 512 : i32
    %dma_start3A_732 = arith.constant 0 : i32
    %dma_start3A_733 = tpu.memref_slice %arg2[%dma_start3A_730, %add3A_728, %dma_start3A_731, %dma_start3A_732] : memref<1x16x2048x2048xf32, #tpu.memory_space<hbm>> -> memref<1x1x128x2048xf32, #tpu.memory_space<hbm>>
    %dma_start3A_734 = tpu.memref_squeeze %dma_start3A_733 : memref<1x1x128x2048xf32, #tpu.memory_space<hbm>> -> memref<128x2048xf32, #tpu.memory_space<hbm>>
    %dma_start3A_735 = arith.constant 0 : i32
    %dma_start3A_736 = arith.constant 1408 : i32
    %dma_start3A_737 = tpu.memref_slice %arg1[%dma_start3A_729, %dma_start3A_735, %dma_start3A_736] : memref<8x128x3968xf32, #tpu.memory_space<vmem>> -> memref<1x128x2048xf32, #tpu.memory_space<vmem>>
    %dma_start3A_738 = tpu.memref_squeeze %dma_start3A_737 : memref<1x128x2048xf32, #tpu.memory_space<vmem>> -> memref<128x2048xf32, #tpu.memory_space<vmem>>
    tpu.enqueue_dma source(%dma_start3A_738 : memref<128x2048xf32, #tpu.memory_space<vmem>>) target(%dma_start3A_734 : memref<128x2048xf32, #tpu.memory_space<hbm>>) target_semaphore(%arg3 : memref<!tpu.dma_semaphore, #tpu.memory_space<semaphore_mem>>)
    %mul3A_739 = arith.constant 8 : i32
    %mul3A_740 = arith.muli %mul3A_739, %arg0 : i32
    %add3A_741 = arith.constant 3 : i32
    %add3A_742 = arith.addi %mul3A_740, %add3A_741 : i32
    %dma_start3A_743 = arith.constant 3 : i32
    %dma_start3A_744 = arith.constant 0 : i32
    %dma_start3A_745 = arith.constant 640 : i32
    %dma_start3A_746 = arith.constant 0 : i32
    %dma_start3A_747 = tpu.memref_slice %arg2[%dma_start3A_744, %add3A_742, %dma_start3A_745, %dma_start3A_746] : memref<1x16x2048x2048xf32, #tpu.memory_space<hbm>> -> memref<1x1x128x2048xf32, #tpu.memory_space<hbm>>
    %dma_start3A_748 = tpu.memref_squeeze %dma_start3A_747 : memref<1x1x128x2048xf32, #tpu.memory_space<hbm>> -> memref<128x2048xf32, #tpu.memory_space<hbm>>
    %dma_start3A_749 = arith.constant 0 : i32
    %dma_start3A_750 = arith.constant 1280 : i32
    %dma_start3A_751 = tpu.memref_slice %arg1[%dma_start3A_743, %dma_start3A_749, %dma_start3A_750] : memref<8x128x3968xf32, #tpu.memory_space<vmem>> -> memref<1x128x2048xf32, #tpu.memory_space<vmem>>
    %dma_start3A_752 = tpu.memref_squeeze %dma_start3A_751 : memref<1x128x2048xf32, #tpu.memory_space<vmem>> -> memref<128x2048xf32, #tpu.memory_space<vmem>>
    tpu.enqueue_dma source(%dma_start3A_752 : memref<128x2048xf32, #tpu.memory_space<vmem>>) target(%dma_start3A_748 : memref<128x2048xf32, #tpu.memory_space<hbm>>) target_semaphore(%arg3 : memref<!tpu.dma_semaphore, #tpu.memory_space<semaphore_mem>>)
    %mul3A_753 = arith.constant 8 : i32
    %mul3A_754 = arith.muli %mul3A_753, %arg0 : i32
    %add3A_755 = arith.constant 3 : i32
    %add3A_756 = arith.addi %mul3A_754, %add3A_755 : i32
    %dma_start3A_757 = arith.constant 3 : i32
    %dma_start3A_758 = arith.constant 0 : i32
    %dma_start3A_759 = arith.constant 768 : i32
    %dma_start3A_760 = arith.constant 0 : i32
    %dma_start3A_761 = tpu.memref_slice %arg2[%dma_start3A_758, %add3A_756, %dma_start3A_759, %dma_start3A_760] : memref<1x16x2048x2048xf32, #tpu.memory_space<hbm>> -> memref<1x1x128x2048xf32, #tpu.memory_space<hbm>>
    %dma_start3A_762 = tpu.memref_squeeze %dma_start3A_761 : memref<1x1x128x2048xf32, #tpu.memory_space<hbm>> -> memref<128x2048xf32, #tpu.memory_space<hbm>>
    %dma_start3A_763 = arith.constant 0 : i32
    %dma_start3A_764 = arith.constant 1152 : i32
    %dma_start3A_765 = tpu.memref_slice %arg1[%dma_start3A_757, %dma_start3A_763, %dma_start3A_764] : memref<8x128x3968xf32, #tpu.memory_space<vmem>> -> memref<1x128x2048xf32, #tpu.memory_space<vmem>>
    %dma_start3A_766 = tpu.memref_squeeze %dma_start3A_765 : memref<1x128x2048xf32, #tpu.memory_space<vmem>> -> memref<128x2048xf32, #tpu.memory_space<vmem>>
    tpu.enqueue_dma source(%dma_start3A_766 : memref<128x2048xf32, #tpu.memory_space<vmem>>) target(%dma_start3A_762 : memref<128x2048xf32, #tpu.memory_space<hbm>>) target_semaphore(%arg3 : memref<!tpu.dma_semaphore, #tpu.memory_space<semaphore_mem>>)
    %mul3A_767 = arith.constant 8 : i32
    %mul3A_768 = arith.muli %mul3A_767, %arg0 : i32
    %add3A_769 = arith.constant 3 : i32
    %add3A_770 = arith.addi %mul3A_768, %add3A_769 : i32
    %dma_start3A_771 = arith.constant 3 : i32
    %dma_start3A_772 = arith.constant 0 : i32
    %dma_start3A_773 = arith.constant 896 : i32
    %dma_start3A_774 = arith.constant 0 : i32
    %dma_start3A_775 = tpu.memref_slice %arg2[%dma_start3A_772, %add3A_770, %dma_start3A_773, %dma_start3A_774] : memref<1x16x2048x2048xf32, #tpu.memory_space<hbm>> -> memref<1x1x128x2048xf32, #tpu.memory_space<hbm>>
    %dma_start3A_776 = tpu.memref_squeeze %dma_start3A_775 : memref<1x1x128x2048xf32, #tpu.memory_space<hbm>> -> memref<128x2048xf32, #tpu.memory_space<hbm>>
    %dma_start3A_777 = arith.constant 0 : i32
    %dma_start3A_778 = arith.constant 1024 : i32
    %dma_start3A_779 = tpu.memref_slice %arg1[%dma_start3A_771, %dma_start3A_777, %dma_start3A_778] : memref<8x128x3968xf32, #tpu.memory_space<vmem>> -> memref<1x128x2048xf32, #tpu.memory_space<vmem>>
    %dma_start3A_780 = tpu.memref_squeeze %dma_start3A_779 : memref<1x128x2048xf32, #tpu.memory_space<vmem>> -> memref<128x2048xf32, #tpu.memory_space<vmem>>
    tpu.enqueue_dma source(%dma_start3A_780 : memref<128x2048xf32, #tpu.memory_space<vmem>>) target(%dma_start3A_776 : memref<128x2048xf32, #tpu.memory_space<hbm>>) target_semaphore(%arg3 : memref<!tpu.dma_semaphore, #tpu.memory_space<semaphore_mem>>)
    %mul3A_781 = arith.constant 8 : i32
    %mul3A_782 = arith.muli %mul3A_781, %arg0 : i32
    %add3A_783 = arith.constant 3 : i32
    %add3A_784 = arith.addi %mul3A_782, %add3A_783 : i32
    %dma_start3A_785 = arith.constant 3 : i32
    %dma_start3A_786 = arith.constant 0 : i32
    %dma_start3A_787 = arith.constant 1024 : i32
    %dma_start3A_788 = arith.constant 0 : i32
    %dma_start3A_789 = tpu.memref_slice %arg2[%dma_start3A_786, %add3A_784, %dma_start3A_787, %dma_start3A_788] : memref<1x16x2048x2048xf32, #tpu.memory_space<hbm>> -> memref<1x1x128x2048xf32, #tpu.memory_space<hbm>>
    %dma_start3A_790 = tpu.memref_squeeze %dma_start3A_789 : memref<1x1x128x2048xf32, #tpu.memory_space<hbm>> -> memref<128x2048xf32, #tpu.memory_space<hbm>>
    %dma_start3A_791 = arith.constant 0 : i32
    %dma_start3A_792 = arith.constant 896 : i32
    %dma_start3A_793 = tpu.memref_slice %arg1[%dma_start3A_785, %dma_start3A_791, %dma_start3A_792] : memref<8x128x3968xf32, #tpu.memory_space<vmem>> -> memref<1x128x2048xf32, #tpu.memory_space<vmem>>
    %dma_start3A_794 = tpu.memref_squeeze %dma_start3A_793 : memref<1x128x2048xf32, #tpu.memory_space<vmem>> -> memref<128x2048xf32, #tpu.memory_space<vmem>>
    tpu.enqueue_dma source(%dma_start3A_794 : memref<128x2048xf32, #tpu.memory_space<vmem>>) target(%dma_start3A_790 : memref<128x2048xf32, #tpu.memory_space<hbm>>) target_semaphore(%arg3 : memref<!tpu.dma_semaphore, #tpu.memory_space<semaphore_mem>>)
    %mul3A_795 = arith.constant 8 : i32
    %mul3A_796 = arith.muli %mul3A_795, %arg0 : i32
    %add3A_797 = arith.constant 3 : i32
    %add3A_798 = arith.addi %mul3A_796, %add3A_797 : i32
    %dma_start3A_799 = arith.constant 3 : i32
    %dma_start3A_800 = arith.constant 0 : i32
    %dma_start3A_801 = arith.constant 1152 : i32
    %dma_start3A_802 = arith.constant 0 : i32
    %dma_start3A_803 = tpu.memref_slice %arg2[%dma_start3A_800, %add3A_798, %dma_start3A_801, %dma_start3A_802] : memref<1x16x2048x2048xf32, #tpu.memory_space<hbm>> -> memref<1x1x128x2048xf32, #tpu.memory_space<hbm>>
    %dma_start3A_804 = tpu.memref_squeeze %dma_start3A_803 : memref<1x1x128x2048xf32, #tpu.memory_space<hbm>> -> memref<128x2048xf32, #tpu.memory_space<hbm>>
    %dma_start3A_805 = arith.constant 0 : i32
    %dma_start3A_806 = arith.constant 768 : i32
    %dma_start3A_807 = tpu.memref_slice %arg1[%dma_start3A_799, %dma_start3A_805, %dma_start3A_806] : memref<8x128x3968xf32, #tpu.memory_space<vmem>> -> memref<1x128x2048xf32, #tpu.memory_space<vmem>>
    %dma_start3A_808 = tpu.memref_squeeze %dma_start3A_807 : memref<1x128x2048xf32, #tpu.memory_space<vmem>> -> memref<128x2048xf32, #tpu.memory_space<vmem>>
    tpu.enqueue_dma source(%dma_start3A_808 : memref<128x2048xf32, #tpu.memory_space<vmem>>) target(%dma_start3A_804 : memref<128x2048xf32, #tpu.memory_space<hbm>>) target_semaphore(%arg3 : memref<!tpu.dma_semaphore, #tpu.memory_space<semaphore_mem>>)
    %mul3A_809 = arith.constant 8 : i32
    %mul3A_810 = arith.muli %mul3A_809, %arg0 : i32
    %add3A_811 = arith.constant 3 : i32
    %add3A_812 = arith.addi %mul3A_810, %add3A_811 : i32
    %dma_start3A_813 = arith.constant 3 : i32
    %dma_start3A_814 = arith.constant 0 : i32
    %dma_start3A_815 = arith.constant 1280 : i32
    %dma_start3A_816 = arith.constant 0 : i32
    %dma_start3A_817 = tpu.memref_slice %arg2[%dma_start3A_814, %add3A_812, %dma_start3A_815, %dma_start3A_816] : memref<1x16x2048x2048xf32, #tpu.memory_space<hbm>> -> memref<1x1x128x2048xf32, #tpu.memory_space<hbm>>
    %dma_start3A_818 = tpu.memref_squeeze %dma_start3A_817 : memref<1x1x128x2048xf32, #tpu.memory_space<hbm>> -> memref<128x2048xf32, #tpu.memory_space<hbm>>
    %dma_start3A_819 = arith.constant 0 : i32
    %dma_start3A_820 = arith.constant 640 : i32
    %dma_start3A_821 = tpu.memref_slice %arg1[%dma_start3A_813, %dma_start3A_819, %dma_start3A_820] : memref<8x128x3968xf32, #tpu.memory_space<vmem>> -> memref<1x128x2048xf32, #tpu.memory_space<vmem>>
    %dma_start3A_822 = tpu.memref_squeeze %dma_start3A_821 : memref<1x128x2048xf32, #tpu.memory_space<vmem>> -> memref<128x2048xf32, #tpu.memory_space<vmem>>
    tpu.enqueue_dma source(%dma_start3A_822 : memref<128x2048xf32, #tpu.memory_space<vmem>>) target(%dma_start3A_818 : memref<128x2048xf32, #tpu.memory_space<hbm>>) target_semaphore(%arg3 : memref<!tpu.dma_semaphore, #tpu.memory_space<semaphore_mem>>)
    %mul3A_823 = arith.constant 8 : i32
    %mul3A_824 = arith.muli %mul3A_823, %arg0 : i32
    %add3A_825 = arith.constant 3 : i32
    %add3A_826 = arith.addi %mul3A_824, %add3A_825 : i32
    %dma_start3A_827 = arith.constant 3 : i32
    %dma_start3A_828 = arith.constant 0 : i32
    %dma_start3A_829 = arith.constant 1408 : i32
    %dma_start3A_830 = arith.constant 0 : i32
    %dma_start3A_831 = tpu.memref_slice %arg2[%dma_start3A_828, %add3A_826, %dma_start3A_829, %dma_start3A_830] : memref<1x16x2048x2048xf32, #tpu.memory_space<hbm>> -> memref<1x1x128x2048xf32, #tpu.memory_space<hbm>>
    %dma_start3A_832 = tpu.memref_squeeze %dma_start3A_831 : memref<1x1x128x2048xf32, #tpu.memory_space<hbm>> -> memref<128x2048xf32, #tpu.memory_space<hbm>>
    %dma_start3A_833 = arith.constant 0 : i32
    %dma_start3A_834 = arith.constant 512 : i32
    %dma_start3A_835 = tpu.memref_slice %arg1[%dma_start3A_827, %dma_start3A_833, %dma_start3A_834] : memref<8x128x3968xf32, #tpu.memory_space<vmem>> -> memref<1x128x2048xf32, #tpu.memory_space<vmem>>
    %dma_start3A_836 = tpu.memref_squeeze %dma_start3A_835 : memref<1x128x2048xf32, #tpu.memory_space<vmem>> -> memref<128x2048xf32, #tpu.memory_space<vmem>>
    tpu.enqueue_dma source(%dma_start3A_836 : memref<128x2048xf32, #tpu.memory_space<vmem>>) target(%dma_start3A_832 : memref<128x2048xf32, #tpu.memory_space<hbm>>) target_semaphore(%arg3 : memref<!tpu.dma_semaphore, #tpu.memory_space<semaphore_mem>>)
    %mul3A_837 = arith.constant 8 : i32
    %mul3A_838 = arith.muli %mul3A_837, %arg0 : i32
    %add3A_839 = arith.constant 3 : i32
    %add3A_840 = arith.addi %mul3A_838, %add3A_839 : i32
    %dma_start3A_841 = arith.constant 3 : i32
    %dma_start3A_842 = arith.constant 0 : i32
    %dma_start3A_843 = arith.constant 1536 : i32
    %dma_start3A_844 = arith.constant 0 : i32
    %dma_start3A_845 = tpu.memref_slice %arg2[%dma_start3A_842, %add3A_840, %dma_start3A_843, %dma_start3A_844] : memref<1x16x2048x2048xf32, #tpu.memory_space<hbm>> -> memref<1x1x128x2048xf32, #tpu.memory_space<hbm>>
    %dma_start3A_846 = tpu.memref_squeeze %dma_start3A_845 : memref<1x1x128x2048xf32, #tpu.memory_space<hbm>> -> memref<128x2048xf32, #tpu.memory_space<hbm>>
    %dma_start3A_847 = arith.constant 0 : i32
    %dma_start3A_848 = arith.constant 384 : i32
    %dma_start3A_849 = tpu.memref_slice %arg1[%dma_start3A_841, %dma_start3A_847, %dma_start3A_848] : memref<8x128x3968xf32, #tpu.memory_space<vmem>> -> memref<1x128x2048xf32, #tpu.memory_space<vmem>>
    %dma_start3A_850 = tpu.memref_squeeze %dma_start3A_849 : memref<1x128x2048xf32, #tpu.memory_space<vmem>> -> memref<128x2048xf32, #tpu.memory_space<vmem>>
    tpu.enqueue_dma source(%dma_start3A_850 : memref<128x2048xf32, #tpu.memory_space<vmem>>) target(%dma_start3A_846 : memref<128x2048xf32, #tpu.memory_space<hbm>>) target_semaphore(%arg3 : memref<!tpu.dma_semaphore, #tpu.memory_space<semaphore_mem>>)
    %mul3A_851 = arith.constant 8 : i32
    %mul3A_852 = arith.muli %mul3A_851, %arg0 : i32
    %add3A_853 = arith.constant 3 : i32
    %add3A_854 = arith.addi %mul3A_852, %add3A_853 : i32
    %dma_start3A_855 = arith.constant 3 : i32
    %dma_start3A_856 = arith.constant 0 : i32
    %dma_start3A_857 = arith.constant 1664 : i32
    %dma_start3A_858 = arith.constant 0 : i32
    %dma_start3A_859 = tpu.memref_slice %arg2[%dma_start3A_856, %add3A_854, %dma_start3A_857, %dma_start3A_858] : memref<1x16x2048x2048xf32, #tpu.memory_space<hbm>> -> memref<1x1x128x2048xf32, #tpu.memory_space<hbm>>
    %dma_start3A_860 = tpu.memref_squeeze %dma_start3A_859 : memref<1x1x128x2048xf32, #tpu.memory_space<hbm>> -> memref<128x2048xf32, #tpu.memory_space<hbm>>
    %dma_start3A_861 = arith.constant 0 : i32
    %dma_start3A_862 = arith.constant 256 : i32
    %dma_start3A_863 = tpu.memref_slice %arg1[%dma_start3A_855, %dma_start3A_861, %dma_start3A_862] : memref<8x128x3968xf32, #tpu.memory_space<vmem>> -> memref<1x128x2048xf32, #tpu.memory_space<vmem>>
    %dma_start3A_864 = tpu.memref_squeeze %dma_start3A_863 : memref<1x128x2048xf32, #tpu.memory_space<vmem>> -> memref<128x2048xf32, #tpu.memory_space<vmem>>
    tpu.enqueue_dma source(%dma_start3A_864 : memref<128x2048xf32, #tpu.memory_space<vmem>>) target(%dma_start3A_860 : memref<128x2048xf32, #tpu.memory_space<hbm>>) target_semaphore(%arg3 : memref<!tpu.dma_semaphore, #tpu.memory_space<semaphore_mem>>)
    %mul3A_865 = arith.constant 8 : i32
    %mul3A_866 = arith.muli %mul3A_865, %arg0 : i32
    %add3A_867 = arith.constant 3 : i32
    %add3A_868 = arith.addi %mul3A_866, %add3A_867 : i32
    %dma_start3A_869 = arith.constant 3 : i32
    %dma_start3A_870 = arith.constant 0 : i32
    %dma_start3A_871 = arith.constant 1792 : i32
    %dma_start3A_872 = arith.constant 0 : i32
    %dma_start3A_873 = tpu.memref_slice %arg2[%dma_start3A_870, %add3A_868, %dma_start3A_871, %dma_start3A_872] : memref<1x16x2048x2048xf32, #tpu.memory_space<hbm>> -> memref<1x1x128x2048xf32, #tpu.memory_space<hbm>>
    %dma_start3A_874 = tpu.memref_squeeze %dma_start3A_873 : memref<1x1x128x2048xf32, #tpu.memory_space<hbm>> -> memref<128x2048xf32, #tpu.memory_space<hbm>>
    %dma_start3A_875 = arith.constant 0 : i32
    %dma_start3A_876 = arith.constant 128 : i32
    %dma_start3A_877 = tpu.memref_slice %arg1[%dma_start3A_869, %dma_start3A_875, %dma_start3A_876] : memref<8x128x3968xf32, #tpu.memory_space<vmem>> -> memref<1x128x2048xf32, #tpu.memory_space<vmem>>
    %dma_start3A_878 = tpu.memref_squeeze %dma_start3A_877 : memref<1x128x2048xf32, #tpu.memory_space<vmem>> -> memref<128x2048xf32, #tpu.memory_space<vmem>>
    tpu.enqueue_dma source(%dma_start3A_878 : memref<128x2048xf32, #tpu.memory_space<vmem>>) target(%dma_start3A_874 : memref<128x2048xf32, #tpu.memory_space<hbm>>) target_semaphore(%arg3 : memref<!tpu.dma_semaphore, #tpu.memory_space<semaphore_mem>>)
    %mul3A_879 = arith.constant 8 : i32
    %mul3A_880 = arith.muli %mul3A_879, %arg0 : i32
    %add3A_881 = arith.constant 3 : i32
    %add3A_882 = arith.addi %mul3A_880, %add3A_881 : i32
    %dma_start3A_883 = arith.constant 3 : i32
    %dma_start3A_884 = arith.constant 0 : i32
    %dma_start3A_885 = arith.constant 1920 : i32
    %dma_start3A_886 = arith.constant 0 : i32
    %dma_start3A_887 = tpu.memref_slice %arg2[%dma_start3A_884, %add3A_882, %dma_start3A_885, %dma_start3A_886] : memref<1x16x2048x2048xf32, #tpu.memory_space<hbm>> -> memref<1x1x128x2048xf32, #tpu.memory_space<hbm>>
    %dma_start3A_888 = tpu.memref_squeeze %dma_start3A_887 : memref<1x1x128x2048xf32, #tpu.memory_space<hbm>> -> memref<128x2048xf32, #tpu.memory_space<hbm>>
    %dma_start3A_889 = arith.constant 0 : i32
    %dma_start3A_890 = arith.constant 0 : i32
    %dma_start3A_891 = tpu.memref_slice %arg1[%dma_start3A_883, %dma_start3A_889, %dma_start3A_890] : memref<8x128x3968xf32, #tpu.memory_space<vmem>> -> memref<1x128x2048xf32, #tpu.memory_space<vmem>>
    %dma_start3A_892 = tpu.memref_squeeze %dma_start3A_891 : memref<1x128x2048xf32, #tpu.memory_space<vmem>> -> memref<128x2048xf32, #tpu.memory_space<vmem>>
    tpu.enqueue_dma source(%dma_start3A_892 : memref<128x2048xf32, #tpu.memory_space<vmem>>) target(%dma_start3A_888 : memref<128x2048xf32, #tpu.memory_space<hbm>>) target_semaphore(%arg3 : memref<!tpu.dma_semaphore, #tpu.memory_space<semaphore_mem>>)
    %mul3A_893 = arith.constant 8 : i32
    %mul3A_894 = arith.muli %mul3A_893, %arg0 : i32
    %add3A_895 = arith.constant 4 : i32
    %add3A_896 = arith.addi %mul3A_894, %add3A_895 : i32
    %dma_start3A_897 = arith.constant 4 : i32
    %dma_start3A_898 = arith.constant 0 : i32
    %dma_start3A_899 = arith.constant 0 : i32
    %dma_start3A_900 = arith.constant 0 : i32
    %dma_start3A_901 = tpu.memref_slice %arg2[%dma_start3A_898, %add3A_896, %dma_start3A_899, %dma_start3A_900] : memref<1x16x2048x2048xf32, #tpu.memory_space<hbm>> -> memref<1x1x128x2048xf32, #tpu.memory_space<hbm>>
    %dma_start3A_902 = tpu.memref_squeeze %dma_start3A_901 : memref<1x1x128x2048xf32, #tpu.memory_space<hbm>> -> memref<128x2048xf32, #tpu.memory_space<hbm>>
    %dma_start3A_903 = arith.constant 0 : i32
    %dma_start3A_904 = arith.constant 1920 : i32
    %dma_start3A_905 = tpu.memref_slice %arg1[%dma_start3A_897, %dma_start3A_903, %dma_start3A_904] : memref<8x128x3968xf32, #tpu.memory_space<vmem>> -> memref<1x128x2048xf32, #tpu.memory_space<vmem>>
    %dma_start3A_906 = tpu.memref_squeeze %dma_start3A_905 : memref<1x128x2048xf32, #tpu.memory_space<vmem>> -> memref<128x2048xf32, #tpu.memory_space<vmem>>
    tpu.enqueue_dma source(%dma_start3A_906 : memref<128x2048xf32, #tpu.memory_space<vmem>>) target(%dma_start3A_902 : memref<128x2048xf32, #tpu.memory_space<hbm>>) target_semaphore(%arg3 : memref<!tpu.dma_semaphore, #tpu.memory_space<semaphore_mem>>)
    %mul3A_907 = arith.constant 8 : i32
    %mul3A_908 = arith.muli %mul3A_907, %arg0 : i32
    %add3A_909 = arith.constant 4 : i32
    %add3A_910 = arith.addi %mul3A_908, %add3A_909 : i32
    %dma_start3A_911 = arith.constant 4 : i32
    %dma_start3A_912 = arith.constant 0 : i32
    %dma_start3A_913 = arith.constant 128 : i32
    %dma_start3A_914 = arith.constant 0 : i32
    %dma_start3A_915 = tpu.memref_slice %arg2[%dma_start3A_912, %add3A_910, %dma_start3A_913, %dma_start3A_914] : memref<1x16x2048x2048xf32, #tpu.memory_space<hbm>> -> memref<1x1x128x2048xf32, #tpu.memory_space<hbm>>
    %dma_start3A_916 = tpu.memref_squeeze %dma_start3A_915 : memref<1x1x128x2048xf32, #tpu.memory_space<hbm>> -> memref<128x2048xf32, #tpu.memory_space<hbm>>
    %dma_start3A_917 = arith.constant 0 : i32
    %dma_start3A_918 = arith.constant 1792 : i32
    %dma_start3A_919 = tpu.memref_slice %arg1[%dma_start3A_911, %dma_start3A_917, %dma_start3A_918] : memref<8x128x3968xf32, #tpu.memory_space<vmem>> -> memref<1x128x2048xf32, #tpu.memory_space<vmem>>
    %dma_start3A_920 = tpu.memref_squeeze %dma_start3A_919 : memref<1x128x2048xf32, #tpu.memory_space<vmem>> -> memref<128x2048xf32, #tpu.memory_space<vmem>>
    tpu.enqueue_dma source(%dma_start3A_920 : memref<128x2048xf32, #tpu.memory_space<vmem>>) target(%dma_start3A_916 : memref<128x2048xf32, #tpu.memory_space<hbm>>) target_semaphore(%arg3 : memref<!tpu.dma_semaphore, #tpu.memory_space<semaphore_mem>>)
    %mul3A_921 = arith.constant 8 : i32
    %mul3A_922 = arith.muli %mul3A_921, %arg0 : i32
    %add3A_923 = arith.constant 4 : i32
    %add3A_924 = arith.addi %mul3A_922, %add3A_923 : i32
    %dma_start3A_925 = arith.constant 4 : i32
    %dma_start3A_926 = arith.constant 0 : i32
    %dma_start3A_927 = arith.constant 256 : i32
    %dma_start3A_928 = arith.constant 0 : i32
    %dma_start3A_929 = tpu.memref_slice %arg2[%dma_start3A_926, %add3A_924, %dma_start3A_927, %dma_start3A_928] : memref<1x16x2048x2048xf32, #tpu.memory_space<hbm>> -> memref<1x1x128x2048xf32, #tpu.memory_space<hbm>>
    %dma_start3A_930 = tpu.memref_squeeze %dma_start3A_929 : memref<1x1x128x2048xf32, #tpu.memory_space<hbm>> -> memref<128x2048xf32, #tpu.memory_space<hbm>>
    %dma_start3A_931 = arith.constant 0 : i32
    %dma_start3A_932 = arith.constant 1664 : i32
    %dma_start3A_933 = tpu.memref_slice %arg1[%dma_start3A_925, %dma_start3A_931, %dma_start3A_932] : memref<8x128x3968xf32, #tpu.memory_space<vmem>> -> memref<1x128x2048xf32, #tpu.memory_space<vmem>>
    %dma_start3A_934 = tpu.memref_squeeze %dma_start3A_933 : memref<1x128x2048xf32, #tpu.memory_space<vmem>> -> memref<128x2048xf32, #tpu.memory_space<vmem>>
    tpu.enqueue_dma source(%dma_start3A_934 : memref<128x2048xf32, #tpu.memory_space<vmem>>) target(%dma_start3A_930 : memref<128x2048xf32, #tpu.memory_space<hbm>>) target_semaphore(%arg3 : memref<!tpu.dma_semaphore, #tpu.memory_space<semaphore_mem>>)
    %mul3A_935 = arith.constant 8 : i32
    %mul3A_936 = arith.muli %mul3A_935, %arg0 : i32
    %add3A_937 = arith.constant 4 : i32
    %add3A_938 = arith.addi %mul3A_936, %add3A_937 : i32
    %dma_start3A_939 = arith.constant 4 : i32
    %dma_start3A_940 = arith.constant 0 : i32
    %dma_start3A_941 = arith.constant 384 : i32
    %dma_start3A_942 = arith.constant 0 : i32
    %dma_start3A_943 = tpu.memref_slice %arg2[%dma_start3A_940, %add3A_938, %dma_start3A_941, %dma_start3A_942] : memref<1x16x2048x2048xf32, #tpu.memory_space<hbm>> -> memref<1x1x128x2048xf32, #tpu.memory_space<hbm>>
    %dma_start3A_944 = tpu.memref_squeeze %dma_start3A_943 : memref<1x1x128x2048xf32, #tpu.memory_space<hbm>> -> memref<128x2048xf32, #tpu.memory_space<hbm>>
    %dma_start3A_945 = arith.constant 0 : i32
    %dma_start3A_946 = arith.constant 1536 : i32
    %dma_start3A_947 = tpu.memref_slice %arg1[%dma_start3A_939, %dma_start3A_945, %dma_start3A_946] : memref<8x128x3968xf32, #tpu.memory_space<vmem>> -> memref<1x128x2048xf32, #tpu.memory_space<vmem>>
    %dma_start3A_948 = tpu.memref_squeeze %dma_start3A_947 : memref<1x128x2048xf32, #tpu.memory_space<vmem>> -> memref<128x2048xf32, #tpu.memory_space<vmem>>
    tpu.enqueue_dma source(%dma_start3A_948 : memref<128x2048xf32, #tpu.memory_space<vmem>>) target(%dma_start3A_944 : memref<128x2048xf32, #tpu.memory_space<hbm>>) target_semaphore(%arg3 : memref<!tpu.dma_semaphore, #tpu.memory_space<semaphore_mem>>)
    %mul3A_949 = arith.constant 8 : i32
    %mul3A_950 = arith.muli %mul3A_949, %arg0 : i32
    %add3A_951 = arith.constant 4 : i32
    %add3A_952 = arith.addi %mul3A_950, %add3A_951 : i32
    %dma_start3A_953 = arith.constant 4 : i32
    %dma_start3A_954 = arith.constant 0 : i32
    %dma_start3A_955 = arith.constant 512 : i32
    %dma_start3A_956 = arith.constant 0 : i32
    %dma_start3A_957 = tpu.memref_slice %arg2[%dma_start3A_954, %add3A_952, %dma_start3A_955, %dma_start3A_956] : memref<1x16x2048x2048xf32, #tpu.memory_space<hbm>> -> memref<1x1x128x2048xf32, #tpu.memory_space<hbm>>
    %dma_start3A_958 = tpu.memref_squeeze %dma_start3A_957 : memref<1x1x128x2048xf32, #tpu.memory_space<hbm>> -> memref<128x2048xf32, #tpu.memory_space<hbm>>
    %dma_start3A_959 = arith.constant 0 : i32
    %dma_start3A_960 = arith.constant 1408 : i32
    %dma_start3A_961 = tpu.memref_slice %arg1[%dma_start3A_953, %dma_start3A_959, %dma_start3A_960] : memref<8x128x3968xf32, #tpu.memory_space<vmem>> -> memref<1x128x2048xf32, #tpu.memory_space<vmem>>
    %dma_start3A_962 = tpu.memref_squeeze %dma_start3A_961 : memref<1x128x2048xf32, #tpu.memory_space<vmem>> -> memref<128x2048xf32, #tpu.memory_space<vmem>>
    tpu.enqueue_dma source(%dma_start3A_962 : memref<128x2048xf32, #tpu.memory_space<vmem>>) target(%dma_start3A_958 : memref<128x2048xf32, #tpu.memory_space<hbm>>) target_semaphore(%arg3 : memref<!tpu.dma_semaphore, #tpu.memory_space<semaphore_mem>>)
    %mul3A_963 = arith.constant 8 : i32
    %mul3A_964 = arith.muli %mul3A_963, %arg0 : i32
    %add3A_965 = arith.constant 4 : i32
    %add3A_966 = arith.addi %mul3A_964, %add3A_965 : i32
    %dma_start3A_967 = arith.constant 4 : i32
    %dma_start3A_968 = arith.constant 0 : i32
    %dma_start3A_969 = arith.constant 640 : i32
    %dma_start3A_970 = arith.constant 0 : i32
    %dma_start3A_971 = tpu.memref_slice %arg2[%dma_start3A_968, %add3A_966, %dma_start3A_969, %dma_start3A_970] : memref<1x16x2048x2048xf32, #tpu.memory_space<hbm>> -> memref<1x1x128x2048xf32, #tpu.memory_space<hbm>>
    %dma_start3A_972 = tpu.memref_squeeze %dma_start3A_971 : memref<1x1x128x2048xf32, #tpu.memory_space<hbm>> -> memref<128x2048xf32, #tpu.memory_space<hbm>>
    %dma_start3A_973 = arith.constant 0 : i32
    %dma_start3A_974 = arith.constant 1280 : i32
    %dma_start3A_975 = tpu.memref_slice %arg1[%dma_start3A_967, %dma_start3A_973, %dma_start3A_974] : memref<8x128x3968xf32, #tpu.memory_space<vmem>> -> memref<1x128x2048xf32, #tpu.memory_space<vmem>>
    %dma_start3A_976 = tpu.memref_squeeze %dma_start3A_975 : memref<1x128x2048xf32, #tpu.memory_space<vmem>> -> memref<128x2048xf32, #tpu.memory_space<vmem>>
    tpu.enqueue_dma source(%dma_start3A_976 : memref<128x2048xf32, #tpu.memory_space<vmem>>) target(%dma_start3A_972 : memref<128x2048xf32, #tpu.memory_space<hbm>>) target_semaphore(%arg3 : memref<!tpu.dma_semaphore, #tpu.memory_space<semaphore_mem>>)
    %mul3A_977 = arith.constant 8 : i32
    %mul3A_978 = arith.muli %mul3A_977, %arg0 : i32
    %add3A_979 = arith.constant 4 : i32
    %add3A_980 = arith.addi %mul3A_978, %add3A_979 : i32
    %dma_start3A_981 = arith.constant 4 : i32
    %dma_start3A_982 = arith.constant 0 : i32
    %dma_start3A_983 = arith.constant 768 : i32
    %dma_start3A_984 = arith.constant 0 : i32
    %dma_start3A_985 = tpu.memref_slice %arg2[%dma_start3A_982, %add3A_980, %dma_start3A_983, %dma_start3A_984] : memref<1x16x2048x2048xf32, #tpu.memory_space<hbm>> -> memref<1x1x128x2048xf32, #tpu.memory_space<hbm>>
    %dma_start3A_986 = tpu.memref_squeeze %dma_start3A_985 : memref<1x1x128x2048xf32, #tpu.memory_space<hbm>> -> memref<128x2048xf32, #tpu.memory_space<hbm>>
    %dma_start3A_987 = arith.constant 0 : i32
    %dma_start3A_988 = arith.constant 1152 : i32
    %dma_start3A_989 = tpu.memref_slice %arg1[%dma_start3A_981, %dma_start3A_987, %dma_start3A_988] : memref<8x128x3968xf32, #tpu.memory_space<vmem>> -> memref<1x128x2048xf32, #tpu.memory_space<vmem>>
    %dma_start3A_990 = tpu.memref_squeeze %dma_start3A_989 : memref<1x128x2048xf32, #tpu.memory_space<vmem>> -> memref<128x2048xf32, #tpu.memory_space<vmem>>
    tpu.enqueue_dma source(%dma_start3A_990 : memref<128x2048xf32, #tpu.memory_space<vmem>>) target(%dma_start3A_986 : memref<128x2048xf32, #tpu.memory_space<hbm>>) target_semaphore(%arg3 : memref<!tpu.dma_semaphore, #tpu.memory_space<semaphore_mem>>)
    %mul3A_991 = arith.constant 8 : i32
    %mul3A_992 = arith.muli %mul3A_991, %arg0 : i32
    %add3A_993 = arith.constant 4 : i32
    %add3A_994 = arith.addi %mul3A_992, %add3A_993 : i32
    %dma_start3A_995 = arith.constant 4 : i32
    %dma_start3A_996 = arith.constant 0 : i32
    %dma_start3A_997 = arith.constant 896 : i32
    %dma_start3A_998 = arith.constant 0 : i32
    %dma_start3A_999 = tpu.memref_slice %arg2[%dma_start3A_996, %add3A_994, %dma_start3A_997, %dma_start3A_998] : memref<1x16x2048x2048xf32, #tpu.memory_space<hbm>> -> memref<1x1x128x2048xf32, #tpu.memory_space<hbm>>
    %dma_start3A_1000 = tpu.memref_squeeze %dma_start3A_999 : memref<1x1x128x2048xf32, #tpu.memory_space<hbm>> -> memref<128x2048xf32, #tpu.memory_space<hbm>>
    %dma_start3A_1001 = arith.constant 0 : i32
    %dma_start3A_1002 = arith.constant 1024 : i32
    %dma_start3A_1003 = tpu.memref_slice %arg1[%dma_start3A_995, %dma_start3A_1001, %dma_start3A_1002] : memref<8x128x3968xf32, #tpu.memory_space<vmem>> -> memref<1x128x2048xf32, #tpu.memory_space<vmem>>
    %dma_start3A_1004 = tpu.memref_squeeze %dma_start3A_1003 : memref<1x128x2048xf32, #tpu.memory_space<vmem>> -> memref<128x2048xf32, #tpu.memory_space<vmem>>
    tpu.enqueue_dma source(%dma_start3A_1004 : memref<128x2048xf32, #tpu.memory_space<vmem>>) target(%dma_start3A_1000 : memref<128x2048xf32, #tpu.memory_space<hbm>>) target_semaphore(%arg3 : memref<!tpu.dma_semaphore, #tpu.memory_space<semaphore_mem>>)
    %mul3A_1005 = arith.constant 8 : i32
    %mul3A_1006 = arith.muli %mul3A_1005, %arg0 : i32
    %add3A_1007 = arith.constant 4 : i32
    %add3A_1008 = arith.addi %mul3A_1006, %add3A_1007 : i32
    %dma_start3A_1009 = arith.constant 4 : i32
    %dma_start3A_1010 = arith.constant 0 : i32
    %dma_start3A_1011 = arith.constant 1024 : i32
    %dma_start3A_1012 = arith.constant 0 : i32
    %dma_start3A_1013 = tpu.memref_slice %arg2[%dma_start3A_1010, %add3A_1008, %dma_start3A_1011, %dma_start3A_1012] : memref<1x16x2048x2048xf32, #tpu.memory_space<hbm>> -> memref<1x1x128x2048xf32, #tpu.memory_space<hbm>>
    %dma_start3A_1014 = tpu.memref_squeeze %dma_start3A_1013 : memref<1x1x128x2048xf32, #tpu.memory_space<hbm>> -> memref<128x2048xf32, #tpu.memory_space<hbm>>
    %dma_start3A_1015 = arith.constant 0 : i32
    %dma_start3A_1016 = arith.constant 896 : i32
    %dma_start3A_1017 = tpu.memref_slice %arg1[%dma_start3A_1009, %dma_start3A_1015, %dma_start3A_1016] : memref<8x128x3968xf32, #tpu.memory_space<vmem>> -> memref<1x128x2048xf32, #tpu.memory_space<vmem>>
    %dma_start3A_1018 = tpu.memref_squeeze %dma_start3A_1017 : memref<1x128x2048xf32, #tpu.memory_space<vmem>> -> memref<128x2048xf32, #tpu.memory_space<vmem>>
    tpu.enqueue_dma source(%dma_start3A_1018 : memref<128x2048xf32, #tpu.memory_space<vmem>>) target(%dma_start3A_1014 : memref<128x2048xf32, #tpu.memory_space<hbm>>) target_semaphore(%arg3 : memref<!tpu.dma_semaphore, #tpu.memory_space<semaphore_mem>>)
    %mul3A_1019 = arith.constant 8 : i32
    %mul3A_1020 = arith.muli %mul3A_1019, %arg0 : i32
    %add3A_1021 = arith.constant 4 : i32
    %add3A_1022 = arith.addi %mul3A_1020, %add3A_1021 : i32
    %dma_start3A_1023 = arith.constant 4 : i32
    %dma_start3A_1024 = arith.constant 0 : i32
    %dma_start3A_1025 = arith.constant 1152 : i32
    %dma_start3A_1026 = arith.constant 0 : i32
    %dma_start3A_1027 = tpu.memref_slice %arg2[%dma_start3A_1024, %add3A_1022, %dma_start3A_1025, %dma_start3A_1026] : memref<1x16x2048x2048xf32, #tpu.memory_space<hbm>> -> memref<1x1x128x2048xf32, #tpu.memory_space<hbm>>
    %dma_start3A_1028 = tpu.memref_squeeze %dma_start3A_1027 : memref<1x1x128x2048xf32, #tpu.memory_space<hbm>> -> memref<128x2048xf32, #tpu.memory_space<hbm>>
    %dma_start3A_1029 = arith.constant 0 : i32
    %dma_start3A_1030 = arith.constant 768 : i32
    %dma_start3A_1031 = tpu.memref_slice %arg1[%dma_start3A_1023, %dma_start3A_1029, %dma_start3A_1030] : memref<8x128x3968xf32, #tpu.memory_space<vmem>> -> memref<1x128x2048xf32, #tpu.memory_space<vmem>>
    %dma_start3A_1032 = tpu.memref_squeeze %dma_start3A_1031 : memref<1x128x2048xf32, #tpu.memory_space<vmem>> -> memref<128x2048xf32, #tpu.memory_space<vmem>>
    tpu.enqueue_dma source(%dma_start3A_1032 : memref<128x2048xf32, #tpu.memory_space<vmem>>) target(%dma_start3A_1028 : memref<128x2048xf32, #tpu.memory_space<hbm>>) target_semaphore(%arg3 : memref<!tpu.dma_semaphore, #tpu.memory_space<semaphore_mem>>)
    %mul3A_1033 = arith.constant 8 : i32
    %mul3A_1034 = arith.muli %mul3A_1033, %arg0 : i32
    %add3A_1035 = arith.constant 4 : i32
    %add3A_1036 = arith.addi %mul3A_1034, %add3A_1035 : i32
    %dma_start3A_1037 = arith.constant 4 : i32
    %dma_start3A_1038 = arith.constant 0 : i32
    %dma_start3A_1039 = arith.constant 1280 : i32
    %dma_start3A_1040 = arith.constant 0 : i32
    %dma_start3A_1041 = tpu.memref_slice %arg2[%dma_start3A_1038, %add3A_1036, %dma_start3A_1039, %dma_start3A_1040] : memref<1x16x2048x2048xf32, #tpu.memory_space<hbm>> -> memref<1x1x128x2048xf32, #tpu.memory_space<hbm>>
    %dma_start3A_1042 = tpu.memref_squeeze %dma_start3A_1041 : memref<1x1x128x2048xf32, #tpu.memory_space<hbm>> -> memref<128x2048xf32, #tpu.memory_space<hbm>>
    %dma_start3A_1043 = arith.constant 0 : i32
    %dma_start3A_1044 = arith.constant 640 : i32
    %dma_start3A_1045 = tpu.memref_slice %arg1[%dma_start3A_1037, %dma_start3A_1043, %dma_start3A_1044] : memref<8x128x3968xf32, #tpu.memory_space<vmem>> -> memref<1x128x2048xf32, #tpu.memory_space<vmem>>
    %dma_start3A_1046 = tpu.memref_squeeze %dma_start3A_1045 : memref<1x128x2048xf32, #tpu.memory_space<vmem>> -> memref<128x2048xf32, #tpu.memory_space<vmem>>
    tpu.enqueue_dma source(%dma_start3A_1046 : memref<128x2048xf32, #tpu.memory_space<vmem>>) target(%dma_start3A_1042 : memref<128x2048xf32, #tpu.memory_space<hbm>>) target_semaphore(%arg3 : memref<!tpu.dma_semaphore, #tpu.memory_space<semaphore_mem>>)
    %mul3A_1047 = arith.constant 8 : i32
    %mul3A_1048 = arith.muli %mul3A_1047, %arg0 : i32
    %add3A_1049 = arith.constant 4 : i32
    %add3A_1050 = arith.addi %mul3A_1048, %add3A_1049 : i32
    %dma_start3A_1051 = arith.constant 4 : i32
    %dma_start3A_1052 = arith.constant 0 : i32
    %dma_start3A_1053 = arith.constant 1408 : i32
    %dma_start3A_1054 = arith.constant 0 : i32
    %dma_start3A_1055 = tpu.memref_slice %arg2[%dma_start3A_1052, %add3A_1050, %dma_start3A_1053, %dma_start3A_1054] : memref<1x16x2048x2048xf32, #tpu.memory_space<hbm>> -> memref<1x1x128x2048xf32, #tpu.memory_space<hbm>>
    %dma_start3A_1056 = tpu.memref_squeeze %dma_start3A_1055 : memref<1x1x128x2048xf32, #tpu.memory_space<hbm>> -> memref<128x2048xf32, #tpu.memory_space<hbm>>
    %dma_start3A_1057 = arith.constant 0 : i32
    %dma_start3A_1058 = arith.constant 512 : i32
    %dma_start3A_1059 = tpu.memref_slice %arg1[%dma_start3A_1051, %dma_start3A_1057, %dma_start3A_1058] : memref<8x128x3968xf32, #tpu.memory_space<vmem>> -> memref<1x128x2048xf32, #tpu.memory_space<vmem>>
    %dma_start3A_1060 = tpu.memref_squeeze %dma_start3A_1059 : memref<1x128x2048xf32, #tpu.memory_space<vmem>> -> memref<128x2048xf32, #tpu.memory_space<vmem>>
    tpu.enqueue_dma source(%dma_start3A_1060 : memref<128x2048xf32, #tpu.memory_space<vmem>>) target(%dma_start3A_1056 : memref<128x2048xf32, #tpu.memory_space<hbm>>) target_semaphore(%arg3 : memref<!tpu.dma_semaphore, #tpu.memory_space<semaphore_mem>>)
    %mul3A_1061 = arith.constant 8 : i32
    %mul3A_1062 = arith.muli %mul3A_1061, %arg0 : i32
    %add3A_1063 = arith.constant 4 : i32
    %add3A_1064 = arith.addi %mul3A_1062, %add3A_1063 : i32
    %dma_start3A_1065 = arith.constant 4 : i32
    %dma_start3A_1066 = arith.constant 0 : i32
    %dma_start3A_1067 = arith.constant 1536 : i32
    %dma_start3A_1068 = arith.constant 0 : i32
    %dma_start3A_1069 = tpu.memref_slice %arg2[%dma_start3A_1066, %add3A_1064, %dma_start3A_1067, %dma_start3A_1068] : memref<1x16x2048x2048xf32, #tpu.memory_space<hbm>> -> memref<1x1x128x2048xf32, #tpu.memory_space<hbm>>
    %dma_start3A_1070 = tpu.memref_squeeze %dma_start3A_1069 : memref<1x1x128x2048xf32, #tpu.memory_space<hbm>> -> memref<128x2048xf32, #tpu.memory_space<hbm>>
    %dma_start3A_1071 = arith.constant 0 : i32
    %dma_start3A_1072 = arith.constant 384 : i32
    %dma_start3A_1073 = tpu.memref_slice %arg1[%dma_start3A_1065, %dma_start3A_1071, %dma_start3A_1072] : memref<8x128x3968xf32, #tpu.memory_space<vmem>> -> memref<1x128x2048xf32, #tpu.memory_space<vmem>>
    %dma_start3A_1074 = tpu.memref_squeeze %dma_start3A_1073 : memref<1x128x2048xf32, #tpu.memory_space<vmem>> -> memref<128x2048xf32, #tpu.memory_space<vmem>>
    tpu.enqueue_dma source(%dma_start3A_1074 : memref<128x2048xf32, #tpu.memory_space<vmem>>) target(%dma_start3A_1070 : memref<128x2048xf32, #tpu.memory_space<hbm>>) target_semaphore(%arg3 : memref<!tpu.dma_semaphore, #tpu.memory_space<semaphore_mem>>)
    %mul3A_1075 = arith.constant 8 : i32
    %mul3A_1076 = arith.muli %mul3A_1075, %arg0 : i32
    %add3A_1077 = arith.constant 4 : i32
    %add3A_1078 = arith.addi %mul3A_1076, %add3A_1077 : i32
    %dma_start3A_1079 = arith.constant 4 : i32
    %dma_start3A_1080 = arith.constant 0 : i32
    %dma_start3A_1081 = arith.constant 1664 : i32
    %dma_start3A_1082 = arith.constant 0 : i32
    %dma_start3A_1083 = tpu.memref_slice %arg2[%dma_start3A_1080, %add3A_1078, %dma_start3A_1081, %dma_start3A_1082] : memref<1x16x2048x2048xf32, #tpu.memory_space<hbm>> -> memref<1x1x128x2048xf32, #tpu.memory_space<hbm>>
    %dma_start3A_1084 = tpu.memref_squeeze %dma_start3A_1083 : memref<1x1x128x2048xf32, #tpu.memory_space<hbm>> -> memref<128x2048xf32, #tpu.memory_space<hbm>>
    %dma_start3A_1085 = arith.constant 0 : i32
    %dma_start3A_1086 = arith.constant 256 : i32
    %dma_start3A_1087 = tpu.memref_slice %arg1[%dma_start3A_1079, %dma_start3A_1085, %dma_start3A_1086] : memref<8x128x3968xf32, #tpu.memory_space<vmem>> -> memref<1x128x2048xf32, #tpu.memory_space<vmem>>
    %dma_start3A_1088 = tpu.memref_squeeze %dma_start3A_1087 : memref<1x128x2048xf32, #tpu.memory_space<vmem>> -> memref<128x2048xf32, #tpu.memory_space<vmem>>
    tpu.enqueue_dma source(%dma_start3A_1088 : memref<128x2048xf32, #tpu.memory_space<vmem>>) target(%dma_start3A_1084 : memref<128x2048xf32, #tpu.memory_space<hbm>>) target_semaphore(%arg3 : memref<!tpu.dma_semaphore, #tpu.memory_space<semaphore_mem>>)
    %mul3A_1089 = arith.constant 8 : i32
    %mul3A_1090 = arith.muli %mul3A_1089, %arg0 : i32
    %add3A_1091 = arith.constant 4 : i32
    %add3A_1092 = arith.addi %mul3A_1090, %add3A_1091 : i32
    %dma_start3A_1093 = arith.constant 4 : i32
    %dma_start3A_1094 = arith.constant 0 : i32
    %dma_start3A_1095 = arith.constant 1792 : i32
    %dma_start3A_1096 = arith.constant 0 : i32
    %dma_start3A_1097 = tpu.memref_slice %arg2[%dma_start3A_1094, %add3A_1092, %dma_start3A_1095, %dma_start3A_1096] : memref<1x16x2048x2048xf32, #tpu.memory_space<hbm>> -> memref<1x1x128x2048xf32, #tpu.memory_space<hbm>>
    %dma_start3A_1098 = tpu.memref_squeeze %dma_start3A_1097 : memref<1x1x128x2048xf32, #tpu.memory_space<hbm>> -> memref<128x2048xf32, #tpu.memory_space<hbm>>
    %dma_start3A_1099 = arith.constant 0 : i32
    %dma_start3A_1100 = arith.constant 128 : i32
    %dma_start3A_1101 = tpu.memref_slice %arg1[%dma_start3A_1093, %dma_start3A_1099, %dma_start3A_1100] : memref<8x128x3968xf32, #tpu.memory_space<vmem>> -> memref<1x128x2048xf32, #tpu.memory_space<vmem>>
    %dma_start3A_1102 = tpu.memref_squeeze %dma_start3A_1101 : memref<1x128x2048xf32, #tpu.memory_space<vmem>> -> memref<128x2048xf32, #tpu.memory_space<vmem>>
    tpu.enqueue_dma source(%dma_start3A_1102 : memref<128x2048xf32, #tpu.memory_space<vmem>>) target(%dma_start3A_1098 : memref<128x2048xf32, #tpu.memory_space<hbm>>) target_semaphore(%arg3 : memref<!tpu.dma_semaphore, #tpu.memory_space<semaphore_mem>>)
    %mul3A_1103 = arith.constant 8 : i32
    %mul3A_1104 = arith.muli %mul3A_1103, %arg0 : i32
    %add3A_1105 = arith.constant 4 : i32
    %add3A_1106 = arith.addi %mul3A_1104, %add3A_1105 : i32
    %dma_start3A_1107 = arith.constant 4 : i32
    %dma_start3A_1108 = arith.constant 0 : i32
    %dma_start3A_1109 = arith.constant 1920 : i32
    %dma_start3A_1110 = arith.constant 0 : i32
    %dma_start3A_1111 = tpu.memref_slice %arg2[%dma_start3A_1108, %add3A_1106, %dma_start3A_1109, %dma_start3A_1110] : memref<1x16x2048x2048xf32, #tpu.memory_space<hbm>> -> memref<1x1x128x2048xf32, #tpu.memory_space<hbm>>
    %dma_start3A_1112 = tpu.memref_squeeze %dma_start3A_1111 : memref<1x1x128x2048xf32, #tpu.memory_space<hbm>> -> memref<128x2048xf32, #tpu.memory_space<hbm>>
    %dma_start3A_1113 = arith.constant 0 : i32
    %dma_start3A_1114 = arith.constant 0 : i32
    %dma_start3A_1115 = tpu.memref_slice %arg1[%dma_start3A_1107, %dma_start3A_1113, %dma_start3A_1114] : memref<8x128x3968xf32, #tpu.memory_space<vmem>> -> memref<1x128x2048xf32, #tpu.memory_space<vmem>>
    %dma_start3A_1116 = tpu.memref_squeeze %dma_start3A_1115 : memref<1x128x2048xf32, #tpu.memory_space<vmem>> -> memref<128x2048xf32, #tpu.memory_space<vmem>>
    tpu.enqueue_dma source(%dma_start3A_1116 : memref<128x2048xf32, #tpu.memory_space<vmem>>) target(%dma_start3A_1112 : memref<128x2048xf32, #tpu.memory_space<hbm>>) target_semaphore(%arg3 : memref<!tpu.dma_semaphore, #tpu.memory_space<semaphore_mem>>)
    %mul3A_1117 = arith.constant 8 : i32
    %mul3A_1118 = arith.muli %mul3A_1117, %arg0 : i32
    %add3A_1119 = arith.constant 5 : i32
    %add3A_1120 = arith.addi %mul3A_1118, %add3A_1119 : i32
    %dma_start3A_1121 = arith.constant 5 : i32
    %dma_start3A_1122 = arith.constant 0 : i32
    %dma_start3A_1123 = arith.constant 0 : i32
    %dma_start3A_1124 = arith.constant 0 : i32
    %dma_start3A_1125 = tpu.memref_slice %arg2[%dma_start3A_1122, %add3A_1120, %dma_start3A_1123, %dma_start3A_1124] : memref<1x16x2048x2048xf32, #tpu.memory_space<hbm>> -> memref<1x1x128x2048xf32, #tpu.memory_space<hbm>>
    %dma_start3A_1126 = tpu.memref_squeeze %dma_start3A_1125 : memref<1x1x128x2048xf32, #tpu.memory_space<hbm>> -> memref<128x2048xf32, #tpu.memory_space<hbm>>
    %dma_start3A_1127 = arith.constant 0 : i32
    %dma_start3A_1128 = arith.constant 1920 : i32
    %dma_start3A_1129 = tpu.memref_slice %arg1[%dma_start3A_1121, %dma_start3A_1127, %dma_start3A_1128] : memref<8x128x3968xf32, #tpu.memory_space<vmem>> -> memref<1x128x2048xf32, #tpu.memory_space<vmem>>
    %dma_start3A_1130 = tpu.memref_squeeze %dma_start3A_1129 : memref<1x128x2048xf32, #tpu.memory_space<vmem>> -> memref<128x2048xf32, #tpu.memory_space<vmem>>
    tpu.enqueue_dma source(%dma_start3A_1130 : memref<128x2048xf32, #tpu.memory_space<vmem>>) target(%dma_start3A_1126 : memref<128x2048xf32, #tpu.memory_space<hbm>>) target_semaphore(%arg3 : memref<!tpu.dma_semaphore, #tpu.memory_space<semaphore_mem>>)
    %mul3A_1131 = arith.constant 8 : i32
    %mul3A_1132 = arith.muli %mul3A_1131, %arg0 : i32
    %add3A_1133 = arith.constant 5 : i32
    %add3A_1134 = arith.addi %mul3A_1132, %add3A_1133 : i32
    %dma_start3A_1135 = arith.constant 5 : i32
    %dma_start3A_1136 = arith.constant 0 : i32
    %dma_start3A_1137 = arith.constant 128 : i32
    %dma_start3A_1138 = arith.constant 0 : i32
    %dma_start3A_1139 = tpu.memref_slice %arg2[%dma_start3A_1136, %add3A_1134, %dma_start3A_1137, %dma_start3A_1138] : memref<1x16x2048x2048xf32, #tpu.memory_space<hbm>> -> memref<1x1x128x2048xf32, #tpu.memory_space<hbm>>
    %dma_start3A_1140 = tpu.memref_squeeze %dma_start3A_1139 : memref<1x1x128x2048xf32, #tpu.memory_space<hbm>> -> memref<128x2048xf32, #tpu.memory_space<hbm>>
    %dma_start3A_1141 = arith.constant 0 : i32
    %dma_start3A_1142 = arith.constant 1792 : i32
    %dma_start3A_1143 = tpu.memref_slice %arg1[%dma_start3A_1135, %dma_start3A_1141, %dma_start3A_1142] : memref<8x128x3968xf32, #tpu.memory_space<vmem>> -> memref<1x128x2048xf32, #tpu.memory_space<vmem>>
    %dma_start3A_1144 = tpu.memref_squeeze %dma_start3A_1143 : memref<1x128x2048xf32, #tpu.memory_space<vmem>> -> memref<128x2048xf32, #tpu.memory_space<vmem>>
    tpu.enqueue_dma source(%dma_start3A_1144 : memref<128x2048xf32, #tpu.memory_space<vmem>>) target(%dma_start3A_1140 : memref<128x2048xf32, #tpu.memory_space<hbm>>) target_semaphore(%arg3 : memref<!tpu.dma_semaphore, #tpu.memory_space<semaphore_mem>>)
    %mul3A_1145 = arith.constant 8 : i32
    %mul3A_1146 = arith.muli %mul3A_1145, %arg0 : i32
    %add3A_1147 = arith.constant 5 : i32
    %add3A_1148 = arith.addi %mul3A_1146, %add3A_1147 : i32
    %dma_start3A_1149 = arith.constant 5 : i32
    %dma_start3A_1150 = arith.constant 0 : i32
    %dma_start3A_1151 = arith.constant 256 : i32
    %dma_start3A_1152 = arith.constant 0 : i32
    %dma_start3A_1153 = tpu.memref_slice %arg2[%dma_start3A_1150, %add3A_1148, %dma_start3A_1151, %dma_start3A_1152] : memref<1x16x2048x2048xf32, #tpu.memory_space<hbm>> -> memref<1x1x128x2048xf32, #tpu.memory_space<hbm>>
    %dma_start3A_1154 = tpu.memref_squeeze %dma_start3A_1153 : memref<1x1x128x2048xf32, #tpu.memory_space<hbm>> -> memref<128x2048xf32, #tpu.memory_space<hbm>>
    %dma_start3A_1155 = arith.constant 0 : i32
    %dma_start3A_1156 = arith.constant 1664 : i32
    %dma_start3A_1157 = tpu.memref_slice %arg1[%dma_start3A_1149, %dma_start3A_1155, %dma_start3A_1156] : memref<8x128x3968xf32, #tpu.memory_space<vmem>> -> memref<1x128x2048xf32, #tpu.memory_space<vmem>>
    %dma_start3A_1158 = tpu.memref_squeeze %dma_start3A_1157 : memref<1x128x2048xf32, #tpu.memory_space<vmem>> -> memref<128x2048xf32, #tpu.memory_space<vmem>>
    tpu.enqueue_dma source(%dma_start3A_1158 : memref<128x2048xf32, #tpu.memory_space<vmem>>) target(%dma_start3A_1154 : memref<128x2048xf32, #tpu.memory_space<hbm>>) target_semaphore(%arg3 : memref<!tpu.dma_semaphore, #tpu.memory_space<semaphore_mem>>)
    %mul3A_1159 = arith.constant 8 : i32
    %mul3A_1160 = arith.muli %mul3A_1159, %arg0 : i32
    %add3A_1161 = arith.constant 5 : i32
    %add3A_1162 = arith.addi %mul3A_1160, %add3A_1161 : i32
    %dma_start3A_1163 = arith.constant 5 : i32
    %dma_start3A_1164 = arith.constant 0 : i32
    %dma_start3A_1165 = arith.constant 384 : i32
    %dma_start3A_1166 = arith.constant 0 : i32
    %dma_start3A_1167 = tpu.memref_slice %arg2[%dma_start3A_1164, %add3A_1162, %dma_start3A_1165, %dma_start3A_1166] : memref<1x16x2048x2048xf32, #tpu.memory_space<hbm>> -> memref<1x1x128x2048xf32, #tpu.memory_space<hbm>>
    %dma_start3A_1168 = tpu.memref_squeeze %dma_start3A_1167 : memref<1x1x128x2048xf32, #tpu.memory_space<hbm>> -> memref<128x2048xf32, #tpu.memory_space<hbm>>
    %dma_start3A_1169 = arith.constant 0 : i32
    %dma_start3A_1170 = arith.constant 1536 : i32
    %dma_start3A_1171 = tpu.memref_slice %arg1[%dma_start3A_1163, %dma_start3A_1169, %dma_start3A_1170] : memref<8x128x3968xf32, #tpu.memory_space<vmem>> -> memref<1x128x2048xf32, #tpu.memory_space<vmem>>
    %dma_start3A_1172 = tpu.memref_squeeze %dma_start3A_1171 : memref<1x128x2048xf32, #tpu.memory_space<vmem>> -> memref<128x2048xf32, #tpu.memory_space<vmem>>
    tpu.enqueue_dma source(%dma_start3A_1172 : memref<128x2048xf32, #tpu.memory_space<vmem>>) target(%dma_start3A_1168 : memref<128x2048xf32, #tpu.memory_space<hbm>>) target_semaphore(%arg3 : memref<!tpu.dma_semaphore, #tpu.memory_space<semaphore_mem>>)
    %mul3A_1173 = arith.constant 8 : i32
    %mul3A_1174 = arith.muli %mul3A_1173, %arg0 : i32
    %add3A_1175 = arith.constant 5 : i32
    %add3A_1176 = arith.addi %mul3A_1174, %add3A_1175 : i32
    %dma_start3A_1177 = arith.constant 5 : i32
    %dma_start3A_1178 = arith.constant 0 : i32
    %dma_start3A_1179 = arith.constant 512 : i32
    %dma_start3A_1180 = arith.constant 0 : i32
    %dma_start3A_1181 = tpu.memref_slice %arg2[%dma_start3A_1178, %add3A_1176, %dma_start3A_1179, %dma_start3A_1180] : memref<1x16x2048x2048xf32, #tpu.memory_space<hbm>> -> memref<1x1x128x2048xf32, #tpu.memory_space<hbm>>
    %dma_start3A_1182 = tpu.memref_squeeze %dma_start3A_1181 : memref<1x1x128x2048xf32, #tpu.memory_space<hbm>> -> memref<128x2048xf32, #tpu.memory_space<hbm>>
    %dma_start3A_1183 = arith.constant 0 : i32
    %dma_start3A_1184 = arith.constant 1408 : i32
    %dma_start3A_1185 = tpu.memref_slice %arg1[%dma_start3A_1177, %dma_start3A_1183, %dma_start3A_1184] : memref<8x128x3968xf32, #tpu.memory_space<vmem>> -> memref<1x128x2048xf32, #tpu.memory_space<vmem>>
    %dma_start3A_1186 = tpu.memref_squeeze %dma_start3A_1185 : memref<1x128x2048xf32, #tpu.memory_space<vmem>> -> memref<128x2048xf32, #tpu.memory_space<vmem>>
    tpu.enqueue_dma source(%dma_start3A_1186 : memref<128x2048xf32, #tpu.memory_space<vmem>>) target(%dma_start3A_1182 : memref<128x2048xf32, #tpu.memory_space<hbm>>) target_semaphore(%arg3 : memref<!tpu.dma_semaphore, #tpu.memory_space<semaphore_mem>>)
    %mul3A_1187 = arith.constant 8 : i32
    %mul3A_1188 = arith.muli %mul3A_1187, %arg0 : i32
    %add3A_1189 = arith.constant 5 : i32
    %add3A_1190 = arith.addi %mul3A_1188, %add3A_1189 : i32
    %dma_start3A_1191 = arith.constant 5 : i32
    %dma_start3A_1192 = arith.constant 0 : i32
    %dma_start3A_1193 = arith.constant 640 : i32
    %dma_start3A_1194 = arith.constant 0 : i32
    %dma_start3A_1195 = tpu.memref_slice %arg2[%dma_start3A_1192, %add3A_1190, %dma_start3A_1193, %dma_start3A_1194] : memref<1x16x2048x2048xf32, #tpu.memory_space<hbm>> -> memref<1x1x128x2048xf32, #tpu.memory_space<hbm>>
    %dma_start3A_1196 = tpu.memref_squeeze %dma_start3A_1195 : memref<1x1x128x2048xf32, #tpu.memory_space<hbm>> -> memref<128x2048xf32, #tpu.memory_space<hbm>>
    %dma_start3A_1197 = arith.constant 0 : i32
    %dma_start3A_1198 = arith.constant 1280 : i32
    %dma_start3A_1199 = tpu.memref_slice %arg1[%dma_start3A_1191, %dma_start3A_1197, %dma_start3A_1198] : memref<8x128x3968xf32, #tpu.memory_space<vmem>> -> memref<1x128x2048xf32, #tpu.memory_space<vmem>>
    %dma_start3A_1200 = tpu.memref_squeeze %dma_start3A_1199 : memref<1x128x2048xf32, #tpu.memory_space<vmem>> -> memref<128x2048xf32, #tpu.memory_space<vmem>>
    tpu.enqueue_dma source(%dma_start3A_1200 : memref<128x2048xf32, #tpu.memory_space<vmem>>) target(%dma_start3A_1196 : memref<128x2048xf32, #tpu.memory_space<hbm>>) target_semaphore(%arg3 : memref<!tpu.dma_semaphore, #tpu.memory_space<semaphore_mem>>)
    %mul3A_1201 = arith.constant 8 : i32
    %mul3A_1202 = arith.muli %mul3A_1201, %arg0 : i32
    %add3A_1203 = arith.constant 5 : i32
    %add3A_1204 = arith.addi %mul3A_1202, %add3A_1203 : i32
    %dma_start3A_1205 = arith.constant 5 : i32
    %dma_start3A_1206 = arith.constant 0 : i32
    %dma_start3A_1207 = arith.constant 768 : i32
    %dma_start3A_1208 = arith.constant 0 : i32
    %dma_start3A_1209 = tpu.memref_slice %arg2[%dma_start3A_1206, %add3A_1204, %dma_start3A_1207, %dma_start3A_1208] : memref<1x16x2048x2048xf32, #tpu.memory_space<hbm>> -> memref<1x1x128x2048xf32, #tpu.memory_space<hbm>>
    %dma_start3A_1210 = tpu.memref_squeeze %dma_start3A_1209 : memref<1x1x128x2048xf32, #tpu.memory_space<hbm>> -> memref<128x2048xf32, #tpu.memory_space<hbm>>
    %dma_start3A_1211 = arith.constant 0 : i32
    %dma_start3A_1212 = arith.constant 1152 : i32
    %dma_start3A_1213 = tpu.memref_slice %arg1[%dma_start3A_1205, %dma_start3A_1211, %dma_start3A_1212] : memref<8x128x3968xf32, #tpu.memory_space<vmem>> -> memref<1x128x2048xf32, #tpu.memory_space<vmem>>
    %dma_start3A_1214 = tpu.memref_squeeze %dma_start3A_1213 : memref<1x128x2048xf32, #tpu.memory_space<vmem>> -> memref<128x2048xf32, #tpu.memory_space<vmem>>
    tpu.enqueue_dma source(%dma_start3A_1214 : memref<128x2048xf32, #tpu.memory_space<vmem>>) target(%dma_start3A_1210 : memref<128x2048xf32, #tpu.memory_space<hbm>>) target_semaphore(%arg3 : memref<!tpu.dma_semaphore, #tpu.memory_space<semaphore_mem>>)
    %mul3A_1215 = arith.constant 8 : i32
    %mul3A_1216 = arith.muli %mul3A_1215, %arg0 : i32
    %add3A_1217 = arith.constant 5 : i32
    %add3A_1218 = arith.addi %mul3A_1216, %add3A_1217 : i32
    %dma_start3A_1219 = arith.constant 5 : i32
    %dma_start3A_1220 = arith.constant 0 : i32
    %dma_start3A_1221 = arith.constant 896 : i32
    %dma_start3A_1222 = arith.constant 0 : i32
    %dma_start3A_1223 = tpu.memref_slice %arg2[%dma_start3A_1220, %add3A_1218, %dma_start3A_1221, %dma_start3A_1222] : memref<1x16x2048x2048xf32, #tpu.memory_space<hbm>> -> memref<1x1x128x2048xf32, #tpu.memory_space<hbm>>
    %dma_start3A_1224 = tpu.memref_squeeze %dma_start3A_1223 : memref<1x1x128x2048xf32, #tpu.memory_space<hbm>> -> memref<128x2048xf32, #tpu.memory_space<hbm>>
    %dma_start3A_1225 = arith.constant 0 : i32
    %dma_start3A_1226 = arith.constant 1024 : i32
    %dma_start3A_1227 = tpu.memref_slice %arg1[%dma_start3A_1219, %dma_start3A_1225, %dma_start3A_1226] : memref<8x128x3968xf32, #tpu.memory_space<vmem>> -> memref<1x128x2048xf32, #tpu.memory_space<vmem>>
    %dma_start3A_1228 = tpu.memref_squeeze %dma_start3A_1227 : memref<1x128x2048xf32, #tpu.memory_space<vmem>> -> memref<128x2048xf32, #tpu.memory_space<vmem>>
    tpu.enqueue_dma source(%dma_start3A_1228 : memref<128x2048xf32, #tpu.memory_space<vmem>>) target(%dma_start3A_1224 : memref<128x2048xf32, #tpu.memory_space<hbm>>) target_semaphore(%arg3 : memref<!tpu.dma_semaphore, #tpu.memory_space<semaphore_mem>>)
    %mul3A_1229 = arith.constant 8 : i32
    %mul3A_1230 = arith.muli %mul3A_1229, %arg0 : i32
    %add3A_1231 = arith.constant 5 : i32
    %add3A_1232 = arith.addi %mul3A_1230, %add3A_1231 : i32
    %dma_start3A_1233 = arith.constant 5 : i32
    %dma_start3A_1234 = arith.constant 0 : i32
    %dma_start3A_1235 = arith.constant 1024 : i32
    %dma_start3A_1236 = arith.constant 0 : i32
    %dma_start3A_1237 = tpu.memref_slice %arg2[%dma_start3A_1234, %add3A_1232, %dma_start3A_1235, %dma_start3A_1236] : memref<1x16x2048x2048xf32, #tpu.memory_space<hbm>> -> memref<1x1x128x2048xf32, #tpu.memory_space<hbm>>
    %dma_start3A_1238 = tpu.memref_squeeze %dma_start3A_1237 : memref<1x1x128x2048xf32, #tpu.memory_space<hbm>> -> memref<128x2048xf32, #tpu.memory_space<hbm>>
    %dma_start3A_1239 = arith.constant 0 : i32
    %dma_start3A_1240 = arith.constant 896 : i32
    %dma_start3A_1241 = tpu.memref_slice %arg1[%dma_start3A_1233, %dma_start3A_1239, %dma_start3A_1240] : memref<8x128x3968xf32, #tpu.memory_space<vmem>> -> memref<1x128x2048xf32, #tpu.memory_space<vmem>>
    %dma_start3A_1242 = tpu.memref_squeeze %dma_start3A_1241 : memref<1x128x2048xf32, #tpu.memory_space<vmem>> -> memref<128x2048xf32, #tpu.memory_space<vmem>>
    tpu.enqueue_dma source(%dma_start3A_1242 : memref<128x2048xf32, #tpu.memory_space<vmem>>) target(%dma_start3A_1238 : memref<128x2048xf32, #tpu.memory_space<hbm>>) target_semaphore(%arg3 : memref<!tpu.dma_semaphore, #tpu.memory_space<semaphore_mem>>)
    %mul3A_1243 = arith.constant 8 : i32
    %mul3A_1244 = arith.muli %mul3A_1243, %arg0 : i32
    %add3A_1245 = arith.constant 5 : i32
    %add3A_1246 = arith.addi %mul3A_1244, %add3A_1245 : i32
    %dma_start3A_1247 = arith.constant 5 : i32
    %dma_start3A_1248 = arith.constant 0 : i32
    %dma_start3A_1249 = arith.constant 1152 : i32
    %dma_start3A_1250 = arith.constant 0 : i32
    %dma_start3A_1251 = tpu.memref_slice %arg2[%dma_start3A_1248, %add3A_1246, %dma_start3A_1249, %dma_start3A_1250] : memref<1x16x2048x2048xf32, #tpu.memory_space<hbm>> -> memref<1x1x128x2048xf32, #tpu.memory_space<hbm>>
    %dma_start3A_1252 = tpu.memref_squeeze %dma_start3A_1251 : memref<1x1x128x2048xf32, #tpu.memory_space<hbm>> -> memref<128x2048xf32, #tpu.memory_space<hbm>>
    %dma_start3A_1253 = arith.constant 0 : i32
    %dma_start3A_1254 = arith.constant 768 : i32
    %dma_start3A_1255 = tpu.memref_slice %arg1[%dma_start3A_1247, %dma_start3A_1253, %dma_start3A_1254] : memref<8x128x3968xf32, #tpu.memory_space<vmem>> -> memref<1x128x2048xf32, #tpu.memory_space<vmem>>
    %dma_start3A_1256 = tpu.memref_squeeze %dma_start3A_1255 : memref<1x128x2048xf32, #tpu.memory_space<vmem>> -> memref<128x2048xf32, #tpu.memory_space<vmem>>
    tpu.enqueue_dma source(%dma_start3A_1256 : memref<128x2048xf32, #tpu.memory_space<vmem>>) target(%dma_start3A_1252 : memref<128x2048xf32, #tpu.memory_space<hbm>>) target_semaphore(%arg3 : memref<!tpu.dma_semaphore, #tpu.memory_space<semaphore_mem>>)
    %mul3A_1257 = arith.constant 8 : i32
    %mul3A_1258 = arith.muli %mul3A_1257, %arg0 : i32
    %add3A_1259 = arith.constant 5 : i32
    %add3A_1260 = arith.addi %mul3A_1258, %add3A_1259 : i32
    %dma_start3A_1261 = arith.constant 5 : i32
    %dma_start3A_1262 = arith.constant 0 : i32
    %dma_start3A_1263 = arith.constant 1280 : i32
    %dma_start3A_1264 = arith.constant 0 : i32
    %dma_start3A_1265 = tpu.memref_slice %arg2[%dma_start3A_1262, %add3A_1260, %dma_start3A_1263, %dma_start3A_1264] : memref<1x16x2048x2048xf32, #tpu.memory_space<hbm>> -> memref<1x1x128x2048xf32, #tpu.memory_space<hbm>>
    %dma_start3A_1266 = tpu.memref_squeeze %dma_start3A_1265 : memref<1x1x128x2048xf32, #tpu.memory_space<hbm>> -> memref<128x2048xf32, #tpu.memory_space<hbm>>
    %dma_start3A_1267 = arith.constant 0 : i32
    %dma_start3A_1268 = arith.constant 640 : i32
    %dma_start3A_1269 = tpu.memref_slice %arg1[%dma_start3A_1261, %dma_start3A_1267, %dma_start3A_1268] : memref<8x128x3968xf32, #tpu.memory_space<vmem>> -> memref<1x128x2048xf32, #tpu.memory_space<vmem>>
    %dma_start3A_1270 = tpu.memref_squeeze %dma_start3A_1269 : memref<1x128x2048xf32, #tpu.memory_space<vmem>> -> memref<128x2048xf32, #tpu.memory_space<vmem>>
    tpu.enqueue_dma source(%dma_start3A_1270 : memref<128x2048xf32, #tpu.memory_space<vmem>>) target(%dma_start3A_1266 : memref<128x2048xf32, #tpu.memory_space<hbm>>) target_semaphore(%arg3 : memref<!tpu.dma_semaphore, #tpu.memory_space<semaphore_mem>>)
    %mul3A_1271 = arith.constant 8 : i32
    %mul3A_1272 = arith.muli %mul3A_1271, %arg0 : i32
    %add3A_1273 = arith.constant 5 : i32
    %add3A_1274 = arith.addi %mul3A_1272, %add3A_1273 : i32
    %dma_start3A_1275 = arith.constant 5 : i32
    %dma_start3A_1276 = arith.constant 0 : i32
    %dma_start3A_1277 = arith.constant 1408 : i32
    %dma_start3A_1278 = arith.constant 0 : i32
    %dma_start3A_1279 = tpu.memref_slice %arg2[%dma_start3A_1276, %add3A_1274, %dma_start3A_1277, %dma_start3A_1278] : memref<1x16x2048x2048xf32, #tpu.memory_space<hbm>> -> memref<1x1x128x2048xf32, #tpu.memory_space<hbm>>
    %dma_start3A_1280 = tpu.memref_squeeze %dma_start3A_1279 : memref<1x1x128x2048xf32, #tpu.memory_space<hbm>> -> memref<128x2048xf32, #tpu.memory_space<hbm>>
    %dma_start3A_1281 = arith.constant 0 : i32
    %dma_start3A_1282 = arith.constant 512 : i32
    %dma_start3A_1283 = tpu.memref_slice %arg1[%dma_start3A_1275, %dma_start3A_1281, %dma_start3A_1282] : memref<8x128x3968xf32, #tpu.memory_space<vmem>> -> memref<1x128x2048xf32, #tpu.memory_space<vmem>>
    %dma_start3A_1284 = tpu.memref_squeeze %dma_start3A_1283 : memref<1x128x2048xf32, #tpu.memory_space<vmem>> -> memref<128x2048xf32, #tpu.memory_space<vmem>>
    tpu.enqueue_dma source(%dma_start3A_1284 : memref<128x2048xf32, #tpu.memory_space<vmem>>) target(%dma_start3A_1280 : memref<128x2048xf32, #tpu.memory_space<hbm>>) target_semaphore(%arg3 : memref<!tpu.dma_semaphore, #tpu.memory_space<semaphore_mem>>)
    %mul3A_1285 = arith.constant 8 : i32
    %mul3A_1286 = arith.muli %mul3A_1285, %arg0 : i32
    %add3A_1287 = arith.constant 5 : i32
    %add3A_1288 = arith.addi %mul3A_1286, %add3A_1287 : i32
    %dma_start3A_1289 = arith.constant 5 : i32
    %dma_start3A_1290 = arith.constant 0 : i32
    %dma_start3A_1291 = arith.constant 1536 : i32
    %dma_start3A_1292 = arith.constant 0 : i32
    %dma_start3A_1293 = tpu.memref_slice %arg2[%dma_start3A_1290, %add3A_1288, %dma_start3A_1291, %dma_start3A_1292] : memref<1x16x2048x2048xf32, #tpu.memory_space<hbm>> -> memref<1x1x128x2048xf32, #tpu.memory_space<hbm>>
    %dma_start3A_1294 = tpu.memref_squeeze %dma_start3A_1293 : memref<1x1x128x2048xf32, #tpu.memory_space<hbm>> -> memref<128x2048xf32, #tpu.memory_space<hbm>>
    %dma_start3A_1295 = arith.constant 0 : i32
    %dma_start3A_1296 = arith.constant 384 : i32
    %dma_start3A_1297 = tpu.memref_slice %arg1[%dma_start3A_1289, %dma_start3A_1295, %dma_start3A_1296] : memref<8x128x3968xf32, #tpu.memory_space<vmem>> -> memref<1x128x2048xf32, #tpu.memory_space<vmem>>
    %dma_start3A_1298 = tpu.memref_squeeze %dma_start3A_1297 : memref<1x128x2048xf32, #tpu.memory_space<vmem>> -> memref<128x2048xf32, #tpu.memory_space<vmem>>
    tpu.enqueue_dma source(%dma_start3A_1298 : memref<128x2048xf32, #tpu.memory_space<vmem>>) target(%dma_start3A_1294 : memref<128x2048xf32, #tpu.memory_space<hbm>>) target_semaphore(%arg3 : memref<!tpu.dma_semaphore, #tpu.memory_space<semaphore_mem>>)
    %mul3A_1299 = arith.constant 8 : i32
    %mul3A_1300 = arith.muli %mul3A_1299, %arg0 : i32
    %add3A_1301 = arith.constant 5 : i32
    %add3A_1302 = arith.addi %mul3A_1300, %add3A_1301 : i32
    %dma_start3A_1303 = arith.constant 5 : i32
    %dma_start3A_1304 = arith.constant 0 : i32
    %dma_start3A_1305 = arith.constant 1664 : i32
    %dma_start3A_1306 = arith.constant 0 : i32
    %dma_start3A_1307 = tpu.memref_slice %arg2[%dma_start3A_1304, %add3A_1302, %dma_start3A_1305, %dma_start3A_1306] : memref<1x16x2048x2048xf32, #tpu.memory_space<hbm>> -> memref<1x1x128x2048xf32, #tpu.memory_space<hbm>>
    %dma_start3A_1308 = tpu.memref_squeeze %dma_start3A_1307 : memref<1x1x128x2048xf32, #tpu.memory_space<hbm>> -> memref<128x2048xf32, #tpu.memory_space<hbm>>
    %dma_start3A_1309 = arith.constant 0 : i32
    %dma_start3A_1310 = arith.constant 256 : i32
    %dma_start3A_1311 = tpu.memref_slice %arg1[%dma_start3A_1303, %dma_start3A_1309, %dma_start3A_1310] : memref<8x128x3968xf32, #tpu.memory_space<vmem>> -> memref<1x128x2048xf32, #tpu.memory_space<vmem>>
    %dma_start3A_1312 = tpu.memref_squeeze %dma_start3A_1311 : memref<1x128x2048xf32, #tpu.memory_space<vmem>> -> memref<128x2048xf32, #tpu.memory_space<vmem>>
    tpu.enqueue_dma source(%dma_start3A_1312 : memref<128x2048xf32, #tpu.memory_space<vmem>>) target(%dma_start3A_1308 : memref<128x2048xf32, #tpu.memory_space<hbm>>) target_semaphore(%arg3 : memref<!tpu.dma_semaphore, #tpu.memory_space<semaphore_mem>>)
    %mul3A_1313 = arith.constant 8 : i32
    %mul3A_1314 = arith.muli %mul3A_1313, %arg0 : i32
    %add3A_1315 = arith.constant 5 : i32
    %add3A_1316 = arith.addi %mul3A_1314, %add3A_1315 : i32
    %dma_start3A_1317 = arith.constant 5 : i32
    %dma_start3A_1318 = arith.constant 0 : i32
    %dma_start3A_1319 = arith.constant 1792 : i32
    %dma_start3A_1320 = arith.constant 0 : i32
    %dma_start3A_1321 = tpu.memref_slice %arg2[%dma_start3A_1318, %add3A_1316, %dma_start3A_1319, %dma_start3A_1320] : memref<1x16x2048x2048xf32, #tpu.memory_space<hbm>> -> memref<1x1x128x2048xf32, #tpu.memory_space<hbm>>
    %dma_start3A_1322 = tpu.memref_squeeze %dma_start3A_1321 : memref<1x1x128x2048xf32, #tpu.memory_space<hbm>> -> memref<128x2048xf32, #tpu.memory_space<hbm>>
    %dma_start3A_1323 = arith.constant 0 : i32
    %dma_start3A_1324 = arith.constant 128 : i32
    %dma_start3A_1325 = tpu.memref_slice %arg1[%dma_start3A_1317, %dma_start3A_1323, %dma_start3A_1324] : memref<8x128x3968xf32, #tpu.memory_space<vmem>> -> memref<1x128x2048xf32, #tpu.memory_space<vmem>>
    %dma_start3A_1326 = tpu.memref_squeeze %dma_start3A_1325 : memref<1x128x2048xf32, #tpu.memory_space<vmem>> -> memref<128x2048xf32, #tpu.memory_space<vmem>>
    tpu.enqueue_dma source(%dma_start3A_1326 : memref<128x2048xf32, #tpu.memory_space<vmem>>) target(%dma_start3A_1322 : memref<128x2048xf32, #tpu.memory_space<hbm>>) target_semaphore(%arg3 : memref<!tpu.dma_semaphore, #tpu.memory_space<semaphore_mem>>)
    %mul3A_1327 = arith.constant 8 : i32
    %mul3A_1328 = arith.muli %mul3A_1327, %arg0 : i32
    %add3A_1329 = arith.constant 5 : i32
    %add3A_1330 = arith.addi %mul3A_1328, %add3A_1329 : i32
    %dma_start3A_1331 = arith.constant 5 : i32
    %dma_start3A_1332 = arith.constant 0 : i32
    %dma_start3A_1333 = arith.constant 1920 : i32
    %dma_start3A_1334 = arith.constant 0 : i32
    %dma_start3A_1335 = tpu.memref_slice %arg2[%dma_start3A_1332, %add3A_1330, %dma_start3A_1333, %dma_start3A_1334] : memref<1x16x2048x2048xf32, #tpu.memory_space<hbm>> -> memref<1x1x128x2048xf32, #tpu.memory_space<hbm>>
    %dma_start3A_1336 = tpu.memref_squeeze %dma_start3A_1335 : memref<1x1x128x2048xf32, #tpu.memory_space<hbm>> -> memref<128x2048xf32, #tpu.memory_space<hbm>>
    %dma_start3A_1337 = arith.constant 0 : i32
    %dma_start3A_1338 = arith.constant 0 : i32
    %dma_start3A_1339 = tpu.memref_slice %arg1[%dma_start3A_1331, %dma_start3A_1337, %dma_start3A_1338] : memref<8x128x3968xf32, #tpu.memory_space<vmem>> -> memref<1x128x2048xf32, #tpu.memory_space<vmem>>
    %dma_start3A_1340 = tpu.memref_squeeze %dma_start3A_1339 : memref<1x128x2048xf32, #tpu.memory_space<vmem>> -> memref<128x2048xf32, #tpu.memory_space<vmem>>
    tpu.enqueue_dma source(%dma_start3A_1340 : memref<128x2048xf32, #tpu.memory_space<vmem>>) target(%dma_start3A_1336 : memref<128x2048xf32, #tpu.memory_space<hbm>>) target_semaphore(%arg3 : memref<!tpu.dma_semaphore, #tpu.memory_space<semaphore_mem>>)
    %mul3A_1341 = arith.constant 8 : i32
    %mul3A_1342 = arith.muli %mul3A_1341, %arg0 : i32
    %add3A_1343 = arith.constant 6 : i32
    %add3A_1344 = arith.addi %mul3A_1342, %add3A_1343 : i32
    %dma_start3A_1345 = arith.constant 6 : i32
    %dma_start3A_1346 = arith.constant 0 : i32
    %dma_start3A_1347 = arith.constant 0 : i32
    %dma_start3A_1348 = arith.constant 0 : i32
    %dma_start3A_1349 = tpu.memref_slice %arg2[%dma_start3A_1346, %add3A_1344, %dma_start3A_1347, %dma_start3A_1348] : memref<1x16x2048x2048xf32, #tpu.memory_space<hbm>> -> memref<1x1x128x2048xf32, #tpu.memory_space<hbm>>
    %dma_start3A_1350 = tpu.memref_squeeze %dma_start3A_1349 : memref<1x1x128x2048xf32, #tpu.memory_space<hbm>> -> memref<128x2048xf32, #tpu.memory_space<hbm>>
    %dma_start3A_1351 = arith.constant 0 : i32
    %dma_start3A_1352 = arith.constant 1920 : i32
    %dma_start3A_1353 = tpu.memref_slice %arg1[%dma_start3A_1345, %dma_start3A_1351, %dma_start3A_1352] : memref<8x128x3968xf32, #tpu.memory_space<vmem>> -> memref<1x128x2048xf32, #tpu.memory_space<vmem>>
    %dma_start3A_1354 = tpu.memref_squeeze %dma_start3A_1353 : memref<1x128x2048xf32, #tpu.memory_space<vmem>> -> memref<128x2048xf32, #tpu.memory_space<vmem>>
    tpu.enqueue_dma source(%dma_start3A_1354 : memref<128x2048xf32, #tpu.memory_space<vmem>>) target(%dma_start3A_1350 : memref<128x2048xf32, #tpu.memory_space<hbm>>) target_semaphore(%arg3 : memref<!tpu.dma_semaphore, #tpu.memory_space<semaphore_mem>>)
    %mul3A_1355 = arith.constant 8 : i32
    %mul3A_1356 = arith.muli %mul3A_1355, %arg0 : i32
    %add3A_1357 = arith.constant 6 : i32
    %add3A_1358 = arith.addi %mul3A_1356, %add3A_1357 : i32
    %dma_start3A_1359 = arith.constant 6 : i32
    %dma_start3A_1360 = arith.constant 0 : i32
    %dma_start3A_1361 = arith.constant 128 : i32
    %dma_start3A_1362 = arith.constant 0 : i32
    %dma_start3A_1363 = tpu.memref_slice %arg2[%dma_start3A_1360, %add3A_1358, %dma_start3A_1361, %dma_start3A_1362] : memref<1x16x2048x2048xf32, #tpu.memory_space<hbm>> -> memref<1x1x128x2048xf32, #tpu.memory_space<hbm>>
    %dma_start3A_1364 = tpu.memref_squeeze %dma_start3A_1363 : memref<1x1x128x2048xf32, #tpu.memory_space<hbm>> -> memref<128x2048xf32, #tpu.memory_space<hbm>>
    %dma_start3A_1365 = arith.constant 0 : i32
    %dma_start3A_1366 = arith.constant 1792 : i32
    %dma_start3A_1367 = tpu.memref_slice %arg1[%dma_start3A_1359, %dma_start3A_1365, %dma_start3A_1366] : memref<8x128x3968xf32, #tpu.memory_space<vmem>> -> memref<1x128x2048xf32, #tpu.memory_space<vmem>>
    %dma_start3A_1368 = tpu.memref_squeeze %dma_start3A_1367 : memref<1x128x2048xf32, #tpu.memory_space<vmem>> -> memref<128x2048xf32, #tpu.memory_space<vmem>>
    tpu.enqueue_dma source(%dma_start3A_1368 : memref<128x2048xf32, #tpu.memory_space<vmem>>) target(%dma_start3A_1364 : memref<128x2048xf32, #tpu.memory_space<hbm>>) target_semaphore(%arg3 : memref<!tpu.dma_semaphore, #tpu.memory_space<semaphore_mem>>)
    %mul3A_1369 = arith.constant 8 : i32
    %mul3A_1370 = arith.muli %mul3A_1369, %arg0 : i32
    %add3A_1371 = arith.constant 6 : i32
    %add3A_1372 = arith.addi %mul3A_1370, %add3A_1371 : i32
    %dma_start3A_1373 = arith.constant 6 : i32
    %dma_start3A_1374 = arith.constant 0 : i32
    %dma_start3A_1375 = arith.constant 256 : i32
    %dma_start3A_1376 = arith.constant 0 : i32
    %dma_start3A_1377 = tpu.memref_slice %arg2[%dma_start3A_1374, %add3A_1372, %dma_start3A_1375, %dma_start3A_1376] : memref<1x16x2048x2048xf32, #tpu.memory_space<hbm>> -> memref<1x1x128x2048xf32, #tpu.memory_space<hbm>>
    %dma_start3A_1378 = tpu.memref_squeeze %dma_start3A_1377 : memref<1x1x128x2048xf32, #tpu.memory_space<hbm>> -> memref<128x2048xf32, #tpu.memory_space<hbm>>
    %dma_start3A_1379 = arith.constant 0 : i32
    %dma_start3A_1380 = arith.constant 1664 : i32
    %dma_start3A_1381 = tpu.memref_slice %arg1[%dma_start3A_1373, %dma_start3A_1379, %dma_start3A_1380] : memref<8x128x3968xf32, #tpu.memory_space<vmem>> -> memref<1x128x2048xf32, #tpu.memory_space<vmem>>
    %dma_start3A_1382 = tpu.memref_squeeze %dma_start3A_1381 : memref<1x128x2048xf32, #tpu.memory_space<vmem>> -> memref<128x2048xf32, #tpu.memory_space<vmem>>
    tpu.enqueue_dma source(%dma_start3A_1382 : memref<128x2048xf32, #tpu.memory_space<vmem>>) target(%dma_start3A_1378 : memref<128x2048xf32, #tpu.memory_space<hbm>>) target_semaphore(%arg3 : memref<!tpu.dma_semaphore, #tpu.memory_space<semaphore_mem>>)
    %mul3A_1383 = arith.constant 8 : i32
    %mul3A_1384 = arith.muli %mul3A_1383, %arg0 : i32
    %add3A_1385 = arith.constant 6 : i32
    %add3A_1386 = arith.addi %mul3A_1384, %add3A_1385 : i32
    %dma_start3A_1387 = arith.constant 6 : i32
    %dma_start3A_1388 = arith.constant 0 : i32
    %dma_start3A_1389 = arith.constant 384 : i32
    %dma_start3A_1390 = arith.constant 0 : i32
    %dma_start3A_1391 = tpu.memref_slice %arg2[%dma_start3A_1388, %add3A_1386, %dma_start3A_1389, %dma_start3A_1390] : memref<1x16x2048x2048xf32, #tpu.memory_space<hbm>> -> memref<1x1x128x2048xf32, #tpu.memory_space<hbm>>
    %dma_start3A_1392 = tpu.memref_squeeze %dma_start3A_1391 : memref<1x1x128x2048xf32, #tpu.memory_space<hbm>> -> memref<128x2048xf32, #tpu.memory_space<hbm>>
    %dma_start3A_1393 = arith.constant 0 : i32
    %dma_start3A_1394 = arith.constant 1536 : i32
    %dma_start3A_1395 = tpu.memref_slice %arg1[%dma_start3A_1387, %dma_start3A_1393, %dma_start3A_1394] : memref<8x128x3968xf32, #tpu.memory_space<vmem>> -> memref<1x128x2048xf32, #tpu.memory_space<vmem>>
    %dma_start3A_1396 = tpu.memref_squeeze %dma_start3A_1395 : memref<1x128x2048xf32, #tpu.memory_space<vmem>> -> memref<128x2048xf32, #tpu.memory_space<vmem>>
    tpu.enqueue_dma source(%dma_start3A_1396 : memref<128x2048xf32, #tpu.memory_space<vmem>>) target(%dma_start3A_1392 : memref<128x2048xf32, #tpu.memory_space<hbm>>) target_semaphore(%arg3 : memref<!tpu.dma_semaphore, #tpu.memory_space<semaphore_mem>>)
    %mul3A_1397 = arith.constant 8 : i32
    %mul3A_1398 = arith.muli %mul3A_1397, %arg0 : i32
    %add3A_1399 = arith.constant 6 : i32
    %add3A_1400 = arith.addi %mul3A_1398, %add3A_1399 : i32
    %dma_start3A_1401 = arith.constant 6 : i32
    %dma_start3A_1402 = arith.constant 0 : i32
    %dma_start3A_1403 = arith.constant 512 : i32
    %dma_start3A_1404 = arith.constant 0 : i32
    %dma_start3A_1405 = tpu.memref_slice %arg2[%dma_start3A_1402, %add3A_1400, %dma_start3A_1403, %dma_start3A_1404] : memref<1x16x2048x2048xf32, #tpu.memory_space<hbm>> -> memref<1x1x128x2048xf32, #tpu.memory_space<hbm>>
    %dma_start3A_1406 = tpu.memref_squeeze %dma_start3A_1405 : memref<1x1x128x2048xf32, #tpu.memory_space<hbm>> -> memref<128x2048xf32, #tpu.memory_space<hbm>>
    %dma_start3A_1407 = arith.constant 0 : i32
    %dma_start3A_1408 = arith.constant 1408 : i32
    %dma_start3A_1409 = tpu.memref_slice %arg1[%dma_start3A_1401, %dma_start3A_1407, %dma_start3A_1408] : memref<8x128x3968xf32, #tpu.memory_space<vmem>> -> memref<1x128x2048xf32, #tpu.memory_space<vmem>>
    %dma_start3A_1410 = tpu.memref_squeeze %dma_start3A_1409 : memref<1x128x2048xf32, #tpu.memory_space<vmem>> -> memref<128x2048xf32, #tpu.memory_space<vmem>>
    tpu.enqueue_dma source(%dma_start3A_1410 : memref<128x2048xf32, #tpu.memory_space<vmem>>) target(%dma_start3A_1406 : memref<128x2048xf32, #tpu.memory_space<hbm>>) target_semaphore(%arg3 : memref<!tpu.dma_semaphore, #tpu.memory_space<semaphore_mem>>)
    %mul3A_1411 = arith.constant 8 : i32
    %mul3A_1412 = arith.muli %mul3A_1411, %arg0 : i32
    %add3A_1413 = arith.constant 6 : i32
    %add3A_1414 = arith.addi %mul3A_1412, %add3A_1413 : i32
    %dma_start3A_1415 = arith.constant 6 : i32
    %dma_start3A_1416 = arith.constant 0 : i32
    %dma_start3A_1417 = arith.constant 640 : i32
    %dma_start3A_1418 = arith.constant 0 : i32
    %dma_start3A_1419 = tpu.memref_slice %arg2[%dma_start3A_1416, %add3A_1414, %dma_start3A_1417, %dma_start3A_1418] : memref<1x16x2048x2048xf32, #tpu.memory_space<hbm>> -> memref<1x1x128x2048xf32, #tpu.memory_space<hbm>>
    %dma_start3A_1420 = tpu.memref_squeeze %dma_start3A_1419 : memref<1x1x128x2048xf32, #tpu.memory_space<hbm>> -> memref<128x2048xf32, #tpu.memory_space<hbm>>
    %dma_start3A_1421 = arith.constant 0 : i32
    %dma_start3A_1422 = arith.constant 1280 : i32
    %dma_start3A_1423 = tpu.memref_slice %arg1[%dma_start3A_1415, %dma_start3A_1421, %dma_start3A_1422] : memref<8x128x3968xf32, #tpu.memory_space<vmem>> -> memref<1x128x2048xf32, #tpu.memory_space<vmem>>
    %dma_start3A_1424 = tpu.memref_squeeze %dma_start3A_1423 : memref<1x128x2048xf32, #tpu.memory_space<vmem>> -> memref<128x2048xf32, #tpu.memory_space<vmem>>
    tpu.enqueue_dma source(%dma_start3A_1424 : memref<128x2048xf32, #tpu.memory_space<vmem>>) target(%dma_start3A_1420 : memref<128x2048xf32, #tpu.memory_space<hbm>>) target_semaphore(%arg3 : memref<!tpu.dma_semaphore, #tpu.memory_space<semaphore_mem>>)
    %mul3A_1425 = arith.constant 8 : i32
    %mul3A_1426 = arith.muli %mul3A_1425, %arg0 : i32
    %add3A_1427 = arith.constant 6 : i32
    %add3A_1428 = arith.addi %mul3A_1426, %add3A_1427 : i32
    %dma_start3A_1429 = arith.constant 6 : i32
    %dma_start3A_1430 = arith.constant 0 : i32
    %dma_start3A_1431 = arith.constant 768 : i32
    %dma_start3A_1432 = arith.constant 0 : i32
    %dma_start3A_1433 = tpu.memref_slice %arg2[%dma_start3A_1430, %add3A_1428, %dma_start3A_1431, %dma_start3A_1432] : memref<1x16x2048x2048xf32, #tpu.memory_space<hbm>> -> memref<1x1x128x2048xf32, #tpu.memory_space<hbm>>
    %dma_start3A_1434 = tpu.memref_squeeze %dma_start3A_1433 : memref<1x1x128x2048xf32, #tpu.memory_space<hbm>> -> memref<128x2048xf32, #tpu.memory_space<hbm>>
    %dma_start3A_1435 = arith.constant 0 : i32
    %dma_start3A_1436 = arith.constant 1152 : i32
    %dma_start3A_1437 = tpu.memref_slice %arg1[%dma_start3A_1429, %dma_start3A_1435, %dma_start3A_1436] : memref<8x128x3968xf32, #tpu.memory_space<vmem>> -> memref<1x128x2048xf32, #tpu.memory_space<vmem>>
    %dma_start3A_1438 = tpu.memref_squeeze %dma_start3A_1437 : memref<1x128x2048xf32, #tpu.memory_space<vmem>> -> memref<128x2048xf32, #tpu.memory_space<vmem>>
    tpu.enqueue_dma source(%dma_start3A_1438 : memref<128x2048xf32, #tpu.memory_space<vmem>>) target(%dma_start3A_1434 : memref<128x2048xf32, #tpu.memory_space<hbm>>) target_semaphore(%arg3 : memref<!tpu.dma_semaphore, #tpu.memory_space<semaphore_mem>>)
    %mul3A_1439 = arith.constant 8 : i32
    %mul3A_1440 = arith.muli %mul3A_1439, %arg0 : i32
    %add3A_1441 = arith.constant 6 : i32
    %add3A_1442 = arith.addi %mul3A_1440, %add3A_1441 : i32
    %dma_start3A_1443 = arith.constant 6 : i32
    %dma_start3A_1444 = arith.constant 0 : i32
    %dma_start3A_1445 = arith.constant 896 : i32
    %dma_start3A_1446 = arith.constant 0 : i32
    %dma_start3A_1447 = tpu.memref_slice %arg2[%dma_start3A_1444, %add3A_1442, %dma_start3A_1445, %dma_start3A_1446] : memref<1x16x2048x2048xf32, #tpu.memory_space<hbm>> -> memref<1x1x128x2048xf32, #tpu.memory_space<hbm>>
    %dma_start3A_1448 = tpu.memref_squeeze %dma_start3A_1447 : memref<1x1x128x2048xf32, #tpu.memory_space<hbm>> -> memref<128x2048xf32, #tpu.memory_space<hbm>>
    %dma_start3A_1449 = arith.constant 0 : i32
    %dma_start3A_1450 = arith.constant 1024 : i32
    %dma_start3A_1451 = tpu.memref_slice %arg1[%dma_start3A_1443, %dma_start3A_1449, %dma_start3A_1450] : memref<8x128x3968xf32, #tpu.memory_space<vmem>> -> memref<1x128x2048xf32, #tpu.memory_space<vmem>>
    %dma_start3A_1452 = tpu.memref_squeeze %dma_start3A_1451 : memref<1x128x2048xf32, #tpu.memory_space<vmem>> -> memref<128x2048xf32, #tpu.memory_space<vmem>>
    tpu.enqueue_dma source(%dma_start3A_1452 : memref<128x2048xf32, #tpu.memory_space<vmem>>) target(%dma_start3A_1448 : memref<128x2048xf32, #tpu.memory_space<hbm>>) target_semaphore(%arg3 : memref<!tpu.dma_semaphore, #tpu.memory_space<semaphore_mem>>)
    %mul3A_1453 = arith.constant 8 : i32
    %mul3A_1454 = arith.muli %mul3A_1453, %arg0 : i32
    %add3A_1455 = arith.constant 6 : i32
    %add3A_1456 = arith.addi %mul3A_1454, %add3A_1455 : i32
    %dma_start3A_1457 = arith.constant 6 : i32
    %dma_start3A_1458 = arith.constant 0 : i32
    %dma_start3A_1459 = arith.constant 1024 : i32
    %dma_start3A_1460 = arith.constant 0 : i32
    %dma_start3A_1461 = tpu.memref_slice %arg2[%dma_start3A_1458, %add3A_1456, %dma_start3A_1459, %dma_start3A_1460] : memref<1x16x2048x2048xf32, #tpu.memory_space<hbm>> -> memref<1x1x128x2048xf32, #tpu.memory_space<hbm>>
    %dma_start3A_1462 = tpu.memref_squeeze %dma_start3A_1461 : memref<1x1x128x2048xf32, #tpu.memory_space<hbm>> -> memref<128x2048xf32, #tpu.memory_space<hbm>>
    %dma_start3A_1463 = arith.constant 0 : i32
    %dma_start3A_1464 = arith.constant 896 : i32
    %dma_start3A_1465 = tpu.memref_slice %arg1[%dma_start3A_1457, %dma_start3A_1463, %dma_start3A_1464] : memref<8x128x3968xf32, #tpu.memory_space<vmem>> -> memref<1x128x2048xf32, #tpu.memory_space<vmem>>
    %dma_start3A_1466 = tpu.memref_squeeze %dma_start3A_1465 : memref<1x128x2048xf32, #tpu.memory_space<vmem>> -> memref<128x2048xf32, #tpu.memory_space<vmem>>
    tpu.enqueue_dma source(%dma_start3A_1466 : memref<128x2048xf32, #tpu.memory_space<vmem>>) target(%dma_start3A_1462 : memref<128x2048xf32, #tpu.memory_space<hbm>>) target_semaphore(%arg3 : memref<!tpu.dma_semaphore, #tpu.memory_space<semaphore_mem>>)
    %mul3A_1467 = arith.constant 8 : i32
    %mul3A_1468 = arith.muli %mul3A_1467, %arg0 : i32
    %add3A_1469 = arith.constant 6 : i32
    %add3A_1470 = arith.addi %mul3A_1468, %add3A_1469 : i32
    %dma_start3A_1471 = arith.constant 6 : i32
    %dma_start3A_1472 = arith.constant 0 : i32
    %dma_start3A_1473 = arith.constant 1152 : i32
    %dma_start3A_1474 = arith.constant 0 : i32
    %dma_start3A_1475 = tpu.memref_slice %arg2[%dma_start3A_1472, %add3A_1470, %dma_start3A_1473, %dma_start3A_1474] : memref<1x16x2048x2048xf32, #tpu.memory_space<hbm>> -> memref<1x1x128x2048xf32, #tpu.memory_space<hbm>>
    %dma_start3A_1476 = tpu.memref_squeeze %dma_start3A_1475 : memref<1x1x128x2048xf32, #tpu.memory_space<hbm>> -> memref<128x2048xf32, #tpu.memory_space<hbm>>
    %dma_start3A_1477 = arith.constant 0 : i32
    %dma_start3A_1478 = arith.constant 768 : i32
    %dma_start3A_1479 = tpu.memref_slice %arg1[%dma_start3A_1471, %dma_start3A_1477, %dma_start3A_1478] : memref<8x128x3968xf32, #tpu.memory_space<vmem>> -> memref<1x128x2048xf32, #tpu.memory_space<vmem>>
    %dma_start3A_1480 = tpu.memref_squeeze %dma_start3A_1479 : memref<1x128x2048xf32, #tpu.memory_space<vmem>> -> memref<128x2048xf32, #tpu.memory_space<vmem>>
    tpu.enqueue_dma source(%dma_start3A_1480 : memref<128x2048xf32, #tpu.memory_space<vmem>>) target(%dma_start3A_1476 : memref<128x2048xf32, #tpu.memory_space<hbm>>) target_semaphore(%arg3 : memref<!tpu.dma_semaphore, #tpu.memory_space<semaphore_mem>>)
    %mul3A_1481 = arith.constant 8 : i32
    %mul3A_1482 = arith.muli %mul3A_1481, %arg0 : i32
    %add3A_1483 = arith.constant 6 : i32
    %add3A_1484 = arith.addi %mul3A_1482, %add3A_1483 : i32
    %dma_start3A_1485 = arith.constant 6 : i32
    %dma_start3A_1486 = arith.constant 0 : i32
    %dma_start3A_1487 = arith.constant 1280 : i32
    %dma_start3A_1488 = arith.constant 0 : i32
    %dma_start3A_1489 = tpu.memref_slice %arg2[%dma_start3A_1486, %add3A_1484, %dma_start3A_1487, %dma_start3A_1488] : memref<1x16x2048x2048xf32, #tpu.memory_space<hbm>> -> memref<1x1x128x2048xf32, #tpu.memory_space<hbm>>
    %dma_start3A_1490 = tpu.memref_squeeze %dma_start3A_1489 : memref<1x1x128x2048xf32, #tpu.memory_space<hbm>> -> memref<128x2048xf32, #tpu.memory_space<hbm>>
    %dma_start3A_1491 = arith.constant 0 : i32
    %dma_start3A_1492 = arith.constant 640 : i32
    %dma_start3A_1493 = tpu.memref_slice %arg1[%dma_start3A_1485, %dma_start3A_1491, %dma_start3A_1492] : memref<8x128x3968xf32, #tpu.memory_space<vmem>> -> memref<1x128x2048xf32, #tpu.memory_space<vmem>>
    %dma_start3A_1494 = tpu.memref_squeeze %dma_start3A_1493 : memref<1x128x2048xf32, #tpu.memory_space<vmem>> -> memref<128x2048xf32, #tpu.memory_space<vmem>>
    tpu.enqueue_dma source(%dma_start3A_1494 : memref<128x2048xf32, #tpu.memory_space<vmem>>) target(%dma_start3A_1490 : memref<128x2048xf32, #tpu.memory_space<hbm>>) target_semaphore(%arg3 : memref<!tpu.dma_semaphore, #tpu.memory_space<semaphore_mem>>)
    %mul3A_1495 = arith.constant 8 : i32
    %mul3A_1496 = arith.muli %mul3A_1495, %arg0 : i32
    %add3A_1497 = arith.constant 6 : i32
    %add3A_1498 = arith.addi %mul3A_1496, %add3A_1497 : i32
    %dma_start3A_1499 = arith.constant 6 : i32
    %dma_start3A_1500 = arith.constant 0 : i32
    %dma_start3A_1501 = arith.constant 1408 : i32
    %dma_start3A_1502 = arith.constant 0 : i32
    %dma_start3A_1503 = tpu.memref_slice %arg2[%dma_start3A_1500, %add3A_1498, %dma_start3A_1501, %dma_start3A_1502] : memref<1x16x2048x2048xf32, #tpu.memory_space<hbm>> -> memref<1x1x128x2048xf32, #tpu.memory_space<hbm>>
    %dma_start3A_1504 = tpu.memref_squeeze %dma_start3A_1503 : memref<1x1x128x2048xf32, #tpu.memory_space<hbm>> -> memref<128x2048xf32, #tpu.memory_space<hbm>>
    %dma_start3A_1505 = arith.constant 0 : i32
    %dma_start3A_1506 = arith.constant 512 : i32
    %dma_start3A_1507 = tpu.memref_slice %arg1[%dma_start3A_1499, %dma_start3A_1505, %dma_start3A_1506] : memref<8x128x3968xf32, #tpu.memory_space<vmem>> -> memref<1x128x2048xf32, #tpu.memory_space<vmem>>
    %dma_start3A_1508 = tpu.memref_squeeze %dma_start3A_1507 : memref<1x128x2048xf32, #tpu.memory_space<vmem>> -> memref<128x2048xf32, #tpu.memory_space<vmem>>
    tpu.enqueue_dma source(%dma_start3A_1508 : memref<128x2048xf32, #tpu.memory_space<vmem>>) target(%dma_start3A_1504 : memref<128x2048xf32, #tpu.memory_space<hbm>>) target_semaphore(%arg3 : memref<!tpu.dma_semaphore, #tpu.memory_space<semaphore_mem>>)
    %mul3A_1509 = arith.constant 8 : i32
    %mul3A_1510 = arith.muli %mul3A_1509, %arg0 : i32
    %add3A_1511 = arith.constant 6 : i32
    %add3A_1512 = arith.addi %mul3A_1510, %add3A_1511 : i32
    %dma_start3A_1513 = arith.constant 6 : i32
    %dma_start3A_1514 = arith.constant 0 : i32
    %dma_start3A_1515 = arith.constant 1536 : i32
    %dma_start3A_1516 = arith.constant 0 : i32
    %dma_start3A_1517 = tpu.memref_slice %arg2[%dma_start3A_1514, %add3A_1512, %dma_start3A_1515, %dma_start3A_1516] : memref<1x16x2048x2048xf32, #tpu.memory_space<hbm>> -> memref<1x1x128x2048xf32, #tpu.memory_space<hbm>>
    %dma_start3A_1518 = tpu.memref_squeeze %dma_start3A_1517 : memref<1x1x128x2048xf32, #tpu.memory_space<hbm>> -> memref<128x2048xf32, #tpu.memory_space<hbm>>
    %dma_start3A_1519 = arith.constant 0 : i32
    %dma_start3A_1520 = arith.constant 384 : i32
    %dma_start3A_1521 = tpu.memref_slice %arg1[%dma_start3A_1513, %dma_start3A_1519, %dma_start3A_1520] : memref<8x128x3968xf32, #tpu.memory_space<vmem>> -> memref<1x128x2048xf32, #tpu.memory_space<vmem>>
    %dma_start3A_1522 = tpu.memref_squeeze %dma_start3A_1521 : memref<1x128x2048xf32, #tpu.memory_space<vmem>> -> memref<128x2048xf32, #tpu.memory_space<vmem>>
    tpu.enqueue_dma source(%dma_start3A_1522 : memref<128x2048xf32, #tpu.memory_space<vmem>>) target(%dma_start3A_1518 : memref<128x2048xf32, #tpu.memory_space<hbm>>) target_semaphore(%arg3 : memref<!tpu.dma_semaphore, #tpu.memory_space<semaphore_mem>>)
    %mul3A_1523 = arith.constant 8 : i32
    %mul3A_1524 = arith.muli %mul3A_1523, %arg0 : i32
    %add3A_1525 = arith.constant 6 : i32
    %add3A_1526 = arith.addi %mul3A_1524, %add3A_1525 : i32
    %dma_start3A_1527 = arith.constant 6 : i32
    %dma_start3A_1528 = arith.constant 0 : i32
    %dma_start3A_1529 = arith.constant 1664 : i32
    %dma_start3A_1530 = arith.constant 0 : i32
    %dma_start3A_1531 = tpu.memref_slice %arg2[%dma_start3A_1528, %add3A_1526, %dma_start3A_1529, %dma_start3A_1530] : memref<1x16x2048x2048xf32, #tpu.memory_space<hbm>> -> memref<1x1x128x2048xf32, #tpu.memory_space<hbm>>
    %dma_start3A_1532 = tpu.memref_squeeze %dma_start3A_1531 : memref<1x1x128x2048xf32, #tpu.memory_space<hbm>> -> memref<128x2048xf32, #tpu.memory_space<hbm>>
    %dma_start3A_1533 = arith.constant 0 : i32
    %dma_start3A_1534 = arith.constant 256 : i32
    %dma_start3A_1535 = tpu.memref_slice %arg1[%dma_start3A_1527, %dma_start3A_1533, %dma_start3A_1534] : memref<8x128x3968xf32, #tpu.memory_space<vmem>> -> memref<1x128x2048xf32, #tpu.memory_space<vmem>>
    %dma_start3A_1536 = tpu.memref_squeeze %dma_start3A_1535 : memref<1x128x2048xf32, #tpu.memory_space<vmem>> -> memref<128x2048xf32, #tpu.memory_space<vmem>>
    tpu.enqueue_dma source(%dma_start3A_1536 : memref<128x2048xf32, #tpu.memory_space<vmem>>) target(%dma_start3A_1532 : memref<128x2048xf32, #tpu.memory_space<hbm>>) target_semaphore(%arg3 : memref<!tpu.dma_semaphore, #tpu.memory_space<semaphore_mem>>)
    %mul3A_1537 = arith.constant 8 : i32
    %mul3A_1538 = arith.muli %mul3A_1537, %arg0 : i32
    %add3A_1539 = arith.constant 6 : i32
    %add3A_1540 = arith.addi %mul3A_1538, %add3A_1539 : i32
    %dma_start3A_1541 = arith.constant 6 : i32
    %dma_start3A_1542 = arith.constant 0 : i32
    %dma_start3A_1543 = arith.constant 1792 : i32
    %dma_start3A_1544 = arith.constant 0 : i32
    %dma_start3A_1545 = tpu.memref_slice %arg2[%dma_start3A_1542, %add3A_1540, %dma_start3A_1543, %dma_start3A_1544] : memref<1x16x2048x2048xf32, #tpu.memory_space<hbm>> -> memref<1x1x128x2048xf32, #tpu.memory_space<hbm>>
    %dma_start3A_1546 = tpu.memref_squeeze %dma_start3A_1545 : memref<1x1x128x2048xf32, #tpu.memory_space<hbm>> -> memref<128x2048xf32, #tpu.memory_space<hbm>>
    %dma_start3A_1547 = arith.constant 0 : i32
    %dma_start3A_1548 = arith.constant 128 : i32
    %dma_start3A_1549 = tpu.memref_slice %arg1[%dma_start3A_1541, %dma_start3A_1547, %dma_start3A_1548] : memref<8x128x3968xf32, #tpu.memory_space<vmem>> -> memref<1x128x2048xf32, #tpu.memory_space<vmem>>
    %dma_start3A_1550 = tpu.memref_squeeze %dma_start3A_1549 : memref<1x128x2048xf32, #tpu.memory_space<vmem>> -> memref<128x2048xf32, #tpu.memory_space<vmem>>
    tpu.enqueue_dma source(%dma_start3A_1550 : memref<128x2048xf32, #tpu.memory_space<vmem>>) target(%dma_start3A_1546 : memref<128x2048xf32, #tpu.memory_space<hbm>>) target_semaphore(%arg3 : memref<!tpu.dma_semaphore, #tpu.memory_space<semaphore_mem>>)
    %mul3A_1551 = arith.constant 8 : i32
    %mul3A_1552 = arith.muli %mul3A_1551, %arg0 : i32
    %add3A_1553 = arith.constant 6 : i32
    %add3A_1554 = arith.addi %mul3A_1552, %add3A_1553 : i32
    %dma_start3A_1555 = arith.constant 6 : i32
    %dma_start3A_1556 = arith.constant 0 : i32
    %dma_start3A_1557 = arith.constant 1920 : i32
    %dma_start3A_1558 = arith.constant 0 : i32
    %dma_start3A_1559 = tpu.memref_slice %arg2[%dma_start3A_1556, %add3A_1554, %dma_start3A_1557, %dma_start3A_1558] : memref<1x16x2048x2048xf32, #tpu.memory_space<hbm>> -> memref<1x1x128x2048xf32, #tpu.memory_space<hbm>>
    %dma_start3A_1560 = tpu.memref_squeeze %dma_start3A_1559 : memref<1x1x128x2048xf32, #tpu.memory_space<hbm>> -> memref<128x2048xf32, #tpu.memory_space<hbm>>
    %dma_start3A_1561 = arith.constant 0 : i32
    %dma_start3A_1562 = arith.constant 0 : i32
    %dma_start3A_1563 = tpu.memref_slice %arg1[%dma_start3A_1555, %dma_start3A_1561, %dma_start3A_1562] : memref<8x128x3968xf32, #tpu.memory_space<vmem>> -> memref<1x128x2048xf32, #tpu.memory_space<vmem>>
    %dma_start3A_1564 = tpu.memref_squeeze %dma_start3A_1563 : memref<1x128x2048xf32, #tpu.memory_space<vmem>> -> memref<128x2048xf32, #tpu.memory_space<vmem>>
    tpu.enqueue_dma source(%dma_start3A_1564 : memref<128x2048xf32, #tpu.memory_space<vmem>>) target(%dma_start3A_1560 : memref<128x2048xf32, #tpu.memory_space<hbm>>) target_semaphore(%arg3 : memref<!tpu.dma_semaphore, #tpu.memory_space<semaphore_mem>>)
    %mul3A_1565 = arith.constant 8 : i32
    %mul3A_1566 = arith.muli %mul3A_1565, %arg0 : i32
    %add3A_1567 = arith.constant 7 : i32
    %add3A_1568 = arith.addi %mul3A_1566, %add3A_1567 : i32
    %dma_start3A_1569 = arith.constant 7 : i32
    %dma_start3A_1570 = arith.constant 0 : i32
    %dma_start3A_1571 = arith.constant 0 : i32
    %dma_start3A_1572 = arith.constant 0 : i32
    %dma_start3A_1573 = tpu.memref_slice %arg2[%dma_start3A_1570, %add3A_1568, %dma_start3A_1571, %dma_start3A_1572] : memref<1x16x2048x2048xf32, #tpu.memory_space<hbm>> -> memref<1x1x128x2048xf32, #tpu.memory_space<hbm>>
    %dma_start3A_1574 = tpu.memref_squeeze %dma_start3A_1573 : memref<1x1x128x2048xf32, #tpu.memory_space<hbm>> -> memref<128x2048xf32, #tpu.memory_space<hbm>>
    %dma_start3A_1575 = arith.constant 0 : i32
    %dma_start3A_1576 = arith.constant 1920 : i32
    %dma_start3A_1577 = tpu.memref_slice %arg1[%dma_start3A_1569, %dma_start3A_1575, %dma_start3A_1576] : memref<8x128x3968xf32, #tpu.memory_space<vmem>> -> memref<1x128x2048xf32, #tpu.memory_space<vmem>>
    %dma_start3A_1578 = tpu.memref_squeeze %dma_start3A_1577 : memref<1x128x2048xf32, #tpu.memory_space<vmem>> -> memref<128x2048xf32, #tpu.memory_space<vmem>>
    tpu.enqueue_dma source(%dma_start3A_1578 : memref<128x2048xf32, #tpu.memory_space<vmem>>) target(%dma_start3A_1574 : memref<128x2048xf32, #tpu.memory_space<hbm>>) target_semaphore(%arg3 : memref<!tpu.dma_semaphore, #tpu.memory_space<semaphore_mem>>)
    %mul3A_1579 = arith.constant 8 : i32
    %mul3A_1580 = arith.muli %mul3A_1579, %arg0 : i32
    %add3A_1581 = arith.constant 7 : i32
    %add3A_1582 = arith.addi %mul3A_1580, %add3A_1581 : i32
    %dma_start3A_1583 = arith.constant 7 : i32
    %dma_start3A_1584 = arith.constant 0 : i32
    %dma_start3A_1585 = arith.constant 128 : i32
    %dma_start3A_1586 = arith.constant 0 : i32
    %dma_start3A_1587 = tpu.memref_slice %arg2[%dma_start3A_1584, %add3A_1582, %dma_start3A_1585, %dma_start3A_1586] : memref<1x16x2048x2048xf32, #tpu.memory_space<hbm>> -> memref<1x1x128x2048xf32, #tpu.memory_space<hbm>>
    %dma_start3A_1588 = tpu.memref_squeeze %dma_start3A_1587 : memref<1x1x128x2048xf32, #tpu.memory_space<hbm>> -> memref<128x2048xf32, #tpu.memory_space<hbm>>
    %dma_start3A_1589 = arith.constant 0 : i32
    %dma_start3A_1590 = arith.constant 1792 : i32
    %dma_start3A_1591 = tpu.memref_slice %arg1[%dma_start3A_1583, %dma_start3A_1589, %dma_start3A_1590] : memref<8x128x3968xf32, #tpu.memory_space<vmem>> -> memref<1x128x2048xf32, #tpu.memory_space<vmem>>
    %dma_start3A_1592 = tpu.memref_squeeze %dma_start3A_1591 : memref<1x128x2048xf32, #tpu.memory_space<vmem>> -> memref<128x2048xf32, #tpu.memory_space<vmem>>
    tpu.enqueue_dma source(%dma_start3A_1592 : memref<128x2048xf32, #tpu.memory_space<vmem>>) target(%dma_start3A_1588 : memref<128x2048xf32, #tpu.memory_space<hbm>>) target_semaphore(%arg3 : memref<!tpu.dma_semaphore, #tpu.memory_space<semaphore_mem>>)
    %mul3A_1593 = arith.constant 8 : i32
    %mul3A_1594 = arith.muli %mul3A_1593, %arg0 : i32
    %add3A_1595 = arith.constant 7 : i32
    %add3A_1596 = arith.addi %mul3A_1594, %add3A_1595 : i32
    %dma_start3A_1597 = arith.constant 7 : i32
    %dma_start3A_1598 = arith.constant 0 : i32
    %dma_start3A_1599 = arith.constant 256 : i32
    %dma_start3A_1600 = arith.constant 0 : i32
    %dma_start3A_1601 = tpu.memref_slice %arg2[%dma_start3A_1598, %add3A_1596, %dma_start3A_1599, %dma_start3A_1600] : memref<1x16x2048x2048xf32, #tpu.memory_space<hbm>> -> memref<1x1x128x2048xf32, #tpu.memory_space<hbm>>
    %dma_start3A_1602 = tpu.memref_squeeze %dma_start3A_1601 : memref<1x1x128x2048xf32, #tpu.memory_space<hbm>> -> memref<128x2048xf32, #tpu.memory_space<hbm>>
    %dma_start3A_1603 = arith.constant 0 : i32
    %dma_start3A_1604 = arith.constant 1664 : i32
    %dma_start3A_1605 = tpu.memref_slice %arg1[%dma_start3A_1597, %dma_start3A_1603, %dma_start3A_1604] : memref<8x128x3968xf32, #tpu.memory_space<vmem>> -> memref<1x128x2048xf32, #tpu.memory_space<vmem>>
    %dma_start3A_1606 = tpu.memref_squeeze %dma_start3A_1605 : memref<1x128x2048xf32, #tpu.memory_space<vmem>> -> memref<128x2048xf32, #tpu.memory_space<vmem>>
    tpu.enqueue_dma source(%dma_start3A_1606 : memref<128x2048xf32, #tpu.memory_space<vmem>>) target(%dma_start3A_1602 : memref<128x2048xf32, #tpu.memory_space<hbm>>) target_semaphore(%arg3 : memref<!tpu.dma_semaphore, #tpu.memory_space<semaphore_mem>>)
    %mul3A_1607 = arith.constant 8 : i32
    %mul3A_1608 = arith.muli %mul3A_1607, %arg0 : i32
    %add3A_1609 = arith.constant 7 : i32
    %add3A_1610 = arith.addi %mul3A_1608, %add3A_1609 : i32
    %dma_start3A_1611 = arith.constant 7 : i32
    %dma_start3A_1612 = arith.constant 0 : i32
    %dma_start3A_1613 = arith.constant 384 : i32
    %dma_start3A_1614 = arith.constant 0 : i32
    %dma_start3A_1615 = tpu.memref_slice %arg2[%dma_start3A_1612, %add3A_1610, %dma_start3A_1613, %dma_start3A_1614] : memref<1x16x2048x2048xf32, #tpu.memory_space<hbm>> -> memref<1x1x128x2048xf32, #tpu.memory_space<hbm>>
    %dma_start3A_1616 = tpu.memref_squeeze %dma_start3A_1615 : memref<1x1x128x2048xf32, #tpu.memory_space<hbm>> -> memref<128x2048xf32, #tpu.memory_space<hbm>>
    %dma_start3A_1617 = arith.constant 0 : i32
    %dma_start3A_1618 = arith.constant 1536 : i32
    %dma_start3A_1619 = tpu.memref_slice %arg1[%dma_start3A_1611, %dma_start3A_1617, %dma_start3A_1618] : memref<8x128x3968xf32, #tpu.memory_space<vmem>> -> memref<1x128x2048xf32, #tpu.memory_space<vmem>>
    %dma_start3A_1620 = tpu.memref_squeeze %dma_start3A_1619 : memref<1x128x2048xf32, #tpu.memory_space<vmem>> -> memref<128x2048xf32, #tpu.memory_space<vmem>>
    tpu.enqueue_dma source(%dma_start3A_1620 : memref<128x2048xf32, #tpu.memory_space<vmem>>) target(%dma_start3A_1616 : memref<128x2048xf32, #tpu.memory_space<hbm>>) target_semaphore(%arg3 : memref<!tpu.dma_semaphore, #tpu.memory_space<semaphore_mem>>)
    %mul3A_1621 = arith.constant 8 : i32
    %mul3A_1622 = arith.muli %mul3A_1621, %arg0 : i32
    %add3A_1623 = arith.constant 7 : i32
    %add3A_1624 = arith.addi %mul3A_1622, %add3A_1623 : i32
    %dma_start3A_1625 = arith.constant 7 : i32
    %dma_start3A_1626 = arith.constant 0 : i32
    %dma_start3A_1627 = arith.constant 512 : i32
    %dma_start3A_1628 = arith.constant 0 : i32
    %dma_start3A_1629 = tpu.memref_slice %arg2[%dma_start3A_1626, %add3A_1624, %dma_start3A_1627, %dma_start3A_1628] : memref<1x16x2048x2048xf32, #tpu.memory_space<hbm>> -> memref<1x1x128x2048xf32, #tpu.memory_space<hbm>>
    %dma_start3A_1630 = tpu.memref_squeeze %dma_start3A_1629 : memref<1x1x128x2048xf32, #tpu.memory_space<hbm>> -> memref<128x2048xf32, #tpu.memory_space<hbm>>
    %dma_start3A_1631 = arith.constant 0 : i32
    %dma_start3A_1632 = arith.constant 1408 : i32
    %dma_start3A_1633 = tpu.memref_slice %arg1[%dma_start3A_1625, %dma_start3A_1631, %dma_start3A_1632] : memref<8x128x3968xf32, #tpu.memory_space<vmem>> -> memref<1x128x2048xf32, #tpu.memory_space<vmem>>
    %dma_start3A_1634 = tpu.memref_squeeze %dma_start3A_1633 : memref<1x128x2048xf32, #tpu.memory_space<vmem>> -> memref<128x2048xf32, #tpu.memory_space<vmem>>
    tpu.enqueue_dma source(%dma_start3A_1634 : memref<128x2048xf32, #tpu.memory_space<vmem>>) target(%dma_start3A_1630 : memref<128x2048xf32, #tpu.memory_space<hbm>>) target_semaphore(%arg3 : memref<!tpu.dma_semaphore, #tpu.memory_space<semaphore_mem>>)
    %mul3A_1635 = arith.constant 8 : i32
    %mul3A_1636 = arith.muli %mul3A_1635, %arg0 : i32
    %add3A_1637 = arith.constant 7 : i32
    %add3A_1638 = arith.addi %mul3A_1636, %add3A_1637 : i32
    %dma_start3A_1639 = arith.constant 7 : i32
    %dma_start3A_1640 = arith.constant 0 : i32
    %dma_start3A_1641 = arith.constant 640 : i32
    %dma_start3A_1642 = arith.constant 0 : i32
    %dma_start3A_1643 = tpu.memref_slice %arg2[%dma_start3A_1640, %add3A_1638, %dma_start3A_1641, %dma_start3A_1642] : memref<1x16x2048x2048xf32, #tpu.memory_space<hbm>> -> memref<1x1x128x2048xf32, #tpu.memory_space<hbm>>
    %dma_start3A_1644 = tpu.memref_squeeze %dma_start3A_1643 : memref<1x1x128x2048xf32, #tpu.memory_space<hbm>> -> memref<128x2048xf32, #tpu.memory_space<hbm>>
    %dma_start3A_1645 = arith.constant 0 : i32
    %dma_start3A_1646 = arith.constant 1280 : i32
    %dma_start3A_1647 = tpu.memref_slice %arg1[%dma_start3A_1639, %dma_start3A_1645, %dma_start3A_1646] : memref<8x128x3968xf32, #tpu.memory_space<vmem>> -> memref<1x128x2048xf32, #tpu.memory_space<vmem>>
    %dma_start3A_1648 = tpu.memref_squeeze %dma_start3A_1647 : memref<1x128x2048xf32, #tpu.memory_space<vmem>> -> memref<128x2048xf32, #tpu.memory_space<vmem>>
    tpu.enqueue_dma source(%dma_start3A_1648 : memref<128x2048xf32, #tpu.memory_space<vmem>>) target(%dma_start3A_1644 : memref<128x2048xf32, #tpu.memory_space<hbm>>) target_semaphore(%arg3 : memref<!tpu.dma_semaphore, #tpu.memory_space<semaphore_mem>>)
    %mul3A_1649 = arith.constant 8 : i32
    %mul3A_1650 = arith.muli %mul3A_1649, %arg0 : i32
    %add3A_1651 = arith.constant 7 : i32
    %add3A_1652 = arith.addi %mul3A_1650, %add3A_1651 : i32
    %dma_start3A_1653 = arith.constant 7 : i32
    %dma_start3A_1654 = arith.constant 0 : i32
    %dma_start3A_1655 = arith.constant 768 : i32
    %dma_start3A_1656 = arith.constant 0 : i32
    %dma_start3A_1657 = tpu.memref_slice %arg2[%dma_start3A_1654, %add3A_1652, %dma_start3A_1655, %dma_start3A_1656] : memref<1x16x2048x2048xf32, #tpu.memory_space<hbm>> -> memref<1x1x128x2048xf32, #tpu.memory_space<hbm>>
    %dma_start3A_1658 = tpu.memref_squeeze %dma_start3A_1657 : memref<1x1x128x2048xf32, #tpu.memory_space<hbm>> -> memref<128x2048xf32, #tpu.memory_space<hbm>>
    %dma_start3A_1659 = arith.constant 0 : i32
    %dma_start3A_1660 = arith.constant 1152 : i32
    %dma_start3A_1661 = tpu.memref_slice %arg1[%dma_start3A_1653, %dma_start3A_1659, %dma_start3A_1660] : memref<8x128x3968xf32, #tpu.memory_space<vmem>> -> memref<1x128x2048xf32, #tpu.memory_space<vmem>>
    %dma_start3A_1662 = tpu.memref_squeeze %dma_start3A_1661 : memref<1x128x2048xf32, #tpu.memory_space<vmem>> -> memref<128x2048xf32, #tpu.memory_space<vmem>>
    tpu.enqueue_dma source(%dma_start3A_1662 : memref<128x2048xf32, #tpu.memory_space<vmem>>) target(%dma_start3A_1658 : memref<128x2048xf32, #tpu.memory_space<hbm>>) target_semaphore(%arg3 : memref<!tpu.dma_semaphore, #tpu.memory_space<semaphore_mem>>)
    %mul3A_1663 = arith.constant 8 : i32
    %mul3A_1664 = arith.muli %mul3A_1663, %arg0 : i32
    %add3A_1665 = arith.constant 7 : i32
    %add3A_1666 = arith.addi %mul3A_1664, %add3A_1665 : i32
    %dma_start3A_1667 = arith.constant 7 : i32
    %dma_start3A_1668 = arith.constant 0 : i32
    %dma_start3A_1669 = arith.constant 896 : i32
    %dma_start3A_1670 = arith.constant 0 : i32
    %dma_start3A_1671 = tpu.memref_slice %arg2[%dma_start3A_1668, %add3A_1666, %dma_start3A_1669, %dma_start3A_1670] : memref<1x16x2048x2048xf32, #tpu.memory_space<hbm>> -> memref<1x1x128x2048xf32, #tpu.memory_space<hbm>>
    %dma_start3A_1672 = tpu.memref_squeeze %dma_start3A_1671 : memref<1x1x128x2048xf32, #tpu.memory_space<hbm>> -> memref<128x2048xf32, #tpu.memory_space<hbm>>
    %dma_start3A_1673 = arith.constant 0 : i32
    %dma_start3A_1674 = arith.constant 1024 : i32
    %dma_start3A_1675 = tpu.memref_slice %arg1[%dma_start3A_1667, %dma_start3A_1673, %dma_start3A_1674] : memref<8x128x3968xf32, #tpu.memory_space<vmem>> -> memref<1x128x2048xf32, #tpu.memory_space<vmem>>
    %dma_start3A_1676 = tpu.memref_squeeze %dma_start3A_1675 : memref<1x128x2048xf32, #tpu.memory_space<vmem>> -> memref<128x2048xf32, #tpu.memory_space<vmem>>
    tpu.enqueue_dma source(%dma_start3A_1676 : memref<128x2048xf32, #tpu.memory_space<vmem>>) target(%dma_start3A_1672 : memref<128x2048xf32, #tpu.memory_space<hbm>>) target_semaphore(%arg3 : memref<!tpu.dma_semaphore, #tpu.memory_space<semaphore_mem>>)
    %mul3A_1677 = arith.constant 8 : i32
    %mul3A_1678 = arith.muli %mul3A_1677, %arg0 : i32
    %add3A_1679 = arith.constant 7 : i32
    %add3A_1680 = arith.addi %mul3A_1678, %add3A_1679 : i32
    %dma_start3A_1681 = arith.constant 7 : i32
    %dma_start3A_1682 = arith.constant 0 : i32
    %dma_start3A_1683 = arith.constant 1024 : i32
    %dma_start3A_1684 = arith.constant 0 : i32
    %dma_start3A_1685 = tpu.memref_slice %arg2[%dma_start3A_1682, %add3A_1680, %dma_start3A_1683, %dma_start3A_1684] : memref<1x16x2048x2048xf32, #tpu.memory_space<hbm>> -> memref<1x1x128x2048xf32, #tpu.memory_space<hbm>>
    %dma_start3A_1686 = tpu.memref_squeeze %dma_start3A_1685 : memref<1x1x128x2048xf32, #tpu.memory_space<hbm>> -> memref<128x2048xf32, #tpu.memory_space<hbm>>
    %dma_start3A_1687 = arith.constant 0 : i32
    %dma_start3A_1688 = arith.constant 896 : i32
    %dma_start3A_1689 = tpu.memref_slice %arg1[%dma_start3A_1681, %dma_start3A_1687, %dma_start3A_1688] : memref<8x128x3968xf32, #tpu.memory_space<vmem>> -> memref<1x128x2048xf32, #tpu.memory_space<vmem>>
    %dma_start3A_1690 = tpu.memref_squeeze %dma_start3A_1689 : memref<1x128x2048xf32, #tpu.memory_space<vmem>> -> memref<128x2048xf32, #tpu.memory_space<vmem>>
    tpu.enqueue_dma source(%dma_start3A_1690 : memref<128x2048xf32, #tpu.memory_space<vmem>>) target(%dma_start3A_1686 : memref<128x2048xf32, #tpu.memory_space<hbm>>) target_semaphore(%arg3 : memref<!tpu.dma_semaphore, #tpu.memory_space<semaphore_mem>>)
    %mul3A_1691 = arith.constant 8 : i32
    %mul3A_1692 = arith.muli %mul3A_1691, %arg0 : i32
    %add3A_1693 = arith.constant 7 : i32
    %add3A_1694 = arith.addi %mul3A_1692, %add3A_1693 : i32
    %dma_start3A_1695 = arith.constant 7 : i32
    %dma_start3A_1696 = arith.constant 0 : i32
    %dma_start3A_1697 = arith.constant 1152 : i32
    %dma_start3A_1698 = arith.constant 0 : i32
    %dma_start3A_1699 = tpu.memref_slice %arg2[%dma_start3A_1696, %add3A_1694, %dma_start3A_1697, %dma_start3A_1698] : memref<1x16x2048x2048xf32, #tpu.memory_space<hbm>> -> memref<1x1x128x2048xf32, #tpu.memory_space<hbm>>
    %dma_start3A_1700 = tpu.memref_squeeze %dma_start3A_1699 : memref<1x1x128x2048xf32, #tpu.memory_space<hbm>> -> memref<128x2048xf32, #tpu.memory_space<hbm>>
    %dma_start3A_1701 = arith.constant 0 : i32
    %dma_start3A_1702 = arith.constant 768 : i32
    %dma_start3A_1703 = tpu.memref_slice %arg1[%dma_start3A_1695, %dma_start3A_1701, %dma_start3A_1702] : memref<8x128x3968xf32, #tpu.memory_space<vmem>> -> memref<1x128x2048xf32, #tpu.memory_space<vmem>>
    %dma_start3A_1704 = tpu.memref_squeeze %dma_start3A_1703 : memref<1x128x2048xf32, #tpu.memory_space<vmem>> -> memref<128x2048xf32, #tpu.memory_space<vmem>>
    tpu.enqueue_dma source(%dma_start3A_1704 : memref<128x2048xf32, #tpu.memory_space<vmem>>) target(%dma_start3A_1700 : memref<128x2048xf32, #tpu.memory_space<hbm>>) target_semaphore(%arg3 : memref<!tpu.dma_semaphore, #tpu.memory_space<semaphore_mem>>)
    %mul3A_1705 = arith.constant 8 : i32
    %mul3A_1706 = arith.muli %mul3A_1705, %arg0 : i32
    %add3A_1707 = arith.constant 7 : i32
    %add3A_1708 = arith.addi %mul3A_1706, %add3A_1707 : i32
    %dma_start3A_1709 = arith.constant 7 : i32
    %dma_start3A_1710 = arith.constant 0 : i32
    %dma_start3A_1711 = arith.constant 1280 : i32
    %dma_start3A_1712 = arith.constant 0 : i32
    %dma_start3A_1713 = tpu.memref_slice %arg2[%dma_start3A_1710, %add3A_1708, %dma_start3A_1711, %dma_start3A_1712] : memref<1x16x2048x2048xf32, #tpu.memory_space<hbm>> -> memref<1x1x128x2048xf32, #tpu.memory_space<hbm>>
    %dma_start3A_1714 = tpu.memref_squeeze %dma_start3A_1713 : memref<1x1x128x2048xf32, #tpu.memory_space<hbm>> -> memref<128x2048xf32, #tpu.memory_space<hbm>>
    %dma_start3A_1715 = arith.constant 0 : i32
    %dma_start3A_1716 = arith.constant 640 : i32
    %dma_start3A_1717 = tpu.memref_slice %arg1[%dma_start3A_1709, %dma_start3A_1715, %dma_start3A_1716] : memref<8x128x3968xf32, #tpu.memory_space<vmem>> -> memref<1x128x2048xf32, #tpu.memory_space<vmem>>
    %dma_start3A_1718 = tpu.memref_squeeze %dma_start3A_1717 : memref<1x128x2048xf32, #tpu.memory_space<vmem>> -> memref<128x2048xf32, #tpu.memory_space<vmem>>
    tpu.enqueue_dma source(%dma_start3A_1718 : memref<128x2048xf32, #tpu.memory_space<vmem>>) target(%dma_start3A_1714 : memref<128x2048xf32, #tpu.memory_space<hbm>>) target_semaphore(%arg3 : memref<!tpu.dma_semaphore, #tpu.memory_space<semaphore_mem>>)
    %mul3A_1719 = arith.constant 8 : i32
    %mul3A_1720 = arith.muli %mul3A_1719, %arg0 : i32
    %add3A_1721 = arith.constant 7 : i32
    %add3A_1722 = arith.addi %mul3A_1720, %add3A_1721 : i32
    %dma_start3A_1723 = arith.constant 7 : i32
    %dma_start3A_1724 = arith.constant 0 : i32
    %dma_start3A_1725 = arith.constant 1408 : i32
    %dma_start3A_1726 = arith.constant 0 : i32
    %dma_start3A_1727 = tpu.memref_slice %arg2[%dma_start3A_1724, %add3A_1722, %dma_start3A_1725, %dma_start3A_1726] : memref<1x16x2048x2048xf32, #tpu.memory_space<hbm>> -> memref<1x1x128x2048xf32, #tpu.memory_space<hbm>>
    %dma_start3A_1728 = tpu.memref_squeeze %dma_start3A_1727 : memref<1x1x128x2048xf32, #tpu.memory_space<hbm>> -> memref<128x2048xf32, #tpu.memory_space<hbm>>
    %dma_start3A_1729 = arith.constant 0 : i32
    %dma_start3A_1730 = arith.constant 512 : i32
    %dma_start3A_1731 = tpu.memref_slice %arg1[%dma_start3A_1723, %dma_start3A_1729, %dma_start3A_1730] : memref<8x128x3968xf32, #tpu.memory_space<vmem>> -> memref<1x128x2048xf32, #tpu.memory_space<vmem>>
    %dma_start3A_1732 = tpu.memref_squeeze %dma_start3A_1731 : memref<1x128x2048xf32, #tpu.memory_space<vmem>> -> memref<128x2048xf32, #tpu.memory_space<vmem>>
    tpu.enqueue_dma source(%dma_start3A_1732 : memref<128x2048xf32, #tpu.memory_space<vmem>>) target(%dma_start3A_1728 : memref<128x2048xf32, #tpu.memory_space<hbm>>) target_semaphore(%arg3 : memref<!tpu.dma_semaphore, #tpu.memory_space<semaphore_mem>>)
    %mul3A_1733 = arith.constant 8 : i32
    %mul3A_1734 = arith.muli %mul3A_1733, %arg0 : i32
    %add3A_1735 = arith.constant 7 : i32
    %add3A_1736 = arith.addi %mul3A_1734, %add3A_1735 : i32
    %dma_start3A_1737 = arith.constant 7 : i32
    %dma_start3A_1738 = arith.constant 0 : i32
    %dma_start3A_1739 = arith.constant 1536 : i32
    %dma_start3A_1740 = arith.constant 0 : i32
    %dma_start3A_1741 = tpu.memref_slice %arg2[%dma_start3A_1738, %add3A_1736, %dma_start3A_1739, %dma_start3A_1740] : memref<1x16x2048x2048xf32, #tpu.memory_space<hbm>> -> memref<1x1x128x2048xf32, #tpu.memory_space<hbm>>
    %dma_start3A_1742 = tpu.memref_squeeze %dma_start3A_1741 : memref<1x1x128x2048xf32, #tpu.memory_space<hbm>> -> memref<128x2048xf32, #tpu.memory_space<hbm>>
    %dma_start3A_1743 = arith.constant 0 : i32
    %dma_start3A_1744 = arith.constant 384 : i32
    %dma_start3A_1745 = tpu.memref_slice %arg1[%dma_start3A_1737, %dma_start3A_1743, %dma_start3A_1744] : memref<8x128x3968xf32, #tpu.memory_space<vmem>> -> memref<1x128x2048xf32, #tpu.memory_space<vmem>>
    %dma_start3A_1746 = tpu.memref_squeeze %dma_start3A_1745 : memref<1x128x2048xf32, #tpu.memory_space<vmem>> -> memref<128x2048xf32, #tpu.memory_space<vmem>>
    tpu.enqueue_dma source(%dma_start3A_1746 : memref<128x2048xf32, #tpu.memory_space<vmem>>) target(%dma_start3A_1742 : memref<128x2048xf32, #tpu.memory_space<hbm>>) target_semaphore(%arg3 : memref<!tpu.dma_semaphore, #tpu.memory_space<semaphore_mem>>)
    %mul3A_1747 = arith.constant 8 : i32
    %mul3A_1748 = arith.muli %mul3A_1747, %arg0 : i32
    %add3A_1749 = arith.constant 7 : i32
    %add3A_1750 = arith.addi %mul3A_1748, %add3A_1749 : i32
    %dma_start3A_1751 = arith.constant 7 : i32
    %dma_start3A_1752 = arith.constant 0 : i32
    %dma_start3A_1753 = arith.constant 1664 : i32
    %dma_start3A_1754 = arith.constant 0 : i32
    %dma_start3A_1755 = tpu.memref_slice %arg2[%dma_start3A_1752, %add3A_1750, %dma_start3A_1753, %dma_start3A_1754] : memref<1x16x2048x2048xf32, #tpu.memory_space<hbm>> -> memref<1x1x128x2048xf32, #tpu.memory_space<hbm>>
    %dma_start3A_1756 = tpu.memref_squeeze %dma_start3A_1755 : memref<1x1x128x2048xf32, #tpu.memory_space<hbm>> -> memref<128x2048xf32, #tpu.memory_space<hbm>>
    %dma_start3A_1757 = arith.constant 0 : i32
    %dma_start3A_1758 = arith.constant 256 : i32
    %dma_start3A_1759 = tpu.memref_slice %arg1[%dma_start3A_1751, %dma_start3A_1757, %dma_start3A_1758] : memref<8x128x3968xf32, #tpu.memory_space<vmem>> -> memref<1x128x2048xf32, #tpu.memory_space<vmem>>
    %dma_start3A_1760 = tpu.memref_squeeze %dma_start3A_1759 : memref<1x128x2048xf32, #tpu.memory_space<vmem>> -> memref<128x2048xf32, #tpu.memory_space<vmem>>
    tpu.enqueue_dma source(%dma_start3A_1760 : memref<128x2048xf32, #tpu.memory_space<vmem>>) target(%dma_start3A_1756 : memref<128x2048xf32, #tpu.memory_space<hbm>>) target_semaphore(%arg3 : memref<!tpu.dma_semaphore, #tpu.memory_space<semaphore_mem>>)
    %mul3A_1761 = arith.constant 8 : i32
    %mul3A_1762 = arith.muli %mul3A_1761, %arg0 : i32
    %add3A_1763 = arith.constant 7 : i32
    %add3A_1764 = arith.addi %mul3A_1762, %add3A_1763 : i32
    %dma_start3A_1765 = arith.constant 7 : i32
    %dma_start3A_1766 = arith.constant 0 : i32
    %dma_start3A_1767 = arith.constant 1792 : i32
    %dma_start3A_1768 = arith.constant 0 : i32
    %dma_start3A_1769 = tpu.memref_slice %arg2[%dma_start3A_1766, %add3A_1764, %dma_start3A_1767, %dma_start3A_1768] : memref<1x16x2048x2048xf32, #tpu.memory_space<hbm>> -> memref<1x1x128x2048xf32, #tpu.memory_space<hbm>>
    %dma_start3A_1770 = tpu.memref_squeeze %dma_start3A_1769 : memref<1x1x128x2048xf32, #tpu.memory_space<hbm>> -> memref<128x2048xf32, #tpu.memory_space<hbm>>
    %dma_start3A_1771 = arith.constant 0 : i32
    %dma_start3A_1772 = arith.constant 128 : i32
    %dma_start3A_1773 = tpu.memref_slice %arg1[%dma_start3A_1765, %dma_start3A_1771, %dma_start3A_1772] : memref<8x128x3968xf32, #tpu.memory_space<vmem>> -> memref<1x128x2048xf32, #tpu.memory_space<vmem>>
    %dma_start3A_1774 = tpu.memref_squeeze %dma_start3A_1773 : memref<1x128x2048xf32, #tpu.memory_space<vmem>> -> memref<128x2048xf32, #tpu.memory_space<vmem>>
    tpu.enqueue_dma source(%dma_start3A_1774 : memref<128x2048xf32, #tpu.memory_space<vmem>>) target(%dma_start3A_1770 : memref<128x2048xf32, #tpu.memory_space<hbm>>) target_semaphore(%arg3 : memref<!tpu.dma_semaphore, #tpu.memory_space<semaphore_mem>>)
    %mul3A_1775 = arith.constant 8 : i32
    %mul3A_1776 = arith.muli %mul3A_1775, %arg0 : i32
    %add3A_1777 = arith.constant 7 : i32
    %add3A_1778 = arith.addi %mul3A_1776, %add3A_1777 : i32
    %dma_start3A_1779 = arith.constant 7 : i32
    %dma_start3A_1780 = arith.constant 0 : i32
    %dma_start3A_1781 = arith.constant 1920 : i32
    %dma_start3A_1782 = arith.constant 0 : i32
    %dma_start3A_1783 = tpu.memref_slice %arg2[%dma_start3A_1780, %add3A_1778, %dma_start3A_1781, %dma_start3A_1782] : memref<1x16x2048x2048xf32, #tpu.memory_space<hbm>> -> memref<1x1x128x2048xf32, #tpu.memory_space<hbm>>
    %dma_start3A_1784 = tpu.memref_squeeze %dma_start3A_1783 : memref<1x1x128x2048xf32, #tpu.memory_space<hbm>> -> memref<128x2048xf32, #tpu.memory_space<hbm>>
    %dma_start3A_1785 = arith.constant 0 : i32
    %dma_start3A_1786 = arith.constant 0 : i32
    %dma_start3A_1787 = tpu.memref_slice %arg1[%dma_start3A_1779, %dma_start3A_1785, %dma_start3A_1786] : memref<8x128x3968xf32, #tpu.memory_space<vmem>> -> memref<1x128x2048xf32, #tpu.memory_space<vmem>>
    %dma_start3A_1788 = tpu.memref_squeeze %dma_start3A_1787 : memref<1x128x2048xf32, #tpu.memory_space<vmem>> -> memref<128x2048xf32, #tpu.memory_space<vmem>>
    tpu.enqueue_dma source(%dma_start3A_1788 : memref<128x2048xf32, #tpu.memory_space<vmem>>) target(%dma_start3A_1784 : memref<128x2048xf32, #tpu.memory_space<hbm>>) target_semaphore(%arg3 : memref<!tpu.dma_semaphore, #tpu.memory_space<semaphore_mem>>)
    %dma_wait3A = arith.constant 0 : i32
    %dma_wait3A_1789 = arith.constant 0 : i32
    %dma_wait3A_1790 = arith.constant 0 : i32
    %dma_wait3A_1791 = arith.constant 0 : i32
    %dma_wait3A_1792 = tpu.memref_slice %arg2[%dma_wait3A_1789, %add3A_1, %dma_wait3A_1790, %dma_wait3A_1791] : memref<1x16x2048x2048xf32, #tpu.memory_space<hbm>> -> memref<1x1x128x2048xf32, #tpu.memory_space<hbm>>
    %dma_wait3A_1793 = tpu.memref_squeeze %dma_wait3A_1792 : memref<1x1x128x2048xf32, #tpu.memory_space<hbm>> -> memref<128x2048xf32, #tpu.memory_space<hbm>>
    %dma_wait3A_1794 = arith.constant 0 : i32
    %dma_wait3A_1795 = arith.constant 1920 : i32
    %dma_wait3A_1796 = tpu.memref_slice %arg1[%dma_wait3A, %dma_wait3A_1794, %dma_wait3A_1795] : memref<8x128x3968xf32, #tpu.memory_space<vmem>> -> memref<1x128x2048xf32, #tpu.memory_space<vmem>>
    %dma_wait3A_1797 = tpu.memref_squeeze %dma_wait3A_1796 : memref<1x128x2048xf32, #tpu.memory_space<vmem>> -> memref<128x2048xf32, #tpu.memory_space<vmem>>
    tpu.wait_dma2 semaphore(%arg3 : memref<!tpu.dma_semaphore, #tpu.memory_space<semaphore_mem>>) src(%dma_wait3A_1797 : memref<128x2048xf32, #tpu.memory_space<vmem>>) dst(%dma_wait3A_1793 : memref<128x2048xf32, #tpu.memory_space<hbm>>)
    %dma_wait3A_1798 = arith.constant 0 : i32
    %dma_wait3A_1799 = arith.constant 0 : i32
    %dma_wait3A_1800 = arith.constant 128 : i32
    %dma_wait3A_1801 = arith.constant 0 : i32
    %dma_wait3A_1802 = tpu.memref_slice %arg2[%dma_wait3A_1799, %add3A_14, %dma_wait3A_1800, %dma_wait3A_1801] : memref<1x16x2048x2048xf32, #tpu.memory_space<hbm>> -> memref<1x1x128x2048xf32, #tpu.memory_space<hbm>>
    %dma_wait3A_1803 = tpu.memref_squeeze %dma_wait3A_1802 : memref<1x1x128x2048xf32, #tpu.memory_space<hbm>> -> memref<128x2048xf32, #tpu.memory_space<hbm>>
    %dma_wait3A_1804 = arith.constant 0 : i32
    %dma_wait3A_1805 = arith.constant 1792 : i32
    %dma_wait3A_1806 = tpu.memref_slice %arg1[%dma_wait3A_1798, %dma_wait3A_1804, %dma_wait3A_1805] : memref<8x128x3968xf32, #tpu.memory_space<vmem>> -> memref<1x128x2048xf32, #tpu.memory_space<vmem>>
    %dma_wait3A_1807 = tpu.memref_squeeze %dma_wait3A_1806 : memref<1x128x2048xf32, #tpu.memory_space<vmem>> -> memref<128x2048xf32, #tpu.memory_space<vmem>>
    tpu.wait_dma2 semaphore(%arg3 : memref<!tpu.dma_semaphore, #tpu.memory_space<semaphore_mem>>) src(%dma_wait3A_1807 : memref<128x2048xf32, #tpu.memory_space<vmem>>) dst(%dma_wait3A_1803 : memref<128x2048xf32, #tpu.memory_space<hbm>>)
    %dma_wait3A_1808 = arith.constant 0 : i32
    %dma_wait3A_1809 = arith.constant 0 : i32
    %dma_wait3A_1810 = arith.constant 256 : i32
    %dma_wait3A_1811 = arith.constant 0 : i32
    %dma_wait3A_1812 = tpu.memref_slice %arg2[%dma_wait3A_1809, %add3A_28, %dma_wait3A_1810, %dma_wait3A_1811] : memref<1x16x2048x2048xf32, #tpu.memory_space<hbm>> -> memref<1x1x128x2048xf32, #tpu.memory_space<hbm>>
    %dma_wait3A_1813 = tpu.memref_squeeze %dma_wait3A_1812 : memref<1x1x128x2048xf32, #tpu.memory_space<hbm>> -> memref<128x2048xf32, #tpu.memory_space<hbm>>
    %dma_wait3A_1814 = arith.constant 0 : i32
    %dma_wait3A_1815 = arith.constant 1664 : i32
    %dma_wait3A_1816 = tpu.memref_slice %arg1[%dma_wait3A_1808, %dma_wait3A_1814, %dma_wait3A_1815] : memref<8x128x3968xf32, #tpu.memory_space<vmem>> -> memref<1x128x2048xf32, #tpu.memory_space<vmem>>
    %dma_wait3A_1817 = tpu.memref_squeeze %dma_wait3A_1816 : memref<1x128x2048xf32, #tpu.memory_space<vmem>> -> memref<128x2048xf32, #tpu.memory_space<vmem>>
    tpu.wait_dma2 semaphore(%arg3 : memref<!tpu.dma_semaphore, #tpu.memory_space<semaphore_mem>>) src(%dma_wait3A_1817 : memref<128x2048xf32, #tpu.memory_space<vmem>>) dst(%dma_wait3A_1813 : memref<128x2048xf32, #tpu.memory_space<hbm>>)
    %dma_wait3A_1818 = arith.constant 0 : i32
    %dma_wait3A_1819 = arith.constant 0 : i32
    %dma_wait3A_1820 = arith.constant 384 : i32
    %dma_wait3A_1821 = arith.constant 0 : i32
    %dma_wait3A_1822 = tpu.memref_slice %arg2[%dma_wait3A_1819, %add3A_42, %dma_wait3A_1820, %dma_wait3A_1821] : memref<1x16x2048x2048xf32, #tpu.memory_space<hbm>> -> memref<1x1x128x2048xf32, #tpu.memory_space<hbm>>
    %dma_wait3A_1823 = tpu.memref_squeeze %dma_wait3A_1822 : memref<1x1x128x2048xf32, #tpu.memory_space<hbm>> -> memref<128x2048xf32, #tpu.memory_space<hbm>>
    %dma_wait3A_1824 = arith.constant 0 : i32
    %dma_wait3A_1825 = arith.constant 1536 : i32
    %dma_wait3A_1826 = tpu.memref_slice %arg1[%dma_wait3A_1818, %dma_wait3A_1824, %dma_wait3A_1825] : memref<8x128x3968xf32, #tpu.memory_space<vmem>> -> memref<1x128x2048xf32, #tpu.memory_space<vmem>>
    %dma_wait3A_1827 = tpu.memref_squeeze %dma_wait3A_1826 : memref<1x128x2048xf32, #tpu.memory_space<vmem>> -> memref<128x2048xf32, #tpu.memory_space<vmem>>
    tpu.wait_dma2 semaphore(%arg3 : memref<!tpu.dma_semaphore, #tpu.memory_space<semaphore_mem>>) src(%dma_wait3A_1827 : memref<128x2048xf32, #tpu.memory_space<vmem>>) dst(%dma_wait3A_1823 : memref<128x2048xf32, #tpu.memory_space<hbm>>)
    %dma_wait3A_1828 = arith.constant 0 : i32
    %dma_wait3A_1829 = arith.constant 0 : i32
    %dma_wait3A_1830 = arith.constant 512 : i32
    %dma_wait3A_1831 = arith.constant 0 : i32
    %dma_wait3A_1832 = tpu.memref_slice %arg2[%dma_wait3A_1829, %add3A_56, %dma_wait3A_1830, %dma_wait3A_1831] : memref<1x16x2048x2048xf32, #tpu.memory_space<hbm>> -> memref<1x1x128x2048xf32, #tpu.memory_space<hbm>>
    %dma_wait3A_1833 = tpu.memref_squeeze %dma_wait3A_1832 : memref<1x1x128x2048xf32, #tpu.memory_space<hbm>> -> memref<128x2048xf32, #tpu.memory_space<hbm>>
    %dma_wait3A_1834 = arith.constant 0 : i32
    %dma_wait3A_1835 = arith.constant 1408 : i32
    %dma_wait3A_1836 = tpu.memref_slice %arg1[%dma_wait3A_1828, %dma_wait3A_1834, %dma_wait3A_1835] : memref<8x128x3968xf32, #tpu.memory_space<vmem>> -> memref<1x128x2048xf32, #tpu.memory_space<vmem>>
    %dma_wait3A_1837 = tpu.memref_squeeze %dma_wait3A_1836 : memref<1x128x2048xf32, #tpu.memory_space<vmem>> -> memref<128x2048xf32, #tpu.memory_space<vmem>>
    tpu.wait_dma2 semaphore(%arg3 : memref<!tpu.dma_semaphore, #tpu.memory_space<semaphore_mem>>) src(%dma_wait3A_1837 : memref<128x2048xf32, #tpu.memory_space<vmem>>) dst(%dma_wait3A_1833 : memref<128x2048xf32, #tpu.memory_space<hbm>>)
    %dma_wait3A_1838 = arith.constant 0 : i32
    %dma_wait3A_1839 = arith.constant 0 : i32
    %dma_wait3A_1840 = arith.constant 640 : i32
    %dma_wait3A_1841 = arith.constant 0 : i32
    %dma_wait3A_1842 = tpu.memref_slice %arg2[%dma_wait3A_1839, %add3A_70, %dma_wait3A_1840, %dma_wait3A_1841] : memref<1x16x2048x2048xf32, #tpu.memory_space<hbm>> -> memref<1x1x128x2048xf32, #tpu.memory_space<hbm>>
    %dma_wait3A_1843 = tpu.memref_squeeze %dma_wait3A_1842 : memref<1x1x128x2048xf32, #tpu.memory_space<hbm>> -> memref<128x2048xf32, #tpu.memory_space<hbm>>
    %dma_wait3A_1844 = arith.constant 0 : i32
    %dma_wait3A_1845 = arith.constant 1280 : i32
    %dma_wait3A_1846 = tpu.memref_slice %arg1[%dma_wait3A_1838, %dma_wait3A_1844, %dma_wait3A_1845] : memref<8x128x3968xf32, #tpu.memory_space<vmem>> -> memref<1x128x2048xf32, #tpu.memory_space<vmem>>
    %dma_wait3A_1847 = tpu.memref_squeeze %dma_wait3A_1846 : memref<1x128x2048xf32, #tpu.memory_space<vmem>> -> memref<128x2048xf32, #tpu.memory_space<vmem>>
    tpu.wait_dma2 semaphore(%arg3 : memref<!tpu.dma_semaphore, #tpu.memory_space<semaphore_mem>>) src(%dma_wait3A_1847 : memref<128x2048xf32, #tpu.memory_space<vmem>>) dst(%dma_wait3A_1843 : memref<128x2048xf32, #tpu.memory_space<hbm>>)
    %dma_wait3A_1848 = arith.constant 0 : i32
    %dma_wait3A_1849 = arith.constant 0 : i32
    %dma_wait3A_1850 = arith.constant 768 : i32
    %dma_wait3A_1851 = arith.constant 0 : i32
    %dma_wait3A_1852 = tpu.memref_slice %arg2[%dma_wait3A_1849, %add3A_84, %dma_wait3A_1850, %dma_wait3A_1851] : memref<1x16x2048x2048xf32, #tpu.memory_space<hbm>> -> memref<1x1x128x2048xf32, #tpu.memory_space<hbm>>
    %dma_wait3A_1853 = tpu.memref_squeeze %dma_wait3A_1852 : memref<1x1x128x2048xf32, #tpu.memory_space<hbm>> -> memref<128x2048xf32, #tpu.memory_space<hbm>>
    %dma_wait3A_1854 = arith.constant 0 : i32
    %dma_wait3A_1855 = arith.constant 1152 : i32
    %dma_wait3A_1856 = tpu.memref_slice %arg1[%dma_wait3A_1848, %dma_wait3A_1854, %dma_wait3A_1855] : memref<8x128x3968xf32, #tpu.memory_space<vmem>> -> memref<1x128x2048xf32, #tpu.memory_space<vmem>>
    %dma_wait3A_1857 = tpu.memref_squeeze %dma_wait3A_1856 : memref<1x128x2048xf32, #tpu.memory_space<vmem>> -> memref<128x2048xf32, #tpu.memory_space<vmem>>
    tpu.wait_dma2 semaphore(%arg3 : memref<!tpu.dma_semaphore, #tpu.memory_space<semaphore_mem>>) src(%dma_wait3A_1857 : memref<128x2048xf32, #tpu.memory_space<vmem>>) dst(%dma_wait3A_1853 : memref<128x2048xf32, #tpu.memory_space<hbm>>)
    %dma_wait3A_1858 = arith.constant 0 : i32
    %dma_wait3A_1859 = arith.constant 0 : i32
    %dma_wait3A_1860 = arith.constant 896 : i32
    %dma_wait3A_1861 = arith.constant 0 : i32
    %dma_wait3A_1862 = tpu.memref_slice %arg2[%dma_wait3A_1859, %add3A_98, %dma_wait3A_1860, %dma_wait3A_1861] : memref<1x16x2048x2048xf32, #tpu.memory_space<hbm>> -> memref<1x1x128x2048xf32, #tpu.memory_space<hbm>>
    %dma_wait3A_1863 = tpu.memref_squeeze %dma_wait3A_1862 : memref<1x1x128x2048xf32, #tpu.memory_space<hbm>> -> memref<128x2048xf32, #tpu.memory_space<hbm>>
    %dma_wait3A_1864 = arith.constant 0 : i32
    %dma_wait3A_1865 = arith.constant 1024 : i32
    %dma_wait3A_1866 = tpu.memref_slice %arg1[%dma_wait3A_1858, %dma_wait3A_1864, %dma_wait3A_1865] : memref<8x128x3968xf32, #tpu.memory_space<vmem>> -> memref<1x128x2048xf32, #tpu.memory_space<vmem>>
    %dma_wait3A_1867 = tpu.memref_squeeze %dma_wait3A_1866 : memref<1x128x2048xf32, #tpu.memory_space<vmem>> -> memref<128x2048xf32, #tpu.memory_space<vmem>>
    tpu.wait_dma2 semaphore(%arg3 : memref<!tpu.dma_semaphore, #tpu.memory_space<semaphore_mem>>) src(%dma_wait3A_1867 : memref<128x2048xf32, #tpu.memory_space<vmem>>) dst(%dma_wait3A_1863 : memref<128x2048xf32, #tpu.memory_space<hbm>>)
    %dma_wait3A_1868 = arith.constant 0 : i32
    %dma_wait3A_1869 = arith.constant 0 : i32
    %dma_wait3A_1870 = arith.constant 1024 : i32
    %dma_wait3A_1871 = arith.constant 0 : i32
    %dma_wait3A_1872 = tpu.memref_slice %arg2[%dma_wait3A_1869, %add3A_112, %dma_wait3A_1870, %dma_wait3A_1871] : memref<1x16x2048x2048xf32, #tpu.memory_space<hbm>> -> memref<1x1x128x2048xf32, #tpu.memory_space<hbm>>
    %dma_wait3A_1873 = tpu.memref_squeeze %dma_wait3A_1872 : memref<1x1x128x2048xf32, #tpu.memory_space<hbm>> -> memref<128x2048xf32, #tpu.memory_space<hbm>>
    %dma_wait3A_1874 = arith.constant 0 : i32
    %dma_wait3A_1875 = arith.constant 896 : i32
    %dma_wait3A_1876 = tpu.memref_slice %arg1[%dma_wait3A_1868, %dma_wait3A_1874, %dma_wait3A_1875] : memref<8x128x3968xf32, #tpu.memory_space<vmem>> -> memref<1x128x2048xf32, #tpu.memory_space<vmem>>
    %dma_wait3A_1877 = tpu.memref_squeeze %dma_wait3A_1876 : memref<1x128x2048xf32, #tpu.memory_space<vmem>> -> memref<128x2048xf32, #tpu.memory_space<vmem>>
    tpu.wait_dma2 semaphore(%arg3 : memref<!tpu.dma_semaphore, #tpu.memory_space<semaphore_mem>>) src(%dma_wait3A_1877 : memref<128x2048xf32, #tpu.memory_space<vmem>>) dst(%dma_wait3A_1873 : memref<128x2048xf32, #tpu.memory_space<hbm>>)
    %dma_wait3A_1878 = arith.constant 0 : i32
    %dma_wait3A_1879 = arith.constant 0 : i32
    %dma_wait3A_1880 = arith.constant 1152 : i32
    %dma_wait3A_1881 = arith.constant 0 : i32
    %dma_wait3A_1882 = tpu.memref_slice %arg2[%dma_wait3A_1879, %add3A_126, %dma_wait3A_1880, %dma_wait3A_1881] : memref<1x16x2048x2048xf32, #tpu.memory_space<hbm>> -> memref<1x1x128x2048xf32, #tpu.memory_space<hbm>>
    %dma_wait3A_1883 = tpu.memref_squeeze %dma_wait3A_1882 : memref<1x1x128x2048xf32, #tpu.memory_space<hbm>> -> memref<128x2048xf32, #tpu.memory_space<hbm>>
    %dma_wait3A_1884 = arith.constant 0 : i32
    %dma_wait3A_1885 = arith.constant 768 : i32
    %dma_wait3A_1886 = tpu.memref_slice %arg1[%dma_wait3A_1878, %dma_wait3A_1884, %dma_wait3A_1885] : memref<8x128x3968xf32, #tpu.memory_space<vmem>> -> memref<1x128x2048xf32, #tpu.memory_space<vmem>>
    %dma_wait3A_1887 = tpu.memref_squeeze %dma_wait3A_1886 : memref<1x128x2048xf32, #tpu.memory_space<vmem>> -> memref<128x2048xf32, #tpu.memory_space<vmem>>
    tpu.wait_dma2 semaphore(%arg3 : memref<!tpu.dma_semaphore, #tpu.memory_space<semaphore_mem>>) src(%dma_wait3A_1887 : memref<128x2048xf32, #tpu.memory_space<vmem>>) dst(%dma_wait3A_1883 : memref<128x2048xf32, #tpu.memory_space<hbm>>)
    %dma_wait3A_1888 = arith.constant 0 : i32
    %dma_wait3A_1889 = arith.constant 0 : i32
    %dma_wait3A_1890 = arith.constant 1280 : i32
    %dma_wait3A_1891 = arith.constant 0 : i32
    %dma_wait3A_1892 = tpu.memref_slice %arg2[%dma_wait3A_1889, %add3A_140, %dma_wait3A_1890, %dma_wait3A_1891] : memref<1x16x2048x2048xf32, #tpu.memory_space<hbm>> -> memref<1x1x128x2048xf32, #tpu.memory_space<hbm>>
    %dma_wait3A_1893 = tpu.memref_squeeze %dma_wait3A_1892 : memref<1x1x128x2048xf32, #tpu.memory_space<hbm>> -> memref<128x2048xf32, #tpu.memory_space<hbm>>
    %dma_wait3A_1894 = arith.constant 0 : i32
    %dma_wait3A_1895 = arith.constant 640 : i32
    %dma_wait3A_1896 = tpu.memref_slice %arg1[%dma_wait3A_1888, %dma_wait3A_1894, %dma_wait3A_1895] : memref<8x128x3968xf32, #tpu.memory_space<vmem>> -> memref<1x128x2048xf32, #tpu.memory_space<vmem>>
    %dma_wait3A_1897 = tpu.memref_squeeze %dma_wait3A_1896 : memref<1x128x2048xf32, #tpu.memory_space<vmem>> -> memref<128x2048xf32, #tpu.memory_space<vmem>>
    tpu.wait_dma2 semaphore(%arg3 : memref<!tpu.dma_semaphore, #tpu.memory_space<semaphore_mem>>) src(%dma_wait3A_1897 : memref<128x2048xf32, #tpu.memory_space<vmem>>) dst(%dma_wait3A_1893 : memref<128x2048xf32, #tpu.memory_space<hbm>>)
    %dma_wait3A_1898 = arith.constant 0 : i32
    %dma_wait3A_1899 = arith.constant 0 : i32
    %dma_wait3A_1900 = arith.constant 1408 : i32
    %dma_wait3A_1901 = arith.constant 0 : i32
    %dma_wait3A_1902 = tpu.memref_slice %arg2[%dma_wait3A_1899, %add3A_154, %dma_wait3A_1900, %dma_wait3A_1901] : memref<1x16x2048x2048xf32, #tpu.memory_space<hbm>> -> memref<1x1x128x2048xf32, #tpu.memory_space<hbm>>
    %dma_wait3A_1903 = tpu.memref_squeeze %dma_wait3A_1902 : memref<1x1x128x2048xf32, #tpu.memory_space<hbm>> -> memref<128x2048xf32, #tpu.memory_space<hbm>>
    %dma_wait3A_1904 = arith.constant 0 : i32
    %dma_wait3A_1905 = arith.constant 512 : i32
    %dma_wait3A_1906 = tpu.memref_slice %arg1[%dma_wait3A_1898, %dma_wait3A_1904, %dma_wait3A_1905] : memref<8x128x3968xf32, #tpu.memory_space<vmem>> -> memref<1x128x2048xf32, #tpu.memory_space<vmem>>
    %dma_wait3A_1907 = tpu.memref_squeeze %dma_wait3A_1906 : memref<1x128x2048xf32, #tpu.memory_space<vmem>> -> memref<128x2048xf32, #tpu.memory_space<vmem>>
    tpu.wait_dma2 semaphore(%arg3 : memref<!tpu.dma_semaphore, #tpu.memory_space<semaphore_mem>>) src(%dma_wait3A_1907 : memref<128x2048xf32, #tpu.memory_space<vmem>>) dst(%dma_wait3A_1903 : memref<128x2048xf32, #tpu.memory_space<hbm>>)
    %dma_wait3A_1908 = arith.constant 0 : i32
    %dma_wait3A_1909 = arith.constant 0 : i32
    %dma_wait3A_1910 = arith.constant 1536 : i32
    %dma_wait3A_1911 = arith.constant 0 : i32
    %dma_wait3A_1912 = tpu.memref_slice %arg2[%dma_wait3A_1909, %add3A_168, %dma_wait3A_1910, %dma_wait3A_1911] : memref<1x16x2048x2048xf32, #tpu.memory_space<hbm>> -> memref<1x1x128x2048xf32, #tpu.memory_space<hbm>>
    %dma_wait3A_1913 = tpu.memref_squeeze %dma_wait3A_1912 : memref<1x1x128x2048xf32, #tpu.memory_space<hbm>> -> memref<128x2048xf32, #tpu.memory_space<hbm>>
    %dma_wait3A_1914 = arith.constant 0 : i32
    %dma_wait3A_1915 = arith.constant 384 : i32
    %dma_wait3A_1916 = tpu.memref_slice %arg1[%dma_wait3A_1908, %dma_wait3A_1914, %dma_wait3A_1915] : memref<8x128x3968xf32, #tpu.memory_space<vmem>> -> memref<1x128x2048xf32, #tpu.memory_space<vmem>>
    %dma_wait3A_1917 = tpu.memref_squeeze %dma_wait3A_1916 : memref<1x128x2048xf32, #tpu.memory_space<vmem>> -> memref<128x2048xf32, #tpu.memory_space<vmem>>
    tpu.wait_dma2 semaphore(%arg3 : memref<!tpu.dma_semaphore, #tpu.memory_space<semaphore_mem>>) src(%dma_wait3A_1917 : memref<128x2048xf32, #tpu.memory_space<vmem>>) dst(%dma_wait3A_1913 : memref<128x2048xf32, #tpu.memory_space<hbm>>)
    %dma_wait3A_1918 = arith.constant 0 : i32
    %dma_wait3A_1919 = arith.constant 0 : i32
    %dma_wait3A_1920 = arith.constant 1664 : i32
    %dma_wait3A_1921 = arith.constant 0 : i32
    %dma_wait3A_1922 = tpu.memref_slice %arg2[%dma_wait3A_1919, %add3A_182, %dma_wait3A_1920, %dma_wait3A_1921] : memref<1x16x2048x2048xf32, #tpu.memory_space<hbm>> -> memref<1x1x128x2048xf32, #tpu.memory_space<hbm>>
    %dma_wait3A_1923 = tpu.memref_squeeze %dma_wait3A_1922 : memref<1x1x128x2048xf32, #tpu.memory_space<hbm>> -> memref<128x2048xf32, #tpu.memory_space<hbm>>
    %dma_wait3A_1924 = arith.constant 0 : i32
    %dma_wait3A_1925 = arith.constant 256 : i32
    %dma_wait3A_1926 = tpu.memref_slice %arg1[%dma_wait3A_1918, %dma_wait3A_1924, %dma_wait3A_1925] : memref<8x128x3968xf32, #tpu.memory_space<vmem>> -> memref<1x128x2048xf32, #tpu.memory_space<vmem>>
    %dma_wait3A_1927 = tpu.memref_squeeze %dma_wait3A_1926 : memref<1x128x2048xf32, #tpu.memory_space<vmem>> -> memref<128x2048xf32, #tpu.memory_space<vmem>>
    tpu.wait_dma2 semaphore(%arg3 : memref<!tpu.dma_semaphore, #tpu.memory_space<semaphore_mem>>) src(%dma_wait3A_1927 : memref<128x2048xf32, #tpu.memory_space<vmem>>) dst(%dma_wait3A_1923 : memref<128x2048xf32, #tpu.memory_space<hbm>>)
    %dma_wait3A_1928 = arith.constant 0 : i32
    %dma_wait3A_1929 = arith.constant 0 : i32
    %dma_wait3A_1930 = arith.constant 1792 : i32
    %dma_wait3A_1931 = arith.constant 0 : i32
    %dma_wait3A_1932 = tpu.memref_slice %arg2[%dma_wait3A_1929, %add3A_196, %dma_wait3A_1930, %dma_wait3A_1931] : memref<1x16x2048x2048xf32, #tpu.memory_space<hbm>> -> memref<1x1x128x2048xf32, #tpu.memory_space<hbm>>
    %dma_wait3A_1933 = tpu.memref_squeeze %dma_wait3A_1932 : memref<1x1x128x2048xf32, #tpu.memory_space<hbm>> -> memref<128x2048xf32, #tpu.memory_space<hbm>>
    %dma_wait3A_1934 = arith.constant 0 : i32
    %dma_wait3A_1935 = arith.constant 128 : i32
    %dma_wait3A_1936 = tpu.memref_slice %arg1[%dma_wait3A_1928, %dma_wait3A_1934, %dma_wait3A_1935] : memref<8x128x3968xf32, #tpu.memory_space<vmem>> -> memref<1x128x2048xf32, #tpu.memory_space<vmem>>
    %dma_wait3A_1937 = tpu.memref_squeeze %dma_wait3A_1936 : memref<1x128x2048xf32, #tpu.memory_space<vmem>> -> memref<128x2048xf32, #tpu.memory_space<vmem>>
    tpu.wait_dma2 semaphore(%arg3 : memref<!tpu.dma_semaphore, #tpu.memory_space<semaphore_mem>>) src(%dma_wait3A_1937 : memref<128x2048xf32, #tpu.memory_space<vmem>>) dst(%dma_wait3A_1933 : memref<128x2048xf32, #tpu.memory_space<hbm>>)
    %dma_wait3A_1938 = arith.constant 0 : i32
    %dma_wait3A_1939 = arith.constant 0 : i32
    %dma_wait3A_1940 = arith.constant 1920 : i32
    %dma_wait3A_1941 = arith.constant 0 : i32
    %dma_wait3A_1942 = tpu.memref_slice %arg2[%dma_wait3A_1939, %add3A_210, %dma_wait3A_1940, %dma_wait3A_1941] : memref<1x16x2048x2048xf32, #tpu.memory_space<hbm>> -> memref<1x1x128x2048xf32, #tpu.memory_space<hbm>>
    %dma_wait3A_1943 = tpu.memref_squeeze %dma_wait3A_1942 : memref<1x1x128x2048xf32, #tpu.memory_space<hbm>> -> memref<128x2048xf32, #tpu.memory_space<hbm>>
    %dma_wait3A_1944 = arith.constant 0 : i32
    %dma_wait3A_1945 = arith.constant 0 : i32
    %dma_wait3A_1946 = tpu.memref_slice %arg1[%dma_wait3A_1938, %dma_wait3A_1944, %dma_wait3A_1945] : memref<8x128x3968xf32, #tpu.memory_space<vmem>> -> memref<1x128x2048xf32, #tpu.memory_space<vmem>>
    %dma_wait3A_1947 = tpu.memref_squeeze %dma_wait3A_1946 : memref<1x128x2048xf32, #tpu.memory_space<vmem>> -> memref<128x2048xf32, #tpu.memory_space<vmem>>
    tpu.wait_dma2 semaphore(%arg3 : memref<!tpu.dma_semaphore, #tpu.memory_space<semaphore_mem>>) src(%dma_wait3A_1947 : memref<128x2048xf32, #tpu.memory_space<vmem>>) dst(%dma_wait3A_1943 : memref<128x2048xf32, #tpu.memory_space<hbm>>)
    %dma_wait3A_1948 = arith.constant 1 : i32
    %dma_wait3A_1949 = arith.constant 0 : i32
    %dma_wait3A_1950 = arith.constant 0 : i32
    %dma_wait3A_1951 = arith.constant 0 : i32
    %dma_wait3A_1952 = tpu.memref_slice %arg2[%dma_wait3A_1949, %add3A_224, %dma_wait3A_1950, %dma_wait3A_1951] : memref<1x16x2048x2048xf32, #tpu.memory_space<hbm>> -> memref<1x1x128x2048xf32, #tpu.memory_space<hbm>>
    %dma_wait3A_1953 = tpu.memref_squeeze %dma_wait3A_1952 : memref<1x1x128x2048xf32, #tpu.memory_space<hbm>> -> memref<128x2048xf32, #tpu.memory_space<hbm>>
    %dma_wait3A_1954 = arith.constant 0 : i32
    %dma_wait3A_1955 = arith.constant 1920 : i32
    %dma_wait3A_1956 = tpu.memref_slice %arg1[%dma_wait3A_1948, %dma_wait3A_1954, %dma_wait3A_1955] : memref<8x128x3968xf32, #tpu.memory_space<vmem>> -> memref<1x128x2048xf32, #tpu.memory_space<vmem>>
    %dma_wait3A_1957 = tpu.memref_squeeze %dma_wait3A_1956 : memref<1x128x2048xf32, #tpu.memory_space<vmem>> -> memref<128x2048xf32, #tpu.memory_space<vmem>>
    tpu.wait_dma2 semaphore(%arg3 : memref<!tpu.dma_semaphore, #tpu.memory_space<semaphore_mem>>) src(%dma_wait3A_1957 : memref<128x2048xf32, #tpu.memory_space<vmem>>) dst(%dma_wait3A_1953 : memref<128x2048xf32, #tpu.memory_space<hbm>>)
    %dma_wait3A_1958 = arith.constant 1 : i32
    %dma_wait3A_1959 = arith.constant 0 : i32
    %dma_wait3A_1960 = arith.constant 128 : i32
    %dma_wait3A_1961 = arith.constant 0 : i32
    %dma_wait3A_1962 = tpu.memref_slice %arg2[%dma_wait3A_1959, %add3A_238, %dma_wait3A_1960, %dma_wait3A_1961] : memref<1x16x2048x2048xf32, #tpu.memory_space<hbm>> -> memref<1x1x128x2048xf32, #tpu.memory_space<hbm>>
    %dma_wait3A_1963 = tpu.memref_squeeze %dma_wait3A_1962 : memref<1x1x128x2048xf32, #tpu.memory_space<hbm>> -> memref<128x2048xf32, #tpu.memory_space<hbm>>
    %dma_wait3A_1964 = arith.constant 0 : i32
    %dma_wait3A_1965 = arith.constant 1792 : i32
    %dma_wait3A_1966 = tpu.memref_slice %arg1[%dma_wait3A_1958, %dma_wait3A_1964, %dma_wait3A_1965] : memref<8x128x3968xf32, #tpu.memory_space<vmem>> -> memref<1x128x2048xf32, #tpu.memory_space<vmem>>
    %dma_wait3A_1967 = tpu.memref_squeeze %dma_wait3A_1966 : memref<1x128x2048xf32, #tpu.memory_space<vmem>> -> memref<128x2048xf32, #tpu.memory_space<vmem>>
    tpu.wait_dma2 semaphore(%arg3 : memref<!tpu.dma_semaphore, #tpu.memory_space<semaphore_mem>>) src(%dma_wait3A_1967 : memref<128x2048xf32, #tpu.memory_space<vmem>>) dst(%dma_wait3A_1963 : memref<128x2048xf32, #tpu.memory_space<hbm>>)
    %dma_wait3A_1968 = arith.constant 1 : i32
    %dma_wait3A_1969 = arith.constant 0 : i32
    %dma_wait3A_1970 = arith.constant 256 : i32
    %dma_wait3A_1971 = arith.constant 0 : i32
    %dma_wait3A_1972 = tpu.memref_slice %arg2[%dma_wait3A_1969, %add3A_252, %dma_wait3A_1970, %dma_wait3A_1971] : memref<1x16x2048x2048xf32, #tpu.memory_space<hbm>> -> memref<1x1x128x2048xf32, #tpu.memory_space<hbm>>
    %dma_wait3A_1973 = tpu.memref_squeeze %dma_wait3A_1972 : memref<1x1x128x2048xf32, #tpu.memory_space<hbm>> -> memref<128x2048xf32, #tpu.memory_space<hbm>>
    %dma_wait3A_1974 = arith.constant 0 : i32
    %dma_wait3A_1975 = arith.constant 1664 : i32
    %dma_wait3A_1976 = tpu.memref_slice %arg1[%dma_wait3A_1968, %dma_wait3A_1974, %dma_wait3A_1975] : memref<8x128x3968xf32, #tpu.memory_space<vmem>> -> memref<1x128x2048xf32, #tpu.memory_space<vmem>>
    %dma_wait3A_1977 = tpu.memref_squeeze %dma_wait3A_1976 : memref<1x128x2048xf32, #tpu.memory_space<vmem>> -> memref<128x2048xf32, #tpu.memory_space<vmem>>
    tpu.wait_dma2 semaphore(%arg3 : memref<!tpu.dma_semaphore, #tpu.memory_space<semaphore_mem>>) src(%dma_wait3A_1977 : memref<128x2048xf32, #tpu.memory_space<vmem>>) dst(%dma_wait3A_1973 : memref<128x2048xf32, #tpu.memory_space<hbm>>)
    %dma_wait3A_1978 = arith.constant 1 : i32
    %dma_wait3A_1979 = arith.constant 0 : i32
    %dma_wait3A_1980 = arith.constant 384 : i32
    %dma_wait3A_1981 = arith.constant 0 : i32
    %dma_wait3A_1982 = tpu.memref_slice %arg2[%dma_wait3A_1979, %add3A_266, %dma_wait3A_1980, %dma_wait3A_1981] : memref<1x16x2048x2048xf32, #tpu.memory_space<hbm>> -> memref<1x1x128x2048xf32, #tpu.memory_space<hbm>>
    %dma_wait3A_1983 = tpu.memref_squeeze %dma_wait3A_1982 : memref<1x1x128x2048xf32, #tpu.memory_space<hbm>> -> memref<128x2048xf32, #tpu.memory_space<hbm>>
    %dma_wait3A_1984 = arith.constant 0 : i32
    %dma_wait3A_1985 = arith.constant 1536 : i32
    %dma_wait3A_1986 = tpu.memref_slice %arg1[%dma_wait3A_1978, %dma_wait3A_1984, %dma_wait3A_1985] : memref<8x128x3968xf32, #tpu.memory_space<vmem>> -> memref<1x128x2048xf32, #tpu.memory_space<vmem>>
    %dma_wait3A_1987 = tpu.memref_squeeze %dma_wait3A_1986 : memref<1x128x2048xf32, #tpu.memory_space<vmem>> -> memref<128x2048xf32, #tpu.memory_space<vmem>>
    tpu.wait_dma2 semaphore(%arg3 : memref<!tpu.dma_semaphore, #tpu.memory_space<semaphore_mem>>) src(%dma_wait3A_1987 : memref<128x2048xf32, #tpu.memory_space<vmem>>) dst(%dma_wait3A_1983 : memref<128x2048xf32, #tpu.memory_space<hbm>>)
    %dma_wait3A_1988 = arith.constant 1 : i32
    %dma_wait3A_1989 = arith.constant 0 : i32
    %dma_wait3A_1990 = arith.constant 512 : i32
    %dma_wait3A_1991 = arith.constant 0 : i32
    %dma_wait3A_1992 = tpu.memref_slice %arg2[%dma_wait3A_1989, %add3A_280, %dma_wait3A_1990, %dma_wait3A_1991] : memref<1x16x2048x2048xf32, #tpu.memory_space<hbm>> -> memref<1x1x128x2048xf32, #tpu.memory_space<hbm>>
    %dma_wait3A_1993 = tpu.memref_squeeze %dma_wait3A_1992 : memref<1x1x128x2048xf32, #tpu.memory_space<hbm>> -> memref<128x2048xf32, #tpu.memory_space<hbm>>
    %dma_wait3A_1994 = arith.constant 0 : i32
    %dma_wait3A_1995 = arith.constant 1408 : i32
    %dma_wait3A_1996 = tpu.memref_slice %arg1[%dma_wait3A_1988, %dma_wait3A_1994, %dma_wait3A_1995] : memref<8x128x3968xf32, #tpu.memory_space<vmem>> -> memref<1x128x2048xf32, #tpu.memory_space<vmem>>
    %dma_wait3A_1997 = tpu.memref_squeeze %dma_wait3A_1996 : memref<1x128x2048xf32, #tpu.memory_space<vmem>> -> memref<128x2048xf32, #tpu.memory_space<vmem>>
    tpu.wait_dma2 semaphore(%arg3 : memref<!tpu.dma_semaphore, #tpu.memory_space<semaphore_mem>>) src(%dma_wait3A_1997 : memref<128x2048xf32, #tpu.memory_space<vmem>>) dst(%dma_wait3A_1993 : memref<128x2048xf32, #tpu.memory_space<hbm>>)
    %dma_wait3A_1998 = arith.constant 1 : i32
    %dma_wait3A_1999 = arith.constant 0 : i32
    %dma_wait3A_2000 = arith.constant 640 : i32
    %dma_wait3A_2001 = arith.constant 0 : i32
    %dma_wait3A_2002 = tpu.memref_slice %arg2[%dma_wait3A_1999, %add3A_294, %dma_wait3A_2000, %dma_wait3A_2001] : memref<1x16x2048x2048xf32, #tpu.memory_space<hbm>> -> memref<1x1x128x2048xf32, #tpu.memory_space<hbm>>
    %dma_wait3A_2003 = tpu.memref_squeeze %dma_wait3A_2002 : memref<1x1x128x2048xf32, #tpu.memory_space<hbm>> -> memref<128x2048xf32, #tpu.memory_space<hbm>>
    %dma_wait3A_2004 = arith.constant 0 : i32
    %dma_wait3A_2005 = arith.constant 1280 : i32
    %dma_wait3A_2006 = tpu.memref_slice %arg1[%dma_wait3A_1998, %dma_wait3A_2004, %dma_wait3A_2005] : memref<8x128x3968xf32, #tpu.memory_space<vmem>> -> memref<1x128x2048xf32, #tpu.memory_space<vmem>>
    %dma_wait3A_2007 = tpu.memref_squeeze %dma_wait3A_2006 : memref<1x128x2048xf32, #tpu.memory_space<vmem>> -> memref<128x2048xf32, #tpu.memory_space<vmem>>
    tpu.wait_dma2 semaphore(%arg3 : memref<!tpu.dma_semaphore, #tpu.memory_space<semaphore_mem>>) src(%dma_wait3A_2007 : memref<128x2048xf32, #tpu.memory_space<vmem>>) dst(%dma_wait3A_2003 : memref<128x2048xf32, #tpu.memory_space<hbm>>)
    %dma_wait3A_2008 = arith.constant 1 : i32
    %dma_wait3A_2009 = arith.constant 0 : i32
    %dma_wait3A_2010 = arith.constant 768 : i32
    %dma_wait3A_2011 = arith.constant 0 : i32
    %dma_wait3A_2012 = tpu.memref_slice %arg2[%dma_wait3A_2009, %add3A_308, %dma_wait3A_2010, %dma_wait3A_2011] : memref<1x16x2048x2048xf32, #tpu.memory_space<hbm>> -> memref<1x1x128x2048xf32, #tpu.memory_space<hbm>>
    %dma_wait3A_2013 = tpu.memref_squeeze %dma_wait3A_2012 : memref<1x1x128x2048xf32, #tpu.memory_space<hbm>> -> memref<128x2048xf32, #tpu.memory_space<hbm>>
    %dma_wait3A_2014 = arith.constant 0 : i32
    %dma_wait3A_2015 = arith.constant 1152 : i32
    %dma_wait3A_2016 = tpu.memref_slice %arg1[%dma_wait3A_2008, %dma_wait3A_2014, %dma_wait3A_2015] : memref<8x128x3968xf32, #tpu.memory_space<vmem>> -> memref<1x128x2048xf32, #tpu.memory_space<vmem>>
    %dma_wait3A_2017 = tpu.memref_squeeze %dma_wait3A_2016 : memref<1x128x2048xf32, #tpu.memory_space<vmem>> -> memref<128x2048xf32, #tpu.memory_space<vmem>>
    tpu.wait_dma2 semaphore(%arg3 : memref<!tpu.dma_semaphore, #tpu.memory_space<semaphore_mem>>) src(%dma_wait3A_2017 : memref<128x2048xf32, #tpu.memory_space<vmem>>) dst(%dma_wait3A_2013 : memref<128x2048xf32, #tpu.memory_space<hbm>>)
    %dma_wait3A_2018 = arith.constant 1 : i32
    %dma_wait3A_2019 = arith.constant 0 : i32
    %dma_wait3A_2020 = arith.constant 896 : i32
    %dma_wait3A_2021 = arith.constant 0 : i32
    %dma_wait3A_2022 = tpu.memref_slice %arg2[%dma_wait3A_2019, %add3A_322, %dma_wait3A_2020, %dma_wait3A_2021] : memref<1x16x2048x2048xf32, #tpu.memory_space<hbm>> -> memref<1x1x128x2048xf32, #tpu.memory_space<hbm>>
    %dma_wait3A_2023 = tpu.memref_squeeze %dma_wait3A_2022 : memref<1x1x128x2048xf32, #tpu.memory_space<hbm>> -> memref<128x2048xf32, #tpu.memory_space<hbm>>
    %dma_wait3A_2024 = arith.constant 0 : i32
    %dma_wait3A_2025 = arith.constant 1024 : i32
    %dma_wait3A_2026 = tpu.memref_slice %arg1[%dma_wait3A_2018, %dma_wait3A_2024, %dma_wait3A_2025] : memref<8x128x3968xf32, #tpu.memory_space<vmem>> -> memref<1x128x2048xf32, #tpu.memory_space<vmem>>
    %dma_wait3A_2027 = tpu.memref_squeeze %dma_wait3A_2026 : memref<1x128x2048xf32, #tpu.memory_space<vmem>> -> memref<128x2048xf32, #tpu.memory_space<vmem>>
    tpu.wait_dma2 semaphore(%arg3 : memref<!tpu.dma_semaphore, #tpu.memory_space<semaphore_mem>>) src(%dma_wait3A_2027 : memref<128x2048xf32, #tpu.memory_space<vmem>>) dst(%dma_wait3A_2023 : memref<128x2048xf32, #tpu.memory_space<hbm>>)
    %dma_wait3A_2028 = arith.constant 1 : i32
    %dma_wait3A_2029 = arith.constant 0 : i32
    %dma_wait3A_2030 = arith.constant 1024 : i32
    %dma_wait3A_2031 = arith.constant 0 : i32
    %dma_wait3A_2032 = tpu.memref_slice %arg2[%dma_wait3A_2029, %add3A_336, %dma_wait3A_2030, %dma_wait3A_2031] : memref<1x16x2048x2048xf32, #tpu.memory_space<hbm>> -> memref<1x1x128x2048xf32, #tpu.memory_space<hbm>>
    %dma_wait3A_2033 = tpu.memref_squeeze %dma_wait3A_2032 : memref<1x1x128x2048xf32, #tpu.memory_space<hbm>> -> memref<128x2048xf32, #tpu.memory_space<hbm>>
    %dma_wait3A_2034 = arith.constant 0 : i32
    %dma_wait3A_2035 = arith.constant 896 : i32
    %dma_wait3A_2036 = tpu.memref_slice %arg1[%dma_wait3A_2028, %dma_wait3A_2034, %dma_wait3A_2035] : memref<8x128x3968xf32, #tpu.memory_space<vmem>> -> memref<1x128x2048xf32, #tpu.memory_space<vmem>>
    %dma_wait3A_2037 = tpu.memref_squeeze %dma_wait3A_2036 : memref<1x128x2048xf32, #tpu.memory_space<vmem>> -> memref<128x2048xf32, #tpu.memory_space<vmem>>
    tpu.wait_dma2 semaphore(%arg3 : memref<!tpu.dma_semaphore, #tpu.memory_space<semaphore_mem>>) src(%dma_wait3A_2037 : memref<128x2048xf32, #tpu.memory_space<vmem>>) dst(%dma_wait3A_2033 : memref<128x2048xf32, #tpu.memory_space<hbm>>)
    %dma_wait3A_2038 = arith.constant 1 : i32
    %dma_wait3A_2039 = arith.constant 0 : i32
    %dma_wait3A_2040 = arith.constant 1152 : i32
    %dma_wait3A_2041 = arith.constant 0 : i32
    %dma_wait3A_2042 = tpu.memref_slice %arg2[%dma_wait3A_2039, %add3A_350, %dma_wait3A_2040, %dma_wait3A_2041] : memref<1x16x2048x2048xf32, #tpu.memory_space<hbm>> -> memref<1x1x128x2048xf32, #tpu.memory_space<hbm>>
    %dma_wait3A_2043 = tpu.memref_squeeze %dma_wait3A_2042 : memref<1x1x128x2048xf32, #tpu.memory_space<hbm>> -> memref<128x2048xf32, #tpu.memory_space<hbm>>
    %dma_wait3A_2044 = arith.constant 0 : i32
    %dma_wait3A_2045 = arith.constant 768 : i32
    %dma_wait3A_2046 = tpu.memref_slice %arg1[%dma_wait3A_2038, %dma_wait3A_2044, %dma_wait3A_2045] : memref<8x128x3968xf32, #tpu.memory_space<vmem>> -> memref<1x128x2048xf32, #tpu.memory_space<vmem>>
    %dma_wait3A_2047 = tpu.memref_squeeze %dma_wait3A_2046 : memref<1x128x2048xf32, #tpu.memory_space<vmem>> -> memref<128x2048xf32, #tpu.memory_space<vmem>>
    tpu.wait_dma2 semaphore(%arg3 : memref<!tpu.dma_semaphore, #tpu.memory_space<semaphore_mem>>) src(%dma_wait3A_2047 : memref<128x2048xf32, #tpu.memory_space<vmem>>) dst(%dma_wait3A_2043 : memref<128x2048xf32, #tpu.memory_space<hbm>>)
    %dma_wait3A_2048 = arith.constant 1 : i32
    %dma_wait3A_2049 = arith.constant 0 : i32
    %dma_wait3A_2050 = arith.constant 1280 : i32
    %dma_wait3A_2051 = arith.constant 0 : i32
    %dma_wait3A_2052 = tpu.memref_slice %arg2[%dma_wait3A_2049, %add3A_364, %dma_wait3A_2050, %dma_wait3A_2051] : memref<1x16x2048x2048xf32, #tpu.memory_space<hbm>> -> memref<1x1x128x2048xf32, #tpu.memory_space<hbm>>
    %dma_wait3A_2053 = tpu.memref_squeeze %dma_wait3A_2052 : memref<1x1x128x2048xf32, #tpu.memory_space<hbm>> -> memref<128x2048xf32, #tpu.memory_space<hbm>>
    %dma_wait3A_2054 = arith.constant 0 : i32
    %dma_wait3A_2055 = arith.constant 640 : i32
    %dma_wait3A_2056 = tpu.memref_slice %arg1[%dma_wait3A_2048, %dma_wait3A_2054, %dma_wait3A_2055] : memref<8x128x3968xf32, #tpu.memory_space<vmem>> -> memref<1x128x2048xf32, #tpu.memory_space<vmem>>
    %dma_wait3A_2057 = tpu.memref_squeeze %dma_wait3A_2056 : memref<1x128x2048xf32, #tpu.memory_space<vmem>> -> memref<128x2048xf32, #tpu.memory_space<vmem>>
    tpu.wait_dma2 semaphore(%arg3 : memref<!tpu.dma_semaphore, #tpu.memory_space<semaphore_mem>>) src(%dma_wait3A_2057 : memref<128x2048xf32, #tpu.memory_space<vmem>>) dst(%dma_wait3A_2053 : memref<128x2048xf32, #tpu.memory_space<hbm>>)
    %dma_wait3A_2058 = arith.constant 1 : i32
    %dma_wait3A_2059 = arith.constant 0 : i32
    %dma_wait3A_2060 = arith.constant 1408 : i32
    %dma_wait3A_2061 = arith.constant 0 : i32
    %dma_wait3A_2062 = tpu.memref_slice %arg2[%dma_wait3A_2059, %add3A_378, %dma_wait3A_2060, %dma_wait3A_2061] : memref<1x16x2048x2048xf32, #tpu.memory_space<hbm>> -> memref<1x1x128x2048xf32, #tpu.memory_space<hbm>>
    %dma_wait3A_2063 = tpu.memref_squeeze %dma_wait3A_2062 : memref<1x1x128x2048xf32, #tpu.memory_space<hbm>> -> memref<128x2048xf32, #tpu.memory_space<hbm>>
    %dma_wait3A_2064 = arith.constant 0 : i32
    %dma_wait3A_2065 = arith.constant 512 : i32
    %dma_wait3A_2066 = tpu.memref_slice %arg1[%dma_wait3A_2058, %dma_wait3A_2064, %dma_wait3A_2065] : memref<8x128x3968xf32, #tpu.memory_space<vmem>> -> memref<1x128x2048xf32, #tpu.memory_space<vmem>>
    %dma_wait3A_2067 = tpu.memref_squeeze %dma_wait3A_2066 : memref<1x128x2048xf32, #tpu.memory_space<vmem>> -> memref<128x2048xf32, #tpu.memory_space<vmem>>
    tpu.wait_dma2 semaphore(%arg3 : memref<!tpu.dma_semaphore, #tpu.memory_space<semaphore_mem>>) src(%dma_wait3A_2067 : memref<128x2048xf32, #tpu.memory_space<vmem>>) dst(%dma_wait3A_2063 : memref<128x2048xf32, #tpu.memory_space<hbm>>)
    %dma_wait3A_2068 = arith.constant 1 : i32
    %dma_wait3A_2069 = arith.constant 0 : i32
    %dma_wait3A_2070 = arith.constant 1536 : i32
    %dma_wait3A_2071 = arith.constant 0 : i32
    %dma_wait3A_2072 = tpu.memref_slice %arg2[%dma_wait3A_2069, %add3A_392, %dma_wait3A_2070, %dma_wait3A_2071] : memref<1x16x2048x2048xf32, #tpu.memory_space<hbm>> -> memref<1x1x128x2048xf32, #tpu.memory_space<hbm>>
    %dma_wait3A_2073 = tpu.memref_squeeze %dma_wait3A_2072 : memref<1x1x128x2048xf32, #tpu.memory_space<hbm>> -> memref<128x2048xf32, #tpu.memory_space<hbm>>
    %dma_wait3A_2074 = arith.constant 0 : i32
    %dma_wait3A_2075 = arith.constant 384 : i32
    %dma_wait3A_2076 = tpu.memref_slice %arg1[%dma_wait3A_2068, %dma_wait3A_2074, %dma_wait3A_2075] : memref<8x128x3968xf32, #tpu.memory_space<vmem>> -> memref<1x128x2048xf32, #tpu.memory_space<vmem>>
    %dma_wait3A_2077 = tpu.memref_squeeze %dma_wait3A_2076 : memref<1x128x2048xf32, #tpu.memory_space<vmem>> -> memref<128x2048xf32, #tpu.memory_space<vmem>>
    tpu.wait_dma2 semaphore(%arg3 : memref<!tpu.dma_semaphore, #tpu.memory_space<semaphore_mem>>) src(%dma_wait3A_2077 : memref<128x2048xf32, #tpu.memory_space<vmem>>) dst(%dma_wait3A_2073 : memref<128x2048xf32, #tpu.memory_space<hbm>>)
    %dma_wait3A_2078 = arith.constant 1 : i32
    %dma_wait3A_2079 = arith.constant 0 : i32
    %dma_wait3A_2080 = arith.constant 1664 : i32
    %dma_wait3A_2081 = arith.constant 0 : i32
    %dma_wait3A_2082 = tpu.memref_slice %arg2[%dma_wait3A_2079, %add3A_406, %dma_wait3A_2080, %dma_wait3A_2081] : memref<1x16x2048x2048xf32, #tpu.memory_space<hbm>> -> memref<1x1x128x2048xf32, #tpu.memory_space<hbm>>
    %dma_wait3A_2083 = tpu.memref_squeeze %dma_wait3A_2082 : memref<1x1x128x2048xf32, #tpu.memory_space<hbm>> -> memref<128x2048xf32, #tpu.memory_space<hbm>>
    %dma_wait3A_2084 = arith.constant 0 : i32
    %dma_wait3A_2085 = arith.constant 256 : i32
    %dma_wait3A_2086 = tpu.memref_slice %arg1[%dma_wait3A_2078, %dma_wait3A_2084, %dma_wait3A_2085] : memref<8x128x3968xf32, #tpu.memory_space<vmem>> -> memref<1x128x2048xf32, #tpu.memory_space<vmem>>
    %dma_wait3A_2087 = tpu.memref_squeeze %dma_wait3A_2086 : memref<1x128x2048xf32, #tpu.memory_space<vmem>> -> memref<128x2048xf32, #tpu.memory_space<vmem>>
    tpu.wait_dma2 semaphore(%arg3 : memref<!tpu.dma_semaphore, #tpu.memory_space<semaphore_mem>>) src(%dma_wait3A_2087 : memref<128x2048xf32, #tpu.memory_space<vmem>>) dst(%dma_wait3A_2083 : memref<128x2048xf32, #tpu.memory_space<hbm>>)
    %dma_wait3A_2088 = arith.constant 1 : i32
    %dma_wait3A_2089 = arith.constant 0 : i32
    %dma_wait3A_2090 = arith.constant 1792 : i32
    %dma_wait3A_2091 = arith.constant 0 : i32
    %dma_wait3A_2092 = tpu.memref_slice %arg2[%dma_wait3A_2089, %add3A_420, %dma_wait3A_2090, %dma_wait3A_2091] : memref<1x16x2048x2048xf32, #tpu.memory_space<hbm>> -> memref<1x1x128x2048xf32, #tpu.memory_space<hbm>>
    %dma_wait3A_2093 = tpu.memref_squeeze %dma_wait3A_2092 : memref<1x1x128x2048xf32, #tpu.memory_space<hbm>> -> memref<128x2048xf32, #tpu.memory_space<hbm>>
    %dma_wait3A_2094 = arith.constant 0 : i32
    %dma_wait3A_2095 = arith.constant 128 : i32
    %dma_wait3A_2096 = tpu.memref_slice %arg1[%dma_wait3A_2088, %dma_wait3A_2094, %dma_wait3A_2095] : memref<8x128x3968xf32, #tpu.memory_space<vmem>> -> memref<1x128x2048xf32, #tpu.memory_space<vmem>>
    %dma_wait3A_2097 = tpu.memref_squeeze %dma_wait3A_2096 : memref<1x128x2048xf32, #tpu.memory_space<vmem>> -> memref<128x2048xf32, #tpu.memory_space<vmem>>
    tpu.wait_dma2 semaphore(%arg3 : memref<!tpu.dma_semaphore, #tpu.memory_space<semaphore_mem>>) src(%dma_wait3A_2097 : memref<128x2048xf32, #tpu.memory_space<vmem>>) dst(%dma_wait3A_2093 : memref<128x2048xf32, #tpu.memory_space<hbm>>)
    %dma_wait3A_2098 = arith.constant 1 : i32
    %dma_wait3A_2099 = arith.constant 0 : i32
    %dma_wait3A_2100 = arith.constant 1920 : i32
    %dma_wait3A_2101 = arith.constant 0 : i32
    %dma_wait3A_2102 = tpu.memref_slice %arg2[%dma_wait3A_2099, %add3A_434, %dma_wait3A_2100, %dma_wait3A_2101] : memref<1x16x2048x2048xf32, #tpu.memory_space<hbm>> -> memref<1x1x128x2048xf32, #tpu.memory_space<hbm>>
    %dma_wait3A_2103 = tpu.memref_squeeze %dma_wait3A_2102 : memref<1x1x128x2048xf32, #tpu.memory_space<hbm>> -> memref<128x2048xf32, #tpu.memory_space<hbm>>
    %dma_wait3A_2104 = arith.constant 0 : i32
    %dma_wait3A_2105 = arith.constant 0 : i32
    %dma_wait3A_2106 = tpu.memref_slice %arg1[%dma_wait3A_2098, %dma_wait3A_2104, %dma_wait3A_2105] : memref<8x128x3968xf32, #tpu.memory_space<vmem>> -> memref<1x128x2048xf32, #tpu.memory_space<vmem>>
    %dma_wait3A_2107 = tpu.memref_squeeze %dma_wait3A_2106 : memref<1x128x2048xf32, #tpu.memory_space<vmem>> -> memref<128x2048xf32, #tpu.memory_space<vmem>>
    tpu.wait_dma2 semaphore(%arg3 : memref<!tpu.dma_semaphore, #tpu.memory_space<semaphore_mem>>) src(%dma_wait3A_2107 : memref<128x2048xf32, #tpu.memory_space<vmem>>) dst(%dma_wait3A_2103 : memref<128x2048xf32, #tpu.memory_space<hbm>>)
    %dma_wait3A_2108 = arith.constant 2 : i32
    %dma_wait3A_2109 = arith.constant 0 : i32
    %dma_wait3A_2110 = arith.constant 0 : i32
    %dma_wait3A_2111 = arith.constant 0 : i32
    %dma_wait3A_2112 = tpu.memref_slice %arg2[%dma_wait3A_2109, %add3A_448, %dma_wait3A_2110, %dma_wait3A_2111] : memref<1x16x2048x2048xf32, #tpu.memory_space<hbm>> -> memref<1x1x128x2048xf32, #tpu.memory_space<hbm>>
    %dma_wait3A_2113 = tpu.memref_squeeze %dma_wait3A_2112 : memref<1x1x128x2048xf32, #tpu.memory_space<hbm>> -> memref<128x2048xf32, #tpu.memory_space<hbm>>
    %dma_wait3A_2114 = arith.constant 0 : i32
    %dma_wait3A_2115 = arith.constant 1920 : i32
    %dma_wait3A_2116 = tpu.memref_slice %arg1[%dma_wait3A_2108, %dma_wait3A_2114, %dma_wait3A_2115] : memref<8x128x3968xf32, #tpu.memory_space<vmem>> -> memref<1x128x2048xf32, #tpu.memory_space<vmem>>
    %dma_wait3A_2117 = tpu.memref_squeeze %dma_wait3A_2116 : memref<1x128x2048xf32, #tpu.memory_space<vmem>> -> memref<128x2048xf32, #tpu.memory_space<vmem>>
    tpu.wait_dma2 semaphore(%arg3 : memref<!tpu.dma_semaphore, #tpu.memory_space<semaphore_mem>>) src(%dma_wait3A_2117 : memref<128x2048xf32, #tpu.memory_space<vmem>>) dst(%dma_wait3A_2113 : memref<128x2048xf32, #tpu.memory_space<hbm>>)
    %dma_wait3A_2118 = arith.constant 2 : i32
    %dma_wait3A_2119 = arith.constant 0 : i32
    %dma_wait3A_2120 = arith.constant 128 : i32
    %dma_wait3A_2121 = arith.constant 0 : i32
    %dma_wait3A_2122 = tpu.memref_slice %arg2[%dma_wait3A_2119, %add3A_462, %dma_wait3A_2120, %dma_wait3A_2121] : memref<1x16x2048x2048xf32, #tpu.memory_space<hbm>> -> memref<1x1x128x2048xf32, #tpu.memory_space<hbm>>
    %dma_wait3A_2123 = tpu.memref_squeeze %dma_wait3A_2122 : memref<1x1x128x2048xf32, #tpu.memory_space<hbm>> -> memref<128x2048xf32, #tpu.memory_space<hbm>>
    %dma_wait3A_2124 = arith.constant 0 : i32
    %dma_wait3A_2125 = arith.constant 1792 : i32
    %dma_wait3A_2126 = tpu.memref_slice %arg1[%dma_wait3A_2118, %dma_wait3A_2124, %dma_wait3A_2125] : memref<8x128x3968xf32, #tpu.memory_space<vmem>> -> memref<1x128x2048xf32, #tpu.memory_space<vmem>>
    %dma_wait3A_2127 = tpu.memref_squeeze %dma_wait3A_2126 : memref<1x128x2048xf32, #tpu.memory_space<vmem>> -> memref<128x2048xf32, #tpu.memory_space<vmem>>
    tpu.wait_dma2 semaphore(%arg3 : memref<!tpu.dma_semaphore, #tpu.memory_space<semaphore_mem>>) src(%dma_wait3A_2127 : memref<128x2048xf32, #tpu.memory_space<vmem>>) dst(%dma_wait3A_2123 : memref<128x2048xf32, #tpu.memory_space<hbm>>)
    %dma_wait3A_2128 = arith.constant 2 : i32
    %dma_wait3A_2129 = arith.constant 0 : i32
    %dma_wait3A_2130 = arith.constant 256 : i32
    %dma_wait3A_2131 = arith.constant 0 : i32
    %dma_wait3A_2132 = tpu.memref_slice %arg2[%dma_wait3A_2129, %add3A_476, %dma_wait3A_2130, %dma_wait3A_2131] : memref<1x16x2048x2048xf32, #tpu.memory_space<hbm>> -> memref<1x1x128x2048xf32, #tpu.memory_space<hbm>>
    %dma_wait3A_2133 = tpu.memref_squeeze %dma_wait3A_2132 : memref<1x1x128x2048xf32, #tpu.memory_space<hbm>> -> memref<128x2048xf32, #tpu.memory_space<hbm>>
    %dma_wait3A_2134 = arith.constant 0 : i32
    %dma_wait3A_2135 = arith.constant 1664 : i32
    %dma_wait3A_2136 = tpu.memref_slice %arg1[%dma_wait3A_2128, %dma_wait3A_2134, %dma_wait3A_2135] : memref<8x128x3968xf32, #tpu.memory_space<vmem>> -> memref<1x128x2048xf32, #tpu.memory_space<vmem>>
    %dma_wait3A_2137 = tpu.memref_squeeze %dma_wait3A_2136 : memref<1x128x2048xf32, #tpu.memory_space<vmem>> -> memref<128x2048xf32, #tpu.memory_space<vmem>>
    tpu.wait_dma2 semaphore(%arg3 : memref<!tpu.dma_semaphore, #tpu.memory_space<semaphore_mem>>) src(%dma_wait3A_2137 : memref<128x2048xf32, #tpu.memory_space<vmem>>) dst(%dma_wait3A_2133 : memref<128x2048xf32, #tpu.memory_space<hbm>>)
    %dma_wait3A_2138 = arith.constant 2 : i32
    %dma_wait3A_2139 = arith.constant 0 : i32
    %dma_wait3A_2140 = arith.constant 384 : i32
    %dma_wait3A_2141 = arith.constant 0 : i32
    %dma_wait3A_2142 = tpu.memref_slice %arg2[%dma_wait3A_2139, %add3A_490, %dma_wait3A_2140, %dma_wait3A_2141] : memref<1x16x2048x2048xf32, #tpu.memory_space<hbm>> -> memref<1x1x128x2048xf32, #tpu.memory_space<hbm>>
    %dma_wait3A_2143 = tpu.memref_squeeze %dma_wait3A_2142 : memref<1x1x128x2048xf32, #tpu.memory_space<hbm>> -> memref<128x2048xf32, #tpu.memory_space<hbm>>
    %dma_wait3A_2144 = arith.constant 0 : i32
    %dma_wait3A_2145 = arith.constant 1536 : i32
    %dma_wait3A_2146 = tpu.memref_slice %arg1[%dma_wait3A_2138, %dma_wait3A_2144, %dma_wait3A_2145] : memref<8x128x3968xf32, #tpu.memory_space<vmem>> -> memref<1x128x2048xf32, #tpu.memory_space<vmem>>
    %dma_wait3A_2147 = tpu.memref_squeeze %dma_wait3A_2146 : memref<1x128x2048xf32, #tpu.memory_space<vmem>> -> memref<128x2048xf32, #tpu.memory_space<vmem>>
    tpu.wait_dma2 semaphore(%arg3 : memref<!tpu.dma_semaphore, #tpu.memory_space<semaphore_mem>>) src(%dma_wait3A_2147 : memref<128x2048xf32, #tpu.memory_space<vmem>>) dst(%dma_wait3A_2143 : memref<128x2048xf32, #tpu.memory_space<hbm>>)
    %dma_wait3A_2148 = arith.constant 2 : i32
    %dma_wait3A_2149 = arith.constant 0 : i32
    %dma_wait3A_2150 = arith.constant 512 : i32
    %dma_wait3A_2151 = arith.constant 0 : i32
    %dma_wait3A_2152 = tpu.memref_slice %arg2[%dma_wait3A_2149, %add3A_504, %dma_wait3A_2150, %dma_wait3A_2151] : memref<1x16x2048x2048xf32, #tpu.memory_space<hbm>> -> memref<1x1x128x2048xf32, #tpu.memory_space<hbm>>
    %dma_wait3A_2153 = tpu.memref_squeeze %dma_wait3A_2152 : memref<1x1x128x2048xf32, #tpu.memory_space<hbm>> -> memref<128x2048xf32, #tpu.memory_space<hbm>>
    %dma_wait3A_2154 = arith.constant 0 : i32
    %dma_wait3A_2155 = arith.constant 1408 : i32
    %dma_wait3A_2156 = tpu.memref_slice %arg1[%dma_wait3A_2148, %dma_wait3A_2154, %dma_wait3A_2155] : memref<8x128x3968xf32, #tpu.memory_space<vmem>> -> memref<1x128x2048xf32, #tpu.memory_space<vmem>>
    %dma_wait3A_2157 = tpu.memref_squeeze %dma_wait3A_2156 : memref<1x128x2048xf32, #tpu.memory_space<vmem>> -> memref<128x2048xf32, #tpu.memory_space<vmem>>
    tpu.wait_dma2 semaphore(%arg3 : memref<!tpu.dma_semaphore, #tpu.memory_space<semaphore_mem>>) src(%dma_wait3A_2157 : memref<128x2048xf32, #tpu.memory_space<vmem>>) dst(%dma_wait3A_2153 : memref<128x2048xf32, #tpu.memory_space<hbm>>)
    %dma_wait3A_2158 = arith.constant 2 : i32
    %dma_wait3A_2159 = arith.constant 0 : i32
    %dma_wait3A_2160 = arith.constant 640 : i32
    %dma_wait3A_2161 = arith.constant 0 : i32
    %dma_wait3A_2162 = tpu.memref_slice %arg2[%dma_wait3A_2159, %add3A_518, %dma_wait3A_2160, %dma_wait3A_2161] : memref<1x16x2048x2048xf32, #tpu.memory_space<hbm>> -> memref<1x1x128x2048xf32, #tpu.memory_space<hbm>>
    %dma_wait3A_2163 = tpu.memref_squeeze %dma_wait3A_2162 : memref<1x1x128x2048xf32, #tpu.memory_space<hbm>> -> memref<128x2048xf32, #tpu.memory_space<hbm>>
    %dma_wait3A_2164 = arith.constant 0 : i32
    %dma_wait3A_2165 = arith.constant 1280 : i32
    %dma_wait3A_2166 = tpu.memref_slice %arg1[%dma_wait3A_2158, %dma_wait3A_2164, %dma_wait3A_2165] : memref<8x128x3968xf32, #tpu.memory_space<vmem>> -> memref<1x128x2048xf32, #tpu.memory_space<vmem>>
    %dma_wait3A_2167 = tpu.memref_squeeze %dma_wait3A_2166 : memref<1x128x2048xf32, #tpu.memory_space<vmem>> -> memref<128x2048xf32, #tpu.memory_space<vmem>>
    tpu.wait_dma2 semaphore(%arg3 : memref<!tpu.dma_semaphore, #tpu.memory_space<semaphore_mem>>) src(%dma_wait3A_2167 : memref<128x2048xf32, #tpu.memory_space<vmem>>) dst(%dma_wait3A_2163 : memref<128x2048xf32, #tpu.memory_space<hbm>>)
    %dma_wait3A_2168 = arith.constant 2 : i32
    %dma_wait3A_2169 = arith.constant 0 : i32
    %dma_wait3A_2170 = arith.constant 768 : i32
    %dma_wait3A_2171 = arith.constant 0 : i32
    %dma_wait3A_2172 = tpu.memref_slice %arg2[%dma_wait3A_2169, %add3A_532, %dma_wait3A_2170, %dma_wait3A_2171] : memref<1x16x2048x2048xf32, #tpu.memory_space<hbm>> -> memref<1x1x128x2048xf32, #tpu.memory_space<hbm>>
    %dma_wait3A_2173 = tpu.memref_squeeze %dma_wait3A_2172 : memref<1x1x128x2048xf32, #tpu.memory_space<hbm>> -> memref<128x2048xf32, #tpu.memory_space<hbm>>
    %dma_wait3A_2174 = arith.constant 0 : i32
    %dma_wait3A_2175 = arith.constant 1152 : i32
    %dma_wait3A_2176 = tpu.memref_slice %arg1[%dma_wait3A_2168, %dma_wait3A_2174, %dma_wait3A_2175] : memref<8x128x3968xf32, #tpu.memory_space<vmem>> -> memref<1x128x2048xf32, #tpu.memory_space<vmem>>
    %dma_wait3A_2177 = tpu.memref_squeeze %dma_wait3A_2176 : memref<1x128x2048xf32, #tpu.memory_space<vmem>> -> memref<128x2048xf32, #tpu.memory_space<vmem>>
    tpu.wait_dma2 semaphore(%arg3 : memref<!tpu.dma_semaphore, #tpu.memory_space<semaphore_mem>>) src(%dma_wait3A_2177 : memref<128x2048xf32, #tpu.memory_space<vmem>>) dst(%dma_wait3A_2173 : memref<128x2048xf32, #tpu.memory_space<hbm>>)
    %dma_wait3A_2178 = arith.constant 2 : i32
    %dma_wait3A_2179 = arith.constant 0 : i32
    %dma_wait3A_2180 = arith.constant 896 : i32
    %dma_wait3A_2181 = arith.constant 0 : i32
    %dma_wait3A_2182 = tpu.memref_slice %arg2[%dma_wait3A_2179, %add3A_546, %dma_wait3A_2180, %dma_wait3A_2181] : memref<1x16x2048x2048xf32, #tpu.memory_space<hbm>> -> memref<1x1x128x2048xf32, #tpu.memory_space<hbm>>
    %dma_wait3A_2183 = tpu.memref_squeeze %dma_wait3A_2182 : memref<1x1x128x2048xf32, #tpu.memory_space<hbm>> -> memref<128x2048xf32, #tpu.memory_space<hbm>>
    %dma_wait3A_2184 = arith.constant 0 : i32
    %dma_wait3A_2185 = arith.constant 1024 : i32
    %dma_wait3A_2186 = tpu.memref_slice %arg1[%dma_wait3A_2178, %dma_wait3A_2184, %dma_wait3A_2185] : memref<8x128x3968xf32, #tpu.memory_space<vmem>> -> memref<1x128x2048xf32, #tpu.memory_space<vmem>>
    %dma_wait3A_2187 = tpu.memref_squeeze %dma_wait3A_2186 : memref<1x128x2048xf32, #tpu.memory_space<vmem>> -> memref<128x2048xf32, #tpu.memory_space<vmem>>
    tpu.wait_dma2 semaphore(%arg3 : memref<!tpu.dma_semaphore, #tpu.memory_space<semaphore_mem>>) src(%dma_wait3A_2187 : memref<128x2048xf32, #tpu.memory_space<vmem>>) dst(%dma_wait3A_2183 : memref<128x2048xf32, #tpu.memory_space<hbm>>)
    %dma_wait3A_2188 = arith.constant 2 : i32
    %dma_wait3A_2189 = arith.constant 0 : i32
    %dma_wait3A_2190 = arith.constant 1024 : i32
    %dma_wait3A_2191 = arith.constant 0 : i32
    %dma_wait3A_2192 = tpu.memref_slice %arg2[%dma_wait3A_2189, %add3A_560, %dma_wait3A_2190, %dma_wait3A_2191] : memref<1x16x2048x2048xf32, #tpu.memory_space<hbm>> -> memref<1x1x128x2048xf32, #tpu.memory_space<hbm>>
    %dma_wait3A_2193 = tpu.memref_squeeze %dma_wait3A_2192 : memref<1x1x128x2048xf32, #tpu.memory_space<hbm>> -> memref<128x2048xf32, #tpu.memory_space<hbm>>
    %dma_wait3A_2194 = arith.constant 0 : i32
    %dma_wait3A_2195 = arith.constant 896 : i32
    %dma_wait3A_2196 = tpu.memref_slice %arg1[%dma_wait3A_2188, %dma_wait3A_2194, %dma_wait3A_2195] : memref<8x128x3968xf32, #tpu.memory_space<vmem>> -> memref<1x128x2048xf32, #tpu.memory_space<vmem>>
    %dma_wait3A_2197 = tpu.memref_squeeze %dma_wait3A_2196 : memref<1x128x2048xf32, #tpu.memory_space<vmem>> -> memref<128x2048xf32, #tpu.memory_space<vmem>>
    tpu.wait_dma2 semaphore(%arg3 : memref<!tpu.dma_semaphore, #tpu.memory_space<semaphore_mem>>) src(%dma_wait3A_2197 : memref<128x2048xf32, #tpu.memory_space<vmem>>) dst(%dma_wait3A_2193 : memref<128x2048xf32, #tpu.memory_space<hbm>>)
    %dma_wait3A_2198 = arith.constant 2 : i32
    %dma_wait3A_2199 = arith.constant 0 : i32
    %dma_wait3A_2200 = arith.constant 1152 : i32
    %dma_wait3A_2201 = arith.constant 0 : i32
    %dma_wait3A_2202 = tpu.memref_slice %arg2[%dma_wait3A_2199, %add3A_574, %dma_wait3A_2200, %dma_wait3A_2201] : memref<1x16x2048x2048xf32, #tpu.memory_space<hbm>> -> memref<1x1x128x2048xf32, #tpu.memory_space<hbm>>
    %dma_wait3A_2203 = tpu.memref_squeeze %dma_wait3A_2202 : memref<1x1x128x2048xf32, #tpu.memory_space<hbm>> -> memref<128x2048xf32, #tpu.memory_space<hbm>>
    %dma_wait3A_2204 = arith.constant 0 : i32
    %dma_wait3A_2205 = arith.constant 768 : i32
    %dma_wait3A_2206 = tpu.memref_slice %arg1[%dma_wait3A_2198, %dma_wait3A_2204, %dma_wait3A_2205] : memref<8x128x3968xf32, #tpu.memory_space<vmem>> -> memref<1x128x2048xf32, #tpu.memory_space<vmem>>
    %dma_wait3A_2207 = tpu.memref_squeeze %dma_wait3A_2206 : memref<1x128x2048xf32, #tpu.memory_space<vmem>> -> memref<128x2048xf32, #tpu.memory_space<vmem>>
    tpu.wait_dma2 semaphore(%arg3 : memref<!tpu.dma_semaphore, #tpu.memory_space<semaphore_mem>>) src(%dma_wait3A_2207 : memref<128x2048xf32, #tpu.memory_space<vmem>>) dst(%dma_wait3A_2203 : memref<128x2048xf32, #tpu.memory_space<hbm>>)
    %dma_wait3A_2208 = arith.constant 2 : i32
    %dma_wait3A_2209 = arith.constant 0 : i32
    %dma_wait3A_2210 = arith.constant 1280 : i32
    %dma_wait3A_2211 = arith.constant 0 : i32
    %dma_wait3A_2212 = tpu.memref_slice %arg2[%dma_wait3A_2209, %add3A_588, %dma_wait3A_2210, %dma_wait3A_2211] : memref<1x16x2048x2048xf32, #tpu.memory_space<hbm>> -> memref<1x1x128x2048xf32, #tpu.memory_space<hbm>>
    %dma_wait3A_2213 = tpu.memref_squeeze %dma_wait3A_2212 : memref<1x1x128x2048xf32, #tpu.memory_space<hbm>> -> memref<128x2048xf32, #tpu.memory_space<hbm>>
    %dma_wait3A_2214 = arith.constant 0 : i32
    %dma_wait3A_2215 = arith.constant 640 : i32
    %dma_wait3A_2216 = tpu.memref_slice %arg1[%dma_wait3A_2208, %dma_wait3A_2214, %dma_wait3A_2215] : memref<8x128x3968xf32, #tpu.memory_space<vmem>> -> memref<1x128x2048xf32, #tpu.memory_space<vmem>>
    %dma_wait3A_2217 = tpu.memref_squeeze %dma_wait3A_2216 : memref<1x128x2048xf32, #tpu.memory_space<vmem>> -> memref<128x2048xf32, #tpu.memory_space<vmem>>
    tpu.wait_dma2 semaphore(%arg3 : memref<!tpu.dma_semaphore, #tpu.memory_space<semaphore_mem>>) src(%dma_wait3A_2217 : memref<128x2048xf32, #tpu.memory_space<vmem>>) dst(%dma_wait3A_2213 : memref<128x2048xf32, #tpu.memory_space<hbm>>)
    %dma_wait3A_2218 = arith.constant 2 : i32
    %dma_wait3A_2219 = arith.constant 0 : i32
    %dma_wait3A_2220 = arith.constant 1408 : i32
    %dma_wait3A_2221 = arith.constant 0 : i32
    %dma_wait3A_2222 = tpu.memref_slice %arg2[%dma_wait3A_2219, %add3A_602, %dma_wait3A_2220, %dma_wait3A_2221] : memref<1x16x2048x2048xf32, #tpu.memory_space<hbm>> -> memref<1x1x128x2048xf32, #tpu.memory_space<hbm>>
    %dma_wait3A_2223 = tpu.memref_squeeze %dma_wait3A_2222 : memref<1x1x128x2048xf32, #tpu.memory_space<hbm>> -> memref<128x2048xf32, #tpu.memory_space<hbm>>
    %dma_wait3A_2224 = arith.constant 0 : i32
    %dma_wait3A_2225 = arith.constant 512 : i32
    %dma_wait3A_2226 = tpu.memref_slice %arg1[%dma_wait3A_2218, %dma_wait3A_2224, %dma_wait3A_2225] : memref<8x128x3968xf32, #tpu.memory_space<vmem>> -> memref<1x128x2048xf32, #tpu.memory_space<vmem>>
    %dma_wait3A_2227 = tpu.memref_squeeze %dma_wait3A_2226 : memref<1x128x2048xf32, #tpu.memory_space<vmem>> -> memref<128x2048xf32, #tpu.memory_space<vmem>>
    tpu.wait_dma2 semaphore(%arg3 : memref<!tpu.dma_semaphore, #tpu.memory_space<semaphore_mem>>) src(%dma_wait3A_2227 : memref<128x2048xf32, #tpu.memory_space<vmem>>) dst(%dma_wait3A_2223 : memref<128x2048xf32, #tpu.memory_space<hbm>>)
    %dma_wait3A_2228 = arith.constant 2 : i32
    %dma_wait3A_2229 = arith.constant 0 : i32
    %dma_wait3A_2230 = arith.constant 1536 : i32
    %dma_wait3A_2231 = arith.constant 0 : i32
    %dma_wait3A_2232 = tpu.memref_slice %arg2[%dma_wait3A_2229, %add3A_616, %dma_wait3A_2230, %dma_wait3A_2231] : memref<1x16x2048x2048xf32, #tpu.memory_space<hbm>> -> memref<1x1x128x2048xf32, #tpu.memory_space<hbm>>
    %dma_wait3A_2233 = tpu.memref_squeeze %dma_wait3A_2232 : memref<1x1x128x2048xf32, #tpu.memory_space<hbm>> -> memref<128x2048xf32, #tpu.memory_space<hbm>>
    %dma_wait3A_2234 = arith.constant 0 : i32
    %dma_wait3A_2235 = arith.constant 384 : i32
    %dma_wait3A_2236 = tpu.memref_slice %arg1[%dma_wait3A_2228, %dma_wait3A_2234, %dma_wait3A_2235] : memref<8x128x3968xf32, #tpu.memory_space<vmem>> -> memref<1x128x2048xf32, #tpu.memory_space<vmem>>
    %dma_wait3A_2237 = tpu.memref_squeeze %dma_wait3A_2236 : memref<1x128x2048xf32, #tpu.memory_space<vmem>> -> memref<128x2048xf32, #tpu.memory_space<vmem>>
    tpu.wait_dma2 semaphore(%arg3 : memref<!tpu.dma_semaphore, #tpu.memory_space<semaphore_mem>>) src(%dma_wait3A_2237 : memref<128x2048xf32, #tpu.memory_space<vmem>>) dst(%dma_wait3A_2233 : memref<128x2048xf32, #tpu.memory_space<hbm>>)
    %dma_wait3A_2238 = arith.constant 2 : i32
    %dma_wait3A_2239 = arith.constant 0 : i32
    %dma_wait3A_2240 = arith.constant 1664 : i32
    %dma_wait3A_2241 = arith.constant 0 : i32
    %dma_wait3A_2242 = tpu.memref_slice %arg2[%dma_wait3A_2239, %add3A_630, %dma_wait3A_2240, %dma_wait3A_2241] : memref<1x16x2048x2048xf32, #tpu.memory_space<hbm>> -> memref<1x1x128x2048xf32, #tpu.memory_space<hbm>>
    %dma_wait3A_2243 = tpu.memref_squeeze %dma_wait3A_2242 : memref<1x1x128x2048xf32, #tpu.memory_space<hbm>> -> memref<128x2048xf32, #tpu.memory_space<hbm>>
    %dma_wait3A_2244 = arith.constant 0 : i32
    %dma_wait3A_2245 = arith.constant 256 : i32
    %dma_wait3A_2246 = tpu.memref_slice %arg1[%dma_wait3A_2238, %dma_wait3A_2244, %dma_wait3A_2245] : memref<8x128x3968xf32, #tpu.memory_space<vmem>> -> memref<1x128x2048xf32, #tpu.memory_space<vmem>>
    %dma_wait3A_2247 = tpu.memref_squeeze %dma_wait3A_2246 : memref<1x128x2048xf32, #tpu.memory_space<vmem>> -> memref<128x2048xf32, #tpu.memory_space<vmem>>
    tpu.wait_dma2 semaphore(%arg3 : memref<!tpu.dma_semaphore, #tpu.memory_space<semaphore_mem>>) src(%dma_wait3A_2247 : memref<128x2048xf32, #tpu.memory_space<vmem>>) dst(%dma_wait3A_2243 : memref<128x2048xf32, #tpu.memory_space<hbm>>)
    %dma_wait3A_2248 = arith.constant 2 : i32
    %dma_wait3A_2249 = arith.constant 0 : i32
    %dma_wait3A_2250 = arith.constant 1792 : i32
    %dma_wait3A_2251 = arith.constant 0 : i32
    %dma_wait3A_2252 = tpu.memref_slice %arg2[%dma_wait3A_2249, %add3A_644, %dma_wait3A_2250, %dma_wait3A_2251] : memref<1x16x2048x2048xf32, #tpu.memory_space<hbm>> -> memref<1x1x128x2048xf32, #tpu.memory_space<hbm>>
    %dma_wait3A_2253 = tpu.memref_squeeze %dma_wait3A_2252 : memref<1x1x128x2048xf32, #tpu.memory_space<hbm>> -> memref<128x2048xf32, #tpu.memory_space<hbm>>
    %dma_wait3A_2254 = arith.constant 0 : i32
    %dma_wait3A_2255 = arith.constant 128 : i32
    %dma_wait3A_2256 = tpu.memref_slice %arg1[%dma_wait3A_2248, %dma_wait3A_2254, %dma_wait3A_2255] : memref<8x128x3968xf32, #tpu.memory_space<vmem>> -> memref<1x128x2048xf32, #tpu.memory_space<vmem>>
    %dma_wait3A_2257 = tpu.memref_squeeze %dma_wait3A_2256 : memref<1x128x2048xf32, #tpu.memory_space<vmem>> -> memref<128x2048xf32, #tpu.memory_space<vmem>>
    tpu.wait_dma2 semaphore(%arg3 : memref<!tpu.dma_semaphore, #tpu.memory_space<semaphore_mem>>) src(%dma_wait3A_2257 : memref<128x2048xf32, #tpu.memory_space<vmem>>) dst(%dma_wait3A_2253 : memref<128x2048xf32, #tpu.memory_space<hbm>>)
    %dma_wait3A_2258 = arith.constant 2 : i32
    %dma_wait3A_2259 = arith.constant 0 : i32
    %dma_wait3A_2260 = arith.constant 1920 : i32
    %dma_wait3A_2261 = arith.constant 0 : i32
    %dma_wait3A_2262 = tpu.memref_slice %arg2[%dma_wait3A_2259, %add3A_658, %dma_wait3A_2260, %dma_wait3A_2261] : memref<1x16x2048x2048xf32, #tpu.memory_space<hbm>> -> memref<1x1x128x2048xf32, #tpu.memory_space<hbm>>
    %dma_wait3A_2263 = tpu.memref_squeeze %dma_wait3A_2262 : memref<1x1x128x2048xf32, #tpu.memory_space<hbm>> -> memref<128x2048xf32, #tpu.memory_space<hbm>>
    %dma_wait3A_2264 = arith.constant 0 : i32
    %dma_wait3A_2265 = arith.constant 0 : i32
    %dma_wait3A_2266 = tpu.memref_slice %arg1[%dma_wait3A_2258, %dma_wait3A_2264, %dma_wait3A_2265] : memref<8x128x3968xf32, #tpu.memory_space<vmem>> -> memref<1x128x2048xf32, #tpu.memory_space<vmem>>
    %dma_wait3A_2267 = tpu.memref_squeeze %dma_wait3A_2266 : memref<1x128x2048xf32, #tpu.memory_space<vmem>> -> memref<128x2048xf32, #tpu.memory_space<vmem>>
    tpu.wait_dma2 semaphore(%arg3 : memref<!tpu.dma_semaphore, #tpu.memory_space<semaphore_mem>>) src(%dma_wait3A_2267 : memref<128x2048xf32, #tpu.memory_space<vmem>>) dst(%dma_wait3A_2263 : memref<128x2048xf32, #tpu.memory_space<hbm>>)
    %dma_wait3A_2268 = arith.constant 3 : i32
    %dma_wait3A_2269 = arith.constant 0 : i32
    %dma_wait3A_2270 = arith.constant 0 : i32
    %dma_wait3A_2271 = arith.constant 0 : i32
    %dma_wait3A_2272 = tpu.memref_slice %arg2[%dma_wait3A_2269, %add3A_672, %dma_wait3A_2270, %dma_wait3A_2271] : memref<1x16x2048x2048xf32, #tpu.memory_space<hbm>> -> memref<1x1x128x2048xf32, #tpu.memory_space<hbm>>
    %dma_wait3A_2273 = tpu.memref_squeeze %dma_wait3A_2272 : memref<1x1x128x2048xf32, #tpu.memory_space<hbm>> -> memref<128x2048xf32, #tpu.memory_space<hbm>>
    %dma_wait3A_2274 = arith.constant 0 : i32
    %dma_wait3A_2275 = arith.constant 1920 : i32
    %dma_wait3A_2276 = tpu.memref_slice %arg1[%dma_wait3A_2268, %dma_wait3A_2274, %dma_wait3A_2275] : memref<8x128x3968xf32, #tpu.memory_space<vmem>> -> memref<1x128x2048xf32, #tpu.memory_space<vmem>>
    %dma_wait3A_2277 = tpu.memref_squeeze %dma_wait3A_2276 : memref<1x128x2048xf32, #tpu.memory_space<vmem>> -> memref<128x2048xf32, #tpu.memory_space<vmem>>
    tpu.wait_dma2 semaphore(%arg3 : memref<!tpu.dma_semaphore, #tpu.memory_space<semaphore_mem>>) src(%dma_wait3A_2277 : memref<128x2048xf32, #tpu.memory_space<vmem>>) dst(%dma_wait3A_2273 : memref<128x2048xf32, #tpu.memory_space<hbm>>)
    %dma_wait3A_2278 = arith.constant 3 : i32
    %dma_wait3A_2279 = arith.constant 0 : i32
    %dma_wait3A_2280 = arith.constant 128 : i32
    %dma_wait3A_2281 = arith.constant 0 : i32
    %dma_wait3A_2282 = tpu.memref_slice %arg2[%dma_wait3A_2279, %add3A_686, %dma_wait3A_2280, %dma_wait3A_2281] : memref<1x16x2048x2048xf32, #tpu.memory_space<hbm>> -> memref<1x1x128x2048xf32, #tpu.memory_space<hbm>>
    %dma_wait3A_2283 = tpu.memref_squeeze %dma_wait3A_2282 : memref<1x1x128x2048xf32, #tpu.memory_space<hbm>> -> memref<128x2048xf32, #tpu.memory_space<hbm>>
    %dma_wait3A_2284 = arith.constant 0 : i32
    %dma_wait3A_2285 = arith.constant 1792 : i32
    %dma_wait3A_2286 = tpu.memref_slice %arg1[%dma_wait3A_2278, %dma_wait3A_2284, %dma_wait3A_2285] : memref<8x128x3968xf32, #tpu.memory_space<vmem>> -> memref<1x128x2048xf32, #tpu.memory_space<vmem>>
    %dma_wait3A_2287 = tpu.memref_squeeze %dma_wait3A_2286 : memref<1x128x2048xf32, #tpu.memory_space<vmem>> -> memref<128x2048xf32, #tpu.memory_space<vmem>>
    tpu.wait_dma2 semaphore(%arg3 : memref<!tpu.dma_semaphore, #tpu.memory_space<semaphore_mem>>) src(%dma_wait3A_2287 : memref<128x2048xf32, #tpu.memory_space<vmem>>) dst(%dma_wait3A_2283 : memref<128x2048xf32, #tpu.memory_space<hbm>>)
    %dma_wait3A_2288 = arith.constant 3 : i32
    %dma_wait3A_2289 = arith.constant 0 : i32
    %dma_wait3A_2290 = arith.constant 256 : i32
    %dma_wait3A_2291 = arith.constant 0 : i32
    %dma_wait3A_2292 = tpu.memref_slice %arg2[%dma_wait3A_2289, %add3A_700, %dma_wait3A_2290, %dma_wait3A_2291] : memref<1x16x2048x2048xf32, #tpu.memory_space<hbm>> -> memref<1x1x128x2048xf32, #tpu.memory_space<hbm>>
    %dma_wait3A_2293 = tpu.memref_squeeze %dma_wait3A_2292 : memref<1x1x128x2048xf32, #tpu.memory_space<hbm>> -> memref<128x2048xf32, #tpu.memory_space<hbm>>
    %dma_wait3A_2294 = arith.constant 0 : i32
    %dma_wait3A_2295 = arith.constant 1664 : i32
    %dma_wait3A_2296 = tpu.memref_slice %arg1[%dma_wait3A_2288, %dma_wait3A_2294, %dma_wait3A_2295] : memref<8x128x3968xf32, #tpu.memory_space<vmem>> -> memref<1x128x2048xf32, #tpu.memory_space<vmem>>
    %dma_wait3A_2297 = tpu.memref_squeeze %dma_wait3A_2296 : memref<1x128x2048xf32, #tpu.memory_space<vmem>> -> memref<128x2048xf32, #tpu.memory_space<vmem>>
    tpu.wait_dma2 semaphore(%arg3 : memref<!tpu.dma_semaphore, #tpu.memory_space<semaphore_mem>>) src(%dma_wait3A_2297 : memref<128x2048xf32, #tpu.memory_space<vmem>>) dst(%dma_wait3A_2293 : memref<128x2048xf32, #tpu.memory_space<hbm>>)
    %dma_wait3A_2298 = arith.constant 3 : i32
    %dma_wait3A_2299 = arith.constant 0 : i32
    %dma_wait3A_2300 = arith.constant 384 : i32
    %dma_wait3A_2301 = arith.constant 0 : i32
    %dma_wait3A_2302 = tpu.memref_slice %arg2[%dma_wait3A_2299, %add3A_714, %dma_wait3A_2300, %dma_wait3A_2301] : memref<1x16x2048x2048xf32, #tpu.memory_space<hbm>> -> memref<1x1x128x2048xf32, #tpu.memory_space<hbm>>
    %dma_wait3A_2303 = tpu.memref_squeeze %dma_wait3A_2302 : memref<1x1x128x2048xf32, #tpu.memory_space<hbm>> -> memref<128x2048xf32, #tpu.memory_space<hbm>>
    %dma_wait3A_2304 = arith.constant 0 : i32
    %dma_wait3A_2305 = arith.constant 1536 : i32
    %dma_wait3A_2306 = tpu.memref_slice %arg1[%dma_wait3A_2298, %dma_wait3A_2304, %dma_wait3A_2305] : memref<8x128x3968xf32, #tpu.memory_space<vmem>> -> memref<1x128x2048xf32, #tpu.memory_space<vmem>>
    %dma_wait3A_2307 = tpu.memref_squeeze %dma_wait3A_2306 : memref<1x128x2048xf32, #tpu.memory_space<vmem>> -> memref<128x2048xf32, #tpu.memory_space<vmem>>
    tpu.wait_dma2 semaphore(%arg3 : memref<!tpu.dma_semaphore, #tpu.memory_space<semaphore_mem>>) src(%dma_wait3A_2307 : memref<128x2048xf32, #tpu.memory_space<vmem>>) dst(%dma_wait3A_2303 : memref<128x2048xf32, #tpu.memory_space<hbm>>)
    %dma_wait3A_2308 = arith.constant 3 : i32
    %dma_wait3A_2309 = arith.constant 0 : i32
    %dma_wait3A_2310 = arith.constant 512 : i32
    %dma_wait3A_2311 = arith.constant 0 : i32
    %dma_wait3A_2312 = tpu.memref_slice %arg2[%dma_wait3A_2309, %add3A_728, %dma_wait3A_2310, %dma_wait3A_2311] : memref<1x16x2048x2048xf32, #tpu.memory_space<hbm>> -> memref<1x1x128x2048xf32, #tpu.memory_space<hbm>>
    %dma_wait3A_2313 = tpu.memref_squeeze %dma_wait3A_2312 : memref<1x1x128x2048xf32, #tpu.memory_space<hbm>> -> memref<128x2048xf32, #tpu.memory_space<hbm>>
    %dma_wait3A_2314 = arith.constant 0 : i32
    %dma_wait3A_2315 = arith.constant 1408 : i32
    %dma_wait3A_2316 = tpu.memref_slice %arg1[%dma_wait3A_2308, %dma_wait3A_2314, %dma_wait3A_2315] : memref<8x128x3968xf32, #tpu.memory_space<vmem>> -> memref<1x128x2048xf32, #tpu.memory_space<vmem>>
    %dma_wait3A_2317 = tpu.memref_squeeze %dma_wait3A_2316 : memref<1x128x2048xf32, #tpu.memory_space<vmem>> -> memref<128x2048xf32, #tpu.memory_space<vmem>>
    tpu.wait_dma2 semaphore(%arg3 : memref<!tpu.dma_semaphore, #tpu.memory_space<semaphore_mem>>) src(%dma_wait3A_2317 : memref<128x2048xf32, #tpu.memory_space<vmem>>) dst(%dma_wait3A_2313 : memref<128x2048xf32, #tpu.memory_space<hbm>>)
    %dma_wait3A_2318 = arith.constant 3 : i32
    %dma_wait3A_2319 = arith.constant 0 : i32
    %dma_wait3A_2320 = arith.constant 640 : i32
    %dma_wait3A_2321 = arith.constant 0 : i32
    %dma_wait3A_2322 = tpu.memref_slice %arg2[%dma_wait3A_2319, %add3A_742, %dma_wait3A_2320, %dma_wait3A_2321] : memref<1x16x2048x2048xf32, #tpu.memory_space<hbm>> -> memref<1x1x128x2048xf32, #tpu.memory_space<hbm>>
    %dma_wait3A_2323 = tpu.memref_squeeze %dma_wait3A_2322 : memref<1x1x128x2048xf32, #tpu.memory_space<hbm>> -> memref<128x2048xf32, #tpu.memory_space<hbm>>
    %dma_wait3A_2324 = arith.constant 0 : i32
    %dma_wait3A_2325 = arith.constant 1280 : i32
    %dma_wait3A_2326 = tpu.memref_slice %arg1[%dma_wait3A_2318, %dma_wait3A_2324, %dma_wait3A_2325] : memref<8x128x3968xf32, #tpu.memory_space<vmem>> -> memref<1x128x2048xf32, #tpu.memory_space<vmem>>
    %dma_wait3A_2327 = tpu.memref_squeeze %dma_wait3A_2326 : memref<1x128x2048xf32, #tpu.memory_space<vmem>> -> memref<128x2048xf32, #tpu.memory_space<vmem>>
    tpu.wait_dma2 semaphore(%arg3 : memref<!tpu.dma_semaphore, #tpu.memory_space<semaphore_mem>>) src(%dma_wait3A_2327 : memref<128x2048xf32, #tpu.memory_space<vmem>>) dst(%dma_wait3A_2323 : memref<128x2048xf32, #tpu.memory_space<hbm>>)
    %dma_wait3A_2328 = arith.constant 3 : i32
    %dma_wait3A_2329 = arith.constant 0 : i32
    %dma_wait3A_2330 = arith.constant 768 : i32
    %dma_wait3A_2331 = arith.constant 0 : i32
    %dma_wait3A_2332 = tpu.memref_slice %arg2[%dma_wait3A_2329, %add3A_756, %dma_wait3A_2330, %dma_wait3A_2331] : memref<1x16x2048x2048xf32, #tpu.memory_space<hbm>> -> memref<1x1x128x2048xf32, #tpu.memory_space<hbm>>
    %dma_wait3A_2333 = tpu.memref_squeeze %dma_wait3A_2332 : memref<1x1x128x2048xf32, #tpu.memory_space<hbm>> -> memref<128x2048xf32, #tpu.memory_space<hbm>>
    %dma_wait3A_2334 = arith.constant 0 : i32
    %dma_wait3A_2335 = arith.constant 1152 : i32
    %dma_wait3A_2336 = tpu.memref_slice %arg1[%dma_wait3A_2328, %dma_wait3A_2334, %dma_wait3A_2335] : memref<8x128x3968xf32, #tpu.memory_space<vmem>> -> memref<1x128x2048xf32, #tpu.memory_space<vmem>>
    %dma_wait3A_2337 = tpu.memref_squeeze %dma_wait3A_2336 : memref<1x128x2048xf32, #tpu.memory_space<vmem>> -> memref<128x2048xf32, #tpu.memory_space<vmem>>
    tpu.wait_dma2 semaphore(%arg3 : memref<!tpu.dma_semaphore, #tpu.memory_space<semaphore_mem>>) src(%dma_wait3A_2337 : memref<128x2048xf32, #tpu.memory_space<vmem>>) dst(%dma_wait3A_2333 : memref<128x2048xf32, #tpu.memory_space<hbm>>)
    %dma_wait3A_2338 = arith.constant 3 : i32
    %dma_wait3A_2339 = arith.constant 0 : i32
    %dma_wait3A_2340 = arith.constant 896 : i32
    %dma_wait3A_2341 = arith.constant 0 : i32
    %dma_wait3A_2342 = tpu.memref_slice %arg2[%dma_wait3A_2339, %add3A_770, %dma_wait3A_2340, %dma_wait3A_2341] : memref<1x16x2048x2048xf32, #tpu.memory_space<hbm>> -> memref<1x1x128x2048xf32, #tpu.memory_space<hbm>>
    %dma_wait3A_2343 = tpu.memref_squeeze %dma_wait3A_2342 : memref<1x1x128x2048xf32, #tpu.memory_space<hbm>> -> memref<128x2048xf32, #tpu.memory_space<hbm>>
    %dma_wait3A_2344 = arith.constant 0 : i32
    %dma_wait3A_2345 = arith.constant 1024 : i32
    %dma_wait3A_2346 = tpu.memref_slice %arg1[%dma_wait3A_2338, %dma_wait3A_2344, %dma_wait3A_2345] : memref<8x128x3968xf32, #tpu.memory_space<vmem>> -> memref<1x128x2048xf32, #tpu.memory_space<vmem>>
    %dma_wait3A_2347 = tpu.memref_squeeze %dma_wait3A_2346 : memref<1x128x2048xf32, #tpu.memory_space<vmem>> -> memref<128x2048xf32, #tpu.memory_space<vmem>>
    tpu.wait_dma2 semaphore(%arg3 : memref<!tpu.dma_semaphore, #tpu.memory_space<semaphore_mem>>) src(%dma_wait3A_2347 : memref<128x2048xf32, #tpu.memory_space<vmem>>) dst(%dma_wait3A_2343 : memref<128x2048xf32, #tpu.memory_space<hbm>>)
    %dma_wait3A_2348 = arith.constant 3 : i32
    %dma_wait3A_2349 = arith.constant 0 : i32
    %dma_wait3A_2350 = arith.constant 1024 : i32
    %dma_wait3A_2351 = arith.constant 0 : i32
    %dma_wait3A_2352 = tpu.memref_slice %arg2[%dma_wait3A_2349, %add3A_784, %dma_wait3A_2350, %dma_wait3A_2351] : memref<1x16x2048x2048xf32, #tpu.memory_space<hbm>> -> memref<1x1x128x2048xf32, #tpu.memory_space<hbm>>
    %dma_wait3A_2353 = tpu.memref_squeeze %dma_wait3A_2352 : memref<1x1x128x2048xf32, #tpu.memory_space<hbm>> -> memref<128x2048xf32, #tpu.memory_space<hbm>>
    %dma_wait3A_2354 = arith.constant 0 : i32
    %dma_wait3A_2355 = arith.constant 896 : i32
    %dma_wait3A_2356 = tpu.memref_slice %arg1[%dma_wait3A_2348, %dma_wait3A_2354, %dma_wait3A_2355] : memref<8x128x3968xf32, #tpu.memory_space<vmem>> -> memref<1x128x2048xf32, #tpu.memory_space<vmem>>
    %dma_wait3A_2357 = tpu.memref_squeeze %dma_wait3A_2356 : memref<1x128x2048xf32, #tpu.memory_space<vmem>> -> memref<128x2048xf32, #tpu.memory_space<vmem>>
    tpu.wait_dma2 semaphore(%arg3 : memref<!tpu.dma_semaphore, #tpu.memory_space<semaphore_mem>>) src(%dma_wait3A_2357 : memref<128x2048xf32, #tpu.memory_space<vmem>>) dst(%dma_wait3A_2353 : memref<128x2048xf32, #tpu.memory_space<hbm>>)
    %dma_wait3A_2358 = arith.constant 3 : i32
    %dma_wait3A_2359 = arith.constant 0 : i32
    %dma_wait3A_2360 = arith.constant 1152 : i32
    %dma_wait3A_2361 = arith.constant 0 : i32
    %dma_wait3A_2362 = tpu.memref_slice %arg2[%dma_wait3A_2359, %add3A_798, %dma_wait3A_2360, %dma_wait3A_2361] : memref<1x16x2048x2048xf32, #tpu.memory_space<hbm>> -> memref<1x1x128x2048xf32, #tpu.memory_space<hbm>>
    %dma_wait3A_2363 = tpu.memref_squeeze %dma_wait3A_2362 : memref<1x1x128x2048xf32, #tpu.memory_space<hbm>> -> memref<128x2048xf32, #tpu.memory_space<hbm>>
    %dma_wait3A_2364 = arith.constant 0 : i32
    %dma_wait3A_2365 = arith.constant 768 : i32
    %dma_wait3A_2366 = tpu.memref_slice %arg1[%dma_wait3A_2358, %dma_wait3A_2364, %dma_wait3A_2365] : memref<8x128x3968xf32, #tpu.memory_space<vmem>> -> memref<1x128x2048xf32, #tpu.memory_space<vmem>>
    %dma_wait3A_2367 = tpu.memref_squeeze %dma_wait3A_2366 : memref<1x128x2048xf32, #tpu.memory_space<vmem>> -> memref<128x2048xf32, #tpu.memory_space<vmem>>
    tpu.wait_dma2 semaphore(%arg3 : memref<!tpu.dma_semaphore, #tpu.memory_space<semaphore_mem>>) src(%dma_wait3A_2367 : memref<128x2048xf32, #tpu.memory_space<vmem>>) dst(%dma_wait3A_2363 : memref<128x2048xf32, #tpu.memory_space<hbm>>)
    %dma_wait3A_2368 = arith.constant 3 : i32
    %dma_wait3A_2369 = arith.constant 0 : i32
    %dma_wait3A_2370 = arith.constant 1280 : i32
    %dma_wait3A_2371 = arith.constant 0 : i32
    %dma_wait3A_2372 = tpu.memref_slice %arg2[%dma_wait3A_2369, %add3A_812, %dma_wait3A_2370, %dma_wait3A_2371] : memref<1x16x2048x2048xf32, #tpu.memory_space<hbm>> -> memref<1x1x128x2048xf32, #tpu.memory_space<hbm>>
    %dma_wait3A_2373 = tpu.memref_squeeze %dma_wait3A_2372 : memref<1x1x128x2048xf32, #tpu.memory_space<hbm>> -> memref<128x2048xf32, #tpu.memory_space<hbm>>
    %dma_wait3A_2374 = arith.constant 0 : i32
    %dma_wait3A_2375 = arith.constant 640 : i32
    %dma_wait3A_2376 = tpu.memref_slice %arg1[%dma_wait3A_2368, %dma_wait3A_2374, %dma_wait3A_2375] : memref<8x128x3968xf32, #tpu.memory_space<vmem>> -> memref<1x128x2048xf32, #tpu.memory_space<vmem>>
    %dma_wait3A_2377 = tpu.memref_squeeze %dma_wait3A_2376 : memref<1x128x2048xf32, #tpu.memory_space<vmem>> -> memref<128x2048xf32, #tpu.memory_space<vmem>>
    tpu.wait_dma2 semaphore(%arg3 : memref<!tpu.dma_semaphore, #tpu.memory_space<semaphore_mem>>) src(%dma_wait3A_2377 : memref<128x2048xf32, #tpu.memory_space<vmem>>) dst(%dma_wait3A_2373 : memref<128x2048xf32, #tpu.memory_space<hbm>>)
    %dma_wait3A_2378 = arith.constant 3 : i32
    %dma_wait3A_2379 = arith.constant 0 : i32
    %dma_wait3A_2380 = arith.constant 1408 : i32
    %dma_wait3A_2381 = arith.constant 0 : i32
    %dma_wait3A_2382 = tpu.memref_slice %arg2[%dma_wait3A_2379, %add3A_826, %dma_wait3A_2380, %dma_wait3A_2381] : memref<1x16x2048x2048xf32, #tpu.memory_space<hbm>> -> memref<1x1x128x2048xf32, #tpu.memory_space<hbm>>
    %dma_wait3A_2383 = tpu.memref_squeeze %dma_wait3A_2382 : memref<1x1x128x2048xf32, #tpu.memory_space<hbm>> -> memref<128x2048xf32, #tpu.memory_space<hbm>>
    %dma_wait3A_2384 = arith.constant 0 : i32
    %dma_wait3A_2385 = arith.constant 512 : i32
    %dma_wait3A_2386 = tpu.memref_slice %arg1[%dma_wait3A_2378, %dma_wait3A_2384, %dma_wait3A_2385] : memref<8x128x3968xf32, #tpu.memory_space<vmem>> -> memref<1x128x2048xf32, #tpu.memory_space<vmem>>
    %dma_wait3A_2387 = tpu.memref_squeeze %dma_wait3A_2386 : memref<1x128x2048xf32, #tpu.memory_space<vmem>> -> memref<128x2048xf32, #tpu.memory_space<vmem>>
    tpu.wait_dma2 semaphore(%arg3 : memref<!tpu.dma_semaphore, #tpu.memory_space<semaphore_mem>>) src(%dma_wait3A_2387 : memref<128x2048xf32, #tpu.memory_space<vmem>>) dst(%dma_wait3A_2383 : memref<128x2048xf32, #tpu.memory_space<hbm>>)
    %dma_wait3A_2388 = arith.constant 3 : i32
    %dma_wait3A_2389 = arith.constant 0 : i32
    %dma_wait3A_2390 = arith.constant 1536 : i32
    %dma_wait3A_2391 = arith.constant 0 : i32
    %dma_wait3A_2392 = tpu.memref_slice %arg2[%dma_wait3A_2389, %add3A_840, %dma_wait3A_2390, %dma_wait3A_2391] : memref<1x16x2048x2048xf32, #tpu.memory_space<hbm>> -> memref<1x1x128x2048xf32, #tpu.memory_space<hbm>>
    %dma_wait3A_2393 = tpu.memref_squeeze %dma_wait3A_2392 : memref<1x1x128x2048xf32, #tpu.memory_space<hbm>> -> memref<128x2048xf32, #tpu.memory_space<hbm>>
    %dma_wait3A_2394 = arith.constant 0 : i32
    %dma_wait3A_2395 = arith.constant 384 : i32
    %dma_wait3A_2396 = tpu.memref_slice %arg1[%dma_wait3A_2388, %dma_wait3A_2394, %dma_wait3A_2395] : memref<8x128x3968xf32, #tpu.memory_space<vmem>> -> memref<1x128x2048xf32, #tpu.memory_space<vmem>>
    %dma_wait3A_2397 = tpu.memref_squeeze %dma_wait3A_2396 : memref<1x128x2048xf32, #tpu.memory_space<vmem>> -> memref<128x2048xf32, #tpu.memory_space<vmem>>
    tpu.wait_dma2 semaphore(%arg3 : memref<!tpu.dma_semaphore, #tpu.memory_space<semaphore_mem>>) src(%dma_wait3A_2397 : memref<128x2048xf32, #tpu.memory_space<vmem>>) dst(%dma_wait3A_2393 : memref<128x2048xf32, #tpu.memory_space<hbm>>)
    %dma_wait3A_2398 = arith.constant 3 : i32
    %dma_wait3A_2399 = arith.constant 0 : i32
    %dma_wait3A_2400 = arith.constant 1664 : i32
    %dma_wait3A_2401 = arith.constant 0 : i32
    %dma_wait3A_2402 = tpu.memref_slice %arg2[%dma_wait3A_2399, %add3A_854, %dma_wait3A_2400, %dma_wait3A_2401] : memref<1x16x2048x2048xf32, #tpu.memory_space<hbm>> -> memref<1x1x128x2048xf32, #tpu.memory_space<hbm>>
    %dma_wait3A_2403 = tpu.memref_squeeze %dma_wait3A_2402 : memref<1x1x128x2048xf32, #tpu.memory_space<hbm>> -> memref<128x2048xf32, #tpu.memory_space<hbm>>
    %dma_wait3A_2404 = arith.constant 0 : i32
    %dma_wait3A_2405 = arith.constant 256 : i32
    %dma_wait3A_2406 = tpu.memref_slice %arg1[%dma_wait3A_2398, %dma_wait3A_2404, %dma_wait3A_2405] : memref<8x128x3968xf32, #tpu.memory_space<vmem>> -> memref<1x128x2048xf32, #tpu.memory_space<vmem>>
    %dma_wait3A_2407 = tpu.memref_squeeze %dma_wait3A_2406 : memref<1x128x2048xf32, #tpu.memory_space<vmem>> -> memref<128x2048xf32, #tpu.memory_space<vmem>>
    tpu.wait_dma2 semaphore(%arg3 : memref<!tpu.dma_semaphore, #tpu.memory_space<semaphore_mem>>) src(%dma_wait3A_2407 : memref<128x2048xf32, #tpu.memory_space<vmem>>) dst(%dma_wait3A_2403 : memref<128x2048xf32, #tpu.memory_space<hbm>>)
    %dma_wait3A_2408 = arith.constant 3 : i32
    %dma_wait3A_2409 = arith.constant 0 : i32
    %dma_wait3A_2410 = arith.constant 1792 : i32
    %dma_wait3A_2411 = arith.constant 0 : i32
    %dma_wait3A_2412 = tpu.memref_slice %arg2[%dma_wait3A_2409, %add3A_868, %dma_wait3A_2410, %dma_wait3A_2411] : memref<1x16x2048x2048xf32, #tpu.memory_space<hbm>> -> memref<1x1x128x2048xf32, #tpu.memory_space<hbm>>
    %dma_wait3A_2413 = tpu.memref_squeeze %dma_wait3A_2412 : memref<1x1x128x2048xf32, #tpu.memory_space<hbm>> -> memref<128x2048xf32, #tpu.memory_space<hbm>>
    %dma_wait3A_2414 = arith.constant 0 : i32
    %dma_wait3A_2415 = arith.constant 128 : i32
    %dma_wait3A_2416 = tpu.memref_slice %arg1[%dma_wait3A_2408, %dma_wait3A_2414, %dma_wait3A_2415] : memref<8x128x3968xf32, #tpu.memory_space<vmem>> -> memref<1x128x2048xf32, #tpu.memory_space<vmem>>
    %dma_wait3A_2417 = tpu.memref_squeeze %dma_wait3A_2416 : memref<1x128x2048xf32, #tpu.memory_space<vmem>> -> memref<128x2048xf32, #tpu.memory_space<vmem>>
    tpu.wait_dma2 semaphore(%arg3 : memref<!tpu.dma_semaphore, #tpu.memory_space<semaphore_mem>>) src(%dma_wait3A_2417 : memref<128x2048xf32, #tpu.memory_space<vmem>>) dst(%dma_wait3A_2413 : memref<128x2048xf32, #tpu.memory_space<hbm>>)
    %dma_wait3A_2418 = arith.constant 3 : i32
    %dma_wait3A_2419 = arith.constant 0 : i32
    %dma_wait3A_2420 = arith.constant 1920 : i32
    %dma_wait3A_2421 = arith.constant 0 : i32
    %dma_wait3A_2422 = tpu.memref_slice %arg2[%dma_wait3A_2419, %add3A_882, %dma_wait3A_2420, %dma_wait3A_2421] : memref<1x16x2048x2048xf32, #tpu.memory_space<hbm>> -> memref<1x1x128x2048xf32, #tpu.memory_space<hbm>>
    %dma_wait3A_2423 = tpu.memref_squeeze %dma_wait3A_2422 : memref<1x1x128x2048xf32, #tpu.memory_space<hbm>> -> memref<128x2048xf32, #tpu.memory_space<hbm>>
    %dma_wait3A_2424 = arith.constant 0 : i32
    %dma_wait3A_2425 = arith.constant 0 : i32
    %dma_wait3A_2426 = tpu.memref_slice %arg1[%dma_wait3A_2418, %dma_wait3A_2424, %dma_wait3A_2425] : memref<8x128x3968xf32, #tpu.memory_space<vmem>> -> memref<1x128x2048xf32, #tpu.memory_space<vmem>>
    %dma_wait3A_2427 = tpu.memref_squeeze %dma_wait3A_2426 : memref<1x128x2048xf32, #tpu.memory_space<vmem>> -> memref<128x2048xf32, #tpu.memory_space<vmem>>
    tpu.wait_dma2 semaphore(%arg3 : memref<!tpu.dma_semaphore, #tpu.memory_space<semaphore_mem>>) src(%dma_wait3A_2427 : memref<128x2048xf32, #tpu.memory_space<vmem>>) dst(%dma_wait3A_2423 : memref<128x2048xf32, #tpu.memory_space<hbm>>)
    %dma_wait3A_2428 = arith.constant 4 : i32
    %dma_wait3A_2429 = arith.constant 0 : i32
    %dma_wait3A_2430 = arith.constant 0 : i32
    %dma_wait3A_2431 = arith.constant 0 : i32
    %dma_wait3A_2432 = tpu.memref_slice %arg2[%dma_wait3A_2429, %add3A_896, %dma_wait3A_2430, %dma_wait3A_2431] : memref<1x16x2048x2048xf32, #tpu.memory_space<hbm>> -> memref<1x1x128x2048xf32, #tpu.memory_space<hbm>>
    %dma_wait3A_2433 = tpu.memref_squeeze %dma_wait3A_2432 : memref<1x1x128x2048xf32, #tpu.memory_space<hbm>> -> memref<128x2048xf32, #tpu.memory_space<hbm>>
    %dma_wait3A_2434 = arith.constant 0 : i32
    %dma_wait3A_2435 = arith.constant 1920 : i32
    %dma_wait3A_2436 = tpu.memref_slice %arg1[%dma_wait3A_2428, %dma_wait3A_2434, %dma_wait3A_2435] : memref<8x128x3968xf32, #tpu.memory_space<vmem>> -> memref<1x128x2048xf32, #tpu.memory_space<vmem>>
    %dma_wait3A_2437 = tpu.memref_squeeze %dma_wait3A_2436 : memref<1x128x2048xf32, #tpu.memory_space<vmem>> -> memref<128x2048xf32, #tpu.memory_space<vmem>>
    tpu.wait_dma2 semaphore(%arg3 : memref<!tpu.dma_semaphore, #tpu.memory_space<semaphore_mem>>) src(%dma_wait3A_2437 : memref<128x2048xf32, #tpu.memory_space<vmem>>) dst(%dma_wait3A_2433 : memref<128x2048xf32, #tpu.memory_space<hbm>>)
    %dma_wait3A_2438 = arith.constant 4 : i32
    %dma_wait3A_2439 = arith.constant 0 : i32
    %dma_wait3A_2440 = arith.constant 128 : i32
    %dma_wait3A_2441 = arith.constant 0 : i32
    %dma_wait3A_2442 = tpu.memref_slice %arg2[%dma_wait3A_2439, %add3A_910, %dma_wait3A_2440, %dma_wait3A_2441] : memref<1x16x2048x2048xf32, #tpu.memory_space<hbm>> -> memref<1x1x128x2048xf32, #tpu.memory_space<hbm>>
    %dma_wait3A_2443 = tpu.memref_squeeze %dma_wait3A_2442 : memref<1x1x128x2048xf32, #tpu.memory_space<hbm>> -> memref<128x2048xf32, #tpu.memory_space<hbm>>
    %dma_wait3A_2444 = arith.constant 0 : i32
    %dma_wait3A_2445 = arith.constant 1792 : i32
    %dma_wait3A_2446 = tpu.memref_slice %arg1[%dma_wait3A_2438, %dma_wait3A_2444, %dma_wait3A_2445] : memref<8x128x3968xf32, #tpu.memory_space<vmem>> -> memref<1x128x2048xf32, #tpu.memory_space<vmem>>
    %dma_wait3A_2447 = tpu.memref_squeeze %dma_wait3A_2446 : memref<1x128x2048xf32, #tpu.memory_space<vmem>> -> memref<128x2048xf32, #tpu.memory_space<vmem>>
    tpu.wait_dma2 semaphore(%arg3 : memref<!tpu.dma_semaphore, #tpu.memory_space<semaphore_mem>>) src(%dma_wait3A_2447 : memref<128x2048xf32, #tpu.memory_space<vmem>>) dst(%dma_wait3A_2443 : memref<128x2048xf32, #tpu.memory_space<hbm>>)
    %dma_wait3A_2448 = arith.constant 4 : i32
    %dma_wait3A_2449 = arith.constant 0 : i32
    %dma_wait3A_2450 = arith.constant 256 : i32
    %dma_wait3A_2451 = arith.constant 0 : i32
    %dma_wait3A_2452 = tpu.memref_slice %arg2[%dma_wait3A_2449, %add3A_924, %dma_wait3A_2450, %dma_wait3A_2451] : memref<1x16x2048x2048xf32, #tpu.memory_space<hbm>> -> memref<1x1x128x2048xf32, #tpu.memory_space<hbm>>
    %dma_wait3A_2453 = tpu.memref_squeeze %dma_wait3A_2452 : memref<1x1x128x2048xf32, #tpu.memory_space<hbm>> -> memref<128x2048xf32, #tpu.memory_space<hbm>>
    %dma_wait3A_2454 = arith.constant 0 : i32
    %dma_wait3A_2455 = arith.constant 1664 : i32
    %dma_wait3A_2456 = tpu.memref_slice %arg1[%dma_wait3A_2448, %dma_wait3A_2454, %dma_wait3A_2455] : memref<8x128x3968xf32, #tpu.memory_space<vmem>> -> memref<1x128x2048xf32, #tpu.memory_space<vmem>>
    %dma_wait3A_2457 = tpu.memref_squeeze %dma_wait3A_2456 : memref<1x128x2048xf32, #tpu.memory_space<vmem>> -> memref<128x2048xf32, #tpu.memory_space<vmem>>
    tpu.wait_dma2 semaphore(%arg3 : memref<!tpu.dma_semaphore, #tpu.memory_space<semaphore_mem>>) src(%dma_wait3A_2457 : memref<128x2048xf32, #tpu.memory_space<vmem>>) dst(%dma_wait3A_2453 : memref<128x2048xf32, #tpu.memory_space<hbm>>)
    %dma_wait3A_2458 = arith.constant 4 : i32
    %dma_wait3A_2459 = arith.constant 0 : i32
    %dma_wait3A_2460 = arith.constant 384 : i32
    %dma_wait3A_2461 = arith.constant 0 : i32
    %dma_wait3A_2462 = tpu.memref_slice %arg2[%dma_wait3A_2459, %add3A_938, %dma_wait3A_2460, %dma_wait3A_2461] : memref<1x16x2048x2048xf32, #tpu.memory_space<hbm>> -> memref<1x1x128x2048xf32, #tpu.memory_space<hbm>>
    %dma_wait3A_2463 = tpu.memref_squeeze %dma_wait3A_2462 : memref<1x1x128x2048xf32, #tpu.memory_space<hbm>> -> memref<128x2048xf32, #tpu.memory_space<hbm>>
    %dma_wait3A_2464 = arith.constant 0 : i32
    %dma_wait3A_2465 = arith.constant 1536 : i32
    %dma_wait3A_2466 = tpu.memref_slice %arg1[%dma_wait3A_2458, %dma_wait3A_2464, %dma_wait3A_2465] : memref<8x128x3968xf32, #tpu.memory_space<vmem>> -> memref<1x128x2048xf32, #tpu.memory_space<vmem>>
    %dma_wait3A_2467 = tpu.memref_squeeze %dma_wait3A_2466 : memref<1x128x2048xf32, #tpu.memory_space<vmem>> -> memref<128x2048xf32, #tpu.memory_space<vmem>>
    tpu.wait_dma2 semaphore(%arg3 : memref<!tpu.dma_semaphore, #tpu.memory_space<semaphore_mem>>) src(%dma_wait3A_2467 : memref<128x2048xf32, #tpu.memory_space<vmem>>) dst(%dma_wait3A_2463 : memref<128x2048xf32, #tpu.memory_space<hbm>>)
    %dma_wait3A_2468 = arith.constant 4 : i32
    %dma_wait3A_2469 = arith.constant 0 : i32
    %dma_wait3A_2470 = arith.constant 512 : i32
    %dma_wait3A_2471 = arith.constant 0 : i32
    %dma_wait3A_2472 = tpu.memref_slice %arg2[%dma_wait3A_2469, %add3A_952, %dma_wait3A_2470, %dma_wait3A_2471] : memref<1x16x2048x2048xf32, #tpu.memory_space<hbm>> -> memref<1x1x128x2048xf32, #tpu.memory_space<hbm>>
    %dma_wait3A_2473 = tpu.memref_squeeze %dma_wait3A_2472 : memref<1x1x128x2048xf32, #tpu.memory_space<hbm>> -> memref<128x2048xf32, #tpu.memory_space<hbm>>
    %dma_wait3A_2474 = arith.constant 0 : i32
    %dma_wait3A_2475 = arith.constant 1408 : i32
    %dma_wait3A_2476 = tpu.memref_slice %arg1[%dma_wait3A_2468, %dma_wait3A_2474, %dma_wait3A_2475] : memref<8x128x3968xf32, #tpu.memory_space<vmem>> -> memref<1x128x2048xf32, #tpu.memory_space<vmem>>
    %dma_wait3A_2477 = tpu.memref_squeeze %dma_wait3A_2476 : memref<1x128x2048xf32, #tpu.memory_space<vmem>> -> memref<128x2048xf32, #tpu.memory_space<vmem>>
    tpu.wait_dma2 semaphore(%arg3 : memref<!tpu.dma_semaphore, #tpu.memory_space<semaphore_mem>>) src(%dma_wait3A_2477 : memref<128x2048xf32, #tpu.memory_space<vmem>>) dst(%dma_wait3A_2473 : memref<128x2048xf32, #tpu.memory_space<hbm>>)
    %dma_wait3A_2478 = arith.constant 4 : i32
    %dma_wait3A_2479 = arith.constant 0 : i32
    %dma_wait3A_2480 = arith.constant 640 : i32
    %dma_wait3A_2481 = arith.constant 0 : i32
    %dma_wait3A_2482 = tpu.memref_slice %arg2[%dma_wait3A_2479, %add3A_966, %dma_wait3A_2480, %dma_wait3A_2481] : memref<1x16x2048x2048xf32, #tpu.memory_space<hbm>> -> memref<1x1x128x2048xf32, #tpu.memory_space<hbm>>
    %dma_wait3A_2483 = tpu.memref_squeeze %dma_wait3A_2482 : memref<1x1x128x2048xf32, #tpu.memory_space<hbm>> -> memref<128x2048xf32, #tpu.memory_space<hbm>>
    %dma_wait3A_2484 = arith.constant 0 : i32
    %dma_wait3A_2485 = arith.constant 1280 : i32
    %dma_wait3A_2486 = tpu.memref_slice %arg1[%dma_wait3A_2478, %dma_wait3A_2484, %dma_wait3A_2485] : memref<8x128x3968xf32, #tpu.memory_space<vmem>> -> memref<1x128x2048xf32, #tpu.memory_space<vmem>>
    %dma_wait3A_2487 = tpu.memref_squeeze %dma_wait3A_2486 : memref<1x128x2048xf32, #tpu.memory_space<vmem>> -> memref<128x2048xf32, #tpu.memory_space<vmem>>
    tpu.wait_dma2 semaphore(%arg3 : memref<!tpu.dma_semaphore, #tpu.memory_space<semaphore_mem>>) src(%dma_wait3A_2487 : memref<128x2048xf32, #tpu.memory_space<vmem>>) dst(%dma_wait3A_2483 : memref<128x2048xf32, #tpu.memory_space<hbm>>)
    %dma_wait3A_2488 = arith.constant 4 : i32
    %dma_wait3A_2489 = arith.constant 0 : i32
    %dma_wait3A_2490 = arith.constant 768 : i32
    %dma_wait3A_2491 = arith.constant 0 : i32
    %dma_wait3A_2492 = tpu.memref_slice %arg2[%dma_wait3A_2489, %add3A_980, %dma_wait3A_2490, %dma_wait3A_2491] : memref<1x16x2048x2048xf32, #tpu.memory_space<hbm>> -> memref<1x1x128x2048xf32, #tpu.memory_space<hbm>>
    %dma_wait3A_2493 = tpu.memref_squeeze %dma_wait3A_2492 : memref<1x1x128x2048xf32, #tpu.memory_space<hbm>> -> memref<128x2048xf32, #tpu.memory_space<hbm>>
    %dma_wait3A_2494 = arith.constant 0 : i32
    %dma_wait3A_2495 = arith.constant 1152 : i32
    %dma_wait3A_2496 = tpu.memref_slice %arg1[%dma_wait3A_2488, %dma_wait3A_2494, %dma_wait3A_2495] : memref<8x128x3968xf32, #tpu.memory_space<vmem>> -> memref<1x128x2048xf32, #tpu.memory_space<vmem>>
    %dma_wait3A_2497 = tpu.memref_squeeze %dma_wait3A_2496 : memref<1x128x2048xf32, #tpu.memory_space<vmem>> -> memref<128x2048xf32, #tpu.memory_space<vmem>>
    tpu.wait_dma2 semaphore(%arg3 : memref<!tpu.dma_semaphore, #tpu.memory_space<semaphore_mem>>) src(%dma_wait3A_2497 : memref<128x2048xf32, #tpu.memory_space<vmem>>) dst(%dma_wait3A_2493 : memref<128x2048xf32, #tpu.memory_space<hbm>>)
    %dma_wait3A_2498 = arith.constant 4 : i32
    %dma_wait3A_2499 = arith.constant 0 : i32
    %dma_wait3A_2500 = arith.constant 896 : i32
    %dma_wait3A_2501 = arith.constant 0 : i32
    %dma_wait3A_2502 = tpu.memref_slice %arg2[%dma_wait3A_2499, %add3A_994, %dma_wait3A_2500, %dma_wait3A_2501] : memref<1x16x2048x2048xf32, #tpu.memory_space<hbm>> -> memref<1x1x128x2048xf32, #tpu.memory_space<hbm>>
    %dma_wait3A_2503 = tpu.memref_squeeze %dma_wait3A_2502 : memref<1x1x128x2048xf32, #tpu.memory_space<hbm>> -> memref<128x2048xf32, #tpu.memory_space<hbm>>
    %dma_wait3A_2504 = arith.constant 0 : i32
    %dma_wait3A_2505 = arith.constant 1024 : i32
    %dma_wait3A_2506 = tpu.memref_slice %arg1[%dma_wait3A_2498, %dma_wait3A_2504, %dma_wait3A_2505] : memref<8x128x3968xf32, #tpu.memory_space<vmem>> -> memref<1x128x2048xf32, #tpu.memory_space<vmem>>
    %dma_wait3A_2507 = tpu.memref_squeeze %dma_wait3A_2506 : memref<1x128x2048xf32, #tpu.memory_space<vmem>> -> memref<128x2048xf32, #tpu.memory_space<vmem>>
    tpu.wait_dma2 semaphore(%arg3 : memref<!tpu.dma_semaphore, #tpu.memory_space<semaphore_mem>>) src(%dma_wait3A_2507 : memref<128x2048xf32, #tpu.memory_space<vmem>>) dst(%dma_wait3A_2503 : memref<128x2048xf32, #tpu.memory_space<hbm>>)
    %dma_wait3A_2508 = arith.constant 4 : i32
    %dma_wait3A_2509 = arith.constant 0 : i32
    %dma_wait3A_2510 = arith.constant 1024 : i32
    %dma_wait3A_2511 = arith.constant 0 : i32
    %dma_wait3A_2512 = tpu.memref_slice %arg2[%dma_wait3A_2509, %add3A_1008, %dma_wait3A_2510, %dma_wait3A_2511] : memref<1x16x2048x2048xf32, #tpu.memory_space<hbm>> -> memref<1x1x128x2048xf32, #tpu.memory_space<hbm>>
    %dma_wait3A_2513 = tpu.memref_squeeze %dma_wait3A_2512 : memref<1x1x128x2048xf32, #tpu.memory_space<hbm>> -> memref<128x2048xf32, #tpu.memory_space<hbm>>
    %dma_wait3A_2514 = arith.constant 0 : i32
    %dma_wait3A_2515 = arith.constant 896 : i32
    %dma_wait3A_2516 = tpu.memref_slice %arg1[%dma_wait3A_2508, %dma_wait3A_2514, %dma_wait3A_2515] : memref<8x128x3968xf32, #tpu.memory_space<vmem>> -> memref<1x128x2048xf32, #tpu.memory_space<vmem>>
    %dma_wait3A_2517 = tpu.memref_squeeze %dma_wait3A_2516 : memref<1x128x2048xf32, #tpu.memory_space<vmem>> -> memref<128x2048xf32, #tpu.memory_space<vmem>>
    tpu.wait_dma2 semaphore(%arg3 : memref<!tpu.dma_semaphore, #tpu.memory_space<semaphore_mem>>) src(%dma_wait3A_2517 : memref<128x2048xf32, #tpu.memory_space<vmem>>) dst(%dma_wait3A_2513 : memref<128x2048xf32, #tpu.memory_space<hbm>>)
    %dma_wait3A_2518 = arith.constant 4 : i32
    %dma_wait3A_2519 = arith.constant 0 : i32
    %dma_wait3A_2520 = arith.constant 1152 : i32
    %dma_wait3A_2521 = arith.constant 0 : i32
    %dma_wait3A_2522 = tpu.memref_slice %arg2[%dma_wait3A_2519, %add3A_1022, %dma_wait3A_2520, %dma_wait3A_2521] : memref<1x16x2048x2048xf32, #tpu.memory_space<hbm>> -> memref<1x1x128x2048xf32, #tpu.memory_space<hbm>>
    %dma_wait3A_2523 = tpu.memref_squeeze %dma_wait3A_2522 : memref<1x1x128x2048xf32, #tpu.memory_space<hbm>> -> memref<128x2048xf32, #tpu.memory_space<hbm>>
    %dma_wait3A_2524 = arith.constant 0 : i32
    %dma_wait3A_2525 = arith.constant 768 : i32
    %dma_wait3A_2526 = tpu.memref_slice %arg1[%dma_wait3A_2518, %dma_wait3A_2524, %dma_wait3A_2525] : memref<8x128x3968xf32, #tpu.memory_space<vmem>> -> memref<1x128x2048xf32, #tpu.memory_space<vmem>>
    %dma_wait3A_2527 = tpu.memref_squeeze %dma_wait3A_2526 : memref<1x128x2048xf32, #tpu.memory_space<vmem>> -> memref<128x2048xf32, #tpu.memory_space<vmem>>
    tpu.wait_dma2 semaphore(%arg3 : memref<!tpu.dma_semaphore, #tpu.memory_space<semaphore_mem>>) src(%dma_wait3A_2527 : memref<128x2048xf32, #tpu.memory_space<vmem>>) dst(%dma_wait3A_2523 : memref<128x2048xf32, #tpu.memory_space<hbm>>)
    %dma_wait3A_2528 = arith.constant 4 : i32
    %dma_wait3A_2529 = arith.constant 0 : i32
    %dma_wait3A_2530 = arith.constant 1280 : i32
    %dma_wait3A_2531 = arith.constant 0 : i32
    %dma_wait3A_2532 = tpu.memref_slice %arg2[%dma_wait3A_2529, %add3A_1036, %dma_wait3A_2530, %dma_wait3A_2531] : memref<1x16x2048x2048xf32, #tpu.memory_space<hbm>> -> memref<1x1x128x2048xf32, #tpu.memory_space<hbm>>
    %dma_wait3A_2533 = tpu.memref_squeeze %dma_wait3A_2532 : memref<1x1x128x2048xf32, #tpu.memory_space<hbm>> -> memref<128x2048xf32, #tpu.memory_space<hbm>>
    %dma_wait3A_2534 = arith.constant 0 : i32
    %dma_wait3A_2535 = arith.constant 640 : i32
    %dma_wait3A_2536 = tpu.memref_slice %arg1[%dma_wait3A_2528, %dma_wait3A_2534, %dma_wait3A_2535] : memref<8x128x3968xf32, #tpu.memory_space<vmem>> -> memref<1x128x2048xf32, #tpu.memory_space<vmem>>
    %dma_wait3A_2537 = tpu.memref_squeeze %dma_wait3A_2536 : memref<1x128x2048xf32, #tpu.memory_space<vmem>> -> memref<128x2048xf32, #tpu.memory_space<vmem>>
    tpu.wait_dma2 semaphore(%arg3 : memref<!tpu.dma_semaphore, #tpu.memory_space<semaphore_mem>>) src(%dma_wait3A_2537 : memref<128x2048xf32, #tpu.memory_space<vmem>>) dst(%dma_wait3A_2533 : memref<128x2048xf32, #tpu.memory_space<hbm>>)
    %dma_wait3A_2538 = arith.constant 4 : i32
    %dma_wait3A_2539 = arith.constant 0 : i32
    %dma_wait3A_2540 = arith.constant 1408 : i32
    %dma_wait3A_2541 = arith.constant 0 : i32
    %dma_wait3A_2542 = tpu.memref_slice %arg2[%dma_wait3A_2539, %add3A_1050, %dma_wait3A_2540, %dma_wait3A_2541] : memref<1x16x2048x2048xf32, #tpu.memory_space<hbm>> -> memref<1x1x128x2048xf32, #tpu.memory_space<hbm>>
    %dma_wait3A_2543 = tpu.memref_squeeze %dma_wait3A_2542 : memref<1x1x128x2048xf32, #tpu.memory_space<hbm>> -> memref<128x2048xf32, #tpu.memory_space<hbm>>
    %dma_wait3A_2544 = arith.constant 0 : i32
    %dma_wait3A_2545 = arith.constant 512 : i32
    %dma_wait3A_2546 = tpu.memref_slice %arg1[%dma_wait3A_2538, %dma_wait3A_2544, %dma_wait3A_2545] : memref<8x128x3968xf32, #tpu.memory_space<vmem>> -> memref<1x128x2048xf32, #tpu.memory_space<vmem>>
    %dma_wait3A_2547 = tpu.memref_squeeze %dma_wait3A_2546 : memref<1x128x2048xf32, #tpu.memory_space<vmem>> -> memref<128x2048xf32, #tpu.memory_space<vmem>>
    tpu.wait_dma2 semaphore(%arg3 : memref<!tpu.dma_semaphore, #tpu.memory_space<semaphore_mem>>) src(%dma_wait3A_2547 : memref<128x2048xf32, #tpu.memory_space<vmem>>) dst(%dma_wait3A_2543 : memref<128x2048xf32, #tpu.memory_space<hbm>>)
    %dma_wait3A_2548 = arith.constant 4 : i32
    %dma_wait3A_2549 = arith.constant 0 : i32
    %dma_wait3A_2550 = arith.constant 1536 : i32
    %dma_wait3A_2551 = arith.constant 0 : i32
    %dma_wait3A_2552 = tpu.memref_slice %arg2[%dma_wait3A_2549, %add3A_1064, %dma_wait3A_2550, %dma_wait3A_2551] : memref<1x16x2048x2048xf32, #tpu.memory_space<hbm>> -> memref<1x1x128x2048xf32, #tpu.memory_space<hbm>>
    %dma_wait3A_2553 = tpu.memref_squeeze %dma_wait3A_2552 : memref<1x1x128x2048xf32, #tpu.memory_space<hbm>> -> memref<128x2048xf32, #tpu.memory_space<hbm>>
    %dma_wait3A_2554 = arith.constant 0 : i32
    %dma_wait3A_2555 = arith.constant 384 : i32
    %dma_wait3A_2556 = tpu.memref_slice %arg1[%dma_wait3A_2548, %dma_wait3A_2554, %dma_wait3A_2555] : memref<8x128x3968xf32, #tpu.memory_space<vmem>> -> memref<1x128x2048xf32, #tpu.memory_space<vmem>>
    %dma_wait3A_2557 = tpu.memref_squeeze %dma_wait3A_2556 : memref<1x128x2048xf32, #tpu.memory_space<vmem>> -> memref<128x2048xf32, #tpu.memory_space<vmem>>
    tpu.wait_dma2 semaphore(%arg3 : memref<!tpu.dma_semaphore, #tpu.memory_space<semaphore_mem>>) src(%dma_wait3A_2557 : memref<128x2048xf32, #tpu.memory_space<vmem>>) dst(%dma_wait3A_2553 : memref<128x2048xf32, #tpu.memory_space<hbm>>)
    %dma_wait3A_2558 = arith.constant 4 : i32
    %dma_wait3A_2559 = arith.constant 0 : i32
    %dma_wait3A_2560 = arith.constant 1664 : i32
    %dma_wait3A_2561 = arith.constant 0 : i32
    %dma_wait3A_2562 = tpu.memref_slice %arg2[%dma_wait3A_2559, %add3A_1078, %dma_wait3A_2560, %dma_wait3A_2561] : memref<1x16x2048x2048xf32, #tpu.memory_space<hbm>> -> memref<1x1x128x2048xf32, #tpu.memory_space<hbm>>
    %dma_wait3A_2563 = tpu.memref_squeeze %dma_wait3A_2562 : memref<1x1x128x2048xf32, #tpu.memory_space<hbm>> -> memref<128x2048xf32, #tpu.memory_space<hbm>>
    %dma_wait3A_2564 = arith.constant 0 : i32
    %dma_wait3A_2565 = arith.constant 256 : i32
    %dma_wait3A_2566 = tpu.memref_slice %arg1[%dma_wait3A_2558, %dma_wait3A_2564, %dma_wait3A_2565] : memref<8x128x3968xf32, #tpu.memory_space<vmem>> -> memref<1x128x2048xf32, #tpu.memory_space<vmem>>
    %dma_wait3A_2567 = tpu.memref_squeeze %dma_wait3A_2566 : memref<1x128x2048xf32, #tpu.memory_space<vmem>> -> memref<128x2048xf32, #tpu.memory_space<vmem>>
    tpu.wait_dma2 semaphore(%arg3 : memref<!tpu.dma_semaphore, #tpu.memory_space<semaphore_mem>>) src(%dma_wait3A_2567 : memref<128x2048xf32, #tpu.memory_space<vmem>>) dst(%dma_wait3A_2563 : memref<128x2048xf32, #tpu.memory_space<hbm>>)
    %dma_wait3A_2568 = arith.constant 4 : i32
    %dma_wait3A_2569 = arith.constant 0 : i32
    %dma_wait3A_2570 = arith.constant 1792 : i32
    %dma_wait3A_2571 = arith.constant 0 : i32
    %dma_wait3A_2572 = tpu.memref_slice %arg2[%dma_wait3A_2569, %add3A_1092, %dma_wait3A_2570, %dma_wait3A_2571] : memref<1x16x2048x2048xf32, #tpu.memory_space<hbm>> -> memref<1x1x128x2048xf32, #tpu.memory_space<hbm>>
    %dma_wait3A_2573 = tpu.memref_squeeze %dma_wait3A_2572 : memref<1x1x128x2048xf32, #tpu.memory_space<hbm>> -> memref<128x2048xf32, #tpu.memory_space<hbm>>
    %dma_wait3A_2574 = arith.constant 0 : i32
    %dma_wait3A_2575 = arith.constant 128 : i32
    %dma_wait3A_2576 = tpu.memref_slice %arg1[%dma_wait3A_2568, %dma_wait3A_2574, %dma_wait3A_2575] : memref<8x128x3968xf32, #tpu.memory_space<vmem>> -> memref<1x128x2048xf32, #tpu.memory_space<vmem>>
    %dma_wait3A_2577 = tpu.memref_squeeze %dma_wait3A_2576 : memref<1x128x2048xf32, #tpu.memory_space<vmem>> -> memref<128x2048xf32, #tpu.memory_space<vmem>>
    tpu.wait_dma2 semaphore(%arg3 : memref<!tpu.dma_semaphore, #tpu.memory_space<semaphore_mem>>) src(%dma_wait3A_2577 : memref<128x2048xf32, #tpu.memory_space<vmem>>) dst(%dma_wait3A_2573 : memref<128x2048xf32, #tpu.memory_space<hbm>>)
    %dma_wait3A_2578 = arith.constant 4 : i32
    %dma_wait3A_2579 = arith.constant 0 : i32
    %dma_wait3A_2580 = arith.constant 1920 : i32
    %dma_wait3A_2581 = arith.constant 0 : i32
    %dma_wait3A_2582 = tpu.memref_slice %arg2[%dma_wait3A_2579, %add3A_1106, %dma_wait3A_2580, %dma_wait3A_2581] : memref<1x16x2048x2048xf32, #tpu.memory_space<hbm>> -> memref<1x1x128x2048xf32, #tpu.memory_space<hbm>>
    %dma_wait3A_2583 = tpu.memref_squeeze %dma_wait3A_2582 : memref<1x1x128x2048xf32, #tpu.memory_space<hbm>> -> memref<128x2048xf32, #tpu.memory_space<hbm>>
    %dma_wait3A_2584 = arith.constant 0 : i32
    %dma_wait3A_2585 = arith.constant 0 : i32
    %dma_wait3A_2586 = tpu.memref_slice %arg1[%dma_wait3A_2578, %dma_wait3A_2584, %dma_wait3A_2585] : memref<8x128x3968xf32, #tpu.memory_space<vmem>> -> memref<1x128x2048xf32, #tpu.memory_space<vmem>>
    %dma_wait3A_2587 = tpu.memref_squeeze %dma_wait3A_2586 : memref<1x128x2048xf32, #tpu.memory_space<vmem>> -> memref<128x2048xf32, #tpu.memory_space<vmem>>
    tpu.wait_dma2 semaphore(%arg3 : memref<!tpu.dma_semaphore, #tpu.memory_space<semaphore_mem>>) src(%dma_wait3A_2587 : memref<128x2048xf32, #tpu.memory_space<vmem>>) dst(%dma_wait3A_2583 : memref<128x2048xf32, #tpu.memory_space<hbm>>)
    %dma_wait3A_2588 = arith.constant 5 : i32
    %dma_wait3A_2589 = arith.constant 0 : i32
    %dma_wait3A_2590 = arith.constant 0 : i32
    %dma_wait3A_2591 = arith.constant 0 : i32
    %dma_wait3A_2592 = tpu.memref_slice %arg2[%dma_wait3A_2589, %add3A_1120, %dma_wait3A_2590, %dma_wait3A_2591] : memref<1x16x2048x2048xf32, #tpu.memory_space<hbm>> -> memref<1x1x128x2048xf32, #tpu.memory_space<hbm>>
    %dma_wait3A_2593 = tpu.memref_squeeze %dma_wait3A_2592 : memref<1x1x128x2048xf32, #tpu.memory_space<hbm>> -> memref<128x2048xf32, #tpu.memory_space<hbm>>
    %dma_wait3A_2594 = arith.constant 0 : i32
    %dma_wait3A_2595 = arith.constant 1920 : i32
    %dma_wait3A_2596 = tpu.memref_slice %arg1[%dma_wait3A_2588, %dma_wait3A_2594, %dma_wait3A_2595] : memref<8x128x3968xf32, #tpu.memory_space<vmem>> -> memref<1x128x2048xf32, #tpu.memory_space<vmem>>
    %dma_wait3A_2597 = tpu.memref_squeeze %dma_wait3A_2596 : memref<1x128x2048xf32, #tpu.memory_space<vmem>> -> memref<128x2048xf32, #tpu.memory_space<vmem>>
    tpu.wait_dma2 semaphore(%arg3 : memref<!tpu.dma_semaphore, #tpu.memory_space<semaphore_mem>>) src(%dma_wait3A_2597 : memref<128x2048xf32, #tpu.memory_space<vmem>>) dst(%dma_wait3A_2593 : memref<128x2048xf32, #tpu.memory_space<hbm>>)
    %dma_wait3A_2598 = arith.constant 5 : i32
    %dma_wait3A_2599 = arith.constant 0 : i32
    %dma_wait3A_2600 = arith.constant 128 : i32
    %dma_wait3A_2601 = arith.constant 0 : i32
    %dma_wait3A_2602 = tpu.memref_slice %arg2[%dma_wait3A_2599, %add3A_1134, %dma_wait3A_2600, %dma_wait3A_2601] : memref<1x16x2048x2048xf32, #tpu.memory_space<hbm>> -> memref<1x1x128x2048xf32, #tpu.memory_space<hbm>>
    %dma_wait3A_2603 = tpu.memref_squeeze %dma_wait3A_2602 : memref<1x1x128x2048xf32, #tpu.memory_space<hbm>> -> memref<128x2048xf32, #tpu.memory_space<hbm>>
    %dma_wait3A_2604 = arith.constant 0 : i32
    %dma_wait3A_2605 = arith.constant 1792 : i32
    %dma_wait3A_2606 = tpu.memref_slice %arg1[%dma_wait3A_2598, %dma_wait3A_2604, %dma_wait3A_2605] : memref<8x128x3968xf32, #tpu.memory_space<vmem>> -> memref<1x128x2048xf32, #tpu.memory_space<vmem>>
    %dma_wait3A_2607 = tpu.memref_squeeze %dma_wait3A_2606 : memref<1x128x2048xf32, #tpu.memory_space<vmem>> -> memref<128x2048xf32, #tpu.memory_space<vmem>>
    tpu.wait_dma2 semaphore(%arg3 : memref<!tpu.dma_semaphore, #tpu.memory_space<semaphore_mem>>) src(%dma_wait3A_2607 : memref<128x2048xf32, #tpu.memory_space<vmem>>) dst(%dma_wait3A_2603 : memref<128x2048xf32, #tpu.memory_space<hbm>>)
    %dma_wait3A_2608 = arith.constant 5 : i32
    %dma_wait3A_2609 = arith.constant 0 : i32
    %dma_wait3A_2610 = arith.constant 256 : i32
    %dma_wait3A_2611 = arith.constant 0 : i32
    %dma_wait3A_2612 = tpu.memref_slice %arg2[%dma_wait3A_2609, %add3A_1148, %dma_wait3A_2610, %dma_wait3A_2611] : memref<1x16x2048x2048xf32, #tpu.memory_space<hbm>> -> memref<1x1x128x2048xf32, #tpu.memory_space<hbm>>
    %dma_wait3A_2613 = tpu.memref_squeeze %dma_wait3A_2612 : memref<1x1x128x2048xf32, #tpu.memory_space<hbm>> -> memref<128x2048xf32, #tpu.memory_space<hbm>>
    %dma_wait3A_2614 = arith.constant 0 : i32
    %dma_wait3A_2615 = arith.constant 1664 : i32
    %dma_wait3A_2616 = tpu.memref_slice %arg1[%dma_wait3A_2608, %dma_wait3A_2614, %dma_wait3A_2615] : memref<8x128x3968xf32, #tpu.memory_space<vmem>> -> memref<1x128x2048xf32, #tpu.memory_space<vmem>>
    %dma_wait3A_2617 = tpu.memref_squeeze %dma_wait3A_2616 : memref<1x128x2048xf32, #tpu.memory_space<vmem>> -> memref<128x2048xf32, #tpu.memory_space<vmem>>
    tpu.wait_dma2 semaphore(%arg3 : memref<!tpu.dma_semaphore, #tpu.memory_space<semaphore_mem>>) src(%dma_wait3A_2617 : memref<128x2048xf32, #tpu.memory_space<vmem>>) dst(%dma_wait3A_2613 : memref<128x2048xf32, #tpu.memory_space<hbm>>)
    %dma_wait3A_2618 = arith.constant 5 : i32
    %dma_wait3A_2619 = arith.constant 0 : i32
    %dma_wait3A_2620 = arith.constant 384 : i32
    %dma_wait3A_2621 = arith.constant 0 : i32
    %dma_wait3A_2622 = tpu.memref_slice %arg2[%dma_wait3A_2619, %add3A_1162, %dma_wait3A_2620, %dma_wait3A_2621] : memref<1x16x2048x2048xf32, #tpu.memory_space<hbm>> -> memref<1x1x128x2048xf32, #tpu.memory_space<hbm>>
    %dma_wait3A_2623 = tpu.memref_squeeze %dma_wait3A_2622 : memref<1x1x128x2048xf32, #tpu.memory_space<hbm>> -> memref<128x2048xf32, #tpu.memory_space<hbm>>
    %dma_wait3A_2624 = arith.constant 0 : i32
    %dma_wait3A_2625 = arith.constant 1536 : i32
    %dma_wait3A_2626 = tpu.memref_slice %arg1[%dma_wait3A_2618, %dma_wait3A_2624, %dma_wait3A_2625] : memref<8x128x3968xf32, #tpu.memory_space<vmem>> -> memref<1x128x2048xf32, #tpu.memory_space<vmem>>
    %dma_wait3A_2627 = tpu.memref_squeeze %dma_wait3A_2626 : memref<1x128x2048xf32, #tpu.memory_space<vmem>> -> memref<128x2048xf32, #tpu.memory_space<vmem>>
    tpu.wait_dma2 semaphore(%arg3 : memref<!tpu.dma_semaphore, #tpu.memory_space<semaphore_mem>>) src(%dma_wait3A_2627 : memref<128x2048xf32, #tpu.memory_space<vmem>>) dst(%dma_wait3A_2623 : memref<128x2048xf32, #tpu.memory_space<hbm>>)
    %dma_wait3A_2628 = arith.constant 5 : i32
    %dma_wait3A_2629 = arith.constant 0 : i32
    %dma_wait3A_2630 = arith.constant 512 : i32
    %dma_wait3A_2631 = arith.constant 0 : i32
    %dma_wait3A_2632 = tpu.memref_slice %arg2[%dma_wait3A_2629, %add3A_1176, %dma_wait3A_2630, %dma_wait3A_2631] : memref<1x16x2048x2048xf32, #tpu.memory_space<hbm>> -> memref<1x1x128x2048xf32, #tpu.memory_space<hbm>>
    %dma_wait3A_2633 = tpu.memref_squeeze %dma_wait3A_2632 : memref<1x1x128x2048xf32, #tpu.memory_space<hbm>> -> memref<128x2048xf32, #tpu.memory_space<hbm>>
    %dma_wait3A_2634 = arith.constant 0 : i32
    %dma_wait3A_2635 = arith.constant 1408 : i32
    %dma_wait3A_2636 = tpu.memref_slice %arg1[%dma_wait3A_2628, %dma_wait3A_2634, %dma_wait3A_2635] : memref<8x128x3968xf32, #tpu.memory_space<vmem>> -> memref<1x128x2048xf32, #tpu.memory_space<vmem>>
    %dma_wait3A_2637 = tpu.memref_squeeze %dma_wait3A_2636 : memref<1x128x2048xf32, #tpu.memory_space<vmem>> -> memref<128x2048xf32, #tpu.memory_space<vmem>>
    tpu.wait_dma2 semaphore(%arg3 : memref<!tpu.dma_semaphore, #tpu.memory_space<semaphore_mem>>) src(%dma_wait3A_2637 : memref<128x2048xf32, #tpu.memory_space<vmem>>) dst(%dma_wait3A_2633 : memref<128x2048xf32, #tpu.memory_space<hbm>>)
    %dma_wait3A_2638 = arith.constant 5 : i32
    %dma_wait3A_2639 = arith.constant 0 : i32
    %dma_wait3A_2640 = arith.constant 640 : i32
    %dma_wait3A_2641 = arith.constant 0 : i32
    %dma_wait3A_2642 = tpu.memref_slice %arg2[%dma_wait3A_2639, %add3A_1190, %dma_wait3A_2640, %dma_wait3A_2641] : memref<1x16x2048x2048xf32, #tpu.memory_space<hbm>> -> memref<1x1x128x2048xf32, #tpu.memory_space<hbm>>
    %dma_wait3A_2643 = tpu.memref_squeeze %dma_wait3A_2642 : memref<1x1x128x2048xf32, #tpu.memory_space<hbm>> -> memref<128x2048xf32, #tpu.memory_space<hbm>>
    %dma_wait3A_2644 = arith.constant 0 : i32
    %dma_wait3A_2645 = arith.constant 1280 : i32
    %dma_wait3A_2646 = tpu.memref_slice %arg1[%dma_wait3A_2638, %dma_wait3A_2644, %dma_wait3A_2645] : memref<8x128x3968xf32, #tpu.memory_space<vmem>> -> memref<1x128x2048xf32, #tpu.memory_space<vmem>>
    %dma_wait3A_2647 = tpu.memref_squeeze %dma_wait3A_2646 : memref<1x128x2048xf32, #tpu.memory_space<vmem>> -> memref<128x2048xf32, #tpu.memory_space<vmem>>
    tpu.wait_dma2 semaphore(%arg3 : memref<!tpu.dma_semaphore, #tpu.memory_space<semaphore_mem>>) src(%dma_wait3A_2647 : memref<128x2048xf32, #tpu.memory_space<vmem>>) dst(%dma_wait3A_2643 : memref<128x2048xf32, #tpu.memory_space<hbm>>)
    %dma_wait3A_2648 = arith.constant 5 : i32
    %dma_wait3A_2649 = arith.constant 0 : i32
    %dma_wait3A_2650 = arith.constant 768 : i32
    %dma_wait3A_2651 = arith.constant 0 : i32
    %dma_wait3A_2652 = tpu.memref_slice %arg2[%dma_wait3A_2649, %add3A_1204, %dma_wait3A_2650, %dma_wait3A_2651] : memref<1x16x2048x2048xf32, #tpu.memory_space<hbm>> -> memref<1x1x128x2048xf32, #tpu.memory_space<hbm>>
    %dma_wait3A_2653 = tpu.memref_squeeze %dma_wait3A_2652 : memref<1x1x128x2048xf32, #tpu.memory_space<hbm>> -> memref<128x2048xf32, #tpu.memory_space<hbm>>
    %dma_wait3A_2654 = arith.constant 0 : i32
    %dma_wait3A_2655 = arith.constant 1152 : i32
    %dma_wait3A_2656 = tpu.memref_slice %arg1[%dma_wait3A_2648, %dma_wait3A_2654, %dma_wait3A_2655] : memref<8x128x3968xf32, #tpu.memory_space<vmem>> -> memref<1x128x2048xf32, #tpu.memory_space<vmem>>
    %dma_wait3A_2657 = tpu.memref_squeeze %dma_wait3A_2656 : memref<1x128x2048xf32, #tpu.memory_space<vmem>> -> memref<128x2048xf32, #tpu.memory_space<vmem>>
    tpu.wait_dma2 semaphore(%arg3 : memref<!tpu.dma_semaphore, #tpu.memory_space<semaphore_mem>>) src(%dma_wait3A_2657 : memref<128x2048xf32, #tpu.memory_space<vmem>>) dst(%dma_wait3A_2653 : memref<128x2048xf32, #tpu.memory_space<hbm>>)
    %dma_wait3A_2658 = arith.constant 5 : i32
    %dma_wait3A_2659 = arith.constant 0 : i32
    %dma_wait3A_2660 = arith.constant 896 : i32
    %dma_wait3A_2661 = arith.constant 0 : i32
    %dma_wait3A_2662 = tpu.memref_slice %arg2[%dma_wait3A_2659, %add3A_1218, %dma_wait3A_2660, %dma_wait3A_2661] : memref<1x16x2048x2048xf32, #tpu.memory_space<hbm>> -> memref<1x1x128x2048xf32, #tpu.memory_space<hbm>>
    %dma_wait3A_2663 = tpu.memref_squeeze %dma_wait3A_2662 : memref<1x1x128x2048xf32, #tpu.memory_space<hbm>> -> memref<128x2048xf32, #tpu.memory_space<hbm>>
    %dma_wait3A_2664 = arith.constant 0 : i32
    %dma_wait3A_2665 = arith.constant 1024 : i32
    %dma_wait3A_2666 = tpu.memref_slice %arg1[%dma_wait3A_2658, %dma_wait3A_2664, %dma_wait3A_2665] : memref<8x128x3968xf32, #tpu.memory_space<vmem>> -> memref<1x128x2048xf32, #tpu.memory_space<vmem>>
    %dma_wait3A_2667 = tpu.memref_squeeze %dma_wait3A_2666 : memref<1x128x2048xf32, #tpu.memory_space<vmem>> -> memref<128x2048xf32, #tpu.memory_space<vmem>>
    tpu.wait_dma2 semaphore(%arg3 : memref<!tpu.dma_semaphore, #tpu.memory_space<semaphore_mem>>) src(%dma_wait3A_2667 : memref<128x2048xf32, #tpu.memory_space<vmem>>) dst(%dma_wait3A_2663 : memref<128x2048xf32, #tpu.memory_space<hbm>>)
    %dma_wait3A_2668 = arith.constant 5 : i32
    %dma_wait3A_2669 = arith.constant 0 : i32
    %dma_wait3A_2670 = arith.constant 1024 : i32
    %dma_wait3A_2671 = arith.constant 0 : i32
    %dma_wait3A_2672 = tpu.memref_slice %arg2[%dma_wait3A_2669, %add3A_1232, %dma_wait3A_2670, %dma_wait3A_2671] : memref<1x16x2048x2048xf32, #tpu.memory_space<hbm>> -> memref<1x1x128x2048xf32, #tpu.memory_space<hbm>>
    %dma_wait3A_2673 = tpu.memref_squeeze %dma_wait3A_2672 : memref<1x1x128x2048xf32, #tpu.memory_space<hbm>> -> memref<128x2048xf32, #tpu.memory_space<hbm>>
    %dma_wait3A_2674 = arith.constant 0 : i32
    %dma_wait3A_2675 = arith.constant 896 : i32
    %dma_wait3A_2676 = tpu.memref_slice %arg1[%dma_wait3A_2668, %dma_wait3A_2674, %dma_wait3A_2675] : memref<8x128x3968xf32, #tpu.memory_space<vmem>> -> memref<1x128x2048xf32, #tpu.memory_space<vmem>>
    %dma_wait3A_2677 = tpu.memref_squeeze %dma_wait3A_2676 : memref<1x128x2048xf32, #tpu.memory_space<vmem>> -> memref<128x2048xf32, #tpu.memory_space<vmem>>
    tpu.wait_dma2 semaphore(%arg3 : memref<!tpu.dma_semaphore, #tpu.memory_space<semaphore_mem>>) src(%dma_wait3A_2677 : memref<128x2048xf32, #tpu.memory_space<vmem>>) dst(%dma_wait3A_2673 : memref<128x2048xf32, #tpu.memory_space<hbm>>)
    %dma_wait3A_2678 = arith.constant 5 : i32
    %dma_wait3A_2679 = arith.constant 0 : i32
    %dma_wait3A_2680 = arith.constant 1152 : i32
    %dma_wait3A_2681 = arith.constant 0 : i32
    %dma_wait3A_2682 = tpu.memref_slice %arg2[%dma_wait3A_2679, %add3A_1246, %dma_wait3A_2680, %dma_wait3A_2681] : memref<1x16x2048x2048xf32, #tpu.memory_space<hbm>> -> memref<1x1x128x2048xf32, #tpu.memory_space<hbm>>
    %dma_wait3A_2683 = tpu.memref_squeeze %dma_wait3A_2682 : memref<1x1x128x2048xf32, #tpu.memory_space<hbm>> -> memref<128x2048xf32, #tpu.memory_space<hbm>>
    %dma_wait3A_2684 = arith.constant 0 : i32
    %dma_wait3A_2685 = arith.constant 768 : i32
    %dma_wait3A_2686 = tpu.memref_slice %arg1[%dma_wait3A_2678, %dma_wait3A_2684, %dma_wait3A_2685] : memref<8x128x3968xf32, #tpu.memory_space<vmem>> -> memref<1x128x2048xf32, #tpu.memory_space<vmem>>
    %dma_wait3A_2687 = tpu.memref_squeeze %dma_wait3A_2686 : memref<1x128x2048xf32, #tpu.memory_space<vmem>> -> memref<128x2048xf32, #tpu.memory_space<vmem>>
    tpu.wait_dma2 semaphore(%arg3 : memref<!tpu.dma_semaphore, #tpu.memory_space<semaphore_mem>>) src(%dma_wait3A_2687 : memref<128x2048xf32, #tpu.memory_space<vmem>>) dst(%dma_wait3A_2683 : memref<128x2048xf32, #tpu.memory_space<hbm>>)
    %dma_wait3A_2688 = arith.constant 5 : i32
    %dma_wait3A_2689 = arith.constant 0 : i32
    %dma_wait3A_2690 = arith.constant 1280 : i32
    %dma_wait3A_2691 = arith.constant 0 : i32
    %dma_wait3A_2692 = tpu.memref_slice %arg2[%dma_wait3A_2689, %add3A_1260, %dma_wait3A_2690, %dma_wait3A_2691] : memref<1x16x2048x2048xf32, #tpu.memory_space<hbm>> -> memref<1x1x128x2048xf32, #tpu.memory_space<hbm>>
    %dma_wait3A_2693 = tpu.memref_squeeze %dma_wait3A_2692 : memref<1x1x128x2048xf32, #tpu.memory_space<hbm>> -> memref<128x2048xf32, #tpu.memory_space<hbm>>
    %dma_wait3A_2694 = arith.constant 0 : i32
    %dma_wait3A_2695 = arith.constant 640 : i32
    %dma_wait3A_2696 = tpu.memref_slice %arg1[%dma_wait3A_2688, %dma_wait3A_2694, %dma_wait3A_2695] : memref<8x128x3968xf32, #tpu.memory_space<vmem>> -> memref<1x128x2048xf32, #tpu.memory_space<vmem>>
    %dma_wait3A_2697 = tpu.memref_squeeze %dma_wait3A_2696 : memref<1x128x2048xf32, #tpu.memory_space<vmem>> -> memref<128x2048xf32, #tpu.memory_space<vmem>>
    tpu.wait_dma2 semaphore(%arg3 : memref<!tpu.dma_semaphore, #tpu.memory_space<semaphore_mem>>) src(%dma_wait3A_2697 : memref<128x2048xf32, #tpu.memory_space<vmem>>) dst(%dma_wait3A_2693 : memref<128x2048xf32, #tpu.memory_space<hbm>>)
    %dma_wait3A_2698 = arith.constant 5 : i32
    %dma_wait3A_2699 = arith.constant 0 : i32
    %dma_wait3A_2700 = arith.constant 1408 : i32
    %dma_wait3A_2701 = arith.constant 0 : i32
    %dma_wait3A_2702 = tpu.memref_slice %arg2[%dma_wait3A_2699, %add3A_1274, %dma_wait3A_2700, %dma_wait3A_2701] : memref<1x16x2048x2048xf32, #tpu.memory_space<hbm>> -> memref<1x1x128x2048xf32, #tpu.memory_space<hbm>>
    %dma_wait3A_2703 = tpu.memref_squeeze %dma_wait3A_2702 : memref<1x1x128x2048xf32, #tpu.memory_space<hbm>> -> memref<128x2048xf32, #tpu.memory_space<hbm>>
    %dma_wait3A_2704 = arith.constant 0 : i32
    %dma_wait3A_2705 = arith.constant 512 : i32
    %dma_wait3A_2706 = tpu.memref_slice %arg1[%dma_wait3A_2698, %dma_wait3A_2704, %dma_wait3A_2705] : memref<8x128x3968xf32, #tpu.memory_space<vmem>> -> memref<1x128x2048xf32, #tpu.memory_space<vmem>>
    %dma_wait3A_2707 = tpu.memref_squeeze %dma_wait3A_2706 : memref<1x128x2048xf32, #tpu.memory_space<vmem>> -> memref<128x2048xf32, #tpu.memory_space<vmem>>
    tpu.wait_dma2 semaphore(%arg3 : memref<!tpu.dma_semaphore, #tpu.memory_space<semaphore_mem>>) src(%dma_wait3A_2707 : memref<128x2048xf32, #tpu.memory_space<vmem>>) dst(%dma_wait3A_2703 : memref<128x2048xf32, #tpu.memory_space<hbm>>)
    %dma_wait3A_2708 = arith.constant 5 : i32
    %dma_wait3A_2709 = arith.constant 0 : i32
    %dma_wait3A_2710 = arith.constant 1536 : i32
    %dma_wait3A_2711 = arith.constant 0 : i32
    %dma_wait3A_2712 = tpu.memref_slice %arg2[%dma_wait3A_2709, %add3A_1288, %dma_wait3A_2710, %dma_wait3A_2711] : memref<1x16x2048x2048xf32, #tpu.memory_space<hbm>> -> memref<1x1x128x2048xf32, #tpu.memory_space<hbm>>
    %dma_wait3A_2713 = tpu.memref_squeeze %dma_wait3A_2712 : memref<1x1x128x2048xf32, #tpu.memory_space<hbm>> -> memref<128x2048xf32, #tpu.memory_space<hbm>>
    %dma_wait3A_2714 = arith.constant 0 : i32
    %dma_wait3A_2715 = arith.constant 384 : i32
    %dma_wait3A_2716 = tpu.memref_slice %arg1[%dma_wait3A_2708, %dma_wait3A_2714, %dma_wait3A_2715] : memref<8x128x3968xf32, #tpu.memory_space<vmem>> -> memref<1x128x2048xf32, #tpu.memory_space<vmem>>
    %dma_wait3A_2717 = tpu.memref_squeeze %dma_wait3A_2716 : memref<1x128x2048xf32, #tpu.memory_space<vmem>> -> memref<128x2048xf32, #tpu.memory_space<vmem>>
    tpu.wait_dma2 semaphore(%arg3 : memref<!tpu.dma_semaphore, #tpu.memory_space<semaphore_mem>>) src(%dma_wait3A_2717 : memref<128x2048xf32, #tpu.memory_space<vmem>>) dst(%dma_wait3A_2713 : memref<128x2048xf32, #tpu.memory_space<hbm>>)
    %dma_wait3A_2718 = arith.constant 5 : i32
    %dma_wait3A_2719 = arith.constant 0 : i32
    %dma_wait3A_2720 = arith.constant 1664 : i32
    %dma_wait3A_2721 = arith.constant 0 : i32
    %dma_wait3A_2722 = tpu.memref_slice %arg2[%dma_wait3A_2719, %add3A_1302, %dma_wait3A_2720, %dma_wait3A_2721] : memref<1x16x2048x2048xf32, #tpu.memory_space<hbm>> -> memref<1x1x128x2048xf32, #tpu.memory_space<hbm>>
    %dma_wait3A_2723 = tpu.memref_squeeze %dma_wait3A_2722 : memref<1x1x128x2048xf32, #tpu.memory_space<hbm>> -> memref<128x2048xf32, #tpu.memory_space<hbm>>
    %dma_wait3A_2724 = arith.constant 0 : i32
    %dma_wait3A_2725 = arith.constant 256 : i32
    %dma_wait3A_2726 = tpu.memref_slice %arg1[%dma_wait3A_2718, %dma_wait3A_2724, %dma_wait3A_2725] : memref<8x128x3968xf32, #tpu.memory_space<vmem>> -> memref<1x128x2048xf32, #tpu.memory_space<vmem>>
    %dma_wait3A_2727 = tpu.memref_squeeze %dma_wait3A_2726 : memref<1x128x2048xf32, #tpu.memory_space<vmem>> -> memref<128x2048xf32, #tpu.memory_space<vmem>>
    tpu.wait_dma2 semaphore(%arg3 : memref<!tpu.dma_semaphore, #tpu.memory_space<semaphore_mem>>) src(%dma_wait3A_2727 : memref<128x2048xf32, #tpu.memory_space<vmem>>) dst(%dma_wait3A_2723 : memref<128x2048xf32, #tpu.memory_space<hbm>>)
    %dma_wait3A_2728 = arith.constant 5 : i32
    %dma_wait3A_2729 = arith.constant 0 : i32
    %dma_wait3A_2730 = arith.constant 1792 : i32
    %dma_wait3A_2731 = arith.constant 0 : i32
    %dma_wait3A_2732 = tpu.memref_slice %arg2[%dma_wait3A_2729, %add3A_1316, %dma_wait3A_2730, %dma_wait3A_2731] : memref<1x16x2048x2048xf32, #tpu.memory_space<hbm>> -> memref<1x1x128x2048xf32, #tpu.memory_space<hbm>>
    %dma_wait3A_2733 = tpu.memref_squeeze %dma_wait3A_2732 : memref<1x1x128x2048xf32, #tpu.memory_space<hbm>> -> memref<128x2048xf32, #tpu.memory_space<hbm>>
    %dma_wait3A_2734 = arith.constant 0 : i32
    %dma_wait3A_2735 = arith.constant 128 : i32
    %dma_wait3A_2736 = tpu.memref_slice %arg1[%dma_wait3A_2728, %dma_wait3A_2734, %dma_wait3A_2735] : memref<8x128x3968xf32, #tpu.memory_space<vmem>> -> memref<1x128x2048xf32, #tpu.memory_space<vmem>>
    %dma_wait3A_2737 = tpu.memref_squeeze %dma_wait3A_2736 : memref<1x128x2048xf32, #tpu.memory_space<vmem>> -> memref<128x2048xf32, #tpu.memory_space<vmem>>
    tpu.wait_dma2 semaphore(%arg3 : memref<!tpu.dma_semaphore, #tpu.memory_space<semaphore_mem>>) src(%dma_wait3A_2737 : memref<128x2048xf32, #tpu.memory_space<vmem>>) dst(%dma_wait3A_2733 : memref<128x2048xf32, #tpu.memory_space<hbm>>)
    %dma_wait3A_2738 = arith.constant 5 : i32
    %dma_wait3A_2739 = arith.constant 0 : i32
    %dma_wait3A_2740 = arith.constant 1920 : i32
    %dma_wait3A_2741 = arith.constant 0 : i32
    %dma_wait3A_2742 = tpu.memref_slice %arg2[%dma_wait3A_2739, %add3A_1330, %dma_wait3A_2740, %dma_wait3A_2741] : memref<1x16x2048x2048xf32, #tpu.memory_space<hbm>> -> memref<1x1x128x2048xf32, #tpu.memory_space<hbm>>
    %dma_wait3A_2743 = tpu.memref_squeeze %dma_wait3A_2742 : memref<1x1x128x2048xf32, #tpu.memory_space<hbm>> -> memref<128x2048xf32, #tpu.memory_space<hbm>>
    %dma_wait3A_2744 = arith.constant 0 : i32
    %dma_wait3A_2745 = arith.constant 0 : i32
    %dma_wait3A_2746 = tpu.memref_slice %arg1[%dma_wait3A_2738, %dma_wait3A_2744, %dma_wait3A_2745] : memref<8x128x3968xf32, #tpu.memory_space<vmem>> -> memref<1x128x2048xf32, #tpu.memory_space<vmem>>
    %dma_wait3A_2747 = tpu.memref_squeeze %dma_wait3A_2746 : memref<1x128x2048xf32, #tpu.memory_space<vmem>> -> memref<128x2048xf32, #tpu.memory_space<vmem>>
    tpu.wait_dma2 semaphore(%arg3 : memref<!tpu.dma_semaphore, #tpu.memory_space<semaphore_mem>>) src(%dma_wait3A_2747 : memref<128x2048xf32, #tpu.memory_space<vmem>>) dst(%dma_wait3A_2743 : memref<128x2048xf32, #tpu.memory_space<hbm>>)
    %dma_wait3A_2748 = arith.constant 6 : i32
    %dma_wait3A_2749 = arith.constant 0 : i32
    %dma_wait3A_2750 = arith.constant 0 : i32
    %dma_wait3A_2751 = arith.constant 0 : i32
    %dma_wait3A_2752 = tpu.memref_slice %arg2[%dma_wait3A_2749, %add3A_1344, %dma_wait3A_2750, %dma_wait3A_2751] : memref<1x16x2048x2048xf32, #tpu.memory_space<hbm>> -> memref<1x1x128x2048xf32, #tpu.memory_space<hbm>>
    %dma_wait3A_2753 = tpu.memref_squeeze %dma_wait3A_2752 : memref<1x1x128x2048xf32, #tpu.memory_space<hbm>> -> memref<128x2048xf32, #tpu.memory_space<hbm>>
    %dma_wait3A_2754 = arith.constant 0 : i32
    %dma_wait3A_2755 = arith.constant 1920 : i32
    %dma_wait3A_2756 = tpu.memref_slice %arg1[%dma_wait3A_2748, %dma_wait3A_2754, %dma_wait3A_2755] : memref<8x128x3968xf32, #tpu.memory_space<vmem>> -> memref<1x128x2048xf32, #tpu.memory_space<vmem>>
    %dma_wait3A_2757 = tpu.memref_squeeze %dma_wait3A_2756 : memref<1x128x2048xf32, #tpu.memory_space<vmem>> -> memref<128x2048xf32, #tpu.memory_space<vmem>>
    tpu.wait_dma2 semaphore(%arg3 : memref<!tpu.dma_semaphore, #tpu.memory_space<semaphore_mem>>) src(%dma_wait3A_2757 : memref<128x2048xf32, #tpu.memory_space<vmem>>) dst(%dma_wait3A_2753 : memref<128x2048xf32, #tpu.memory_space<hbm>>)
    %dma_wait3A_2758 = arith.constant 6 : i32
    %dma_wait3A_2759 = arith.constant 0 : i32
    %dma_wait3A_2760 = arith.constant 128 : i32
    %dma_wait3A_2761 = arith.constant 0 : i32
    %dma_wait3A_2762 = tpu.memref_slice %arg2[%dma_wait3A_2759, %add3A_1358, %dma_wait3A_2760, %dma_wait3A_2761] : memref<1x16x2048x2048xf32, #tpu.memory_space<hbm>> -> memref<1x1x128x2048xf32, #tpu.memory_space<hbm>>
    %dma_wait3A_2763 = tpu.memref_squeeze %dma_wait3A_2762 : memref<1x1x128x2048xf32, #tpu.memory_space<hbm>> -> memref<128x2048xf32, #tpu.memory_space<hbm>>
    %dma_wait3A_2764 = arith.constant 0 : i32
    %dma_wait3A_2765 = arith.constant 1792 : i32
    %dma_wait3A_2766 = tpu.memref_slice %arg1[%dma_wait3A_2758, %dma_wait3A_2764, %dma_wait3A_2765] : memref<8x128x3968xf32, #tpu.memory_space<vmem>> -> memref<1x128x2048xf32, #tpu.memory_space<vmem>>
    %dma_wait3A_2767 = tpu.memref_squeeze %dma_wait3A_2766 : memref<1x128x2048xf32, #tpu.memory_space<vmem>> -> memref<128x2048xf32, #tpu.memory_space<vmem>>
    tpu.wait_dma2 semaphore(%arg3 : memref<!tpu.dma_semaphore, #tpu.memory_space<semaphore_mem>>) src(%dma_wait3A_2767 : memref<128x2048xf32, #tpu.memory_space<vmem>>) dst(%dma_wait3A_2763 : memref<128x2048xf32, #tpu.memory_space<hbm>>)
    %dma_wait3A_2768 = arith.constant 6 : i32
    %dma_wait3A_2769 = arith.constant 0 : i32
    %dma_wait3A_2770 = arith.constant 256 : i32
    %dma_wait3A_2771 = arith.constant 0 : i32
    %dma_wait3A_2772 = tpu.memref_slice %arg2[%dma_wait3A_2769, %add3A_1372, %dma_wait3A_2770, %dma_wait3A_2771] : memref<1x16x2048x2048xf32, #tpu.memory_space<hbm>> -> memref<1x1x128x2048xf32, #tpu.memory_space<hbm>>
    %dma_wait3A_2773 = tpu.memref_squeeze %dma_wait3A_2772 : memref<1x1x128x2048xf32, #tpu.memory_space<hbm>> -> memref<128x2048xf32, #tpu.memory_space<hbm>>
    %dma_wait3A_2774 = arith.constant 0 : i32
    %dma_wait3A_2775 = arith.constant 1664 : i32
    %dma_wait3A_2776 = tpu.memref_slice %arg1[%dma_wait3A_2768, %dma_wait3A_2774, %dma_wait3A_2775] : memref<8x128x3968xf32, #tpu.memory_space<vmem>> -> memref<1x128x2048xf32, #tpu.memory_space<vmem>>
    %dma_wait3A_2777 = tpu.memref_squeeze %dma_wait3A_2776 : memref<1x128x2048xf32, #tpu.memory_space<vmem>> -> memref<128x2048xf32, #tpu.memory_space<vmem>>
    tpu.wait_dma2 semaphore(%arg3 : memref<!tpu.dma_semaphore, #tpu.memory_space<semaphore_mem>>) src(%dma_wait3A_2777 : memref<128x2048xf32, #tpu.memory_space<vmem>>) dst(%dma_wait3A_2773 : memref<128x2048xf32, #tpu.memory_space<hbm>>)
    %dma_wait3A_2778 = arith.constant 6 : i32
    %dma_wait3A_2779 = arith.constant 0 : i32
    %dma_wait3A_2780 = arith.constant 384 : i32
    %dma_wait3A_2781 = arith.constant 0 : i32
    %dma_wait3A_2782 = tpu.memref_slice %arg2[%dma_wait3A_2779, %add3A_1386, %dma_wait3A_2780, %dma_wait3A_2781] : memref<1x16x2048x2048xf32, #tpu.memory_space<hbm>> -> memref<1x1x128x2048xf32, #tpu.memory_space<hbm>>
    %dma_wait3A_2783 = tpu.memref_squeeze %dma_wait3A_2782 : memref<1x1x128x2048xf32, #tpu.memory_space<hbm>> -> memref<128x2048xf32, #tpu.memory_space<hbm>>
    %dma_wait3A_2784 = arith.constant 0 : i32
    %dma_wait3A_2785 = arith.constant 1536 : i32
    %dma_wait3A_2786 = tpu.memref_slice %arg1[%dma_wait3A_2778, %dma_wait3A_2784, %dma_wait3A_2785] : memref<8x128x3968xf32, #tpu.memory_space<vmem>> -> memref<1x128x2048xf32, #tpu.memory_space<vmem>>
    %dma_wait3A_2787 = tpu.memref_squeeze %dma_wait3A_2786 : memref<1x128x2048xf32, #tpu.memory_space<vmem>> -> memref<128x2048xf32, #tpu.memory_space<vmem>>
    tpu.wait_dma2 semaphore(%arg3 : memref<!tpu.dma_semaphore, #tpu.memory_space<semaphore_mem>>) src(%dma_wait3A_2787 : memref<128x2048xf32, #tpu.memory_space<vmem>>) dst(%dma_wait3A_2783 : memref<128x2048xf32, #tpu.memory_space<hbm>>)
    %dma_wait3A_2788 = arith.constant 6 : i32
    %dma_wait3A_2789 = arith.constant 0 : i32
    %dma_wait3A_2790 = arith.constant 512 : i32
    %dma_wait3A_2791 = arith.constant 0 : i32
    %dma_wait3A_2792 = tpu.memref_slice %arg2[%dma_wait3A_2789, %add3A_1400, %dma_wait3A_2790, %dma_wait3A_2791] : memref<1x16x2048x2048xf32, #tpu.memory_space<hbm>> -> memref<1x1x128x2048xf32, #tpu.memory_space<hbm>>
    %dma_wait3A_2793 = tpu.memref_squeeze %dma_wait3A_2792 : memref<1x1x128x2048xf32, #tpu.memory_space<hbm>> -> memref<128x2048xf32, #tpu.memory_space<hbm>>
    %dma_wait3A_2794 = arith.constant 0 : i32
    %dma_wait3A_2795 = arith.constant 1408 : i32
    %dma_wait3A_2796 = tpu.memref_slice %arg1[%dma_wait3A_2788, %dma_wait3A_2794, %dma_wait3A_2795] : memref<8x128x3968xf32, #tpu.memory_space<vmem>> -> memref<1x128x2048xf32, #tpu.memory_space<vmem>>
    %dma_wait3A_2797 = tpu.memref_squeeze %dma_wait3A_2796 : memref<1x128x2048xf32, #tpu.memory_space<vmem>> -> memref<128x2048xf32, #tpu.memory_space<vmem>>
    tpu.wait_dma2 semaphore(%arg3 : memref<!tpu.dma_semaphore, #tpu.memory_space<semaphore_mem>>) src(%dma_wait3A_2797 : memref<128x2048xf32, #tpu.memory_space<vmem>>) dst(%dma_wait3A_2793 : memref<128x2048xf32, #tpu.memory_space<hbm>>)
    %dma_wait3A_2798 = arith.constant 6 : i32
    %dma_wait3A_2799 = arith.constant 0 : i32
    %dma_wait3A_2800 = arith.constant 640 : i32
    %dma_wait3A_2801 = arith.constant 0 : i32
    %dma_wait3A_2802 = tpu.memref_slice %arg2[%dma_wait3A_2799, %add3A_1414, %dma_wait3A_2800, %dma_wait3A_2801] : memref<1x16x2048x2048xf32, #tpu.memory_space<hbm>> -> memref<1x1x128x2048xf32, #tpu.memory_space<hbm>>
    %dma_wait3A_2803 = tpu.memref_squeeze %dma_wait3A_2802 : memref<1x1x128x2048xf32, #tpu.memory_space<hbm>> -> memref<128x2048xf32, #tpu.memory_space<hbm>>
    %dma_wait3A_2804 = arith.constant 0 : i32
    %dma_wait3A_2805 = arith.constant 1280 : i32
    %dma_wait3A_2806 = tpu.memref_slice %arg1[%dma_wait3A_2798, %dma_wait3A_2804, %dma_wait3A_2805] : memref<8x128x3968xf32, #tpu.memory_space<vmem>> -> memref<1x128x2048xf32, #tpu.memory_space<vmem>>
    %dma_wait3A_2807 = tpu.memref_squeeze %dma_wait3A_2806 : memref<1x128x2048xf32, #tpu.memory_space<vmem>> -> memref<128x2048xf32, #tpu.memory_space<vmem>>
    tpu.wait_dma2 semaphore(%arg3 : memref<!tpu.dma_semaphore, #tpu.memory_space<semaphore_mem>>) src(%dma_wait3A_2807 : memref<128x2048xf32, #tpu.memory_space<vmem>>) dst(%dma_wait3A_2803 : memref<128x2048xf32, #tpu.memory_space<hbm>>)
    %dma_wait3A_2808 = arith.constant 6 : i32
    %dma_wait3A_2809 = arith.constant 0 : i32
    %dma_wait3A_2810 = arith.constant 768 : i32
    %dma_wait3A_2811 = arith.constant 0 : i32
    %dma_wait3A_2812 = tpu.memref_slice %arg2[%dma_wait3A_2809, %add3A_1428, %dma_wait3A_2810, %dma_wait3A_2811] : memref<1x16x2048x2048xf32, #tpu.memory_space<hbm>> -> memref<1x1x128x2048xf32, #tpu.memory_space<hbm>>
    %dma_wait3A_2813 = tpu.memref_squeeze %dma_wait3A_2812 : memref<1x1x128x2048xf32, #tpu.memory_space<hbm>> -> memref<128x2048xf32, #tpu.memory_space<hbm>>
    %dma_wait3A_2814 = arith.constant 0 : i32
    %dma_wait3A_2815 = arith.constant 1152 : i32
    %dma_wait3A_2816 = tpu.memref_slice %arg1[%dma_wait3A_2808, %dma_wait3A_2814, %dma_wait3A_2815] : memref<8x128x3968xf32, #tpu.memory_space<vmem>> -> memref<1x128x2048xf32, #tpu.memory_space<vmem>>
    %dma_wait3A_2817 = tpu.memref_squeeze %dma_wait3A_2816 : memref<1x128x2048xf32, #tpu.memory_space<vmem>> -> memref<128x2048xf32, #tpu.memory_space<vmem>>
    tpu.wait_dma2 semaphore(%arg3 : memref<!tpu.dma_semaphore, #tpu.memory_space<semaphore_mem>>) src(%dma_wait3A_2817 : memref<128x2048xf32, #tpu.memory_space<vmem>>) dst(%dma_wait3A_2813 : memref<128x2048xf32, #tpu.memory_space<hbm>>)
    %dma_wait3A_2818 = arith.constant 6 : i32
    %dma_wait3A_2819 = arith.constant 0 : i32
    %dma_wait3A_2820 = arith.constant 896 : i32
    %dma_wait3A_2821 = arith.constant 0 : i32
    %dma_wait3A_2822 = tpu.memref_slice %arg2[%dma_wait3A_2819, %add3A_1442, %dma_wait3A_2820, %dma_wait3A_2821] : memref<1x16x2048x2048xf32, #tpu.memory_space<hbm>> -> memref<1x1x128x2048xf32, #tpu.memory_space<hbm>>
    %dma_wait3A_2823 = tpu.memref_squeeze %dma_wait3A_2822 : memref<1x1x128x2048xf32, #tpu.memory_space<hbm>> -> memref<128x2048xf32, #tpu.memory_space<hbm>>
    %dma_wait3A_2824 = arith.constant 0 : i32
    %dma_wait3A_2825 = arith.constant 1024 : i32
    %dma_wait3A_2826 = tpu.memref_slice %arg1[%dma_wait3A_2818, %dma_wait3A_2824, %dma_wait3A_2825] : memref<8x128x3968xf32, #tpu.memory_space<vmem>> -> memref<1x128x2048xf32, #tpu.memory_space<vmem>>
    %dma_wait3A_2827 = tpu.memref_squeeze %dma_wait3A_2826 : memref<1x128x2048xf32, #tpu.memory_space<vmem>> -> memref<128x2048xf32, #tpu.memory_space<vmem>>
    tpu.wait_dma2 semaphore(%arg3 : memref<!tpu.dma_semaphore, #tpu.memory_space<semaphore_mem>>) src(%dma_wait3A_2827 : memref<128x2048xf32, #tpu.memory_space<vmem>>) dst(%dma_wait3A_2823 : memref<128x2048xf32, #tpu.memory_space<hbm>>)
    %dma_wait3A_2828 = arith.constant 6 : i32
    %dma_wait3A_2829 = arith.constant 0 : i32
    %dma_wait3A_2830 = arith.constant 1024 : i32
    %dma_wait3A_2831 = arith.constant 0 : i32
    %dma_wait3A_2832 = tpu.memref_slice %arg2[%dma_wait3A_2829, %add3A_1456, %dma_wait3A_2830, %dma_wait3A_2831] : memref<1x16x2048x2048xf32, #tpu.memory_space<hbm>> -> memref<1x1x128x2048xf32, #tpu.memory_space<hbm>>
    %dma_wait3A_2833 = tpu.memref_squeeze %dma_wait3A_2832 : memref<1x1x128x2048xf32, #tpu.memory_space<hbm>> -> memref<128x2048xf32, #tpu.memory_space<hbm>>
    %dma_wait3A_2834 = arith.constant 0 : i32
    %dma_wait3A_2835 = arith.constant 896 : i32
    %dma_wait3A_2836 = tpu.memref_slice %arg1[%dma_wait3A_2828, %dma_wait3A_2834, %dma_wait3A_2835] : memref<8x128x3968xf32, #tpu.memory_space<vmem>> -> memref<1x128x2048xf32, #tpu.memory_space<vmem>>
    %dma_wait3A_2837 = tpu.memref_squeeze %dma_wait3A_2836 : memref<1x128x2048xf32, #tpu.memory_space<vmem>> -> memref<128x2048xf32, #tpu.memory_space<vmem>>
    tpu.wait_dma2 semaphore(%arg3 : memref<!tpu.dma_semaphore, #tpu.memory_space<semaphore_mem>>) src(%dma_wait3A_2837 : memref<128x2048xf32, #tpu.memory_space<vmem>>) dst(%dma_wait3A_2833 : memref<128x2048xf32, #tpu.memory_space<hbm>>)
    %dma_wait3A_2838 = arith.constant 6 : i32
    %dma_wait3A_2839 = arith.constant 0 : i32
    %dma_wait3A_2840 = arith.constant 1152 : i32
    %dma_wait3A_2841 = arith.constant 0 : i32
    %dma_wait3A_2842 = tpu.memref_slice %arg2[%dma_wait3A_2839, %add3A_1470, %dma_wait3A_2840, %dma_wait3A_2841] : memref<1x16x2048x2048xf32, #tpu.memory_space<hbm>> -> memref<1x1x128x2048xf32, #tpu.memory_space<hbm>>
    %dma_wait3A_2843 = tpu.memref_squeeze %dma_wait3A_2842 : memref<1x1x128x2048xf32, #tpu.memory_space<hbm>> -> memref<128x2048xf32, #tpu.memory_space<hbm>>
    %dma_wait3A_2844 = arith.constant 0 : i32
    %dma_wait3A_2845 = arith.constant 768 : i32
    %dma_wait3A_2846 = tpu.memref_slice %arg1[%dma_wait3A_2838, %dma_wait3A_2844, %dma_wait3A_2845] : memref<8x128x3968xf32, #tpu.memory_space<vmem>> -> memref<1x128x2048xf32, #tpu.memory_space<vmem>>
    %dma_wait3A_2847 = tpu.memref_squeeze %dma_wait3A_2846 : memref<1x128x2048xf32, #tpu.memory_space<vmem>> -> memref<128x2048xf32, #tpu.memory_space<vmem>>
    tpu.wait_dma2 semaphore(%arg3 : memref<!tpu.dma_semaphore, #tpu.memory_space<semaphore_mem>>) src(%dma_wait3A_2847 : memref<128x2048xf32, #tpu.memory_space<vmem>>) dst(%dma_wait3A_2843 : memref<128x2048xf32, #tpu.memory_space<hbm>>)
    %dma_wait3A_2848 = arith.constant 6 : i32
    %dma_wait3A_2849 = arith.constant 0 : i32
    %dma_wait3A_2850 = arith.constant 1280 : i32
    %dma_wait3A_2851 = arith.constant 0 : i32
    %dma_wait3A_2852 = tpu.memref_slice %arg2[%dma_wait3A_2849, %add3A_1484, %dma_wait3A_2850, %dma_wait3A_2851] : memref<1x16x2048x2048xf32, #tpu.memory_space<hbm>> -> memref<1x1x128x2048xf32, #tpu.memory_space<hbm>>
    %dma_wait3A_2853 = tpu.memref_squeeze %dma_wait3A_2852 : memref<1x1x128x2048xf32, #tpu.memory_space<hbm>> -> memref<128x2048xf32, #tpu.memory_space<hbm>>
    %dma_wait3A_2854 = arith.constant 0 : i32
    %dma_wait3A_2855 = arith.constant 640 : i32
    %dma_wait3A_2856 = tpu.memref_slice %arg1[%dma_wait3A_2848, %dma_wait3A_2854, %dma_wait3A_2855] : memref<8x128x3968xf32, #tpu.memory_space<vmem>> -> memref<1x128x2048xf32, #tpu.memory_space<vmem>>
    %dma_wait3A_2857 = tpu.memref_squeeze %dma_wait3A_2856 : memref<1x128x2048xf32, #tpu.memory_space<vmem>> -> memref<128x2048xf32, #tpu.memory_space<vmem>>
    tpu.wait_dma2 semaphore(%arg3 : memref<!tpu.dma_semaphore, #tpu.memory_space<semaphore_mem>>) src(%dma_wait3A_2857 : memref<128x2048xf32, #tpu.memory_space<vmem>>) dst(%dma_wait3A_2853 : memref<128x2048xf32, #tpu.memory_space<hbm>>)
    %dma_wait3A_2858 = arith.constant 6 : i32
    %dma_wait3A_2859 = arith.constant 0 : i32
    %dma_wait3A_2860 = arith.constant 1408 : i32
    %dma_wait3A_2861 = arith.constant 0 : i32
    %dma_wait3A_2862 = tpu.memref_slice %arg2[%dma_wait3A_2859, %add3A_1498, %dma_wait3A_2860, %dma_wait3A_2861] : memref<1x16x2048x2048xf32, #tpu.memory_space<hbm>> -> memref<1x1x128x2048xf32, #tpu.memory_space<hbm>>
    %dma_wait3A_2863 = tpu.memref_squeeze %dma_wait3A_2862 : memref<1x1x128x2048xf32, #tpu.memory_space<hbm>> -> memref<128x2048xf32, #tpu.memory_space<hbm>>
    %dma_wait3A_2864 = arith.constant 0 : i32
    %dma_wait3A_2865 = arith.constant 512 : i32
    %dma_wait3A_2866 = tpu.memref_slice %arg1[%dma_wait3A_2858, %dma_wait3A_2864, %dma_wait3A_2865] : memref<8x128x3968xf32, #tpu.memory_space<vmem>> -> memref<1x128x2048xf32, #tpu.memory_space<vmem>>
    %dma_wait3A_2867 = tpu.memref_squeeze %dma_wait3A_2866 : memref<1x128x2048xf32, #tpu.memory_space<vmem>> -> memref<128x2048xf32, #tpu.memory_space<vmem>>
    tpu.wait_dma2 semaphore(%arg3 : memref<!tpu.dma_semaphore, #tpu.memory_space<semaphore_mem>>) src(%dma_wait3A_2867 : memref<128x2048xf32, #tpu.memory_space<vmem>>) dst(%dma_wait3A_2863 : memref<128x2048xf32, #tpu.memory_space<hbm>>)
    %dma_wait3A_2868 = arith.constant 6 : i32
    %dma_wait3A_2869 = arith.constant 0 : i32
    %dma_wait3A_2870 = arith.constant 1536 : i32
    %dma_wait3A_2871 = arith.constant 0 : i32
    %dma_wait3A_2872 = tpu.memref_slice %arg2[%dma_wait3A_2869, %add3A_1512, %dma_wait3A_2870, %dma_wait3A_2871] : memref<1x16x2048x2048xf32, #tpu.memory_space<hbm>> -> memref<1x1x128x2048xf32, #tpu.memory_space<hbm>>
    %dma_wait3A_2873 = tpu.memref_squeeze %dma_wait3A_2872 : memref<1x1x128x2048xf32, #tpu.memory_space<hbm>> -> memref<128x2048xf32, #tpu.memory_space<hbm>>
    %dma_wait3A_2874 = arith.constant 0 : i32
    %dma_wait3A_2875 = arith.constant 384 : i32
    %dma_wait3A_2876 = tpu.memref_slice %arg1[%dma_wait3A_2868, %dma_wait3A_2874, %dma_wait3A_2875] : memref<8x128x3968xf32, #tpu.memory_space<vmem>> -> memref<1x128x2048xf32, #tpu.memory_space<vmem>>
    %dma_wait3A_2877 = tpu.memref_squeeze %dma_wait3A_2876 : memref<1x128x2048xf32, #tpu.memory_space<vmem>> -> memref<128x2048xf32, #tpu.memory_space<vmem>>
    tpu.wait_dma2 semaphore(%arg3 : memref<!tpu.dma_semaphore, #tpu.memory_space<semaphore_mem>>) src(%dma_wait3A_2877 : memref<128x2048xf32, #tpu.memory_space<vmem>>) dst(%dma_wait3A_2873 : memref<128x2048xf32, #tpu.memory_space<hbm>>)
    %dma_wait3A_2878 = arith.constant 6 : i32
    %dma_wait3A_2879 = arith.constant 0 : i32
    %dma_wait3A_2880 = arith.constant 1664 : i32
    %dma_wait3A_2881 = arith.constant 0 : i32
    %dma_wait3A_2882 = tpu.memref_slice %arg2[%dma_wait3A_2879, %add3A_1526, %dma_wait3A_2880, %dma_wait3A_2881] : memref<1x16x2048x2048xf32, #tpu.memory_space<hbm>> -> memref<1x1x128x2048xf32, #tpu.memory_space<hbm>>
    %dma_wait3A_2883 = tpu.memref_squeeze %dma_wait3A_2882 : memref<1x1x128x2048xf32, #tpu.memory_space<hbm>> -> memref<128x2048xf32, #tpu.memory_space<hbm>>
    %dma_wait3A_2884 = arith.constant 0 : i32
    %dma_wait3A_2885 = arith.constant 256 : i32
    %dma_wait3A_2886 = tpu.memref_slice %arg1[%dma_wait3A_2878, %dma_wait3A_2884, %dma_wait3A_2885] : memref<8x128x3968xf32, #tpu.memory_space<vmem>> -> memref<1x128x2048xf32, #tpu.memory_space<vmem>>
    %dma_wait3A_2887 = tpu.memref_squeeze %dma_wait3A_2886 : memref<1x128x2048xf32, #tpu.memory_space<vmem>> -> memref<128x2048xf32, #tpu.memory_space<vmem>>
    tpu.wait_dma2 semaphore(%arg3 : memref<!tpu.dma_semaphore, #tpu.memory_space<semaphore_mem>>) src(%dma_wait3A_2887 : memref<128x2048xf32, #tpu.memory_space<vmem>>) dst(%dma_wait3A_2883 : memref<128x2048xf32, #tpu.memory_space<hbm>>)
    %dma_wait3A_2888 = arith.constant 6 : i32
    %dma_wait3A_2889 = arith.constant 0 : i32
    %dma_wait3A_2890 = arith.constant 1792 : i32
    %dma_wait3A_2891 = arith.constant 0 : i32
    %dma_wait3A_2892 = tpu.memref_slice %arg2[%dma_wait3A_2889, %add3A_1540, %dma_wait3A_2890, %dma_wait3A_2891] : memref<1x16x2048x2048xf32, #tpu.memory_space<hbm>> -> memref<1x1x128x2048xf32, #tpu.memory_space<hbm>>
    %dma_wait3A_2893 = tpu.memref_squeeze %dma_wait3A_2892 : memref<1x1x128x2048xf32, #tpu.memory_space<hbm>> -> memref<128x2048xf32, #tpu.memory_space<hbm>>
    %dma_wait3A_2894 = arith.constant 0 : i32
    %dma_wait3A_2895 = arith.constant 128 : i32
    %dma_wait3A_2896 = tpu.memref_slice %arg1[%dma_wait3A_2888, %dma_wait3A_2894, %dma_wait3A_2895] : memref<8x128x3968xf32, #tpu.memory_space<vmem>> -> memref<1x128x2048xf32, #tpu.memory_space<vmem>>
    %dma_wait3A_2897 = tpu.memref_squeeze %dma_wait3A_2896 : memref<1x128x2048xf32, #tpu.memory_space<vmem>> -> memref<128x2048xf32, #tpu.memory_space<vmem>>
    tpu.wait_dma2 semaphore(%arg3 : memref<!tpu.dma_semaphore, #tpu.memory_space<semaphore_mem>>) src(%dma_wait3A_2897 : memref<128x2048xf32, #tpu.memory_space<vmem>>) dst(%dma_wait3A_2893 : memref<128x2048xf32, #tpu.memory_space<hbm>>)
    %dma_wait3A_2898 = arith.constant 6 : i32
    %dma_wait3A_2899 = arith.constant 0 : i32
    %dma_wait3A_2900 = arith.constant 1920 : i32
    %dma_wait3A_2901 = arith.constant 0 : i32
    %dma_wait3A_2902 = tpu.memref_slice %arg2[%dma_wait3A_2899, %add3A_1554, %dma_wait3A_2900, %dma_wait3A_2901] : memref<1x16x2048x2048xf32, #tpu.memory_space<hbm>> -> memref<1x1x128x2048xf32, #tpu.memory_space<hbm>>
    %dma_wait3A_2903 = tpu.memref_squeeze %dma_wait3A_2902 : memref<1x1x128x2048xf32, #tpu.memory_space<hbm>> -> memref<128x2048xf32, #tpu.memory_space<hbm>>
    %dma_wait3A_2904 = arith.constant 0 : i32
    %dma_wait3A_2905 = arith.constant 0 : i32
    %dma_wait3A_2906 = tpu.memref_slice %arg1[%dma_wait3A_2898, %dma_wait3A_2904, %dma_wait3A_2905] : memref<8x128x3968xf32, #tpu.memory_space<vmem>> -> memref<1x128x2048xf32, #tpu.memory_space<vmem>>
    %dma_wait3A_2907 = tpu.memref_squeeze %dma_wait3A_2906 : memref<1x128x2048xf32, #tpu.memory_space<vmem>> -> memref<128x2048xf32, #tpu.memory_space<vmem>>
    tpu.wait_dma2 semaphore(%arg3 : memref<!tpu.dma_semaphore, #tpu.memory_space<semaphore_mem>>) src(%dma_wait3A_2907 : memref<128x2048xf32, #tpu.memory_space<vmem>>) dst(%dma_wait3A_2903 : memref<128x2048xf32, #tpu.memory_space<hbm>>)
    %dma_wait3A_2908 = arith.constant 7 : i32
    %dma_wait3A_2909 = arith.constant 0 : i32
    %dma_wait3A_2910 = arith.constant 0 : i32
    %dma_wait3A_2911 = arith.constant 0 : i32
    %dma_wait3A_2912 = tpu.memref_slice %arg2[%dma_wait3A_2909, %add3A_1568, %dma_wait3A_2910, %dma_wait3A_2911] : memref<1x16x2048x2048xf32, #tpu.memory_space<hbm>> -> memref<1x1x128x2048xf32, #tpu.memory_space<hbm>>
    %dma_wait3A_2913 = tpu.memref_squeeze %dma_wait3A_2912 : memref<1x1x128x2048xf32, #tpu.memory_space<hbm>> -> memref<128x2048xf32, #tpu.memory_space<hbm>>
    %dma_wait3A_2914 = arith.constant 0 : i32
    %dma_wait3A_2915 = arith.constant 1920 : i32
    %dma_wait3A_2916 = tpu.memref_slice %arg1[%dma_wait3A_2908, %dma_wait3A_2914, %dma_wait3A_2915] : memref<8x128x3968xf32, #tpu.memory_space<vmem>> -> memref<1x128x2048xf32, #tpu.memory_space<vmem>>
    %dma_wait3A_2917 = tpu.memref_squeeze %dma_wait3A_2916 : memref<1x128x2048xf32, #tpu.memory_space<vmem>> -> memref<128x2048xf32, #tpu.memory_space<vmem>>
    tpu.wait_dma2 semaphore(%arg3 : memref<!tpu.dma_semaphore, #tpu.memory_space<semaphore_mem>>) src(%dma_wait3A_2917 : memref<128x2048xf32, #tpu.memory_space<vmem>>) dst(%dma_wait3A_2913 : memref<128x2048xf32, #tpu.memory_space<hbm>>)
    %dma_wait3A_2918 = arith.constant 7 : i32
    %dma_wait3A_2919 = arith.constant 0 : i32
    %dma_wait3A_2920 = arith.constant 128 : i32
    %dma_wait3A_2921 = arith.constant 0 : i32
    %dma_wait3A_2922 = tpu.memref_slice %arg2[%dma_wait3A_2919, %add3A_1582, %dma_wait3A_2920, %dma_wait3A_2921] : memref<1x16x2048x2048xf32, #tpu.memory_space<hbm>> -> memref<1x1x128x2048xf32, #tpu.memory_space<hbm>>
    %dma_wait3A_2923 = tpu.memref_squeeze %dma_wait3A_2922 : memref<1x1x128x2048xf32, #tpu.memory_space<hbm>> -> memref<128x2048xf32, #tpu.memory_space<hbm>>
    %dma_wait3A_2924 = arith.constant 0 : i32
    %dma_wait3A_2925 = arith.constant 1792 : i32
    %dma_wait3A_2926 = tpu.memref_slice %arg1[%dma_wait3A_2918, %dma_wait3A_2924, %dma_wait3A_2925] : memref<8x128x3968xf32, #tpu.memory_space<vmem>> -> memref<1x128x2048xf32, #tpu.memory_space<vmem>>
    %dma_wait3A_2927 = tpu.memref_squeeze %dma_wait3A_2926 : memref<1x128x2048xf32, #tpu.memory_space<vmem>> -> memref<128x2048xf32, #tpu.memory_space<vmem>>
    tpu.wait_dma2 semaphore(%arg3 : memref<!tpu.dma_semaphore, #tpu.memory_space<semaphore_mem>>) src(%dma_wait3A_2927 : memref<128x2048xf32, #tpu.memory_space<vmem>>) dst(%dma_wait3A_2923 : memref<128x2048xf32, #tpu.memory_space<hbm>>)
    %dma_wait3A_2928 = arith.constant 7 : i32
    %dma_wait3A_2929 = arith.constant 0 : i32
    %dma_wait3A_2930 = arith.constant 256 : i32
    %dma_wait3A_2931 = arith.constant 0 : i32
    %dma_wait3A_2932 = tpu.memref_slice %arg2[%dma_wait3A_2929, %add3A_1596, %dma_wait3A_2930, %dma_wait3A_2931] : memref<1x16x2048x2048xf32, #tpu.memory_space<hbm>> -> memref<1x1x128x2048xf32, #tpu.memory_space<hbm>>
    %dma_wait3A_2933 = tpu.memref_squeeze %dma_wait3A_2932 : memref<1x1x128x2048xf32, #tpu.memory_space<hbm>> -> memref<128x2048xf32, #tpu.memory_space<hbm>>
    %dma_wait3A_2934 = arith.constant 0 : i32
    %dma_wait3A_2935 = arith.constant 1664 : i32
    %dma_wait3A_2936 = tpu.memref_slice %arg1[%dma_wait3A_2928, %dma_wait3A_2934, %dma_wait3A_2935] : memref<8x128x3968xf32, #tpu.memory_space<vmem>> -> memref<1x128x2048xf32, #tpu.memory_space<vmem>>
    %dma_wait3A_2937 = tpu.memref_squeeze %dma_wait3A_2936 : memref<1x128x2048xf32, #tpu.memory_space<vmem>> -> memref<128x2048xf32, #tpu.memory_space<vmem>>
    tpu.wait_dma2 semaphore(%arg3 : memref<!tpu.dma_semaphore, #tpu.memory_space<semaphore_mem>>) src(%dma_wait3A_2937 : memref<128x2048xf32, #tpu.memory_space<vmem>>) dst(%dma_wait3A_2933 : memref<128x2048xf32, #tpu.memory_space<hbm>>)
    %dma_wait3A_2938 = arith.constant 7 : i32
    %dma_wait3A_2939 = arith.constant 0 : i32
    %dma_wait3A_2940 = arith.constant 384 : i32
    %dma_wait3A_2941 = arith.constant 0 : i32
    %dma_wait3A_2942 = tpu.memref_slice %arg2[%dma_wait3A_2939, %add3A_1610, %dma_wait3A_2940, %dma_wait3A_2941] : memref<1x16x2048x2048xf32, #tpu.memory_space<hbm>> -> memref<1x1x128x2048xf32, #tpu.memory_space<hbm>>
    %dma_wait3A_2943 = tpu.memref_squeeze %dma_wait3A_2942 : memref<1x1x128x2048xf32, #tpu.memory_space<hbm>> -> memref<128x2048xf32, #tpu.memory_space<hbm>>
    %dma_wait3A_2944 = arith.constant 0 : i32
    %dma_wait3A_2945 = arith.constant 1536 : i32
    %dma_wait3A_2946 = tpu.memref_slice %arg1[%dma_wait3A_2938, %dma_wait3A_2944, %dma_wait3A_2945] : memref<8x128x3968xf32, #tpu.memory_space<vmem>> -> memref<1x128x2048xf32, #tpu.memory_space<vmem>>
    %dma_wait3A_2947 = tpu.memref_squeeze %dma_wait3A_2946 : memref<1x128x2048xf32, #tpu.memory_space<vmem>> -> memref<128x2048xf32, #tpu.memory_space<vmem>>
    tpu.wait_dma2 semaphore(%arg3 : memref<!tpu.dma_semaphore, #tpu.memory_space<semaphore_mem>>) src(%dma_wait3A_2947 : memref<128x2048xf32, #tpu.memory_space<vmem>>) dst(%dma_wait3A_2943 : memref<128x2048xf32, #tpu.memory_space<hbm>>)
    %dma_wait3A_2948 = arith.constant 7 : i32
    %dma_wait3A_2949 = arith.constant 0 : i32
    %dma_wait3A_2950 = arith.constant 512 : i32
    %dma_wait3A_2951 = arith.constant 0 : i32
    %dma_wait3A_2952 = tpu.memref_slice %arg2[%dma_wait3A_2949, %add3A_1624, %dma_wait3A_2950, %dma_wait3A_2951] : memref<1x16x2048x2048xf32, #tpu.memory_space<hbm>> -> memref<1x1x128x2048xf32, #tpu.memory_space<hbm>>
    %dma_wait3A_2953 = tpu.memref_squeeze %dma_wait3A_2952 : memref<1x1x128x2048xf32, #tpu.memory_space<hbm>> -> memref<128x2048xf32, #tpu.memory_space<hbm>>
    %dma_wait3A_2954 = arith.constant 0 : i32
    %dma_wait3A_2955 = arith.constant 1408 : i32
    %dma_wait3A_2956 = tpu.memref_slice %arg1[%dma_wait3A_2948, %dma_wait3A_2954, %dma_wait3A_2955] : memref<8x128x3968xf32, #tpu.memory_space<vmem>> -> memref<1x128x2048xf32, #tpu.memory_space<vmem>>
    %dma_wait3A_2957 = tpu.memref_squeeze %dma_wait3A_2956 : memref<1x128x2048xf32, #tpu.memory_space<vmem>> -> memref<128x2048xf32, #tpu.memory_space<vmem>>
    tpu.wait_dma2 semaphore(%arg3 : memref<!tpu.dma_semaphore, #tpu.memory_space<semaphore_mem>>) src(%dma_wait3A_2957 : memref<128x2048xf32, #tpu.memory_space<vmem>>) dst(%dma_wait3A_2953 : memref<128x2048xf32, #tpu.memory_space<hbm>>)
    %dma_wait3A_2958 = arith.constant 7 : i32
    %dma_wait3A_2959 = arith.constant 0 : i32
    %dma_wait3A_2960 = arith.constant 640 : i32
    %dma_wait3A_2961 = arith.constant 0 : i32
    %dma_wait3A_2962 = tpu.memref_slice %arg2[%dma_wait3A_2959, %add3A_1638, %dma_wait3A_2960, %dma_wait3A_2961] : memref<1x16x2048x2048xf32, #tpu.memory_space<hbm>> -> memref<1x1x128x2048xf32, #tpu.memory_space<hbm>>
    %dma_wait3A_2963 = tpu.memref_squeeze %dma_wait3A_2962 : memref<1x1x128x2048xf32, #tpu.memory_space<hbm>> -> memref<128x2048xf32, #tpu.memory_space<hbm>>
    %dma_wait3A_2964 = arith.constant 0 : i32
    %dma_wait3A_2965 = arith.constant 1280 : i32
    %dma_wait3A_2966 = tpu.memref_slice %arg1[%dma_wait3A_2958, %dma_wait3A_2964, %dma_wait3A_2965] : memref<8x128x3968xf32, #tpu.memory_space<vmem>> -> memref<1x128x2048xf32, #tpu.memory_space<vmem>>
    %dma_wait3A_2967 = tpu.memref_squeeze %dma_wait3A_2966 : memref<1x128x2048xf32, #tpu.memory_space<vmem>> -> memref<128x2048xf32, #tpu.memory_space<vmem>>
    tpu.wait_dma2 semaphore(%arg3 : memref<!tpu.dma_semaphore, #tpu.memory_space<semaphore_mem>>) src(%dma_wait3A_2967 : memref<128x2048xf32, #tpu.memory_space<vmem>>) dst(%dma_wait3A_2963 : memref<128x2048xf32, #tpu.memory_space<hbm>>)
    %dma_wait3A_2968 = arith.constant 7 : i32
    %dma_wait3A_2969 = arith.constant 0 : i32
    %dma_wait3A_2970 = arith.constant 768 : i32
    %dma_wait3A_2971 = arith.constant 0 : i32
    %dma_wait3A_2972 = tpu.memref_slice %arg2[%dma_wait3A_2969, %add3A_1652, %dma_wait3A_2970, %dma_wait3A_2971] : memref<1x16x2048x2048xf32, #tpu.memory_space<hbm>> -> memref<1x1x128x2048xf32, #tpu.memory_space<hbm>>
    %dma_wait3A_2973 = tpu.memref_squeeze %dma_wait3A_2972 : memref<1x1x128x2048xf32, #tpu.memory_space<hbm>> -> memref<128x2048xf32, #tpu.memory_space<hbm>>
    %dma_wait3A_2974 = arith.constant 0 : i32
    %dma_wait3A_2975 = arith.constant 1152 : i32
    %dma_wait3A_2976 = tpu.memref_slice %arg1[%dma_wait3A_2968, %dma_wait3A_2974, %dma_wait3A_2975] : memref<8x128x3968xf32, #tpu.memory_space<vmem>> -> memref<1x128x2048xf32, #tpu.memory_space<vmem>>
    %dma_wait3A_2977 = tpu.memref_squeeze %dma_wait3A_2976 : memref<1x128x2048xf32, #tpu.memory_space<vmem>> -> memref<128x2048xf32, #tpu.memory_space<vmem>>
    tpu.wait_dma2 semaphore(%arg3 : memref<!tpu.dma_semaphore, #tpu.memory_space<semaphore_mem>>) src(%dma_wait3A_2977 : memref<128x2048xf32, #tpu.memory_space<vmem>>) dst(%dma_wait3A_2973 : memref<128x2048xf32, #tpu.memory_space<hbm>>)
    %dma_wait3A_2978 = arith.constant 7 : i32
    %dma_wait3A_2979 = arith.constant 0 : i32
    %dma_wait3A_2980 = arith.constant 896 : i32
    %dma_wait3A_2981 = arith.constant 0 : i32
    %dma_wait3A_2982 = tpu.memref_slice %arg2[%dma_wait3A_2979, %add3A_1666, %dma_wait3A_2980, %dma_wait3A_2981] : memref<1x16x2048x2048xf32, #tpu.memory_space<hbm>> -> memref<1x1x128x2048xf32, #tpu.memory_space<hbm>>
    %dma_wait3A_2983 = tpu.memref_squeeze %dma_wait3A_2982 : memref<1x1x128x2048xf32, #tpu.memory_space<hbm>> -> memref<128x2048xf32, #tpu.memory_space<hbm>>
    %dma_wait3A_2984 = arith.constant 0 : i32
    %dma_wait3A_2985 = arith.constant 1024 : i32
    %dma_wait3A_2986 = tpu.memref_slice %arg1[%dma_wait3A_2978, %dma_wait3A_2984, %dma_wait3A_2985] : memref<8x128x3968xf32, #tpu.memory_space<vmem>> -> memref<1x128x2048xf32, #tpu.memory_space<vmem>>
    %dma_wait3A_2987 = tpu.memref_squeeze %dma_wait3A_2986 : memref<1x128x2048xf32, #tpu.memory_space<vmem>> -> memref<128x2048xf32, #tpu.memory_space<vmem>>
    tpu.wait_dma2 semaphore(%arg3 : memref<!tpu.dma_semaphore, #tpu.memory_space<semaphore_mem>>) src(%dma_wait3A_2987 : memref<128x2048xf32, #tpu.memory_space<vmem>>) dst(%dma_wait3A_2983 : memref<128x2048xf32, #tpu.memory_space<hbm>>)
    %dma_wait3A_2988 = arith.constant 7 : i32
    %dma_wait3A_2989 = arith.constant 0 : i32
    %dma_wait3A_2990 = arith.constant 1024 : i32
    %dma_wait3A_2991 = arith.constant 0 : i32
    %dma_wait3A_2992 = tpu.memref_slice %arg2[%dma_wait3A_2989, %add3A_1680, %dma_wait3A_2990, %dma_wait3A_2991] : memref<1x16x2048x2048xf32, #tpu.memory_space<hbm>> -> memref<1x1x128x2048xf32, #tpu.memory_space<hbm>>
    %dma_wait3A_2993 = tpu.memref_squeeze %dma_wait3A_2992 : memref<1x1x128x2048xf32, #tpu.memory_space<hbm>> -> memref<128x2048xf32, #tpu.memory_space<hbm>>
    %dma_wait3A_2994 = arith.constant 0 : i32
    %dma_wait3A_2995 = arith.constant 896 : i32
    %dma_wait3A_2996 = tpu.memref_slice %arg1[%dma_wait3A_2988, %dma_wait3A_2994, %dma_wait3A_2995] : memref<8x128x3968xf32, #tpu.memory_space<vmem>> -> memref<1x128x2048xf32, #tpu.memory_space<vmem>>
    %dma_wait3A_2997 = tpu.memref_squeeze %dma_wait3A_2996 : memref<1x128x2048xf32, #tpu.memory_space<vmem>> -> memref<128x2048xf32, #tpu.memory_space<vmem>>
    tpu.wait_dma2 semaphore(%arg3 : memref<!tpu.dma_semaphore, #tpu.memory_space<semaphore_mem>>) src(%dma_wait3A_2997 : memref<128x2048xf32, #tpu.memory_space<vmem>>) dst(%dma_wait3A_2993 : memref<128x2048xf32, #tpu.memory_space<hbm>>)
    %dma_wait3A_2998 = arith.constant 7 : i32
    %dma_wait3A_2999 = arith.constant 0 : i32
    %dma_wait3A_3000 = arith.constant 1152 : i32
    %dma_wait3A_3001 = arith.constant 0 : i32
    %dma_wait3A_3002 = tpu.memref_slice %arg2[%dma_wait3A_2999, %add3A_1694, %dma_wait3A_3000, %dma_wait3A_3001] : memref<1x16x2048x2048xf32, #tpu.memory_space<hbm>> -> memref<1x1x128x2048xf32, #tpu.memory_space<hbm>>
    %dma_wait3A_3003 = tpu.memref_squeeze %dma_wait3A_3002 : memref<1x1x128x2048xf32, #tpu.memory_space<hbm>> -> memref<128x2048xf32, #tpu.memory_space<hbm>>
    %dma_wait3A_3004 = arith.constant 0 : i32
    %dma_wait3A_3005 = arith.constant 768 : i32
    %dma_wait3A_3006 = tpu.memref_slice %arg1[%dma_wait3A_2998, %dma_wait3A_3004, %dma_wait3A_3005] : memref<8x128x3968xf32, #tpu.memory_space<vmem>> -> memref<1x128x2048xf32, #tpu.memory_space<vmem>>
    %dma_wait3A_3007 = tpu.memref_squeeze %dma_wait3A_3006 : memref<1x128x2048xf32, #tpu.memory_space<vmem>> -> memref<128x2048xf32, #tpu.memory_space<vmem>>
    tpu.wait_dma2 semaphore(%arg3 : memref<!tpu.dma_semaphore, #tpu.memory_space<semaphore_mem>>) src(%dma_wait3A_3007 : memref<128x2048xf32, #tpu.memory_space<vmem>>) dst(%dma_wait3A_3003 : memref<128x2048xf32, #tpu.memory_space<hbm>>)
    %dma_wait3A_3008 = arith.constant 7 : i32
    %dma_wait3A_3009 = arith.constant 0 : i32
    %dma_wait3A_3010 = arith.constant 1280 : i32
    %dma_wait3A_3011 = arith.constant 0 : i32
    %dma_wait3A_3012 = tpu.memref_slice %arg2[%dma_wait3A_3009, %add3A_1708, %dma_wait3A_3010, %dma_wait3A_3011] : memref<1x16x2048x2048xf32, #tpu.memory_space<hbm>> -> memref<1x1x128x2048xf32, #tpu.memory_space<hbm>>
    %dma_wait3A_3013 = tpu.memref_squeeze %dma_wait3A_3012 : memref<1x1x128x2048xf32, #tpu.memory_space<hbm>> -> memref<128x2048xf32, #tpu.memory_space<hbm>>
    %dma_wait3A_3014 = arith.constant 0 : i32
    %dma_wait3A_3015 = arith.constant 640 : i32
    %dma_wait3A_3016 = tpu.memref_slice %arg1[%dma_wait3A_3008, %dma_wait3A_3014, %dma_wait3A_3015] : memref<8x128x3968xf32, #tpu.memory_space<vmem>> -> memref<1x128x2048xf32, #tpu.memory_space<vmem>>
    %dma_wait3A_3017 = tpu.memref_squeeze %dma_wait3A_3016 : memref<1x128x2048xf32, #tpu.memory_space<vmem>> -> memref<128x2048xf32, #tpu.memory_space<vmem>>
    tpu.wait_dma2 semaphore(%arg3 : memref<!tpu.dma_semaphore, #tpu.memory_space<semaphore_mem>>) src(%dma_wait3A_3017 : memref<128x2048xf32, #tpu.memory_space<vmem>>) dst(%dma_wait3A_3013 : memref<128x2048xf32, #tpu.memory_space<hbm>>)
    %dma_wait3A_3018 = arith.constant 7 : i32
    %dma_wait3A_3019 = arith.constant 0 : i32
    %dma_wait3A_3020 = arith.constant 1408 : i32
    %dma_wait3A_3021 = arith.constant 0 : i32
    %dma_wait3A_3022 = tpu.memref_slice %arg2[%dma_wait3A_3019, %add3A_1722, %dma_wait3A_3020, %dma_wait3A_3021] : memref<1x16x2048x2048xf32, #tpu.memory_space<hbm>> -> memref<1x1x128x2048xf32, #tpu.memory_space<hbm>>
    %dma_wait3A_3023 = tpu.memref_squeeze %dma_wait3A_3022 : memref<1x1x128x2048xf32, #tpu.memory_space<hbm>> -> memref<128x2048xf32, #tpu.memory_space<hbm>>
    %dma_wait3A_3024 = arith.constant 0 : i32
    %dma_wait3A_3025 = arith.constant 512 : i32
    %dma_wait3A_3026 = tpu.memref_slice %arg1[%dma_wait3A_3018, %dma_wait3A_3024, %dma_wait3A_3025] : memref<8x128x3968xf32, #tpu.memory_space<vmem>> -> memref<1x128x2048xf32, #tpu.memory_space<vmem>>
    %dma_wait3A_3027 = tpu.memref_squeeze %dma_wait3A_3026 : memref<1x128x2048xf32, #tpu.memory_space<vmem>> -> memref<128x2048xf32, #tpu.memory_space<vmem>>
    tpu.wait_dma2 semaphore(%arg3 : memref<!tpu.dma_semaphore, #tpu.memory_space<semaphore_mem>>) src(%dma_wait3A_3027 : memref<128x2048xf32, #tpu.memory_space<vmem>>) dst(%dma_wait3A_3023 : memref<128x2048xf32, #tpu.memory_space<hbm>>)
    %dma_wait3A_3028 = arith.constant 7 : i32
    %dma_wait3A_3029 = arith.constant 0 : i32
    %dma_wait3A_3030 = arith.constant 1536 : i32
    %dma_wait3A_3031 = arith.constant 0 : i32
    %dma_wait3A_3032 = tpu.memref_slice %arg2[%dma_wait3A_3029, %add3A_1736, %dma_wait3A_3030, %dma_wait3A_3031] : memref<1x16x2048x2048xf32, #tpu.memory_space<hbm>> -> memref<1x1x128x2048xf32, #tpu.memory_space<hbm>>
    %dma_wait3A_3033 = tpu.memref_squeeze %dma_wait3A_3032 : memref<1x1x128x2048xf32, #tpu.memory_space<hbm>> -> memref<128x2048xf32, #tpu.memory_space<hbm>>
    %dma_wait3A_3034 = arith.constant 0 : i32
    %dma_wait3A_3035 = arith.constant 384 : i32
    %dma_wait3A_3036 = tpu.memref_slice %arg1[%dma_wait3A_3028, %dma_wait3A_3034, %dma_wait3A_3035] : memref<8x128x3968xf32, #tpu.memory_space<vmem>> -> memref<1x128x2048xf32, #tpu.memory_space<vmem>>
    %dma_wait3A_3037 = tpu.memref_squeeze %dma_wait3A_3036 : memref<1x128x2048xf32, #tpu.memory_space<vmem>> -> memref<128x2048xf32, #tpu.memory_space<vmem>>
    tpu.wait_dma2 semaphore(%arg3 : memref<!tpu.dma_semaphore, #tpu.memory_space<semaphore_mem>>) src(%dma_wait3A_3037 : memref<128x2048xf32, #tpu.memory_space<vmem>>) dst(%dma_wait3A_3033 : memref<128x2048xf32, #tpu.memory_space<hbm>>)
    %dma_wait3A_3038 = arith.constant 7 : i32
    %dma_wait3A_3039 = arith.constant 0 : i32
    %dma_wait3A_3040 = arith.constant 1664 : i32
    %dma_wait3A_3041 = arith.constant 0 : i32
    %dma_wait3A_3042 = tpu.memref_slice %arg2[%dma_wait3A_3039, %add3A_1750, %dma_wait3A_3040, %dma_wait3A_3041] : memref<1x16x2048x2048xf32, #tpu.memory_space<hbm>> -> memref<1x1x128x2048xf32, #tpu.memory_space<hbm>>
    %dma_wait3A_3043 = tpu.memref_squeeze %dma_wait3A_3042 : memref<1x1x128x2048xf32, #tpu.memory_space<hbm>> -> memref<128x2048xf32, #tpu.memory_space<hbm>>
    %dma_wait3A_3044 = arith.constant 0 : i32
    %dma_wait3A_3045 = arith.constant 256 : i32
    %dma_wait3A_3046 = tpu.memref_slice %arg1[%dma_wait3A_3038, %dma_wait3A_3044, %dma_wait3A_3045] : memref<8x128x3968xf32, #tpu.memory_space<vmem>> -> memref<1x128x2048xf32, #tpu.memory_space<vmem>>
    %dma_wait3A_3047 = tpu.memref_squeeze %dma_wait3A_3046 : memref<1x128x2048xf32, #tpu.memory_space<vmem>> -> memref<128x2048xf32, #tpu.memory_space<vmem>>
    tpu.wait_dma2 semaphore(%arg3 : memref<!tpu.dma_semaphore, #tpu.memory_space<semaphore_mem>>) src(%dma_wait3A_3047 : memref<128x2048xf32, #tpu.memory_space<vmem>>) dst(%dma_wait3A_3043 : memref<128x2048xf32, #tpu.memory_space<hbm>>)
    %dma_wait3A_3048 = arith.constant 7 : i32
    %dma_wait3A_3049 = arith.constant 0 : i32
    %dma_wait3A_3050 = arith.constant 1792 : i32
    %dma_wait3A_3051 = arith.constant 0 : i32
    %dma_wait3A_3052 = tpu.memref_slice %arg2[%dma_wait3A_3049, %add3A_1764, %dma_wait3A_3050, %dma_wait3A_3051] : memref<1x16x2048x2048xf32, #tpu.memory_space<hbm>> -> memref<1x1x128x2048xf32, #tpu.memory_space<hbm>>
    %dma_wait3A_3053 = tpu.memref_squeeze %dma_wait3A_3052 : memref<1x1x128x2048xf32, #tpu.memory_space<hbm>> -> memref<128x2048xf32, #tpu.memory_space<hbm>>
    %dma_wait3A_3054 = arith.constant 0 : i32
    %dma_wait3A_3055 = arith.constant 128 : i32
    %dma_wait3A_3056 = tpu.memref_slice %arg1[%dma_wait3A_3048, %dma_wait3A_3054, %dma_wait3A_3055] : memref<8x128x3968xf32, #tpu.memory_space<vmem>> -> memref<1x128x2048xf32, #tpu.memory_space<vmem>>
    %dma_wait3A_3057 = tpu.memref_squeeze %dma_wait3A_3056 : memref<1x128x2048xf32, #tpu.memory_space<vmem>> -> memref<128x2048xf32, #tpu.memory_space<vmem>>
    tpu.wait_dma2 semaphore(%arg3 : memref<!tpu.dma_semaphore, #tpu.memory_space<semaphore_mem>>) src(%dma_wait3A_3057 : memref<128x2048xf32, #tpu.memory_space<vmem>>) dst(%dma_wait3A_3053 : memref<128x2048xf32, #tpu.memory_space<hbm>>)
    %dma_wait3A_3058 = arith.constant 7 : i32
    %dma_wait3A_3059 = arith.constant 0 : i32
    %dma_wait3A_3060 = arith.constant 1920 : i32
    %dma_wait3A_3061 = arith.constant 0 : i32
    %dma_wait3A_3062 = tpu.memref_slice %arg2[%dma_wait3A_3059, %add3A_1778, %dma_wait3A_3060, %dma_wait3A_3061] : memref<1x16x2048x2048xf32, #tpu.memory_space<hbm>> -> memref<1x1x128x2048xf32, #tpu.memory_space<hbm>>
    %dma_wait3A_3063 = tpu.memref_squeeze %dma_wait3A_3062 : memref<1x1x128x2048xf32, #tpu.memory_space<hbm>> -> memref<128x2048xf32, #tpu.memory_space<hbm>>
    %dma_wait3A_3064 = arith.constant 0 : i32
    %dma_wait3A_3065 = arith.constant 0 : i32
    %dma_wait3A_3066 = tpu.memref_slice %arg1[%dma_wait3A_3058, %dma_wait3A_3064, %dma_wait3A_3065] : memref<8x128x3968xf32, #tpu.memory_space<vmem>> -> memref<1x128x2048xf32, #tpu.memory_space<vmem>>
    %dma_wait3A_3067 = tpu.memref_squeeze %dma_wait3A_3066 : memref<1x128x2048xf32, #tpu.memory_space<vmem>> -> memref<128x2048xf32, #tpu.memory_space<vmem>>
    tpu.wait_dma2 semaphore(%arg3 : memref<!tpu.dma_semaphore, #tpu.memory_space<semaphore_mem>>) src(%dma_wait3A_3067 : memref<128x2048xf32, #tpu.memory_space<vmem>>) dst(%dma_wait3A_3063 : memref<128x2048xf32, #tpu.memory_space<hbm>>)
    return
  }
  func.func @transform_0(%arg0: i32) -> (i32, i32, i32) {
    %c0_i32 = arith.constant 0 : i32
    %c0_i32_0 = arith.constant 0 : i32
    %c0_i32_1 = arith.constant 0 : i32
    return %arg0, %c0_i32, %c0_i32_0 : i32, i32, i32
  }
}

</mosaic_0001>

<sc_bundles>
// kernel: kernel.4.cloned.1.call-start
scs
__scs_entry_jumppad:
0x0: {  	(pc) =	sbr.rel $0x88, $3  }
0x1: {  	(tag) =	ssettag $0x0;
	lr =	simm.s32 $0x1  }
0x2: {  	[smem:$0x3F9F] =	sst lr;
	_ =	strace $0xD0000000  }
0x3: {  	_ = 	snop  }
0x4: {  	_ = 	snop  }
0x5: {  	_ = 	snop  }
0x6: {  	_ = 	snop  }
0x7: {  	_ = 	snop  }
__scs_overlays_trampoline_lowered:
0x8: {  	[smem:$0x3FAE] =	sst s0  }
0x9: {  	[smem:$0x3FAF] =	sst s1  }
0xa: {  	[smem:$0x3FB0] =	sst s2  }
0xb: {  	[smem:$0x3FB1] =	sst s3  }
0xc: {  	[smem:$0x3FB2] =	sst s4  }
0xd: {  	[smem:$0x3FB3] =	sst s5  }
0xe: {  	[smem:$0x3FB4] =	sst s6  }
0xf: {  	[smem:$0x3FB5] =	sst s7  }
0x10: {  	[smem:$0x3FB6] =	sst s8  }
0x11: {  	[smem:$0x3FB7] =	sst s9;
	s0 =	simm.s32 @!p0 $0x0  }
0x12: {  	s1 =	sld [smem:$0x3F9D];
	s0 =	simm.s32 @p0 $0x1  }
0x13: {  	[smem:$0x3FB8] =	sst s0;
	s0 =	simm.s32 @!p1 $0x0  }
0x14: {  	s2 =	sld [smem:$0x3F9C];
	s0 =	simm.s32 @p1 $0x1  }
0x15: {  	[smem:$0x3FB9] =	sst s0;
	s0 =	simm.s32 @!p2 $0x0  }
0x16: {  	s3 =	sld [smem:$0x3FDB];
	s0 =	simm.s32 @p2 $0x1  }
0x17: {  	s4 =	simm.s32 $0x1BF5;
	[smem:$0x3FBB] =	sst s0  }
0x18: {  	s0 =	sld [smem:$0x3F9E];
	_ =	swait.ge [sflag:s4], $0x0  }
0x19: {  	s7 =	sld [smem:$0x3F9F]  }
0x1a: {  	s8 =	sadd.s32 $0xFFFFE003, lr  }
0x1b: {  	s9 =	sadd.s32 $0xFFFFFEF7, lr;
	s5 =	simm.s32 $0xFFFFFFFF;
	p2 =	slt.u32 s8, $0xFFFFF086  }
0x1c: {  	p1 =	slt.u32 s9, $0xF7A;
	s5 =	simm.s32 @!p2 $0x0  }
0x1d: {  	s5 =	simm.s32 @p1 $0x1;
	p0 =	seq.s32 s7, s2  }
0x1e: {  	s7 =	smul.u32 @!p0 $0xF7A, s2;
	p2 =	seq.s32 @!p0 s5, $0x0  }
0x1f: {  	s9 =	smul.u32 $0xF7A, s1;
	s8 =	simm.s32 @!p0 $0x1BF5;
	p2 =	por !p2, p0  }
0x20: {  	[sflag:s8] =	ssyncset.s32 @!p0 $0xFFFFF086;
	s6 =	sadd.s32 @!p0 s3, s7;
	s7 =	simm.s32 @!p0 $0x108  }
0x21: {  	s3 =	sadd.s32 s3, s9;
	s6 =	sadd.s32 @!p0 $0x88, s6;
	s7 =	simm.s32 @p2 $0x1082  }
0x22: {  	[simem:s7], [sflag:s8] =	dma.local @!p0 [hbm:s6], $0xF7A  }
0x23: {  	s9 =	sor.u32 $0xD0000000, s2;
	s6 =	simm.s32 $0x108;
	_ =	swait.ge @!p0 [sflag:s8], $0x0  }
0x24: {  	s3 =	sadd.s32 $0x88, s3;
	s6 =	simm.s32 @!p1 $0x1082;
	[sflag:s4] =	ssyncset.s32 $0xFFFFF086  }
0x25: {  	[simem:s6], [sflag:s4] =	dma.local [hbm:s3], $0xF7A  }
0x26: {  	[smem:$0x3F9F] =	sst s1;
	(tag) =	ssettag s2;
	_ =	strace s9  }
0x27: {  	s1 =	sld [smem:$0x3FAF]  }
0x28: {  	s2 =	sld [smem:$0x3FB0]  }
0x29: {  	s4 =	sld [smem:$0x3FB2]  }
0x2a: {  	p0 =	seq.s32 s5, $0x0;
	s5 =	sld [smem:$0x3FB3]  }
0x2b: {  	s6 =	sld [smem:$0x3FB4]  }
0x2c: {  	s7 =	sld [smem:$0x3FB5]  }
0x2d: {  	s3 =	simm.s32 $0x108;
	s8 =	sld [smem:$0x3FB6]  }
0x2e: {  	s3 =	simm.s32 @!p0 $0x1082;
	s9 =	sld [smem:$0x3FB7]  }
0x2f: {  	lr =	sadd.s32 s0, s3;
	s0 =	sld [smem:$0x3FAE]  }
0x30: {  	s3 =	sld [smem:$0x3FB1]  }
0x31: {  	[smem:$0x3FBA] =	sst s10  }
0x32: {  	s10 =	sld [smem:$0x3FB8];
	_ =	sdelay $0x3  }
0x33: {  	p0 =	seq.s32 s10, $0x1;
	s10 =	sld [smem:$0x3FBA];
	_ =	sdelay $0x3  }
0x34: {  	[smem:$0x3FBA] =	sst s10  }
0x35: {  	s10 =	sld [smem:$0x3FB9];
	_ =	sdelay $0x3  }
0x36: {  	p1 =	seq.s32 s10, $0x1;
	s10 =	sld [smem:$0x3FBA];
	_ =	sdelay $0x3  }
0x37: {  	[smem:$0x3FBA] =	sst s10  }
0x38: {  	s10 =	sld [smem:$0x3FBB]  }
0x39: {  	_ = 	snop;
	(pc) =	sbr.ind lr, $3  }
0x3a: {  	_ = 	snop  }
0x3b: {  	_ = 	snop  }
0x3c: {  	p2 =	seq.s32 s10, $0x1;
	s10 =	sld [smem:$0x3FBA]  }
0x3d: {  	_ =	shalt  }
0x3e: {  	_ =	shalt  }
0x3f: {  	_ =	shalt  }
0x40: {  	_ =	shalt  }
0x41: {  	_ =	shalt  }
0x42: {  	_ =	shalt  }
0x43: {  	_ =	shalt  }
0x44: {  	_ =	shalt  }
0x45: {  	_ =	shalt  }
0x46: {  	_ =	shalt  }
0x47: {  	_ =	shalt  }
0x48: {  	_ =	shalt  }
0x49: {  	_ =	shalt  }
0x4a: {  	_ =	shalt  }
0x4b: {  	_ =	shalt  }
0x4c: {  	_ =	shalt  }
0x4d: {  	_ =	shalt  }
0x4e: {  	_ =	shalt  }
0x4f: {  	_ =	shalt  }
0x50: {  	_ =	shalt  }
0x51: {  	_ =	shalt  }
0x52: {  	_ =	shalt  }
0x53: {  	_ =	shalt  }
0x54: {  	_ =	shalt  }
0x55: {  	_ =	shalt  }
0x56: {  	_ =	shalt  }
0x57: {  	_ =	shalt  }
0x58: {  	_ =	shalt  }
0x59: {  	_ =	shalt  }
0x5a: {  	_ =	shalt  }
0x5b: {  	_ =	shalt  }
0x5c: {  	_ =	shalt  }
0x5d: {  	_ =	shalt  }
0x5e: {  	_ =	shalt  }
0x5f: {  	_ =	shalt  }
0x60: {  	_ =	shalt  }
0x61: {  	_ =	shalt  }
0x62: {  	_ =	shalt  }
0x63: {  	_ =	shalt  }
0x64: {  	_ =	shalt  }
0x65: {  	_ =	shalt  }
0x66: {  	_ =	shalt  }
0x67: {  	_ =	shalt  }
0x68: {  	_ =	shalt  }
0x69: {  	_ =	shalt  }
0x6a: {  	_ =	shalt  }
0x6b: {  	_ =	shalt  }
0x6c: {  	_ =	shalt  }
0x6d: {  	_ =	shalt  }
0x6e: {  	_ =	shalt  }
0x6f: {  	_ =	shalt  }
0x70: {  	_ =	shalt  }
0x71: {  	_ =	shalt  }
0x72: {  	_ =	shalt  }
0x73: {  	_ =	shalt  }
0x74: {  	_ =	shalt  }
0x75: {  	_ =	shalt  }
0x76: {  	_ =	shalt  }
0x77: {  	_ =	shalt  }
0x78: {  	_ =	shalt  }
0x79: {  	_ =	shalt  }
0x7a: {  	_ =	shalt  }
0x7b: {  	_ =	shalt  }
0x7c: {  	_ =	shalt  }
0x7d: {  	_ =	shalt  }
0x7e: {  	_ =	shalt  }
0x7f: {  	_ =	shalt  }
0x80: {  	_ =	shalt  }
0x81: {  	_ =	shalt  }
0x82: {  	_ =	shalt  }
0x83: {  	_ =	shalt  }
0x84: {  	_ =	shalt  }
0x85: {  	_ =	shalt  }
0x86: {  	_ =	shalt  }
0x87: {  	_ =	shalt  }
.Lfunc_end0:
.L_simem_size_0:
called_computation_lowered:
.L_overlay_start_0:
0x88: {  	s2 =	sld [smem:$0x3FD9]  }
0x89: {  	s3 =	sld [smem:$0x3FFE];
	_ =	sdelay $0x1  }
0x8a: {  	s1 =	srdreg.scid  }
0x8b: {  	s0 =	sand.u32 $0x1, s1  }
0x8c: {  	s17 =	sshll.u32 s0, $0xA;
	s2 =	sadd.s32 s3, s2  }
0x8d: {  	s2 =	sadd.s32 s2, s17  }
0x8e: {  	[smem:$0x3FC6] =	sst s2  }
0x8f: {  	_ = 	snop  }
0x90: {  	s2 =	sld [smem:$0x3FD0];
	(tm) =	ssettm $0x1  }
0x91: {  	s18 =	sld [smem:$0x3FFB];
	_ =	sdelay $0x3  }
0x92: {  	_ =	strace s18  }
0x93: {  	s3 =	sld [smem:$0x3FFC];
	_ =	sdelay $0x3  }
0x94: {  	_ =	strace s3  }
0x95: {  	s3 =	sld [smem:$0x3FFD];
	_ =	sdelay $0x3  }
0x96: {  	_ =	strace s3  }
0x97: {  	_ =	strace $0x8FFFFFFF  }
0x98: {  	s19 =	sld [smem:$0x3FDB];
	_ =	sdelay $0x1  }
0x99: {  	s4 =	simm.s32 $_scs_section_size  }
0x9a: {  	s5 =	simm.s32 $_size__tile_overlayer_lowered;
	s6 =	simm.s32 $_tile_overlayer_lowered  }
0x9b: {  	s22 =	simm.s32 $0x1BFF;
	s21 =	sshll.u32 s6, $0x1;
	s3 =	sadd.s32 s4, s19  }
0x9c: {  	s7 =	simm.s32 $0x0;
	s20 =	sshll.u32 s5, $0x1;
	s5 =	sadd.s32 s21, s3  }
0x9d: {  	[timem:s7], [sflag:s22] =	dma.local [hbm:s5], s20  }
0x9e: {  	_ =	swait.ge [sflag:s22], s20  }
0x9f: {  	s4 =	ssub.s32 $0x0, s20;
	[sflag:s22] =	ssyncset.done $0x0  }
0xa0: {  	[sflag:s22] =	ssyncadd.s32 s4;
	_ =	sdelay $0x1  }
0xa1: {  	s23 =	simm.s32 $0x1B8B  }
0xa2: {  	_ =	swait.ge [sflag:s23], $0x1  }
0xa3: {  	[sflag:s23] =	ssyncset.done $0x0  }
0xa4: {  	s25 =	simm.s32 $0x1B8E;
	s24 =	sld [smem:$0x3FFE];
	[sflag:s23] =	ssyncadd.s32 $0xFFFFFFFF  }
0xa5: {  	s26 =	simm.s32 $execute0_lowered;
	[smem:$0x3FD2] =	sst s25  }
0xa6: {  	s5 =	sshll.u32 s26, $0x1;
	_ =	strace $0x80000046;
	[dreg:$0x1] =	wrdreg $0xFFFFFFFF  }
0xa7: {  	s28 =	simm.s32 $_size_execute0_lowered;
	s3 =	sadd.s32 s3, s5;
	[dreg:$0x0] =	wrdreg $0x0  }
0xa8: {  	s5 =	sshll.u32 s28, $0x1;
	[dreg:$0x2] =	wrdreg s3  }
0xa9: {  	[dreg:$0x3] =	wrdreg s5  }
0xaa: {  	[dreg:$0x4] =	wrdreg $0xC0  }
0xab: {  	_ =	task [dreg:s7], $0x5FFFF  }
0xac: {  	[dreg:$0x1] =	wrdreg $0xFFFFFFFF  }
0xad: {  	[dreg:$0x0] =	wrdreg $0x60  }
0xae: {  	[dreg:$0x2] =	wrdreg s24  }
0xaf: {  	[dreg:$0x3] =	wrdreg s2  }
0xb0: {  	[dreg:$0x4] =	wrdreg $0x9  }
0xb1: {  	_ =	task.clear_ibuf [dreg:s7], $0x5FFFF;
	_ =	strace $0x90000046  }
0xb2: {  	s29 =	simm.s32 $0x9;
	_ =	strace $0x80000048  }
0xb3: {  	_ =	swait.ge [sflag:s29], $0x1  }
0xb4: {  	[sflag:s29] =	ssyncadd.s32 $0xFFFFFFFF  }
0xb5: {  	_ =	strace $0x90000048  }
0xb6: {  	_ =	sfence  }
0xb7: {  	s30 =	sld [smem:$0x0];
	_ =	sdelay $0x2  }
0xb8: {  	s31 =	sshll.u32 s1, $0xD;
	s1 =	sshrl.u32 s1, $0x2  }
0xb9: {  	s3 =	sand.u32 $0x4000, s31;
	s1 =	sadd.s32 s1, s30  }
0xba: {  	s0 =	sor.u32 s3, s0;
	s1 =	sshll.u32 s1, $0x11  }
0xbb: {  	s0 =	sor.u32 s1, s0  }
0xbc: {  	s0 =	sadd.s32 $0x8F2B, s0  }
0xbd: {  	[sflag:s0] =	ssyncadd.remote.s32 $0x1  }
0xbe: {  	_ =	sfence.sel $0xFFFF  }
0xbf: {  	[dreg:$0x0] =	wrdreg $0xFFFFFFFF;
	(pc) =	sbr.abs _section_cstart, $3  }
0xc0: {  	[dreg:$0x1] =	wrdreg $0xFFFFFFFF  }
0xc1: {  	_ =	task.clear_ibuf [dreg:s7], $0x2FFFF;
	_ =	strace $0x9FFFFFFF  }
0xc2: {  	(tm) =	ssettm $0x7FFFFFFF  }
0xc3: {  	_ =	shalt  }
tec
execute0_lowered:
.L_overlay_start_1:
0x0: {  	(tag) =	ssettag $0x1  }
0x1: {  	s3 =	rddreg [dreg:$0x0]  }
0x2: {  	s7 =	rddreg [dreg:$0x1]  }
0x3: {  	s0 =	rddreg [dreg:$0x2]  }
0x4: {  	s2 =	simm.s32 $0x0;
	s1 =	stileid.u32;
	s4 =	srdreg.scid  }
0x5: {  	s11 =	simm.s32 $0x1;
	s12 =	simm.s32 $0x0;
	[smem:$0x7FF] =	sst s2  }
0x6: {  	s5 =	sshll.u32 s1, $0x9;
	s6 =	sand.u32 $0x1, s4;
	s9 =	smul.u32 $0xF800, s1  }
0x7: {  	_ =	strace $0x80000047;
	s30 =	sadd.s32 s5, s3;
	s31 =	ssub.s32 $0x2, s6  }
0x8: {  	v0 =	vlaneseq.u32;
	s3 =	sadd.s32 $0x2400, s3;
	s10 =	smul.u32 $0x7C00, s6;
	s5 =	sshll.u32 s6, $0x6  }
0x9: {  	v1 =	vmul.u32 $0xFFFFFFFF, v0;
	s8 =	sshrl.u32 s31, $0x1;
	s4 =	sadd.s32 $0x400, s30;
	s7 =	sadd.s32 s9, s7  }
0xa: {  	s9 =	simm.s32 $0x2;
	s8 =	ssub.s32 s31, s8;
	s7 =	sadd.s32 s10, s7  }
0xb: {  	v1 =	vadd.s32 $0xF, v1;
	s10 =	simm.s32 $0x9100;
	s6 =	smax.u32 s8, $0x1;
	s8 =	simm.s32 $0x10  }
.LBB2_1:
0xc: {  	[tilespmem:s8], [sflag:$0x2] =	stream.linear.gather [hbm4b:s4+s2], $0x1000, $0x38;
	[tilespmem:$0x9180] =	vst v63  }
0xd: {  	_ =	swait.ge [sflag:s9], $0x1000  }
0xe: {  	[sflag:s9] =	ssyncset.done $0x0  }
0xf: {  	[sflag:s9] =	ssyncadd.s32 $0xFFFFF000  }
0x10: {  	[tilespmem:s10], [sflag:$0x2] =	stream.linear.gather [hbm4b:s3+s2], $0x80, $0x38;
	[tilespmem:$0x9180] =	vst v63  }
0x11: {  	_ =	swait.ge [sflag:s9], $0x80  }
0x12: {  	[sflag:s9] =	ssyncset.done $0x0  }
0x13: {  	[sflag:s9] =	ssyncadd.s32 $0xFFFFFF80  }
0x14: {  	v2 =	vld [tilespmem:$0x9100];
	_ =	sdelay $0x4  }
0x15: {  	v2 =	vadd.f32 v2, v2;
	_ =	sdelay $0x1  }
0x16: {  	v2 =	vmul.f32 $1.442695020e+00, v2;
	_ =	sdelay $0x1  }
0x17: {  	(erf) = vpow2.f32 v2;
	_ =	sdelay $0x8  }
0x18: {  	v2 =	vpop (erf)  }
0x19: {  	v2 =	vadd.f32 $1.000000000e+00, v2;
	_ =	sdelay $0x1  }
0x1a: {  	(erf) = vrcp.f32 v2;
	_ =	sdelay $0x8  }
0x1b: {  	v2 =	vpop (erf)  }
0x1c: {  	v2 =	vadd.f32 v2, v2  }
0x1d: {  	v4 =	vor.u32 s2, v0;
	v3 =	vld [tilespmem:$0x10]  }
0x1e: {  	v4 =	vcvt.s32.f32 v4;
	v2 =	vsub.f32 $1.000000000e+00, v2;
	_ =	sdelay $0x1  }
0x1f: {  	v4 =	vsub.f32 $4.094000000e+03, v4;
	v2 =	vmul.f32 $5.000000000e-01, v2;
	_ =	sdelay $0x1  }
0x20: {  	v3 =	vperm.xlane v3, v1;
	v4 =	vadd.f32 v4, v2;
	_ =	sdelay $0x1  }
0x21: {  	s14 =	simm.s32 $0x1000;
	[tilespmem:$0x0] =	vst v3;
	v3 =	vmax.f32 v4, $0.0e+00  }
0x22: {  	v6 =	vld [tilespmem:s14+$0xFFFFFFFE];
	v3 =	vmin.f32 v3, $4.094000000e+03  }
0x23: {  	v7 =	vld [tilespmem:s14+$0xFFFFFFFF];
	v5 =	vtrunc.f32 v3  }
0x24: {  	v4 =	vld [tilespmem:s14+$0x0];
	v5 =	vcvt.f32.s32 v5;
	_ =	sdelay $0x1  }
0x25: {  	v5 =	vcvt.s32.f32 v5;
	_ =	sdelay $0x1  }
0x26: {  	v6 =	vperm.xlane v6, v1;
	v3 =	vsub.f32 v3, v5  }
0x27: {  	v4 =	vperm.xlane v4, v1;
	v5 =	vperm.xlane v7, v1  }
0x28: {  	vm0 =	vge.f32 v2, $0.0e+00;
	v7 =	vsub.f32 $1.000000000e+00, v3  }
0x29: {  	v6 =	vsel vm0, v5, v6;
	v4 =	vsel vm0, v4, v5  }
0x2a: {  	v3 =	vmul.f32 v4, v3;
	v5 =	vmul.f32 v6, v7;
	_ =	sdelay $0x1  }
0x2b: {  	v3 =	vadd.f32 v3, v5  }
0x2c: {  	s18 =	simm.s32 $0x0;
	s13 =	simm.s32 $0x10  }
0x2d: {  	s15 =	simm.s32 $0x40;
	s17 =	simm.s32 $0x80;
	s16 =	simm.s32 $0x0;
	v4 =	vor.u32 s13, v0;
	[tilespmem:s18+$0x70EF] =	vst v3  }
.LBB2_2:
0x2e: {  	p0 =	sne.s32 s17, $0x3FC0  }
0x2f: {  	v4 =	vcvt.s32.f32 v4;
	[tilespmem:s18+$0x60DE] =	vst v3;
	s14 =	sadd.s32 $0xFFFFFFF0, s14;
	s19 =	smov.u32 s17;
	s17 =	sadd.s32 $0x40, s17  }
0x30: {  	[tilespmem:s18+$0x50CD] =	vst v3  }
0x31: {  	v4 =	vsub.f32 $4.094000000e+03, v4;
	[tilespmem:s18+$0x40BC] =	vst v3  }
0x32: {  	[tilespmem:s18+$0x30AB] =	vst v3  }
0x33: {  	s20 =	sand.u32 $0xFF0, s16;
	s16 =	smov.u32 s13;
	v4 =	vadd.f32 v4, v2;
	[tilespmem:s18+$0x1089] =	vst v3  }
0x34: {  	[tilespmem:s18+$0x209A] =	vst v3  }
0x35: {  	v4 =	vmax.f32 v4, $0.0e+00;
	[tilespmem:s20+$0x8100] =	vst v3  }
0x36: {  	v3 =	vmin.f32 v4, $4.094000000e+03;
	v4 =	vld [tilespmem:s14+$0x0]  }
0x37: {  	v5 =	vtrunc.f32 v3;
	v6 =	vld [tilespmem:s14+$0xFFFFFFFE]  }
0x38: {  	v5 =	vcvt.f32.s32 v5;
	v7 =	vld [tilespmem:s14+$0xFFFFFFFF];
	_ =	sdelay $0x1  }
0x39: {  	v5 =	vcvt.s32.f32 v5;
	_ =	sdelay $0x1  }
0x3a: {  	v4 =	vperm.xlane v4, v1;
	v3 =	vsub.f32 v3, v5  }
0x3b: {  	v6 =	vperm.xlane v6, v1;
	v5 =	vperm.xlane v7, v1  }
0x3c: {  	v7 =	vsub.f32 $1.000000000e+00, v3  }
0x3d: {  	v6 =	vsel vm0, v5, v6;
	v4 =	vsel vm0, v4, v5  }
.Ltmp0:
0x3e: {  	v5 =	vmul.f32 v6, v7;
	v3 =	vmul.f32 v4, v3;
	(pc) =	sbr.rel @p0 .LBB2_2-.Ltmp0, $4  }
0x3f: {  	_ = 	snop  }
0x40: {  	v3 =	vadd.f32 v3, v5  }
0x41: {  	s13 =	sadd.s32 $0x10, s13;
	s18 =	sshra.s32 s15, $0x2;
	s15 =	smov.u32 s19  }
0x42: {  	v4 =	vor.u32 s13, v0;
	[tilespmem:s18+$0x70EF] =	vst v3  }
0x43: {  	v4 =	vcvt.s32.f32 v4;
	[tilespmem:s18+$0x60DE] =	vst v3  }
0x44: {  	[tilespmem:s18+$0x50CD] =	vst v3  }
0x45: {  	[tilespmem:s18+$0x40BC] =	vst v3;
	v4 =	vsub.f32 $4.094000000e+03, v4  }
0x46: {  	[tilespmem:s18+$0x30AB] =	vst v3  }
0x47: {  	[tilespmem:s18+$0x1089] =	vst v3;
	v2 =	vadd.f32 v4, v2  }
0x48: {  	s16 =	sand.u32 $0xFF0, s16;
	[tilespmem:s18+$0x209A] =	vst v3  }
0x49: {  	s14 =	sadd.s32 $0xFFFFFFF0, s14;
	[tilespmem:s16+$0x8100] =	vst v3;
	v2 =	vmax.f32 v2, $0.0e+00  }
0x4a: {  	v3 =	vld [tilespmem:s14+$0x0];
	v2 =	vmin.f32 v2, $4.094000000e+03  }
0x4b: {  	v5 =	vld [tilespmem:s14+$0xFFFFFFFE];
	v60 =	vtrunc.f32 v2  }
0x4c: {  	v6 =	vld [tilespmem:s14+$0xFFFFFFFF];
	v4 =	vcvt.f32.s32 v60;
	_ =	sdelay $0x1  }
0x4d: {  	v4 =	vcvt.s32.f32 v4;
	_ =	sdelay $0x1  }
0x4e: {  	v3 =	vperm.xlane v3, v1;
	v2 =	vsub.f32 v2, v4  }
0x4f: {  	v61 =	vperm.xlane v6, v1;
	v5 =	vperm.xlane v5, v1  }
0x50: {  	v62 =	vsub.f32 $1.000000000e+00, v2  }
0x51: {  	v5 =	vsel vm0, v61, v5;
	v3 =	vsel vm0, v3, v61  }
0x52: {  	v2 =	vmul.f32 v3, v2;
	v63 =	vmul.f32 v5, v62;
	_ =	sdelay $0x1  }
0x53: {  	s26 =	simm.s32 $0x0;
	v2 =	vadd.f32 v2, v63  }
0x54: {  	s28 =	sshra.s32 s15, $0x2;
	s29 =	sadd.s32 $0x0, s5;
	s14 =	sand.u32 $0x7, s26  }
0x55: {  	p0 =	seq.s32 s29, $0x0;
	p1 =	sne.s32 s14, $0x0;
	[tilespmem:s28+$0x70EF] =	vst v2  }
0x56: {  	p0 =	por !p0, !p1;
	[tilespmem:s28+$0x60DE] =	vst v2  }
0x57: {  	s17 =	simm.s32 $0x1;
	s30 =	sand.u32 $0xFF0, s13;
	p0 =	por !p0, !p0;
	[tilespmem:s28+$0x50CD] =	vst v2  }
0x58: {  	s19 =	simm.s32 $0x1;
	s31 =	sshrl.u32 s29, $0x3;
	s17 =	simm.s32 @!p0 $0x0;
	[tilespmem:s28+$0x40BC] =	vst v2  }
0x59: {  	s15 =	sadd.s32 $0x1, s5;
	s14 =	smul.u32 $0x4040, s14;
	s17 =	ssub.s32 s17, s31;
	[tilespmem:s28+$0x30AB] =	vst v2  }
0x5a: {  	s13 =	sand.u32 $0x7, s19;
	s16 =	simm.s32 $0x2;
	s17 =	sshll.u32 s17, $0x5;
	[tilespmem:s28+$0x1089] =	vst v2  }
0x5b: {  	p2 =	sne.s32 s13, $0x0;
	s14 =	sshrl.u32 s14, $0x2;
	s17 =	sshra.s32 s17, $0x2;
	[tilespmem:s28+$0x209A] =	vst v2  }
0x5c: {  	p1 =	seq.s32 s15, $0x0;
	s17 =	sadd.s32 s14, s17;
	s14 =	smov.u32 s7;
	[tilespmem:s30+$0x8100] =	vst v2  }
.LBB2_4:
0x5d: {  	p0 =	sne.s32 s16, $0x3F;
	p1 =	por !p1, !p2;
	s17 =	sadd.s32 $0x1108, s17  }
0x5e: {  	[hbm4b:s14+s2] =	stream.linear.scatter [tilespmem:s17], [sflag:$0x1], $0xF80, $0x38;
	[tilespmem:$0x9180] =	vst v63  }
0x5f: {  	p1 =	por !p1, !p1;
	s17 =	simm.s32 $0x1  }
.Ltmp1:
0x60: {  	s15 =	sshrl.u32 s15, $0x3;
	s17 =	simm.s32 @!p1 $0x0;
	(pc) =	sbr.rel @p0 .LBB2_4-.Ltmp1, $4  }
0x61: {  	s18 =	smul.u32 $0x4040, s13;
	s14 =	sadd.s32 $0x1F0, s14;
	s17 =	ssub.s32 s17, s15  }
0x62: {  	s13 =	sand.u32 $0x7, s16;
	s15 =	sadd.s32 s16, s5;
	s17 =	sshll.u32 s17, $0x5  }
0x63: {  	s18 =	sshrl.u32 s18, $0x2;
	p1 =	seq.s32 s15, $0x0;
	s17 =	sshra.s32 s17, $0x2  }
0x64: {  	p2 =	sne.s32 s13, $0x0;
	s16 =	sadd.s32 $0x1, s16;
	s17 =	sadd.s32 s18, s17  }
0x65: {  	p0 =	por !p1, !p2;
	s16 =	sadd.s32 $0x1108, s17  }
0x66: {  	[hbm4b:s14+s2] =	stream.linear.scatter [tilespmem:s16], [sflag:$0x1], $0xF80, $0x38;
	[tilespmem:$0x9180] =	vst v63  }
0x67: {  	p0 =	por !p0, !p0;
	s16 =	simm.s32 $0x1  }
0x68: {  	s15 =	sshrl.u32 s15, $0x3;
	s16 =	simm.s32 @!p0 $0x0  }
0x69: {  	s13 =	smul.u32 $0x4040, s13;
	s15 =	ssub.s32 s16, s15  }
0x6a: {  	s15 =	sshll.u32 s15, $0x5  }
0x6b: {  	s13 =	sshrl.u32 s13, $0x2;
	s15 =	sshra.s32 s15, $0x2  }
0x6c: {  	s13 =	sadd.s32 s13, s15  }
0x6d: {  	s31 =	sadd.s32 $0x1F0, s14;
	s13 =	sadd.s32 $0x1108, s13  }
0x6e: {  	[hbm4b:s31+s2] =	stream.linear.scatter [tilespmem:s13], [sflag:$0x1], $0xF80, $0x38;
	[tilespmem:$0x9180] =	vst v63  }
0x6f: {  	_ =	swait.ge [sflag:s11], $0xF80  }
0x70: {  	s13 =	simm.s32 $0x3F;
	[sflag:s11] =	ssyncset.done $0x0  }
.LBB2_6:
0x71: {  	p0 =	sne.s32 s13, $0x1;
	s13 =	sadd.s32 $0xFFFFFFFF, s13;
	[sflag:s11] =	ssyncadd.s32 $0xFFFFF080  }
.Ltmp2:
0x72: {  	(pc) =	sbr.rel @p0 .LBB2_6-.Ltmp2, $3  }
0x73: {  	_ =	sdelay $0x1  }
0x74: {  	_ =	swait.ge [sflag:s11], $0xF80  }
0x75: {  	[sflag:s11] =	ssyncset.done $0x0  }
0x76: {  	s12 =	sadd.s32 $0x1, s12  }
0x77: {  	p0 =	sne.s32 s12, s6  }
.Ltmp3:
0x78: {  	_ = 	snop;
	(pc) =	sbr.rel @p0 .LBB2_1-.Ltmp3, $2  }
0x79: {  	_ =	sdelay $0x2  }
0x7a: {  	[sflag:s11] =	ssyncadd.s32 $0xFFFFF080  }
0x7b: {  	_ =	sfence.sel $0x180000  }
0x7c: {  	[bflag:$0x0] =	sbarrier.arrive $0xFFFF  }
0x7d: {  	p0 =	sne.s32 s1, $0x0;
	_ =	strace $0x90000047  }
0x7e: {  	s0 =	sadd.s32 @!p0 $0x100000, s0;
	[bflag:$0x2] =	sbarrier.arrive $0xFFFF  }
0x7f: {  	[sflag:s0] =	ssyncadd.tile.s32 @!p0 $0x1;
	_ =	shalt  }
.Lfunc_end2:
_tile_overlayer_lowered:
.L_overlay_start_2:
0x80: {  	(tag) =	ssettag $0x2  }
0x81: {  	s0 =	rddreg [dreg:$0x0];
	s2 =	stileid.u32  }
0x82: {  	s1 =	rddreg [dreg:$0x1];
	p0 =	sne.s32 s2, $0x0  }
0x83: {  	s3 =	rddreg [dreg:$0x2];
	[bflag:$0x3] =	sbarrier.arrive $0xFFFF;
	s2 =	simm.s32 @!p0 $0x1C02  }
0x84: {  	[timem:s3], [sflag:s2] =	dma.local @!p0 [hbm:s0], s1  }
0x85: {  	s0 =	simm.s32 @!p0 $0x2  }
0x86: {  	_ =	swait.ge @!p0 [sflag:s0], s1  }
0x87: {  	s1 =	ssub.s32 @!p0 $0x0, s1;
	[sflag:s0] =	ssyncset.done @!p0 $0x0  }
0x88: {  	[sflag:s0] =	ssyncadd.s32 @!p0 s1  }
0x89: {  	[bflag:$0x3] =	sbarrier.arrive $0xFFFF  }
0x8a: {  	_ =	shalt  }

</sc_bundles>
